<compile_context>
chip_gen: v7x
topology: tpu7x:2x2x1
jax: 0.10.2.dev20260603
libtpu: 0.0.44.dev20260713+nightly
codegen_flags: <defaults>
</compile_context>

<pallas_src>
import functools

import jax
import jax.numpy as jnp
from jax import lax
from jax.experimental import pallas as pl
from jax.experimental.pallas import tpu as pltpu
from jax.experimental.pallas import tpu_sc as plsc

N_ROWS = 320000
D = 128
DC = D // 16
S = 10000
NC, NS = 2, 16
NWORK = NC * NS
SEG_PER_W = 312
SEG_LAST = 320
ACC_R = 5024
W = 64
NB = 8
LA = 4
SCALE = 1.0 / (32.0 ** 0.5)


def _segsum(x, idx1d, bounds):
    mesh = plsc.VectorSubcoreMesh(core_axis_name="c", subcore_axis_name="s")

    @functools.partial(
        pl.kernel,
        out_type=jax.ShapeDtypeStruct((S, D), jnp.float32),
        mesh=mesh,
        scratch_types=[
            pltpu.VMEM((48,), jnp.int32),
            pltpu.VMEM((NB, W), jnp.int32),
            pltpu.VMEM((W,), jnp.int32),
            pltpu.VMEM((NB, W, D), jnp.float32),
            pltpu.VMEM((64, D), jnp.float32),
            pltpu.VMEM_SHARED((ACC_R, D), jnp.float32),
            pltpu.SemaphoreType.DMA((NB,)),
            pltpu.SemaphoreType.DMA((NB,)),
        ],
    )
    def k(x_hbm, idx1d_hbm, bounds_hbm, out_hbm, bounds_v, idx_v,
          idx_r, rows_v, zbuf, acc, load_sem, scat_sem):
        c = lax.axis_index("c")
        s = lax.axis_index("s")
        wid = c * NS + s
        seg0 = c * 5000 + s * SEG_PER_W

        pltpu.sync_copy(bounds_hbm, bounds_v)
        bv = bounds_v[pl.ds(wid, 16)]
        start = bv[0]
        end = bv[1]
        astart = pl.multiple_of((start // W) * W, W)
        nw = (end - astart) // W

        zero = jnp.zeros((16,), jnp.float32)

        def zero_body(i, carry):
            zbuf[i // DC, pl.ds((i % DC) * 16, 16)] = zero
            return carry

        lax.fori_loop(0, 64 * DC, zero_body, 0)
        arow = s * SEG_PER_W
        for off, size in ((0, 64), (64, 64), (128, 64), (192, 64), (256, 56)):
            pltpu.sync_copy(zbuf.at[pl.ds(0, size), :],
                            acc.at[pl.ds(arow + off, size), :])

        @pl.when(s == NS - 1)
        def _zero_last():
            pltpu.sync_copy(zbuf.at[pl.ds(0, SEG_LAST - SEG_PER_W), :],
                            acc.at[pl.ds(arow + SEG_PER_W,
                                         SEG_LAST - SEG_PER_W), :])

        def _issue_load(b, k_win):
            r0 = astart + k_win * W
            pltpu.async_copy(idx1d_hbm.at[pl.ds(r0, W)], idx_v.at[b],
                             load_sem.at[b])
            pltpu.async_copy(x_hbm.at[pl.ds(r0, W), :], rows_v.at[b],
                             load_sem.at[b])

        def _wait_load(b, k_win):
            r0 = astart + k_win * W
            pltpu.make_async_copy(idx1d_hbm.at[pl.ds(r0, W)], idx_v.at[b],
                                  load_sem.at[b]).wait()
            pltpu.make_async_copy(x_hbm.at[pl.ds(r0, W), :], rows_v.at[b],
                                  load_sem.at[b]).wait()

        def _wait_scat(b):
            pltpu.make_async_copy(rows_v.at[b], acc.at[idx_r],
                                  scat_sem.at[b]).wait()

        def _localize(iref, w0, lo, hi):
            def group(g, carry):
                r16 = g * 16
                rgv = w0 + r16 + lax.iota(jnp.int32, 16)
                inb = jnp.logical_and(rgv >= lo, rgv < hi)
                tgtv = jnp.where(inb, iref[pl.ds(r16, 16)] - c * 5000,
                                 5000 + s)
                iref[pl.ds(r16, 16)] = tgtv
                return carry

            lax.fori_loop(0, W // 16, group, 0)

        for b in range(LA):
            @pl.when(b < nw)
            def _():
                _issue_load(b, b)

        def outer(t, carry):
            for b in range(NB):
                k_win = t * NB + b

                @pl.when(k_win < nw)
                def _():
                    _wait_load(b, k_win)
                    _localize(idx_v.at[b], astart + k_win * W, start, end)
                    pltpu.async_copy(rows_v.at[b], acc.at[idx_v.at[b]],
                                     scat_sem.at[b], add=True)
                    pb = (b + LA) % NB

                    @pl.when(k_win >= NB - LA)
                    def _():
                        _wait_scat(pb)

                    @pl.when(k_win + LA < nw)
                    def _():
                        _issue_load(pb, k_win + LA)
            return carry

        lax.fori_loop(0, (nw + (NB - 1)) // NB, outer, 0)

        for b in range(NB):
            cond = jnp.zeros((), jnp.bool_)
            for dt in range(1, (NB - LA) + 1):
                jt = nw - dt
                cond = jnp.logical_or(
                    cond, jnp.logical_and(jt >= 0, jt % NB == b))

            @pl.when(cond)
            def _():
                _wait_scat(b)

        rem = end - (astart + nw * W)

        @pl.when(rem > 0)
        def _remainder():
            r1 = jnp.maximum(((end + 7) // 8) * 8 - W, 0)
            r1 = pl.multiple_of(r1, 8)
            pltpu.sync_copy(idx1d_hbm.at[pl.ds(r1, W)], idx_r)
            pltpu.sync_copy(x_hbm.at[pl.ds(r1, W), :], rows_v.at[0])
            _localize(idx_r, r1, jnp.maximum(start, astart + nw * W), end)
            pltpu.sync_copy(rows_v.at[0], acc.at[idx_r], add=True)

        def _scale_out(aoff, size):
            pltpu.sync_copy(acc.at[pl.ds(arow + aoff, size), :],
                            zbuf.at[pl.ds(0, size), :])

            def scale_body(i, carry):
                zbuf[i // DC, pl.ds((i % DC) * 16, 16)] = (
                    zbuf[i // DC, pl.ds((i % DC) * 16, 16)] * SCALE)
                return carry

            lax.fori_loop(0, size * DC, scale_body, 0)
            pltpu.sync_copy(zbuf.at[pl.ds(0, size), :],
                            out_hbm.at[pl.ds(seg0 + aoff, size), :])

        for off, size in ((0, 64), (64, 64), (128, 64), (192, 64), (256, 56)):
            _scale_out(off, size)

        @pl.when(s == NS - 1)
        def _last():
            _scale_out(SEG_PER_W, SEG_LAST - SEG_PER_W)

    return k(x, idx1d, bounds)


def kernel(x, index, dim, dim_size):
    del dim, dim_size
    idx = index.astype(jnp.int32)
    wids = jnp.arange(NWORK, dtype=jnp.int32)
    targets = (wids // NS) * 5000 + (wids % NS) * SEG_PER_W
    bounds = jnp.searchsorted(idx, targets).astype(jnp.int32)
    bounds = jnp.concatenate(
        [bounds, jnp.full((48 - NWORK,), N_ROWS, dtype=jnp.int32)])
    return _segsum(x, idx, bounds)

# --- scband reference (transcript-rebuilt; emitter-appended) ---
"""Pipeline reference for scband-scaled-scatter-20160576488088 (READ-ONLY COPY).

The authoritative reference and input builder live on the scoring server;
editing this copy changes nothing except your own understanding.
"""

import jax, jax.numpy as jnp
import numpy as np

AVG_AGGREGATE_NUM = 32.0

def setup_inputs(seed: int = 0) -> dict:
    key = jax.random.key(seed)
    k1, k2 = jax.random.split(key)
    x = jax.random.normal(k1, (320000, 128), dtype=jnp.float32)
    index = jnp.sort(jax.random.randint(k2, (320000,), 0, 10000, dtype=jnp.int64))
    return {"x": x, "index": index, "dim": 0, "dim_size": 10000}

def reference(x, index, dim, dim_size):
    # scatter-add of x into dim_size rows along dim (dim==0), then scale
    out = jax.ops.segment_sum(x, index, num_segments=10000)
    out = out / (AVG_AGGREGATE_NUM ** 0.5)
    out = out + jnp.zeros((), out.dtype) * dim_size
    return out

if __name__ == "__main__":
    import jax
    _d = setup_inputs()
    print(jax.jit(kernel)(*tuple(_d.values())))

</pallas_src>

<mosaic_0001>
#map = affine_map<(d0, d1) -> (0, 0)>
#map1 = affine_map<(d0, d1) -> (0)>
module attributes {stable_mosaic.version = 14 : i64} {
  func.func @k(%arg0: i32, %arg1: i32, %arg2: memref<320000x128xf32, #tpu.memory_space<hbm>>, %arg3: memref<320000xi32, #tpu.memory_space<hbm>>, %arg4: memref<48xi32, #tpu.memory_space<hbm>>, %arg5: memref<10000x128xf32, #tpu.memory_space<hbm>>, %arg6: memref<48xi32, #tpu.memory_space<vmem>>, %arg7: memref<8x64xi32, #tpu.memory_space<vmem>>, %arg8: memref<64xi32, #tpu.memory_space<vmem>>, %arg9: memref<8x64x128xf32, #tpu.memory_space<vmem>>, %arg10: memref<64x128xf32, #tpu.memory_space<vmem>>, %arg11: memref<5024x128xf32, #tpu.memory_space<vmem_shared>>, %arg12: memref<8x!tpu.dma_semaphore, #tpu.memory_space<semaphore_mem>>, %arg13: memref<8x!tpu.dma_semaphore, #tpu.memory_space<semaphore_mem>>) attributes {dimension_semantics = [#tpu.dimension_semantics<core_parallel>, #tpu.dimension_semantics<subcore_parallel>], iteration_bounds = array<i64: 2, 16>, scalar_prefetch = 0 : i64, scratch_operands = 8 : i64, tpu.core_type = #tpu.core_type<sc_vector_subcore>, window_params = [{transform_indices = #map}, {transform_indices = #map1}, {transform_indices = #map1}, {transform_indices = #map}]} {
    %mul3A = arith.constant 16 : i32
    %mul3A_0 = arith.muli %arg0, %mul3A : i32
    %add3A = arith.addi %mul3A_0, %arg1 : i32
    %mul3A_1 = arith.constant 5000 : i32
    %mul3A_2 = arith.muli %arg0, %mul3A_1 : i32
    %mul3A_3 = arith.constant 312 : i32
    %mul3A_4 = arith.muli %arg1, %mul3A_3 : i32
    %add3A_5 = arith.addi %mul3A_2, %mul3A_4 : i32
    "tpu.region"() ({
      %run_scoped3A = tpu.sem_alloc : memref<!tpu.dma_semaphore, #tpu.memory_space<semaphore_mem>>
      tpu.enqueue_dma source(%arg4 : memref<48xi32, #tpu.memory_space<hbm>>) target(%arg6 : memref<48xi32, #tpu.memory_space<vmem>>) target_semaphore(%run_scoped3A : memref<!tpu.dma_semaphore, #tpu.memory_space<semaphore_mem>>)
      tpu.wait_dma2 semaphore(%run_scoped3A : memref<!tpu.dma_semaphore, #tpu.memory_space<semaphore_mem>>) src(%arg4 : memref<48xi32, #tpu.memory_space<hbm>>) dst(%arg6 : memref<48xi32, #tpu.memory_space<vmem>>)
      tpu.yield
    }) : () -> ()
    %get3A = arith.index_cast %add3A : i32 to index
    %get3A_6 = tpu.vector_load %arg6[%get3A] {strides = array<i32>} : memref<48xi32, #tpu.memory_space<vmem>>, vector<16xi32>,
    %get3A_7 = vector.shape_cast %get3A_6 : vector<16xi32> to vector<16xi32>
    %slice3A = vector.extract_strided_slice %get3A_7 {offsets = [0], sizes = [1], strides = [1]} : vector<16xi32> to vector<1xi32>
    %squeeze3A = vector.extract %slice3A[0] : i32 from vector<1xi32>
    %slice3A_8 = vector.extract_strided_slice %get3A_7 {offsets = [1], sizes = [1], strides = [1]} : vector<16xi32> to vector<1xi32>
    %squeeze3A_9 = vector.extract %slice3A_8[0] : i32 from vector<1xi32>
    %jit3A = arith.constant 64 : i32
    %div3A = arith.divsi %squeeze3A, %jit3A : i32
    %sign3A = arith.constant 0 : i32
    %sign3A_10 = arith.cmpi sgt, %squeeze3A, %sign3A : i32
    %sign3A_11 = arith.extui %sign3A_10 : i1 to i32
    %sign3A_12 = arith.constant 0 : i32
    %sign3A_13 = arith.cmpi slt, %squeeze3A, %sign3A_12 : i32
    %sign3A_14 = arith.extui %sign3A_13 : i1 to i32
    %sign3A_15 = arith.subi %sign3A_11, %sign3A_14 : i32
    %sign3A_16 = arith.constant 0 : i32
    %sign3A_17 = arith.cmpi sgt, %jit3A, %sign3A_16 : i32
    %sign3A_18 = arith.extui %sign3A_17 : i1 to i32
    %sign3A_19 = arith.constant 0 : i32
    %sign3A_20 = arith.cmpi slt, %jit3A, %sign3A_19 : i32
    %sign3A_21 = arith.extui %sign3A_20 : i1 to i32
    %sign3A_22 = arith.subi %sign3A_18, %sign3A_21 : i32
    %ne3A = arith.cmpi ne, %sign3A_15, %sign3A_22 : i32
    %rem3A = arith.remsi %squeeze3A, %jit3A : i32
    %ne3A_23 = arith.constant 0 : i32
    %ne3A_24 = arith.cmpi ne, %rem3A, %ne3A_23 : i32
    %and3A = arith.andi %ne3A, %ne3A_24 : i1
    %sub3A = arith.constant 1 : i32
    %sub3A_25 = arith.subi %div3A, %sub3A : i32
    %select_n3A = arith.select %and3A, %sub3A_25, %div3A : i32
    %mul3A_26 = arith.constant 64 : i32
    %mul3A_27 = arith.muli %select_n3A, %mul3A_26 : i32
    %multiple_of3A = tpu.assume_multiple %mul3A_27, 64 : i32
    %sub3A_28 = arith.subi %squeeze3A_9, %multiple_of3A : i32
    %jit3A_29 = arith.constant 64 : i32
    %div3A_30 = arith.divsi %sub3A_28, %jit3A_29 : i32
    %sign3A_31 = arith.constant 0 : i32
    %sign3A_32 = arith.cmpi sgt, %sub3A_28, %sign3A_31 : i32
    %sign3A_33 = arith.extui %sign3A_32 : i1 to i32
    %sign3A_34 = arith.constant 0 : i32
    %sign3A_35 = arith.cmpi slt, %sub3A_28, %sign3A_34 : i32
    %sign3A_36 = arith.extui %sign3A_35 : i1 to i32
    %sign3A_37 = arith.subi %sign3A_33, %sign3A_36 : i32
    %sign3A_38 = arith.constant 0 : i32
    %sign3A_39 = arith.cmpi sgt, %jit3A_29, %sign3A_38 : i32
    %sign3A_40 = arith.extui %sign3A_39 : i1 to i32
    %sign3A_41 = arith.constant 0 : i32
    %sign3A_42 = arith.cmpi slt, %jit3A_29, %sign3A_41 : i32
    %sign3A_43 = arith.extui %sign3A_42 : i1 to i32
    %sign3A_44 = arith.subi %sign3A_40, %sign3A_43 : i32
    %ne3A_45 = arith.cmpi ne, %sign3A_37, %sign3A_44 : i32
    %rem3A_46 = arith.remsi %sub3A_28, %jit3A_29 : i32
    %ne3A_47 = arith.constant 0 : i32
    %ne3A_48 = arith.cmpi ne, %rem3A_46, %ne3A_47 : i32
    %and3A_49 = arith.andi %ne3A_45, %ne3A_48 : i1
    %sub3A_50 = arith.constant 1 : i32
    %sub3A_51 = arith.subi %div3A_30, %sub3A_50 : i32
    %select_n3A_52 = arith.select %and3A_49, %sub3A_51, %div3A_30 : i32
    %broadcast_in_dim3A = arith.constant 0.000000e+00 : f32
    %broadcast_in_dim3A_53 = vector.broadcast %broadcast_in_dim3A : f32 to vector<16xf32>
    %scan3A = arith.constant 0 : i32
    %scan3A_54 = arith.constant 0 : i32
    %scan3A_55 = arith.constant 512 : i32
    %scan3A_56 = arith.addi %scan3A_54, %scan3A_55 : i32
    %scan3A_57 = arith.constant 1 : i32
    scf.for %scan3A_988 = %scan3A_54 to %scan3A_56 step %scan3A_57  : i32 {
      %jit3A_989 = arith.constant 8 : i32
      %div3A_990 = arith.divsi %scan3A_988, %jit3A_989 : i32
      %sign3A_991 = arith.constant 0 : i32
      %sign3A_992 = arith.cmpi sgt, %scan3A_988, %sign3A_991 : i32
      %sign3A_993 = arith.extui %sign3A_992 : i1 to i32
      %sign3A_994 = arith.constant 0 : i32
      %sign3A_995 = arith.cmpi slt, %scan3A_988, %sign3A_994 : i32
      %sign3A_996 = arith.extui %sign3A_995 : i1 to i32
      %sign3A_997 = arith.subi %sign3A_993, %sign3A_996 : i32
      %sign3A_998 = arith.constant 0 : i32
      %sign3A_999 = arith.cmpi sgt, %jit3A_989, %sign3A_998 : i32
      %sign3A_1000 = arith.extui %sign3A_999 : i1 to i32
      %sign3A_1001 = arith.constant 0 : i32
      %sign3A_1002 = arith.cmpi slt, %jit3A_989, %sign3A_1001 : i32
      %sign3A_1003 = arith.extui %sign3A_1002 : i1 to i32
      %sign3A_1004 = arith.subi %sign3A_1000, %sign3A_1003 : i32
      %ne3A_1005 = arith.cmpi ne, %sign3A_997, %sign3A_1004 : i32
      %rem3A_1006 = arith.remsi %scan3A_988, %jit3A_989 : i32
      %ne3A_1007 = arith.constant 0 : i32
      %ne3A_1008 = arith.cmpi ne, %rem3A_1006, %ne3A_1007 : i32
      %and3A_1009 = arith.andi %ne3A_1005, %ne3A_1008 : i1
      %sub3A_1010 = arith.constant 1 : i32
      %sub3A_1011 = arith.subi %div3A_990, %sub3A_1010 : i32
      %select_n3A_1012 = arith.select %and3A_1009, %sub3A_1011, %div3A_990 : i32
      %jit3A_1013 = arith.constant 8 : i32
      %eq3A_1014 = arith.constant 0 : i32
      %eq3A_1015 = arith.cmpi eq, %jit3A_1013, %eq3A_1014 : i32
      %jit3A_1016 = arith.constant 1 : i32
      %select_n3A_1017 = arith.select %eq3A_1015, %jit3A_1016, %jit3A_1013 : i32
      %rem3A_1018 = arith.remsi %scan3A_988, %select_n3A_1017 : i32
      %ne3A_1019 = arith.constant 0 : i32
      %ne3A_1020 = arith.cmpi ne, %rem3A_1018, %ne3A_1019 : i32
      %lt3A_1021 = arith.constant 0 : i32
      %lt3A_1022 = arith.cmpi slt, %rem3A_1018, %lt3A_1021 : i32
      %lt3A_1023 = arith.constant 0 : i32
      %lt3A_1024 = arith.cmpi slt, %select_n3A_1017, %lt3A_1023 : i32
      %ne3A_1025 = arith.xori %lt3A_1022, %lt3A_1024 : i1
      %and3A_1026 = arith.andi %ne3A_1025, %ne3A_1020 : i1
      %add3A_1027 = arith.addi %rem3A_1018, %select_n3A_1017 : i32
      %select_n3A_1028 = arith.select %and3A_1026, %add3A_1027, %rem3A_1018 : i32
      %mul3A_1029 = arith.constant 16 : i32
      %mul3A_1030 = arith.muli %select_n3A_1028, %mul3A_1029 : i32
      %swap3A = arith.index_cast %select_n3A_1012 : i32 to index
      %swap3A_1031 = arith.index_cast %mul3A_1030 : i32 to index
      %swap3A_1032 = tpu.vector_load %arg10[%swap3A, %swap3A_1031] {strides = array<i32>} : memref<64x128xf32, #tpu.memory_space<vmem>>, vector<1x16xf32>,
      %swap3A_1033 = vector.shape_cast %swap3A_1032 : vector<1x16xf32> to vector<16xf32>
      %swap3A_1034 = vector.shape_cast %broadcast_in_dim3A_53 : vector<16xf32> to vector<1x16xf32>
      tpu.vector_store %arg10[%swap3A, %swap3A_1031], %swap3A_1034 {strides = array<i32>} : memref<64x128xf32, #tpu.memory_space<vmem>>, vector<1x16xf32>,
    }
    %scan3A_58 = arith.constant 512 : i32
    %mul3A_59 = arith.constant 312 : i32
    %mul3A_60 = arith.muli %arg1, %mul3A_59 : i32
    %add3A_61 = arith.constant 0 : i32
    %add3A_62 = arith.addi %mul3A_60, %add3A_61 : i32
    "tpu.region"() ({
      %run_scoped3A = tpu.sem_alloc : memref<!tpu.dma_semaphore, #tpu.memory_space<semaphore_mem>>
      %dma_start3A = arith.constant 0 : i32
      %dma_start3A_988 = arith.constant 0 : i32
      %dma_start3A_989 = tpu.memref_slice %arg10[%dma_start3A, %dma_start3A_988] : memref<64x128xf32, #tpu.memory_space<vmem>> -> memref<64x128xf32, #tpu.memory_space<vmem>>
      %dma_start3A_990 = arith.constant 0 : i32
      %dma_start3A_991 = tpu.memref_slice %arg11[%add3A_62, %dma_start3A_990] : memref<5024x128xf32, #tpu.memory_space<vmem_shared>> -> memref<64x128xf32, #tpu.memory_space<vmem_shared>>
      %dma_start3A_992 = arith.constant 0 : i32
      %dma_start3A_993 = tpu.memref_slice %arg11[%add3A_62, %dma_start3A_992] : memref<5024x128xf32, #tpu.memory_space<vmem_shared>> -> memref<64x128xf32, #tpu.memory_space<vmem_shared>>
      %dma_start3A_994 = arith.constant 0 : i32
      %dma_start3A_995 = arith.constant 0 : i32
      %dma_start3A_996 = tpu.memref_slice %arg10[%dma_start3A_994, %dma_start3A_995] : memref<64x128xf32, #tpu.memory_space<vmem>> -> memref<64x128xf32, #tpu.memory_space<vmem>>
      tpu.enqueue_dma source(%dma_start3A_996 : memref<64x128xf32, #tpu.memory_space<vmem>>) target(%dma_start3A_993 : memref<64x128xf32, #tpu.memory_space<vmem_shared>>) target_semaphore(%run_scoped3A : memref<!tpu.dma_semaphore, #tpu.memory_space<semaphore_mem>>)
      %dma_wait3A = arith.constant 0 : i32
      %dma_wait3A_997 = arith.constant 0 : i32
      %dma_wait3A_998 = tpu.memref_slice %arg10[%dma_wait3A, %dma_wait3A_997] : memref<64x128xf32, #tpu.memory_space<vmem>> -> memref<64x128xf32, #tpu.memory_space<vmem>>
      %dma_wait3A_999 = arith.constant 0 : i32
      %dma_wait3A_1000 = tpu.memref_slice %arg11[%add3A_62, %dma_wait3A_999] : memref<5024x128xf32, #tpu.memory_space<vmem_shared>> -> memref<64x128xf32, #tpu.memory_space<vmem_shared>>
      %dma_wait3A_1001 = arith.constant 0 : i32
      %dma_wait3A_1002 = tpu.memref_slice %arg11[%add3A_62, %dma_wait3A_1001] : memref<5024x128xf32, #tpu.memory_space<vmem_shared>> -> memref<64x128xf32, #tpu.memory_space<vmem_shared>>
      %dma_wait3A_1003 = arith.constant 0 : i32
      %dma_wait3A_1004 = arith.constant 0 : i32
      %dma_wait3A_1005 = tpu.memref_slice %arg10[%dma_wait3A_1003, %dma_wait3A_1004] : memref<64x128xf32, #tpu.memory_space<vmem>> -> memref<64x128xf32, #tpu.memory_space<vmem>>
      tpu.wait_dma2 semaphore(%run_scoped3A : memref<!tpu.dma_semaphore, #tpu.memory_space<semaphore_mem>>) src(%dma_wait3A_1005 : memref<64x128xf32, #tpu.memory_space<vmem>>) dst(%dma_wait3A_1002 : memref<64x128xf32, #tpu.memory_space<vmem_shared>>)
      tpu.yield
    }) : () -> ()
    %add3A_63 = arith.constant 64 : i32
    %add3A_64 = arith.addi %mul3A_60, %add3A_63 : i32
    "tpu.region"() ({
      %run_scoped3A = tpu.sem_alloc : memref<!tpu.dma_semaphore, #tpu.memory_space<semaphore_mem>>
      %dma_start3A = arith.constant 0 : i32
      %dma_start3A_988 = arith.constant 0 : i32
      %dma_start3A_989 = tpu.memref_slice %arg10[%dma_start3A, %dma_start3A_988] : memref<64x128xf32, #tpu.memory_space<vmem>> -> memref<64x128xf32, #tpu.memory_space<vmem>>
      %dma_start3A_990 = arith.constant 0 : i32
      %dma_start3A_991 = tpu.memref_slice %arg11[%add3A_64, %dma_start3A_990] : memref<5024x128xf32, #tpu.memory_space<vmem_shared>> -> memref<64x128xf32, #tpu.memory_space<vmem_shared>>
      %dma_start3A_992 = arith.constant 0 : i32
      %dma_start3A_993 = tpu.memref_slice %arg11[%add3A_64, %dma_start3A_992] : memref<5024x128xf32, #tpu.memory_space<vmem_shared>> -> memref<64x128xf32, #tpu.memory_space<vmem_shared>>
      %dma_start3A_994 = arith.constant 0 : i32
      %dma_start3A_995 = arith.constant 0 : i32
      %dma_start3A_996 = tpu.memref_slice %arg10[%dma_start3A_994, %dma_start3A_995] : memref<64x128xf32, #tpu.memory_space<vmem>> -> memref<64x128xf32, #tpu.memory_space<vmem>>
      tpu.enqueue_dma source(%dma_start3A_996 : memref<64x128xf32, #tpu.memory_space<vmem>>) target(%dma_start3A_993 : memref<64x128xf32, #tpu.memory_space<vmem_shared>>) target_semaphore(%run_scoped3A : memref<!tpu.dma_semaphore, #tpu.memory_space<semaphore_mem>>)
      %dma_wait3A = arith.constant 0 : i32
      %dma_wait3A_997 = arith.constant 0 : i32
      %dma_wait3A_998 = tpu.memref_slice %arg10[%dma_wait3A, %dma_wait3A_997] : memref<64x128xf32, #tpu.memory_space<vmem>> -> memref<64x128xf32, #tpu.memory_space<vmem>>
      %dma_wait3A_999 = arith.constant 0 : i32
      %dma_wait3A_1000 = tpu.memref_slice %arg11[%add3A_64, %dma_wait3A_999] : memref<5024x128xf32, #tpu.memory_space<vmem_shared>> -> memref<64x128xf32, #tpu.memory_space<vmem_shared>>
      %dma_wait3A_1001 = arith.constant 0 : i32
      %dma_wait3A_1002 = tpu.memref_slice %arg11[%add3A_64, %dma_wait3A_1001] : memref<5024x128xf32, #tpu.memory_space<vmem_shared>> -> memref<64x128xf32, #tpu.memory_space<vmem_shared>>
      %dma_wait3A_1003 = arith.constant 0 : i32
      %dma_wait3A_1004 = arith.constant 0 : i32
      %dma_wait3A_1005 = tpu.memref_slice %arg10[%dma_wait3A_1003, %dma_wait3A_1004] : memref<64x128xf32, #tpu.memory_space<vmem>> -> memref<64x128xf32, #tpu.memory_space<vmem>>
      tpu.wait_dma2 semaphore(%run_scoped3A : memref<!tpu.dma_semaphore, #tpu.memory_space<semaphore_mem>>) src(%dma_wait3A_1005 : memref<64x128xf32, #tpu.memory_space<vmem>>) dst(%dma_wait3A_1002 : memref<64x128xf32, #tpu.memory_space<vmem_shared>>)
      tpu.yield
    }) : () -> ()
    %add3A_65 = arith.constant 128 : i32
    %add3A_66 = arith.addi %mul3A_60, %add3A_65 : i32
    "tpu.region"() ({
      %run_scoped3A = tpu.sem_alloc : memref<!tpu.dma_semaphore, #tpu.memory_space<semaphore_mem>>
      %dma_start3A = arith.constant 0 : i32
      %dma_start3A_988 = arith.constant 0 : i32
      %dma_start3A_989 = tpu.memref_slice %arg10[%dma_start3A, %dma_start3A_988] : memref<64x128xf32, #tpu.memory_space<vmem>> -> memref<64x128xf32, #tpu.memory_space<vmem>>
      %dma_start3A_990 = arith.constant 0 : i32
      %dma_start3A_991 = tpu.memref_slice %arg11[%add3A_66, %dma_start3A_990] : memref<5024x128xf32, #tpu.memory_space<vmem_shared>> -> memref<64x128xf32, #tpu.memory_space<vmem_shared>>
      %dma_start3A_992 = arith.constant 0 : i32
      %dma_start3A_993 = tpu.memref_slice %arg11[%add3A_66, %dma_start3A_992] : memref<5024x128xf32, #tpu.memory_space<vmem_shared>> -> memref<64x128xf32, #tpu.memory_space<vmem_shared>>
      %dma_start3A_994 = arith.constant 0 : i32
      %dma_start3A_995 = arith.constant 0 : i32
      %dma_start3A_996 = tpu.memref_slice %arg10[%dma_start3A_994, %dma_start3A_995] : memref<64x128xf32, #tpu.memory_space<vmem>> -> memref<64x128xf32, #tpu.memory_space<vmem>>
      tpu.enqueue_dma source(%dma_start3A_996 : memref<64x128xf32, #tpu.memory_space<vmem>>) target(%dma_start3A_993 : memref<64x128xf32, #tpu.memory_space<vmem_shared>>) target_semaphore(%run_scoped3A : memref<!tpu.dma_semaphore, #tpu.memory_space<semaphore_mem>>)
      %dma_wait3A = arith.constant 0 : i32
      %dma_wait3A_997 = arith.constant 0 : i32
      %dma_wait3A_998 = tpu.memref_slice %arg10[%dma_wait3A, %dma_wait3A_997] : memref<64x128xf32, #tpu.memory_space<vmem>> -> memref<64x128xf32, #tpu.memory_space<vmem>>
      %dma_wait3A_999 = arith.constant 0 : i32
      %dma_wait3A_1000 = tpu.memref_slice %arg11[%add3A_66, %dma_wait3A_999] : memref<5024x128xf32, #tpu.memory_space<vmem_shared>> -> memref<64x128xf32, #tpu.memory_space<vmem_shared>>
      %dma_wait3A_1001 = arith.constant 0 : i32
      %dma_wait3A_1002 = tpu.memref_slice %arg11[%add3A_66, %dma_wait3A_1001] : memref<5024x128xf32, #tpu.memory_space<vmem_shared>> -> memref<64x128xf32, #tpu.memory_space<vmem_shared>>
      %dma_wait3A_1003 = arith.constant 0 : i32
      %dma_wait3A_1004 = arith.constant 0 : i32
      %dma_wait3A_1005 = tpu.memref_slice %arg10[%dma_wait3A_1003, %dma_wait3A_1004] : memref<64x128xf32, #tpu.memory_space<vmem>> -> memref<64x128xf32, #tpu.memory_space<vmem>>
      tpu.wait_dma2 semaphore(%run_scoped3A : memref<!tpu.dma_semaphore, #tpu.memory_space<semaphore_mem>>) src(%dma_wait3A_1005 : memref<64x128xf32, #tpu.memory_space<vmem>>) dst(%dma_wait3A_1002 : memref<64x128xf32, #tpu.memory_space<vmem_shared>>)
      tpu.yield
    }) : () -> ()
    %add3A_67 = arith.constant 192 : i32
    %add3A_68 = arith.addi %mul3A_60, %add3A_67 : i32
    "tpu.region"() ({
      %run_scoped3A = tpu.sem_alloc : memref<!tpu.dma_semaphore, #tpu.memory_space<semaphore_mem>>
      %dma_start3A = arith.constant 0 : i32
      %dma_start3A_988 = arith.constant 0 : i32
      %dma_start3A_989 = tpu.memref_slice %arg10[%dma_start3A, %dma_start3A_988] : memref<64x128xf32, #tpu.memory_space<vmem>> -> memref<64x128xf32, #tpu.memory_space<vmem>>
      %dma_start3A_990 = arith.constant 0 : i32
      %dma_start3A_991 = tpu.memref_slice %arg11[%add3A_68, %dma_start3A_990] : memref<5024x128xf32, #tpu.memory_space<vmem_shared>> -> memref<64x128xf32, #tpu.memory_space<vmem_shared>>
      %dma_start3A_992 = arith.constant 0 : i32
      %dma_start3A_993 = tpu.memref_slice %arg11[%add3A_68, %dma_start3A_992] : memref<5024x128xf32, #tpu.memory_space<vmem_shared>> -> memref<64x128xf32, #tpu.memory_space<vmem_shared>>
      %dma_start3A_994 = arith.constant 0 : i32
      %dma_start3A_995 = arith.constant 0 : i32
      %dma_start3A_996 = tpu.memref_slice %arg10[%dma_start3A_994, %dma_start3A_995] : memref<64x128xf32, #tpu.memory_space<vmem>> -> memref<64x128xf32, #tpu.memory_space<vmem>>
      tpu.enqueue_dma source(%dma_start3A_996 : memref<64x128xf32, #tpu.memory_space<vmem>>) target(%dma_start3A_993 : memref<64x128xf32, #tpu.memory_space<vmem_shared>>) target_semaphore(%run_scoped3A : memref<!tpu.dma_semaphore, #tpu.memory_space<semaphore_mem>>)
      %dma_wait3A = arith.constant 0 : i32
      %dma_wait3A_997 = arith.constant 0 : i32
      %dma_wait3A_998 = tpu.memref_slice %arg10[%dma_wait3A, %dma_wait3A_997] : memref<64x128xf32, #tpu.memory_space<vmem>> -> memref<64x128xf32, #tpu.memory_space<vmem>>
      %dma_wait3A_999 = arith.constant 0 : i32
      %dma_wait3A_1000 = tpu.memref_slice %arg11[%add3A_68, %dma_wait3A_999] : memref<5024x128xf32, #tpu.memory_space<vmem_shared>> -> memref<64x128xf32, #tpu.memory_space<vmem_shared>>
      %dma_wait3A_1001 = arith.constant 0 : i32
      %dma_wait3A_1002 = tpu.memref_slice %arg11[%add3A_68, %dma_wait3A_1001] : memref<5024x128xf32, #tpu.memory_space<vmem_shared>> -> memref<64x128xf32, #tpu.memory_space<vmem_shared>>
      %dma_wait3A_1003 = arith.constant 0 : i32
      %dma_wait3A_1004 = arith.constant 0 : i32
      %dma_wait3A_1005 = tpu.memref_slice %arg10[%dma_wait3A_1003, %dma_wait3A_1004] : memref<64x128xf32, #tpu.memory_space<vmem>> -> memref<64x128xf32, #tpu.memory_space<vmem>>
      tpu.wait_dma2 semaphore(%run_scoped3A : memref<!tpu.dma_semaphore, #tpu.memory_space<semaphore_mem>>) src(%dma_wait3A_1005 : memref<64x128xf32, #tpu.memory_space<vmem>>) dst(%dma_wait3A_1002 : memref<64x128xf32, #tpu.memory_space<vmem_shared>>)
      tpu.yield
    }) : () -> ()
    %add3A_69 = arith.constant 256 : i32
    %add3A_70 = arith.addi %mul3A_60, %add3A_69 : i32
    "tpu.region"() ({
      %run_scoped3A = tpu.sem_alloc : memref<!tpu.dma_semaphore, #tpu.memory_space<semaphore_mem>>
      %dma_start3A = arith.constant 0 : i32
      %dma_start3A_988 = arith.constant 0 : i32
      %dma_start3A_989 = tpu.memref_slice %arg10[%dma_start3A, %dma_start3A_988] : memref<64x128xf32, #tpu.memory_space<vmem>> -> memref<56x128xf32, #tpu.memory_space<vmem>>
      %dma_start3A_990 = arith.constant 0 : i32
      %dma_start3A_991 = tpu.memref_slice %arg11[%add3A_70, %dma_start3A_990] : memref<5024x128xf32, #tpu.memory_space<vmem_shared>> -> memref<56x128xf32, #tpu.memory_space<vmem_shared>>
      %dma_start3A_992 = arith.constant 0 : i32
      %dma_start3A_993 = tpu.memref_slice %arg11[%add3A_70, %dma_start3A_992] : memref<5024x128xf32, #tpu.memory_space<vmem_shared>> -> memref<56x128xf32, #tpu.memory_space<vmem_shared>>
      %dma_start3A_994 = arith.constant 0 : i32
      %dma_start3A_995 = arith.constant 0 : i32
      %dma_start3A_996 = tpu.memref_slice %arg10[%dma_start3A_994, %dma_start3A_995] : memref<64x128xf32, #tpu.memory_space<vmem>> -> memref<56x128xf32, #tpu.memory_space<vmem>>
      tpu.enqueue_dma source(%dma_start3A_996 : memref<56x128xf32, #tpu.memory_space<vmem>>) target(%dma_start3A_993 : memref<56x128xf32, #tpu.memory_space<vmem_shared>>) target_semaphore(%run_scoped3A : memref<!tpu.dma_semaphore, #tpu.memory_space<semaphore_mem>>)
      %dma_wait3A = arith.constant 0 : i32
      %dma_wait3A_997 = arith.constant 0 : i32
      %dma_wait3A_998 = tpu.memref_slice %arg10[%dma_wait3A, %dma_wait3A_997] : memref<64x128xf32, #tpu.memory_space<vmem>> -> memref<56x128xf32, #tpu.memory_space<vmem>>
      %dma_wait3A_999 = arith.constant 0 : i32
      %dma_wait3A_1000 = tpu.memref_slice %arg11[%add3A_70, %dma_wait3A_999] : memref<5024x128xf32, #tpu.memory_space<vmem_shared>> -> memref<56x128xf32, #tpu.memory_space<vmem_shared>>
      %dma_wait3A_1001 = arith.constant 0 : i32
      %dma_wait3A_1002 = tpu.memref_slice %arg11[%add3A_70, %dma_wait3A_1001] : memref<5024x128xf32, #tpu.memory_space<vmem_shared>> -> memref<56x128xf32, #tpu.memory_space<vmem_shared>>
      %dma_wait3A_1003 = arith.constant 0 : i32
      %dma_wait3A_1004 = arith.constant 0 : i32
      %dma_wait3A_1005 = tpu.memref_slice %arg10[%dma_wait3A_1003, %dma_wait3A_1004] : memref<64x128xf32, #tpu.memory_space<vmem>> -> memref<56x128xf32, #tpu.memory_space<vmem>>
      tpu.wait_dma2 semaphore(%run_scoped3A : memref<!tpu.dma_semaphore, #tpu.memory_space<semaphore_mem>>) src(%dma_wait3A_1005 : memref<56x128xf32, #tpu.memory_space<vmem>>) dst(%dma_wait3A_1002 : memref<56x128xf32, #tpu.memory_space<vmem_shared>>)
      tpu.yield
    }) : () -> ()
    %eq3A = arith.constant 15 : i32
    %eq3A_71 = arith.cmpi eq, %arg1, %eq3A : i32
    %convert_element_type3A = arith.extui %eq3A_71 : i1 to i32
    %cond3A = arith.constant 0 : i32
    %cond3A_72 = arith.cmpi ne, %convert_element_type3A, %cond3A : i32
    scf.if %cond3A_72 {
      %add3A_988 = arith.constant 312 : i32
      %add3A_989 = arith.addi %mul3A_60, %add3A_988 : i32
      "tpu.region"() ({
        %run_scoped3A = tpu.sem_alloc : memref<!tpu.dma_semaphore, #tpu.memory_space<semaphore_mem>>
        %dma_start3A = arith.constant 0 : i32
        %dma_start3A_990 = arith.constant 0 : i32
        %dma_start3A_991 = tpu.memref_slice %arg10[%dma_start3A, %dma_start3A_990] : memref<64x128xf32, #tpu.memory_space<vmem>> -> memref<8x128xf32, #tpu.memory_space<vmem>>
        %dma_start3A_992 = arith.constant 0 : i32
        %dma_start3A_993 = tpu.memref_slice %arg11[%add3A_989, %dma_start3A_992] : memref<5024x128xf32, #tpu.memory_space<vmem_shared>> -> memref<8x128xf32, #tpu.memory_space<vmem_shared>>
        %dma_start3A_994 = arith.constant 0 : i32
        %dma_start3A_995 = tpu.memref_slice %arg11[%add3A_989, %dma_start3A_994] : memref<5024x128xf32, #tpu.memory_space<vmem_shared>> -> memref<8x128xf32, #tpu.memory_space<vmem_shared>>
        %dma_start3A_996 = arith.constant 0 : i32
        %dma_start3A_997 = arith.constant 0 : i32
        %dma_start3A_998 = tpu.memref_slice %arg10[%dma_start3A_996, %dma_start3A_997] : memref<64x128xf32, #tpu.memory_space<vmem>> -> memref<8x128xf32, #tpu.memory_space<vmem>>
        tpu.enqueue_dma source(%dma_start3A_998 : memref<8x128xf32, #tpu.memory_space<vmem>>) target(%dma_start3A_995 : memref<8x128xf32, #tpu.memory_space<vmem_shared>>) target_semaphore(%run_scoped3A : memref<!tpu.dma_semaphore, #tpu.memory_space<semaphore_mem>>)
        %dma_wait3A = arith.constant 0 : i32
        %dma_wait3A_999 = arith.constant 0 : i32
        %dma_wait3A_1000 = tpu.memref_slice %arg10[%dma_wait3A, %dma_wait3A_999] : memref<64x128xf32, #tpu.memory_space<vmem>> -> memref<8x128xf32, #tpu.memory_space<vmem>>
        %dma_wait3A_1001 = arith.constant 0 : i32
        %dma_wait3A_1002 = tpu.memref_slice %arg11[%add3A_989, %dma_wait3A_1001] : memref<5024x128xf32, #tpu.memory_space<vmem_shared>> -> memref<8x128xf32, #tpu.memory_space<vmem_shared>>
        %dma_wait3A_1003 = arith.constant 0 : i32
        %dma_wait3A_1004 = tpu.memref_slice %arg11[%add3A_989, %dma_wait3A_1003] : memref<5024x128xf32, #tpu.memory_space<vmem_shared>> -> memref<8x128xf32, #tpu.memory_space<vmem_shared>>
        %dma_wait3A_1005 = arith.constant 0 : i32
        %dma_wait3A_1006 = arith.constant 0 : i32
        %dma_wait3A_1007 = tpu.memref_slice %arg10[%dma_wait3A_1005, %dma_wait3A_1006] : memref<64x128xf32, #tpu.memory_space<vmem>> -> memref<8x128xf32, #tpu.memory_space<vmem>>
        tpu.wait_dma2 semaphore(%run_scoped3A : memref<!tpu.dma_semaphore, #tpu.memory_space<semaphore_mem>>) src(%dma_wait3A_1007 : memref<8x128xf32, #tpu.memory_space<vmem>>) dst(%dma_wait3A_1004 : memref<8x128xf32, #tpu.memory_space<vmem_shared>>)
        tpu.yield
      }) : () -> ()
    } else {
    }
    %gt3A = arith.constant 0 : i32
    %gt3A_73 = arith.cmpi sgt, %select_n3A_52, %gt3A : i32
    %convert_element_type3A_74 = arith.extui %gt3A_73 : i1 to i32
    %cond3A_75 = arith.constant 0 : i32
    %cond3A_76 = arith.cmpi ne, %convert_element_type3A_74, %cond3A_75 : i32
    scf.if %cond3A_76 {
      %add3A_988 = arith.constant 0 : i32
      %add3A_989 = arith.addi %multiple_of3A, %add3A_988 : i32
      %dma_start3A = arith.constant 0 : i32
      %dma_start3A_990 = arith.constant 0 : i32
      %dma_start3A_991 = arith.constant 0 : i32
      %dma_start3A_992 = tpu.memref_slice %arg7[%dma_start3A, %dma_start3A_991] : memref<8x64xi32, #tpu.memory_space<vmem>> -> memref<1x64xi32, #tpu.memory_space<vmem>>
      %dma_start3A_993 = tpu.memref_squeeze %dma_start3A_992 : memref<1x64xi32, #tpu.memory_space<vmem>> -> memref<64xi32, #tpu.memory_space<vmem>>
      %dma_start3A_994 = tpu.memref_slice %arg3[%add3A_989] : memref<320000xi32, #tpu.memory_space<hbm>> -> memref<64xi32, #tpu.memory_space<hbm>>
      %dma_start3A_995 = tpu.memref_slice %arg12[%dma_start3A_990] : memref<8x!tpu.dma_semaphore, #tpu.memory_space<semaphore_mem>> -> memref<1x!tpu.dma_semaphore, #tpu.memory_space<semaphore_mem>>
      %dma_start3A_996 = tpu.memref_squeeze %dma_start3A_995 : memref<1x!tpu.dma_semaphore, #tpu.memory_space<semaphore_mem>> -> memref<!tpu.dma_semaphore, #tpu.memory_space<semaphore_mem>>
      %dma_start3A_997 = arith.constant 0 : i32
      %dma_start3A_998 = tpu.memref_slice %arg7[%dma_start3A, %dma_start3A_997] : memref<8x64xi32, #tpu.memory_space<vmem>> -> memref<1x64xi32, #tpu.memory_space<vmem>>
      %dma_start3A_999 = tpu.memref_squeeze %dma_start3A_998 : memref<1x64xi32, #tpu.memory_space<vmem>> -> memref<64xi32, #tpu.memory_space<vmem>>
      %dma_start3A_1000 = tpu.memref_slice %arg3[%add3A_989] : memref<320000xi32, #tpu.memory_space<hbm>> -> memref<64xi32, #tpu.memory_space<hbm>>
      tpu.enqueue_dma source(%dma_start3A_1000 : memref<64xi32, #tpu.memory_space<hbm>>) target(%dma_start3A_999 : memref<64xi32, #tpu.memory_space<vmem>>) target_semaphore(%dma_start3A_996 : memref<!tpu.dma_semaphore, #tpu.memory_space<semaphore_mem>>)
      %dma_start3A_1001 = arith.constant 0 : i32
      %dma_start3A_1002 = arith.constant 0 : i32
      %dma_start3A_1003 = arith.constant 0 : i32
      %dma_start3A_1004 = arith.constant 0 : i32
      %dma_start3A_1005 = tpu.memref_slice %arg9[%dma_start3A_1001, %dma_start3A_1003, %dma_start3A_1004] : memref<8x64x128xf32, #tpu.memory_space<vmem>> -> memref<1x64x128xf32, #tpu.memory_space<vmem>>
      %dma_start3A_1006 = tpu.memref_squeeze %dma_start3A_1005 : memref<1x64x128xf32, #tpu.memory_space<vmem>> -> memref<64x128xf32, #tpu.memory_space<vmem>>
      %dma_start3A_1007 = arith.constant 0 : i32
      %dma_start3A_1008 = tpu.memref_slice %arg2[%add3A_989, %dma_start3A_1007] : memref<320000x128xf32, #tpu.memory_space<hbm>> -> memref<64x128xf32, #tpu.memory_space<hbm>>
      %dma_start3A_1009 = tpu.memref_slice %arg12[%dma_start3A_1002] : memref<8x!tpu.dma_semaphore, #tpu.memory_space<semaphore_mem>> -> memref<1x!tpu.dma_semaphore, #tpu.memory_space<semaphore_mem>>
      %dma_start3A_1010 = tpu.memref_squeeze %dma_start3A_1009 : memref<1x!tpu.dma_semaphore, #tpu.memory_space<semaphore_mem>> -> memref<!tpu.dma_semaphore, #tpu.memory_space<semaphore_mem>>
      %dma_start3A_1011 = arith.constant 0 : i32
      %dma_start3A_1012 = arith.constant 0 : i32
      %dma_start3A_1013 = tpu.memref_slice %arg9[%dma_start3A_1001, %dma_start3A_1011, %dma_start3A_1012] : memref<8x64x128xf32, #tpu.memory_space<vmem>> -> memref<1x64x128xf32, #tpu.memory_space<vmem>>
      %dma_start3A_1014 = tpu.memref_squeeze %dma_start3A_1013 : memref<1x64x128xf32, #tpu.memory_space<vmem>> -> memref<64x128xf32, #tpu.memory_space<vmem>>
      %dma_start3A_1015 = arith.constant 0 : i32
      %dma_start3A_1016 = tpu.memref_slice %arg2[%add3A_989, %dma_start3A_1015] : memref<320000x128xf32, #tpu.memory_space<hbm>> -> memref<64x128xf32, #tpu.memory_space<hbm>>
      tpu.enqueue_dma source(%dma_start3A_1016 : memref<64x128xf32, #tpu.memory_space<hbm>>) target(%dma_start3A_1014 : memref<64x128xf32, #tpu.memory_space<vmem>>) target_semaphore(%dma_start3A_1010 : memref<!tpu.dma_semaphore, #tpu.memory_space<semaphore_mem>>)
    } else {
    }
    %gt3A_77 = arith.constant 1 : i32
    %gt3A_78 = arith.cmpi sgt, %select_n3A_52, %gt3A_77 : i32
    %convert_element_type3A_79 = arith.extui %gt3A_78 : i1 to i32
    %cond3A_80 = arith.constant 0 : i32
    %cond3A_81 = arith.cmpi ne, %convert_element_type3A_79, %cond3A_80 : i32
    scf.if %cond3A_81 {
      %add3A_988 = arith.constant 64 : i32
      %add3A_989 = arith.addi %multiple_of3A, %add3A_988 : i32
      %dma_start3A = arith.constant 1 : i32
      %dma_start3A_990 = arith.constant 1 : i32
      %dma_start3A_991 = arith.constant 0 : i32
      %dma_start3A_992 = tpu.memref_slice %arg7[%dma_start3A, %dma_start3A_991] : memref<8x64xi32, #tpu.memory_space<vmem>> -> memref<1x64xi32, #tpu.memory_space<vmem>>
      %dma_start3A_993 = tpu.memref_squeeze %dma_start3A_992 : memref<1x64xi32, #tpu.memory_space<vmem>> -> memref<64xi32, #tpu.memory_space<vmem>>
      %dma_start3A_994 = tpu.memref_slice %arg3[%add3A_989] : memref<320000xi32, #tpu.memory_space<hbm>> -> memref<64xi32, #tpu.memory_space<hbm>>
      %dma_start3A_995 = tpu.memref_slice %arg12[%dma_start3A_990] : memref<8x!tpu.dma_semaphore, #tpu.memory_space<semaphore_mem>> -> memref<1x!tpu.dma_semaphore, #tpu.memory_space<semaphore_mem>>
      %dma_start3A_996 = tpu.memref_squeeze %dma_start3A_995 : memref<1x!tpu.dma_semaphore, #tpu.memory_space<semaphore_mem>> -> memref<!tpu.dma_semaphore, #tpu.memory_space<semaphore_mem>>
      %dma_start3A_997 = arith.constant 0 : i32
      %dma_start3A_998 = tpu.memref_slice %arg7[%dma_start3A, %dma_start3A_997] : memref<8x64xi32, #tpu.memory_space<vmem>> -> memref<1x64xi32, #tpu.memory_space<vmem>>
      %dma_start3A_999 = tpu.memref_squeeze %dma_start3A_998 : memref<1x64xi32, #tpu.memory_space<vmem>> -> memref<64xi32, #tpu.memory_space<vmem>>
      %dma_start3A_1000 = tpu.memref_slice %arg3[%add3A_989] : memref<320000xi32, #tpu.memory_space<hbm>> -> memref<64xi32, #tpu.memory_space<hbm>>
      tpu.enqueue_dma source(%dma_start3A_1000 : memref<64xi32, #tpu.memory_space<hbm>>) target(%dma_start3A_999 : memref<64xi32, #tpu.memory_space<vmem>>) target_semaphore(%dma_start3A_996 : memref<!tpu.dma_semaphore, #tpu.memory_space<semaphore_mem>>)
      %dma_start3A_1001 = arith.constant 1 : i32
      %dma_start3A_1002 = arith.constant 1 : i32
      %dma_start3A_1003 = arith.constant 0 : i32
      %dma_start3A_1004 = arith.constant 0 : i32
      %dma_start3A_1005 = tpu.memref_slice %arg9[%dma_start3A_1001, %dma_start3A_1003, %dma_start3A_1004] : memref<8x64x128xf32, #tpu.memory_space<vmem>> -> memref<1x64x128xf32, #tpu.memory_space<vmem>>
      %dma_start3A_1006 = tpu.memref_squeeze %dma_start3A_1005 : memref<1x64x128xf32, #tpu.memory_space<vmem>> -> memref<64x128xf32, #tpu.memory_space<vmem>>
      %dma_start3A_1007 = arith.constant 0 : i32
      %dma_start3A_1008 = tpu.memref_slice %arg2[%add3A_989, %dma_start3A_1007] : memref<320000x128xf32, #tpu.memory_space<hbm>> -> memref<64x128xf32, #tpu.memory_space<hbm>>
      %dma_start3A_1009 = tpu.memref_slice %arg12[%dma_start3A_1002] : memref<8x!tpu.dma_semaphore, #tpu.memory_space<semaphore_mem>> -> memref<1x!tpu.dma_semaphore, #tpu.memory_space<semaphore_mem>>
      %dma_start3A_1010 = tpu.memref_squeeze %dma_start3A_1009 : memref<1x!tpu.dma_semaphore, #tpu.memory_space<semaphore_mem>> -> memref<!tpu.dma_semaphore, #tpu.memory_space<semaphore_mem>>
      %dma_start3A_1011 = arith.constant 0 : i32
      %dma_start3A_1012 = arith.constant 0 : i32
      %dma_start3A_1013 = tpu.memref_slice %arg9[%dma_start3A_1001, %dma_start3A_1011, %dma_start3A_1012] : memref<8x64x128xf32, #tpu.memory_space<vmem>> -> memref<1x64x128xf32, #tpu.memory_space<vmem>>
      %dma_start3A_1014 = tpu.memref_squeeze %dma_start3A_1013 : memref<1x64x128xf32, #tpu.memory_space<vmem>> -> memref<64x128xf32, #tpu.memory_space<vmem>>
      %dma_start3A_1015 = arith.constant 0 : i32
      %dma_start3A_1016 = tpu.memref_slice %arg2[%add3A_989, %dma_start3A_1015] : memref<320000x128xf32, #tpu.memory_space<hbm>> -> memref<64x128xf32, #tpu.memory_space<hbm>>
      tpu.enqueue_dma source(%dma_start3A_1016 : memref<64x128xf32, #tpu.memory_space<hbm>>) target(%dma_start3A_1014 : memref<64x128xf32, #tpu.memory_space<vmem>>) target_semaphore(%dma_start3A_1010 : memref<!tpu.dma_semaphore, #tpu.memory_space<semaphore_mem>>)
    } else {
    }
    %gt3A_82 = arith.constant 2 : i32
    %gt3A_83 = arith.cmpi sgt, %select_n3A_52, %gt3A_82 : i32
    %convert_element_type3A_84 = arith.extui %gt3A_83 : i1 to i32
    %cond3A_85 = arith.constant 0 : i32
    %cond3A_86 = arith.cmpi ne, %convert_element_type3A_84, %cond3A_85 : i32
    scf.if %cond3A_86 {
      %add3A_988 = arith.constant 128 : i32
      %add3A_989 = arith.addi %multiple_of3A, %add3A_988 : i32
      %dma_start3A = arith.constant 2 : i32
      %dma_start3A_990 = arith.constant 2 : i32
      %dma_start3A_991 = arith.constant 0 : i32
      %dma_start3A_992 = tpu.memref_slice %arg7[%dma_start3A, %dma_start3A_991] : memref<8x64xi32, #tpu.memory_space<vmem>> -> memref<1x64xi32, #tpu.memory_space<vmem>>
      %dma_start3A_993 = tpu.memref_squeeze %dma_start3A_992 : memref<1x64xi32, #tpu.memory_space<vmem>> -> memref<64xi32, #tpu.memory_space<vmem>>
      %dma_start3A_994 = tpu.memref_slice %arg3[%add3A_989] : memref<320000xi32, #tpu.memory_space<hbm>> -> memref<64xi32, #tpu.memory_space<hbm>>
      %dma_start3A_995 = tpu.memref_slice %arg12[%dma_start3A_990] : memref<8x!tpu.dma_semaphore, #tpu.memory_space<semaphore_mem>> -> memref<1x!tpu.dma_semaphore, #tpu.memory_space<semaphore_mem>>
      %dma_start3A_996 = tpu.memref_squeeze %dma_start3A_995 : memref<1x!tpu.dma_semaphore, #tpu.memory_space<semaphore_mem>> -> memref<!tpu.dma_semaphore, #tpu.memory_space<semaphore_mem>>
      %dma_start3A_997 = arith.constant 0 : i32
      %dma_start3A_998 = tpu.memref_slice %arg7[%dma_start3A, %dma_start3A_997] : memref<8x64xi32, #tpu.memory_space<vmem>> -> memref<1x64xi32, #tpu.memory_space<vmem>>
      %dma_start3A_999 = tpu.memref_squeeze %dma_start3A_998 : memref<1x64xi32, #tpu.memory_space<vmem>> -> memref<64xi32, #tpu.memory_space<vmem>>
      %dma_start3A_1000 = tpu.memref_slice %arg3[%add3A_989] : memref<320000xi32, #tpu.memory_space<hbm>> -> memref<64xi32, #tpu.memory_space<hbm>>
      tpu.enqueue_dma source(%dma_start3A_1000 : memref<64xi32, #tpu.memory_space<hbm>>) target(%dma_start3A_999 : memref<64xi32, #tpu.memory_space<vmem>>) target_semaphore(%dma_start3A_996 : memref<!tpu.dma_semaphore, #tpu.memory_space<semaphore_mem>>)
      %dma_start3A_1001 = arith.constant 2 : i32
      %dma_start3A_1002 = arith.constant 2 : i32
      %dma_start3A_1003 = arith.constant 0 : i32
      %dma_start3A_1004 = arith.constant 0 : i32
      %dma_start3A_1005 = tpu.memref_slice %arg9[%dma_start3A_1001, %dma_start3A_1003, %dma_start3A_1004] : memref<8x64x128xf32, #tpu.memory_space<vmem>> -> memref<1x64x128xf32, #tpu.memory_space<vmem>>
      %dma_start3A_1006 = tpu.memref_squeeze %dma_start3A_1005 : memref<1x64x128xf32, #tpu.memory_space<vmem>> -> memref<64x128xf32, #tpu.memory_space<vmem>>
      %dma_start3A_1007 = arith.constant 0 : i32
      %dma_start3A_1008 = tpu.memref_slice %arg2[%add3A_989, %dma_start3A_1007] : memref<320000x128xf32, #tpu.memory_space<hbm>> -> memref<64x128xf32, #tpu.memory_space<hbm>>
      %dma_start3A_1009 = tpu.memref_slice %arg12[%dma_start3A_1002] : memref<8x!tpu.dma_semaphore, #tpu.memory_space<semaphore_mem>> -> memref<1x!tpu.dma_semaphore, #tpu.memory_space<semaphore_mem>>
      %dma_start3A_1010 = tpu.memref_squeeze %dma_start3A_1009 : memref<1x!tpu.dma_semaphore, #tpu.memory_space<semaphore_mem>> -> memref<!tpu.dma_semaphore, #tpu.memory_space<semaphore_mem>>
      %dma_start3A_1011 = arith.constant 0 : i32
      %dma_start3A_1012 = arith.constant 0 : i32
      %dma_start3A_1013 = tpu.memref_slice %arg9[%dma_start3A_1001, %dma_start3A_1011, %dma_start3A_1012] : memref<8x64x128xf32, #tpu.memory_space<vmem>> -> memref<1x64x128xf32, #tpu.memory_space<vmem>>
      %dma_start3A_1014 = tpu.memref_squeeze %dma_start3A_1013 : memref<1x64x128xf32, #tpu.memory_space<vmem>> -> memref<64x128xf32, #tpu.memory_space<vmem>>
      %dma_start3A_1015 = arith.constant 0 : i32
      %dma_start3A_1016 = tpu.memref_slice %arg2[%add3A_989, %dma_start3A_1015] : memref<320000x128xf32, #tpu.memory_space<hbm>> -> memref<64x128xf32, #tpu.memory_space<hbm>>
      tpu.enqueue_dma source(%dma_start3A_1016 : memref<64x128xf32, #tpu.memory_space<hbm>>) target(%dma_start3A_1014 : memref<64x128xf32, #tpu.memory_space<vmem>>) target_semaphore(%dma_start3A_1010 : memref<!tpu.dma_semaphore, #tpu.memory_space<semaphore_mem>>)
    } else {
    }
    %gt3A_87 = arith.constant 3 : i32
    %gt3A_88 = arith.cmpi sgt, %select_n3A_52, %gt3A_87 : i32
    %convert_element_type3A_89 = arith.extui %gt3A_88 : i1 to i32
    %cond3A_90 = arith.constant 0 : i32
    %cond3A_91 = arith.cmpi ne, %convert_element_type3A_89, %cond3A_90 : i32
    scf.if %cond3A_91 {
      %add3A_988 = arith.constant 192 : i32
      %add3A_989 = arith.addi %multiple_of3A, %add3A_988 : i32
      %dma_start3A = arith.constant 3 : i32
      %dma_start3A_990 = arith.constant 3 : i32
      %dma_start3A_991 = arith.constant 0 : i32
      %dma_start3A_992 = tpu.memref_slice %arg7[%dma_start3A, %dma_start3A_991] : memref<8x64xi32, #tpu.memory_space<vmem>> -> memref<1x64xi32, #tpu.memory_space<vmem>>
      %dma_start3A_993 = tpu.memref_squeeze %dma_start3A_992 : memref<1x64xi32, #tpu.memory_space<vmem>> -> memref<64xi32, #tpu.memory_space<vmem>>
      %dma_start3A_994 = tpu.memref_slice %arg3[%add3A_989] : memref<320000xi32, #tpu.memory_space<hbm>> -> memref<64xi32, #tpu.memory_space<hbm>>
      %dma_start3A_995 = tpu.memref_slice %arg12[%dma_start3A_990] : memref<8x!tpu.dma_semaphore, #tpu.memory_space<semaphore_mem>> -> memref<1x!tpu.dma_semaphore, #tpu.memory_space<semaphore_mem>>
      %dma_start3A_996 = tpu.memref_squeeze %dma_start3A_995 : memref<1x!tpu.dma_semaphore, #tpu.memory_space<semaphore_mem>> -> memref<!tpu.dma_semaphore, #tpu.memory_space<semaphore_mem>>
      %dma_start3A_997 = arith.constant 0 : i32
      %dma_start3A_998 = tpu.memref_slice %arg7[%dma_start3A, %dma_start3A_997] : memref<8x64xi32, #tpu.memory_space<vmem>> -> memref<1x64xi32, #tpu.memory_space<vmem>>
      %dma_start3A_999 = tpu.memref_squeeze %dma_start3A_998 : memref<1x64xi32, #tpu.memory_space<vmem>> -> memref<64xi32, #tpu.memory_space<vmem>>
      %dma_start3A_1000 = tpu.memref_slice %arg3[%add3A_989] : memref<320000xi32, #tpu.memory_space<hbm>> -> memref<64xi32, #tpu.memory_space<hbm>>
      tpu.enqueue_dma source(%dma_start3A_1000 : memref<64xi32, #tpu.memory_space<hbm>>) target(%dma_start3A_999 : memref<64xi32, #tpu.memory_space<vmem>>) target_semaphore(%dma_start3A_996 : memref<!tpu.dma_semaphore, #tpu.memory_space<semaphore_mem>>)
      %dma_start3A_1001 = arith.constant 3 : i32
      %dma_start3A_1002 = arith.constant 3 : i32
      %dma_start3A_1003 = arith.constant 0 : i32
      %dma_start3A_1004 = arith.constant 0 : i32
      %dma_start3A_1005 = tpu.memref_slice %arg9[%dma_start3A_1001, %dma_start3A_1003, %dma_start3A_1004] : memref<8x64x128xf32, #tpu.memory_space<vmem>> -> memref<1x64x128xf32, #tpu.memory_space<vmem>>
      %dma_start3A_1006 = tpu.memref_squeeze %dma_start3A_1005 : memref<1x64x128xf32, #tpu.memory_space<vmem>> -> memref<64x128xf32, #tpu.memory_space<vmem>>
      %dma_start3A_1007 = arith.constant 0 : i32
      %dma_start3A_1008 = tpu.memref_slice %arg2[%add3A_989, %dma_start3A_1007] : memref<320000x128xf32, #tpu.memory_space<hbm>> -> memref<64x128xf32, #tpu.memory_space<hbm>>
      %dma_start3A_1009 = tpu.memref_slice %arg12[%dma_start3A_1002] : memref<8x!tpu.dma_semaphore, #tpu.memory_space<semaphore_mem>> -> memref<1x!tpu.dma_semaphore, #tpu.memory_space<semaphore_mem>>
      %dma_start3A_1010 = tpu.memref_squeeze %dma_start3A_1009 : memref<1x!tpu.dma_semaphore, #tpu.memory_space<semaphore_mem>> -> memref<!tpu.dma_semaphore, #tpu.memory_space<semaphore_mem>>
      %dma_start3A_1011 = arith.constant 0 : i32
      %dma_start3A_1012 = arith.constant 0 : i32
      %dma_start3A_1013 = tpu.memref_slice %arg9[%dma_start3A_1001, %dma_start3A_1011, %dma_start3A_1012] : memref<8x64x128xf32, #tpu.memory_space<vmem>> -> memref<1x64x128xf32, #tpu.memory_space<vmem>>
      %dma_start3A_1014 = tpu.memref_squeeze %dma_start3A_1013 : memref<1x64x128xf32, #tpu.memory_space<vmem>> -> memref<64x128xf32, #tpu.memory_space<vmem>>
      %dma_start3A_1015 = arith.constant 0 : i32
      %dma_start3A_1016 = tpu.memref_slice %arg2[%add3A_989, %dma_start3A_1015] : memref<320000x128xf32, #tpu.memory_space<hbm>> -> memref<64x128xf32, #tpu.memory_space<hbm>>
      tpu.enqueue_dma source(%dma_start3A_1016 : memref<64x128xf32, #tpu.memory_space<hbm>>) target(%dma_start3A_1014 : memref<64x128xf32, #tpu.memory_space<vmem>>) target_semaphore(%dma_start3A_1010 : memref<!tpu.dma_semaphore, #tpu.memory_space<semaphore_mem>>)
    } else {
    }
    %add3A_92 = arith.constant 7 : i32
    %add3A_93 = arith.addi %select_n3A_52, %add3A_92 : i32
    %jit3A_94 = arith.constant 8 : i32
    %div3A_95 = arith.divsi %add3A_93, %jit3A_94 : i32
    %sign3A_96 = arith.constant 0 : i32
    %sign3A_97 = arith.cmpi sgt, %add3A_93, %sign3A_96 : i32
    %sign3A_98 = arith.extui %sign3A_97 : i1 to i32
    %sign3A_99 = arith.constant 0 : i32
    %sign3A_100 = arith.cmpi slt, %add3A_93, %sign3A_99 : i32
    %sign3A_101 = arith.extui %sign3A_100 : i1 to i32
    %sign3A_102 = arith.subi %sign3A_98, %sign3A_101 : i32
    %sign3A_103 = arith.constant 0 : i32
    %sign3A_104 = arith.cmpi sgt, %jit3A_94, %sign3A_103 : i32
    %sign3A_105 = arith.extui %sign3A_104 : i1 to i32
    %sign3A_106 = arith.constant 0 : i32
    %sign3A_107 = arith.cmpi slt, %jit3A_94, %sign3A_106 : i32
    %sign3A_108 = arith.extui %sign3A_107 : i1 to i32
    %sign3A_109 = arith.subi %sign3A_105, %sign3A_108 : i32
    %ne3A_110 = arith.cmpi ne, %sign3A_102, %sign3A_109 : i32
    %rem3A_111 = arith.remsi %add3A_93, %jit3A_94 : i32
    %ne3A_112 = arith.constant 0 : i32
    %ne3A_113 = arith.cmpi ne, %rem3A_111, %ne3A_112 : i32
    %and3A_114 = arith.andi %ne3A_110, %ne3A_113 : i1
    %sub3A_115 = arith.constant 1 : i32
    %sub3A_116 = arith.subi %div3A_95, %sub3A_115 : i32
    %select_n3A_117 = arith.select %and3A_114, %sub3A_116, %div3A_95 : i32
    %while3A = arith.constant 0 : i32
    %while3A_118 = arith.constant 0 : i32
    %while3A_119 = arith.subi %select_n3A_117, %while3A_118 : i32
    %while3A_120 = arith.addi %while3A_118, %while3A_119 : i32
    %while3A_121 = arith.constant 1 : i32
    %while3A_122 = arith.divsi %while3A_119, %while3A_121 : i32
    %while3A_123 = arith.muli %while3A_122, %while3A_121 : i32
    %while3A_124 = arith.addi %while3A_118, %while3A_123 : i32
    %while3A_125 = arith.constant 1 : i32
    scf.for %while3A_988 = %while3A_118 to %while3A_124 step %while3A_125  : i32 {
      %mul3A_989 = arith.constant 8 : i32
      %mul3A_990 = arith.muli %while3A_988, %mul3A_989 : i32
      %add3A_991 = arith.constant 0 : i32
      %add3A_992 = arith.addi %mul3A_990, %add3A_991 : i32
      %lt3A_993 = arith.cmpi slt, %add3A_992, %select_n3A_52 : i32
      %convert_element_type3A_994 = arith.extui %lt3A_993 : i1 to i32
      %cond3A_995 = arith.constant 0 : i32
      %cond3A_996 = arith.cmpi ne, %convert_element_type3A_994, %cond3A_995 : i32
      scf.if %cond3A_996 {
        %mul3A_1053 = arith.constant 64 : i32
        %mul3A_1054 = arith.muli %add3A_992, %mul3A_1053 : i32
        %add3A_1055 = arith.addi %multiple_of3A, %mul3A_1054 : i32
        %dma_wait3A = arith.constant 0 : i32
        %dma_wait3A_1056 = arith.constant 0 : i32
        %dma_wait3A_1057 = arith.constant 0 : i32
        %dma_wait3A_1058 = tpu.memref_slice %arg7[%dma_wait3A, %dma_wait3A_1057] : memref<8x64xi32, #tpu.memory_space<vmem>> -> memref<1x64xi32, #tpu.memory_space<vmem>>
        %dma_wait3A_1059 = tpu.memref_squeeze %dma_wait3A_1058 : memref<1x64xi32, #tpu.memory_space<vmem>> -> memref<64xi32, #tpu.memory_space<vmem>>
        %dma_wait3A_1060 = tpu.memref_slice %arg3[%add3A_1055] : memref<320000xi32, #tpu.memory_space<hbm>> -> memref<64xi32, #tpu.memory_space<hbm>>
        %dma_wait3A_1061 = tpu.memref_slice %arg12[%dma_wait3A_1056] : memref<8x!tpu.dma_semaphore, #tpu.memory_space<semaphore_mem>> -> memref<1x!tpu.dma_semaphore, #tpu.memory_space<semaphore_mem>>
        %dma_wait3A_1062 = tpu.memref_squeeze %dma_wait3A_1061 : memref<1x!tpu.dma_semaphore, #tpu.memory_space<semaphore_mem>> -> memref<!tpu.dma_semaphore, #tpu.memory_space<semaphore_mem>>
        %dma_wait3A_1063 = arith.constant 0 : i32
        %dma_wait3A_1064 = tpu.memref_slice %arg7[%dma_wait3A, %dma_wait3A_1063] : memref<8x64xi32, #tpu.memory_space<vmem>> -> memref<1x64xi32, #tpu.memory_space<vmem>>
        %dma_wait3A_1065 = tpu.memref_squeeze %dma_wait3A_1064 : memref<1x64xi32, #tpu.memory_space<vmem>> -> memref<64xi32, #tpu.memory_space<vmem>>
        %dma_wait3A_1066 = tpu.memref_slice %arg3[%add3A_1055] : memref<320000xi32, #tpu.memory_space<hbm>> -> memref<64xi32, #tpu.memory_space<hbm>>
        tpu.wait_dma2 semaphore(%dma_wait3A_1062 : memref<!tpu.dma_semaphore, #tpu.memory_space<semaphore_mem>>) src(%dma_wait3A_1066 : memref<64xi32, #tpu.memory_space<hbm>>) dst(%dma_wait3A_1065 : memref<64xi32, #tpu.memory_space<vmem>>)
        %dma_wait3A_1067 = arith.constant 0 : i32
        %dma_wait3A_1068 = arith.constant 0 : i32
        %dma_wait3A_1069 = arith.constant 0 : i32
        %dma_wait3A_1070 = arith.constant 0 : i32
        %dma_wait3A_1071 = tpu.memref_slice %arg9[%dma_wait3A_1067, %dma_wait3A_1069, %dma_wait3A_1070] : memref<8x64x128xf32, #tpu.memory_space<vmem>> -> memref<1x64x128xf32, #tpu.memory_space<vmem>>
        %dma_wait3A_1072 = tpu.memref_squeeze %dma_wait3A_1071 : memref<1x64x128xf32, #tpu.memory_space<vmem>> -> memref<64x128xf32, #tpu.memory_space<vmem>>
        %dma_wait3A_1073 = arith.constant 0 : i32
        %dma_wait3A_1074 = tpu.memref_slice %arg2[%add3A_1055, %dma_wait3A_1073] : memref<320000x128xf32, #tpu.memory_space<hbm>> -> memref<64x128xf32, #tpu.memory_space<hbm>>
        %dma_wait3A_1075 = tpu.memref_slice %arg12[%dma_wait3A_1068] : memref<8x!tpu.dma_semaphore, #tpu.memory_space<semaphore_mem>> -> memref<1x!tpu.dma_semaphore, #tpu.memory_space<semaphore_mem>>
        %dma_wait3A_1076 = tpu.memref_squeeze %dma_wait3A_1075 : memref<1x!tpu.dma_semaphore, #tpu.memory_space<semaphore_mem>> -> memref<!tpu.dma_semaphore, #tpu.memory_space<semaphore_mem>>
        %dma_wait3A_1077 = arith.constant 0 : i32
        %dma_wait3A_1078 = arith.constant 0 : i32
        %dma_wait3A_1079 = tpu.memref_slice %arg9[%dma_wait3A_1067, %dma_wait3A_1077, %dma_wait3A_1078] : memref<8x64x128xf32, #tpu.memory_space<vmem>> -> memref<1x64x128xf32, #tpu.memory_space<vmem>>
        %dma_wait3A_1080 = tpu.memref_squeeze %dma_wait3A_1079 : memref<1x64x128xf32, #tpu.memory_space<vmem>> -> memref<64x128xf32, #tpu.memory_space<vmem>>
        %dma_wait3A_1081 = arith.constant 0 : i32
        %dma_wait3A_1082 = tpu.memref_slice %arg2[%add3A_1055, %dma_wait3A_1081] : memref<320000x128xf32, #tpu.memory_space<hbm>> -> memref<64x128xf32, #tpu.memory_space<hbm>>
        tpu.wait_dma2 semaphore(%dma_wait3A_1076 : memref<!tpu.dma_semaphore, #tpu.memory_space<semaphore_mem>>) src(%dma_wait3A_1082 : memref<64x128xf32, #tpu.memory_space<hbm>>) dst(%dma_wait3A_1080 : memref<64x128xf32, #tpu.memory_space<vmem>>)
        %mul3A_1083 = arith.constant 64 : i32
        %mul3A_1084 = arith.muli %add3A_992, %mul3A_1083 : i32
        %add3A_1085 = arith.addi %multiple_of3A, %mul3A_1084 : i32
        %scan3A_1086 = arith.constant 0 : i32
        %scan3A_1087 = arith.constant 0 : i32
        %scan3A_1088 = arith.constant 0 : i32
        %scan3A_1089 = arith.constant 4 : i32
        %scan3A_1090 = arith.addi %scan3A_1088, %scan3A_1089 : i32
        %scan3A_1091 = arith.constant 1 : i32
        scf.for %scan3A_1118 = %scan3A_1088 to %scan3A_1090 step %scan3A_1091  : i32 {
          %mul3A_1119 = arith.constant 16 : i32
          %mul3A_1120 = arith.muli %scan3A_1118, %mul3A_1119 : i32
          %add3A_1121 = arith.addi %add3A_1085, %mul3A_1120 : i32
          %iota3A = tpu.iota {dimensions = array<i32: 0>} : vector<16xi32>
          %add3A_1122 = vector.broadcast %add3A_1121 : i32 to vector<16xi32>
          %add3A_1123 = arith.addi %add3A_1122, %iota3A : vector<16xi32>
          %ge3A_1124 = vector.broadcast %squeeze3A : i32 to vector<16xi32>
          %ge3A_1125 = arith.cmpi sge, %add3A_1123, %ge3A_1124 : vector<16xi32>
          %lt3A_1126 = vector.broadcast %squeeze3A_9 : i32 to vector<16xi32>
          %lt3A_1127 = arith.cmpi slt, %add3A_1123, %lt3A_1126 : vector<16xi32>
          %and3A_1128 = arith.andi %ge3A_1125, %lt3A_1127 : vector<16xi1>
          %get3A_1129 = arith.constant 0 : i32
          %get3A_1130 = tpu.memref_slice %arg7[%scan3A_1087, %get3A_1129] : memref<8x64xi32, #tpu.memory_space<vmem>> -> memref<1x64xi32, #tpu.memory_space<vmem>>
          %get3A_1131 = tpu.memref_squeeze %get3A_1130 : memref<1x64xi32, #tpu.memory_space<vmem>> -> memref<64xi32, #tpu.memory_space<vmem>>
          %get3A_1132 = arith.index_cast %mul3A_1120 : i32 to index
          %get3A_1133 = tpu.vector_load %get3A_1131[%get3A_1132] {strides = array<i32>} : memref<64xi32, #tpu.memory_space<vmem>>, vector<16xi32>,
          %get3A_1134 = vector.shape_cast %get3A_1133 : vector<16xi32> to vector<16xi32>
          %mul3A_1135 = arith.constant 5000 : i32
          %mul3A_1136 = arith.muli %arg0, %mul3A_1135 : i32
          %sub3A_1137 = vector.broadcast %mul3A_1136 : i32 to vector<16xi32>
          %sub3A_1138 = arith.subi %get3A_1134, %sub3A_1137 : vector<16xi32>
          %add3A_1139 = arith.constant 5000 : i32
          %add3A_1140 = arith.addi %add3A_1139, %arg1 : i32
          %broadcast_in_dim3A_1141 = vector.broadcast %add3A_1140 : i32 to vector<16xi32>
          %select_n3A_1142 = arith.select %and3A_1128, %sub3A_1138, %broadcast_in_dim3A_1141 : vector<16xi1>, vector<16xi32>
          %swap3A = arith.constant 0 : i32
          %swap3A_1143 = tpu.memref_slice %arg7[%scan3A_1087, %swap3A] : memref<8x64xi32, #tpu.memory_space<vmem>> -> memref<1x64xi32, #tpu.memory_space<vmem>>
          %swap3A_1144 = tpu.memref_squeeze %swap3A_1143 : memref<1x64xi32, #tpu.memory_space<vmem>> -> memref<64xi32, #tpu.memory_space<vmem>>
          %swap3A_1145 = arith.index_cast %mul3A_1120 : i32 to index
          %swap3A_1146 = tpu.vector_load %swap3A_1144[%swap3A_1145] {strides = array<i32>} : memref<64xi32, #tpu.memory_space<vmem>>, vector<16xi32>,
          %swap3A_1147 = vector.shape_cast %swap3A_1146 : vector<16xi32> to vector<16xi32>
          %swap3A_1148 = vector.shape_cast %select_n3A_1142 : vector<16xi32> to vector<16xi32>
          tpu.vector_store %swap3A_1144[%swap3A_1145], %swap3A_1148 {strides = array<i32>} : memref<64xi32, #tpu.memory_space<vmem>>, vector<16xi32>,
        }
        %scan3A_1092 = arith.constant 4 : i32
        %dma_start3A = arith.constant 0 : i32
        %dma_start3A_1093 = arith.constant 0 : i32
        %dma_start3A_1094 = arith.constant 0 : i32
        %dma_start3A_1095 = arith.constant 0 : i32
        %dma_start3A_1096 = arith.constant 0 : i32
        %dma_start3A_1097 = tpu.memref_slice %arg9[%dma_start3A, %dma_start3A_1095, %dma_start3A_1096] : memref<8x64x128xf32, #tpu.memory_space<vmem>> -> memref<1x64x128xf32, #tpu.memory_space<vmem>>
        %dma_start3A_1098 = tpu.memref_squeeze %dma_start3A_1097 : memref<1x64x128xf32, #tpu.memory_space<vmem>> -> memref<64x128xf32, #tpu.memory_space<vmem>>
        %dma_start3A_1099 = arith.constant 0 : i32
        %dma_start3A_1100 = tpu.memref_slice %arg7[%dma_start3A_1093, %dma_start3A_1099] : memref<8x64xi32, #tpu.memory_space<vmem>> -> memref<1x64xi32, #tpu.memory_space<vmem>>
        %dma_start3A_1101 = tpu.memref_squeeze %dma_start3A_1100 : memref<1x64xi32, #tpu.memory_space<vmem>> -> memref<64xi32, #tpu.memory_space<vmem>>
        %dma_start3A_1102 = arith.constant 0 : i32
        %dma_start3A_1103 = arith.constant 0 : i32
        %dma_start3A_1104 = tpu.memref_slice %arg11[%dma_start3A_1102, %dma_start3A_1103] : memref<5024x128xf32, #tpu.memory_space<vmem_shared>> -> memref<5024x128xf32, #tpu.memory_space<vmem_shared>>
        %dma_start3A_1105 = tpu.memref_slice %arg13[%dma_start3A_1094] : memref<8x!tpu.dma_semaphore, #tpu.memory_space<semaphore_mem>> -> memref<1x!tpu.dma_semaphore, #tpu.memory_space<semaphore_mem>>
        %dma_start3A_1106 = tpu.memref_squeeze %dma_start3A_1105 : memref<1x!tpu.dma_semaphore, #tpu.memory_space<semaphore_mem>> -> memref<!tpu.dma_semaphore, #tpu.memory_space<semaphore_mem>>
        tpu.enqueue_indirect_dma source(%dma_start3A_1098 : memref<64x128xf32, #tpu.memory_space<vmem>>) target(%dma_start3A_1104 : memref<5024x128xf32, #tpu.memory_space<vmem_shared>>) offsets(%dma_start3A_1101 : memref<64xi32, #tpu.memory_space<vmem>>) semaphore(%dma_start3A_1106 : memref<!tpu.dma_semaphore, #tpu.memory_space<semaphore_mem>>) {add = true}
        %ge3A_1107 = arith.constant 4 : i32
        %ge3A_1108 = arith.cmpi sge, %add3A_992, %ge3A_1107 : i32
        %convert_element_type3A_1109 = arith.extui %ge3A_1108 : i1 to i32
        %cond3A_1110 = arith.constant 0 : i32
        %cond3A_1111 = arith.cmpi ne, %convert_element_type3A_1109, %cond3A_1110 : i32
        scf.if %cond3A_1111 {
          %dma_wait3A_1118 = arith.constant 4 : i32
          %dma_wait3A_1119 = arith.constant 4 : i32
          %dma_wait3A_1120 = arith.constant 0 : i32
          %dma_wait3A_1121 = arith.constant 0 : i32
          %dma_wait3A_1122 = tpu.memref_slice %arg9[%dma_wait3A_1118, %dma_wait3A_1120, %dma_wait3A_1121] : memref<8x64x128xf32, #tpu.memory_space<vmem>> -> memref<1x64x128xf32, #tpu.memory_space<vmem>>
          %dma_wait3A_1123 = tpu.memref_squeeze %dma_wait3A_1122 : memref<1x64x128xf32, #tpu.memory_space<vmem>> -> memref<64x128xf32, #tpu.memory_space<vmem>>
          %dma_wait3A_1124 = arith.constant 0 : i32
          %dma_wait3A_1125 = arith.constant 0 : i32
          %dma_wait3A_1126 = tpu.memref_slice %arg11[%dma_wait3A_1124, %dma_wait3A_1125] : memref<5024x128xf32, #tpu.memory_space<vmem_shared>> -> memref<5024x128xf32, #tpu.memory_space<vmem_shared>>
          %dma_wait3A_1127 = tpu.memref_slice %arg13[%dma_wait3A_1119] : memref<8x!tpu.dma_semaphore, #tpu.memory_space<semaphore_mem>> -> memref<1x!tpu.dma_semaphore, #tpu.memory_space<semaphore_mem>>
          %dma_wait3A_1128 = tpu.memref_squeeze %dma_wait3A_1127 : memref<1x!tpu.dma_semaphore, #tpu.memory_space<semaphore_mem>> -> memref<!tpu.dma_semaphore, #tpu.memory_space<semaphore_mem>>
          tpu.wait_indirect_dma semaphore(%dma_wait3A_1128 : memref<!tpu.dma_semaphore, #tpu.memory_space<semaphore_mem>>) src(%dma_wait3A_1123 : memref<64x128xf32, #tpu.memory_space<vmem>>) dst(%dma_wait3A_1126 : memref<5024x128xf32, #tpu.memory_space<vmem_shared>>)
        } else {
        }
        %add3A_1112 = arith.constant 4 : i32
        %add3A_1113 = arith.addi %add3A_992, %add3A_1112 : i32
        %lt3A_1114 = arith.cmpi slt, %add3A_1113, %select_n3A_52 : i32
        %convert_element_type3A_1115 = arith.extui %lt3A_1114 : i1 to i32
        %cond3A_1116 = arith.constant 0 : i32
        %cond3A_1117 = arith.cmpi ne, %convert_element_type3A_1115, %cond3A_1116 : i32
        scf.if %cond3A_1117 {
          %add3A_1118 = arith.constant 4 : i32
          %add3A_1119 = arith.addi %add3A_992, %add3A_1118 : i32
          %mul3A_1120 = arith.constant 64 : i32
          %mul3A_1121 = arith.muli %add3A_1119, %mul3A_1120 : i32
          %add3A_1122 = arith.addi %multiple_of3A, %mul3A_1121 : i32
          %dma_start3A_1123 = arith.constant 4 : i32
          %dma_start3A_1124 = arith.constant 4 : i32
          %dma_start3A_1125 = arith.constant 0 : i32
          %dma_start3A_1126 = tpu.memref_slice %arg7[%dma_start3A_1123, %dma_start3A_1125] : memref<8x64xi32, #tpu.memory_space<vmem>> -> memref<1x64xi32, #tpu.memory_space<vmem>>
          %dma_start3A_1127 = tpu.memref_squeeze %dma_start3A_1126 : memref<1x64xi32, #tpu.memory_space<vmem>> -> memref<64xi32, #tpu.memory_space<vmem>>
          %dma_start3A_1128 = tpu.memref_slice %arg3[%add3A_1122] : memref<320000xi32, #tpu.memory_space<hbm>> -> memref<64xi32, #tpu.memory_space<hbm>>
          %dma_start3A_1129 = tpu.memref_slice %arg12[%dma_start3A_1124] : memref<8x!tpu.dma_semaphore, #tpu.memory_space<semaphore_mem>> -> memref<1x!tpu.dma_semaphore, #tpu.memory_space<semaphore_mem>>
          %dma_start3A_1130 = tpu.memref_squeeze %dma_start3A_1129 : memref<1x!tpu.dma_semaphore, #tpu.memory_space<semaphore_mem>> -> memref<!tpu.dma_semaphore, #tpu.memory_space<semaphore_mem>>
          %dma_start3A_1131 = arith.constant 0 : i32
          %dma_start3A_1132 = tpu.memref_slice %arg7[%dma_start3A_1123, %dma_start3A_1131] : memref<8x64xi32, #tpu.memory_space<vmem>> -> memref<1x64xi32, #tpu.memory_space<vmem>>
          %dma_start3A_1133 = tpu.memref_squeeze %dma_start3A_1132 : memref<1x64xi32, #tpu.memory_space<vmem>> -> memref<64xi32, #tpu.memory_space<vmem>>
          %dma_start3A_1134 = tpu.memref_slice %arg3[%add3A_1122] : memref<320000xi32, #tpu.memory_space<hbm>> -> memref<64xi32, #tpu.memory_space<hbm>>
          tpu.enqueue_dma source(%dma_start3A_1134 : memref<64xi32, #tpu.memory_space<hbm>>) target(%dma_start3A_1133 : memref<64xi32, #tpu.memory_space<vmem>>) target_semaphore(%dma_start3A_1130 : memref<!tpu.dma_semaphore, #tpu.memory_space<semaphore_mem>>)
          %dma_start3A_1135 = arith.constant 4 : i32
          %dma_start3A_1136 = arith.constant 4 : i32
          %dma_start3A_1137 = arith.constant 0 : i32
          %dma_start3A_1138 = arith.constant 0 : i32
          %dma_start3A_1139 = tpu.memref_slice %arg9[%dma_start3A_1135, %dma_start3A_1137, %dma_start3A_1138] : memref<8x64x128xf32, #tpu.memory_space<vmem>> -> memref<1x64x128xf32, #tpu.memory_space<vmem>>
          %dma_start3A_1140 = tpu.memref_squeeze %dma_start3A_1139 : memref<1x64x128xf32, #tpu.memory_space<vmem>> -> memref<64x128xf32, #tpu.memory_space<vmem>>
          %dma_start3A_1141 = arith.constant 0 : i32
          %dma_start3A_1142 = tpu.memref_slice %arg2[%add3A_1122, %dma_start3A_1141] : memref<320000x128xf32, #tpu.memory_space<hbm>> -> memref<64x128xf32, #tpu.memory_space<hbm>>
          %dma_start3A_1143 = tpu.memref_slice %arg12[%dma_start3A_1136] : memref<8x!tpu.dma_semaphore, #tpu.memory_space<semaphore_mem>> -> memref<1x!tpu.dma_semaphore, #tpu.memory_space<semaphore_mem>>
          %dma_start3A_1144 = tpu.memref_squeeze %dma_start3A_1143 : memref<1x!tpu.dma_semaphore, #tpu.memory_space<semaphore_mem>> -> memref<!tpu.dma_semaphore, #tpu.memory_space<semaphore_mem>>
          %dma_start3A_1145 = arith.constant 0 : i32
          %dma_start3A_1146 = arith.constant 0 : i32
          %dma_start3A_1147 = tpu.memref_slice %arg9[%dma_start3A_1135, %dma_start3A_1145, %dma_start3A_1146] : memref<8x64x128xf32, #tpu.memory_space<vmem>> -> memref<1x64x128xf32, #tpu.memory_space<vmem>>
          %dma_start3A_1148 = tpu.memref_squeeze %dma_start3A_1147 : memref<1x64x128xf32, #tpu.memory_space<vmem>> -> memref<64x128xf32, #tpu.memory_space<vmem>>
          %dma_start3A_1149 = arith.constant 0 : i32
          %dma_start3A_1150 = tpu.memref_slice %arg2[%add3A_1122, %dma_start3A_1149] : memref<320000x128xf32, #tpu.memory_space<hbm>> -> memref<64x128xf32, #tpu.memory_space<hbm>>
          tpu.enqueue_dma source(%dma_start3A_1150 : memref<64x128xf32, #tpu.memory_space<hbm>>) target(%dma_start3A_1148 : memref<64x128xf32, #tpu.memory_space<vmem>>) target_semaphore(%dma_start3A_1144 : memref<!tpu.dma_semaphore, #tpu.memory_space<semaphore_mem>>)
        } else {
        }
      } else {
      }
      %mul3A_997 = arith.constant 8 : i32
      %mul3A_998 = arith.muli %while3A_988, %mul3A_997 : i32
      %add3A_999 = arith.constant 1 : i32
      %add3A_1000 = arith.addi %mul3A_998, %add3A_999 : i32
      %lt3A_1001 = arith.cmpi slt, %add3A_1000, %select_n3A_52 : i32
      %convert_element_type3A_1002 = arith.extui %lt3A_1001 : i1 to i32
      %cond3A_1003 = arith.constant 0 : i32
      %cond3A_1004 = arith.cmpi ne, %convert_element_type3A_1002, %cond3A_1003 : i32
      scf.if %cond3A_1004 {
        %mul3A_1053 = arith.constant 64 : i32
        %mul3A_1054 = arith.muli %add3A_1000, %mul3A_1053 : i32
        %add3A_1055 = arith.addi %multiple_of3A, %mul3A_1054 : i32
        %dma_wait3A = arith.constant 1 : i32
        %dma_wait3A_1056 = arith.constant 1 : i32
        %dma_wait3A_1057 = arith.constant 0 : i32
        %dma_wait3A_1058 = tpu.memref_slice %arg7[%dma_wait3A, %dma_wait3A_1057] : memref<8x64xi32, #tpu.memory_space<vmem>> -> memref<1x64xi32, #tpu.memory_space<vmem>>
        %dma_wait3A_1059 = tpu.memref_squeeze %dma_wait3A_1058 : memref<1x64xi32, #tpu.memory_space<vmem>> -> memref<64xi32, #tpu.memory_space<vmem>>
        %dma_wait3A_1060 = tpu.memref_slice %arg3[%add3A_1055] : memref<320000xi32, #tpu.memory_space<hbm>> -> memref<64xi32, #tpu.memory_space<hbm>>
        %dma_wait3A_1061 = tpu.memref_slice %arg12[%dma_wait3A_1056] : memref<8x!tpu.dma_semaphore, #tpu.memory_space<semaphore_mem>> -> memref<1x!tpu.dma_semaphore, #tpu.memory_space<semaphore_mem>>
        %dma_wait3A_1062 = tpu.memref_squeeze %dma_wait3A_1061 : memref<1x!tpu.dma_semaphore, #tpu.memory_space<semaphore_mem>> -> memref<!tpu.dma_semaphore, #tpu.memory_space<semaphore_mem>>
        %dma_wait3A_1063 = arith.constant 0 : i32
        %dma_wait3A_1064 = tpu.memref_slice %arg7[%dma_wait3A, %dma_wait3A_1063] : memref<8x64xi32, #tpu.memory_space<vmem>> -> memref<1x64xi32, #tpu.memory_space<vmem>>
        %dma_wait3A_1065 = tpu.memref_squeeze %dma_wait3A_1064 : memref<1x64xi32, #tpu.memory_space<vmem>> -> memref<64xi32, #tpu.memory_space<vmem>>
        %dma_wait3A_1066 = tpu.memref_slice %arg3[%add3A_1055] : memref<320000xi32, #tpu.memory_space<hbm>> -> memref<64xi32, #tpu.memory_space<hbm>>
        tpu.wait_dma2 semaphore(%dma_wait3A_1062 : memref<!tpu.dma_semaphore, #tpu.memory_space<semaphore_mem>>) src(%dma_wait3A_1066 : memref<64xi32, #tpu.memory_space<hbm>>) dst(%dma_wait3A_1065 : memref<64xi32, #tpu.memory_space<vmem>>)
        %dma_wait3A_1067 = arith.constant 1 : i32
        %dma_wait3A_1068 = arith.constant 1 : i32
        %dma_wait3A_1069 = arith.constant 0 : i32
        %dma_wait3A_1070 = arith.constant 0 : i32
        %dma_wait3A_1071 = tpu.memref_slice %arg9[%dma_wait3A_1067, %dma_wait3A_1069, %dma_wait3A_1070] : memref<8x64x128xf32, #tpu.memory_space<vmem>> -> memref<1x64x128xf32, #tpu.memory_space<vmem>>
        %dma_wait3A_1072 = tpu.memref_squeeze %dma_wait3A_1071 : memref<1x64x128xf32, #tpu.memory_space<vmem>> -> memref<64x128xf32, #tpu.memory_space<vmem>>
        %dma_wait3A_1073 = arith.constant 0 : i32
        %dma_wait3A_1074 = tpu.memref_slice %arg2[%add3A_1055, %dma_wait3A_1073] : memref<320000x128xf32, #tpu.memory_space<hbm>> -> memref<64x128xf32, #tpu.memory_space<hbm>>
        %dma_wait3A_1075 = tpu.memref_slice %arg12[%dma_wait3A_1068] : memref<8x!tpu.dma_semaphore, #tpu.memory_space<semaphore_mem>> -> memref<1x!tpu.dma_semaphore, #tpu.memory_space<semaphore_mem>>
        %dma_wait3A_1076 = tpu.memref_squeeze %dma_wait3A_1075 : memref<1x!tpu.dma_semaphore, #tpu.memory_space<semaphore_mem>> -> memref<!tpu.dma_semaphore, #tpu.memory_space<semaphore_mem>>
        %dma_wait3A_1077 = arith.constant 0 : i32
        %dma_wait3A_1078 = arith.constant 0 : i32
        %dma_wait3A_1079 = tpu.memref_slice %arg9[%dma_wait3A_1067, %dma_wait3A_1077, %dma_wait3A_1078] : memref<8x64x128xf32, #tpu.memory_space<vmem>> -> memref<1x64x128xf32, #tpu.memory_space<vmem>>
        %dma_wait3A_1080 = tpu.memref_squeeze %dma_wait3A_1079 : memref<1x64x128xf32, #tpu.memory_space<vmem>> -> memref<64x128xf32, #tpu.memory_space<vmem>>
        %dma_wait3A_1081 = arith.constant 0 : i32
        %dma_wait3A_1082 = tpu.memref_slice %arg2[%add3A_1055, %dma_wait3A_1081] : memref<320000x128xf32, #tpu.memory_space<hbm>> -> memref<64x128xf32, #tpu.memory_space<hbm>>
        tpu.wait_dma2 semaphore(%dma_wait3A_1076 : memref<!tpu.dma_semaphore, #tpu.memory_space<semaphore_mem>>) src(%dma_wait3A_1082 : memref<64x128xf32, #tpu.memory_space<hbm>>) dst(%dma_wait3A_1080 : memref<64x128xf32, #tpu.memory_space<vmem>>)
        %mul3A_1083 = arith.constant 64 : i32
        %mul3A_1084 = arith.muli %add3A_1000, %mul3A_1083 : i32
        %add3A_1085 = arith.addi %multiple_of3A, %mul3A_1084 : i32
        %scan3A_1086 = arith.constant 0 : i32
        %scan3A_1087 = arith.constant 1 : i32
        %scan3A_1088 = arith.constant 0 : i32
        %scan3A_1089 = arith.constant 4 : i32
        %scan3A_1090 = arith.addi %scan3A_1088, %scan3A_1089 : i32
        %scan3A_1091 = arith.constant 1 : i32
        scf.for %scan3A_1118 = %scan3A_1088 to %scan3A_1090 step %scan3A_1091  : i32 {
          %mul3A_1119 = arith.constant 16 : i32
          %mul3A_1120 = arith.muli %scan3A_1118, %mul3A_1119 : i32
          %add3A_1121 = arith.addi %add3A_1085, %mul3A_1120 : i32
          %iota3A = tpu.iota {dimensions = array<i32: 0>} : vector<16xi32>
          %add3A_1122 = vector.broadcast %add3A_1121 : i32 to vector<16xi32>
          %add3A_1123 = arith.addi %add3A_1122, %iota3A : vector<16xi32>
          %ge3A_1124 = vector.broadcast %squeeze3A : i32 to vector<16xi32>
          %ge3A_1125 = arith.cmpi sge, %add3A_1123, %ge3A_1124 : vector<16xi32>
          %lt3A_1126 = vector.broadcast %squeeze3A_9 : i32 to vector<16xi32>
          %lt3A_1127 = arith.cmpi slt, %add3A_1123, %lt3A_1126 : vector<16xi32>
          %and3A_1128 = arith.andi %ge3A_1125, %lt3A_1127 : vector<16xi1>
          %get3A_1129 = arith.constant 0 : i32
          %get3A_1130 = tpu.memref_slice %arg7[%scan3A_1087, %get3A_1129] : memref<8x64xi32, #tpu.memory_space<vmem>> -> memref<1x64xi32, #tpu.memory_space<vmem>>
          %get3A_1131 = tpu.memref_squeeze %get3A_1130 : memref<1x64xi32, #tpu.memory_space<vmem>> -> memref<64xi32, #tpu.memory_space<vmem>>
          %get3A_1132 = arith.index_cast %mul3A_1120 : i32 to index
          %get3A_1133 = tpu.vector_load %get3A_1131[%get3A_1132] {strides = array<i32>} : memref<64xi32, #tpu.memory_space<vmem>>, vector<16xi32>,
          %get3A_1134 = vector.shape_cast %get3A_1133 : vector<16xi32> to vector<16xi32>
          %mul3A_1135 = arith.constant 5000 : i32
          %mul3A_1136 = arith.muli %arg0, %mul3A_1135 : i32
          %sub3A_1137 = vector.broadcast %mul3A_1136 : i32 to vector<16xi32>
          %sub3A_1138 = arith.subi %get3A_1134, %sub3A_1137 : vector<16xi32>
          %add3A_1139 = arith.constant 5000 : i32
          %add3A_1140 = arith.addi %add3A_1139, %arg1 : i32
          %broadcast_in_dim3A_1141 = vector.broadcast %add3A_1140 : i32 to vector<16xi32>
          %select_n3A_1142 = arith.select %and3A_1128, %sub3A_1138, %broadcast_in_dim3A_1141 : vector<16xi1>, vector<16xi32>
          %swap3A = arith.constant 0 : i32
          %swap3A_1143 = tpu.memref_slice %arg7[%scan3A_1087, %swap3A] : memref<8x64xi32, #tpu.memory_space<vmem>> -> memref<1x64xi32, #tpu.memory_space<vmem>>
          %swap3A_1144 = tpu.memref_squeeze %swap3A_1143 : memref<1x64xi32, #tpu.memory_space<vmem>> -> memref<64xi32, #tpu.memory_space<vmem>>
          %swap3A_1145 = arith.index_cast %mul3A_1120 : i32 to index
          %swap3A_1146 = tpu.vector_load %swap3A_1144[%swap3A_1145] {strides = array<i32>} : memref<64xi32, #tpu.memory_space<vmem>>, vector<16xi32>,
          %swap3A_1147 = vector.shape_cast %swap3A_1146 : vector<16xi32> to vector<16xi32>
          %swap3A_1148 = vector.shape_cast %select_n3A_1142 : vector<16xi32> to vector<16xi32>
          tpu.vector_store %swap3A_1144[%swap3A_1145], %swap3A_1148 {strides = array<i32>} : memref<64xi32, #tpu.memory_space<vmem>>, vector<16xi32>,
        }
        %scan3A_1092 = arith.constant 4 : i32
        %dma_start3A = arith.constant 1 : i32
        %dma_start3A_1093 = arith.constant 1 : i32
        %dma_start3A_1094 = arith.constant 1 : i32
        %dma_start3A_1095 = arith.constant 0 : i32
        %dma_start3A_1096 = arith.constant 0 : i32
        %dma_start3A_1097 = tpu.memref_slice %arg9[%dma_start3A, %dma_start3A_1095, %dma_start3A_1096] : memref<8x64x128xf32, #tpu.memory_space<vmem>> -> memref<1x64x128xf32, #tpu.memory_space<vmem>>
        %dma_start3A_1098 = tpu.memref_squeeze %dma_start3A_1097 : memref<1x64x128xf32, #tpu.memory_space<vmem>> -> memref<64x128xf32, #tpu.memory_space<vmem>>
        %dma_start3A_1099 = arith.constant 0 : i32
        %dma_start3A_1100 = tpu.memref_slice %arg7[%dma_start3A_1093, %dma_start3A_1099] : memref<8x64xi32, #tpu.memory_space<vmem>> -> memref<1x64xi32, #tpu.memory_space<vmem>>
        %dma_start3A_1101 = tpu.memref_squeeze %dma_start3A_1100 : memref<1x64xi32, #tpu.memory_space<vmem>> -> memref<64xi32, #tpu.memory_space<vmem>>
        %dma_start3A_1102 = arith.constant 0 : i32
        %dma_start3A_1103 = arith.constant 0 : i32
        %dma_start3A_1104 = tpu.memref_slice %arg11[%dma_start3A_1102, %dma_start3A_1103] : memref<5024x128xf32, #tpu.memory_space<vmem_shared>> -> memref<5024x128xf32, #tpu.memory_space<vmem_shared>>
        %dma_start3A_1105 = tpu.memref_slice %arg13[%dma_start3A_1094] : memref<8x!tpu.dma_semaphore, #tpu.memory_space<semaphore_mem>> -> memref<1x!tpu.dma_semaphore, #tpu.memory_space<semaphore_mem>>
        %dma_start3A_1106 = tpu.memref_squeeze %dma_start3A_1105 : memref<1x!tpu.dma_semaphore, #tpu.memory_space<semaphore_mem>> -> memref<!tpu.dma_semaphore, #tpu.memory_space<semaphore_mem>>
        tpu.enqueue_indirect_dma source(%dma_start3A_1098 : memref<64x128xf32, #tpu.memory_space<vmem>>) target(%dma_start3A_1104 : memref<5024x128xf32, #tpu.memory_space<vmem_shared>>) offsets(%dma_start3A_1101 : memref<64xi32, #tpu.memory_space<vmem>>) semaphore(%dma_start3A_1106 : memref<!tpu.dma_semaphore, #tpu.memory_space<semaphore_mem>>) {add = true}
        %ge3A_1107 = arith.constant 4 : i32
        %ge3A_1108 = arith.cmpi sge, %add3A_1000, %ge3A_1107 : i32
        %convert_element_type3A_1109 = arith.extui %ge3A_1108 : i1 to i32
        %cond3A_1110 = arith.constant 0 : i32
        %cond3A_1111 = arith.cmpi ne, %convert_element_type3A_1109, %cond3A_1110 : i32
        scf.if %cond3A_1111 {
          %dma_wait3A_1118 = arith.constant 5 : i32
          %dma_wait3A_1119 = arith.constant 5 : i32
          %dma_wait3A_1120 = arith.constant 0 : i32
          %dma_wait3A_1121 = arith.constant 0 : i32
          %dma_wait3A_1122 = tpu.memref_slice %arg9[%dma_wait3A_1118, %dma_wait3A_1120, %dma_wait3A_1121] : memref<8x64x128xf32, #tpu.memory_space<vmem>> -> memref<1x64x128xf32, #tpu.memory_space<vmem>>
          %dma_wait3A_1123 = tpu.memref_squeeze %dma_wait3A_1122 : memref<1x64x128xf32, #tpu.memory_space<vmem>> -> memref<64x128xf32, #tpu.memory_space<vmem>>
          %dma_wait3A_1124 = arith.constant 0 : i32
          %dma_wait3A_1125 = arith.constant 0 : i32
          %dma_wait3A_1126 = tpu.memref_slice %arg11[%dma_wait3A_1124, %dma_wait3A_1125] : memref<5024x128xf32, #tpu.memory_space<vmem_shared>> -> memref<5024x128xf32, #tpu.memory_space<vmem_shared>>
          %dma_wait3A_1127 = tpu.memref_slice %arg13[%dma_wait3A_1119] : memref<8x!tpu.dma_semaphore, #tpu.memory_space<semaphore_mem>> -> memref<1x!tpu.dma_semaphore, #tpu.memory_space<semaphore_mem>>
          %dma_wait3A_1128 = tpu.memref_squeeze %dma_wait3A_1127 : memref<1x!tpu.dma_semaphore, #tpu.memory_space<semaphore_mem>> -> memref<!tpu.dma_semaphore, #tpu.memory_space<semaphore_mem>>
          tpu.wait_indirect_dma semaphore(%dma_wait3A_1128 : memref<!tpu.dma_semaphore, #tpu.memory_space<semaphore_mem>>) src(%dma_wait3A_1123 : memref<64x128xf32, #tpu.memory_space<vmem>>) dst(%dma_wait3A_1126 : memref<5024x128xf32, #tpu.memory_space<vmem_shared>>)
        } else {
        }
        %add3A_1112 = arith.constant 4 : i32
        %add3A_1113 = arith.addi %add3A_1000, %add3A_1112 : i32
        %lt3A_1114 = arith.cmpi slt, %add3A_1113, %select_n3A_52 : i32
        %convert_element_type3A_1115 = arith.extui %lt3A_1114 : i1 to i32
        %cond3A_1116 = arith.constant 0 : i32
        %cond3A_1117 = arith.cmpi ne, %convert_element_type3A_1115, %cond3A_1116 : i32
        scf.if %cond3A_1117 {
          %add3A_1118 = arith.constant 4 : i32
          %add3A_1119 = arith.addi %add3A_1000, %add3A_1118 : i32
          %mul3A_1120 = arith.constant 64 : i32
          %mul3A_1121 = arith.muli %add3A_1119, %mul3A_1120 : i32
          %add3A_1122 = arith.addi %multiple_of3A, %mul3A_1121 : i32
          %dma_start3A_1123 = arith.constant 5 : i32
          %dma_start3A_1124 = arith.constant 5 : i32
          %dma_start3A_1125 = arith.constant 0 : i32
          %dma_start3A_1126 = tpu.memref_slice %arg7[%dma_start3A_1123, %dma_start3A_1125] : memref<8x64xi32, #tpu.memory_space<vmem>> -> memref<1x64xi32, #tpu.memory_space<vmem>>
          %dma_start3A_1127 = tpu.memref_squeeze %dma_start3A_1126 : memref<1x64xi32, #tpu.memory_space<vmem>> -> memref<64xi32, #tpu.memory_space<vmem>>
          %dma_start3A_1128 = tpu.memref_slice %arg3[%add3A_1122] : memref<320000xi32, #tpu.memory_space<hbm>> -> memref<64xi32, #tpu.memory_space<hbm>>
          %dma_start3A_1129 = tpu.memref_slice %arg12[%dma_start3A_1124] : memref<8x!tpu.dma_semaphore, #tpu.memory_space<semaphore_mem>> -> memref<1x!tpu.dma_semaphore, #tpu.memory_space<semaphore_mem>>
          %dma_start3A_1130 = tpu.memref_squeeze %dma_start3A_1129 : memref<1x!tpu.dma_semaphore, #tpu.memory_space<semaphore_mem>> -> memref<!tpu.dma_semaphore, #tpu.memory_space<semaphore_mem>>
          %dma_start3A_1131 = arith.constant 0 : i32
          %dma_start3A_1132 = tpu.memref_slice %arg7[%dma_start3A_1123, %dma_start3A_1131] : memref<8x64xi32, #tpu.memory_space<vmem>> -> memref<1x64xi32, #tpu.memory_space<vmem>>
          %dma_start3A_1133 = tpu.memref_squeeze %dma_start3A_1132 : memref<1x64xi32, #tpu.memory_space<vmem>> -> memref<64xi32, #tpu.memory_space<vmem>>
          %dma_start3A_1134 = tpu.memref_slice %arg3[%add3A_1122] : memref<320000xi32, #tpu.memory_space<hbm>> -> memref<64xi32, #tpu.memory_space<hbm>>
          tpu.enqueue_dma source(%dma_start3A_1134 : memref<64xi32, #tpu.memory_space<hbm>>) target(%dma_start3A_1133 : memref<64xi32, #tpu.memory_space<vmem>>) target_semaphore(%dma_start3A_1130 : memref<!tpu.dma_semaphore, #tpu.memory_space<semaphore_mem>>)
          %dma_start3A_1135 = arith.constant 5 : i32
          %dma_start3A_1136 = arith.constant 5 : i32
          %dma_start3A_1137 = arith.constant 0 : i32
          %dma_start3A_1138 = arith.constant 0 : i32
          %dma_start3A_1139 = tpu.memref_slice %arg9[%dma_start3A_1135, %dma_start3A_1137, %dma_start3A_1138] : memref<8x64x128xf32, #tpu.memory_space<vmem>> -> memref<1x64x128xf32, #tpu.memory_space<vmem>>
          %dma_start3A_1140 = tpu.memref_squeeze %dma_start3A_1139 : memref<1x64x128xf32, #tpu.memory_space<vmem>> -> memref<64x128xf32, #tpu.memory_space<vmem>>
          %dma_start3A_1141 = arith.constant 0 : i32
          %dma_start3A_1142 = tpu.memref_slice %arg2[%add3A_1122, %dma_start3A_1141] : memref<320000x128xf32, #tpu.memory_space<hbm>> -> memref<64x128xf32, #tpu.memory_space<hbm>>
          %dma_start3A_1143 = tpu.memref_slice %arg12[%dma_start3A_1136] : memref<8x!tpu.dma_semaphore, #tpu.memory_space<semaphore_mem>> -> memref<1x!tpu.dma_semaphore, #tpu.memory_space<semaphore_mem>>
          %dma_start3A_1144 = tpu.memref_squeeze %dma_start3A_1143 : memref<1x!tpu.dma_semaphore, #tpu.memory_space<semaphore_mem>> -> memref<!tpu.dma_semaphore, #tpu.memory_space<semaphore_mem>>
          %dma_start3A_1145 = arith.constant 0 : i32
          %dma_start3A_1146 = arith.constant 0 : i32
          %dma_start3A_1147 = tpu.memref_slice %arg9[%dma_start3A_1135, %dma_start3A_1145, %dma_start3A_1146] : memref<8x64x128xf32, #tpu.memory_space<vmem>> -> memref<1x64x128xf32, #tpu.memory_space<vmem>>
          %dma_start3A_1148 = tpu.memref_squeeze %dma_start3A_1147 : memref<1x64x128xf32, #tpu.memory_space<vmem>> -> memref<64x128xf32, #tpu.memory_space<vmem>>
          %dma_start3A_1149 = arith.constant 0 : i32
          %dma_start3A_1150 = tpu.memref_slice %arg2[%add3A_1122, %dma_start3A_1149] : memref<320000x128xf32, #tpu.memory_space<hbm>> -> memref<64x128xf32, #tpu.memory_space<hbm>>
          tpu.enqueue_dma source(%dma_start3A_1150 : memref<64x128xf32, #tpu.memory_space<hbm>>) target(%dma_start3A_1148 : memref<64x128xf32, #tpu.memory_space<vmem>>) target_semaphore(%dma_start3A_1144 : memref<!tpu.dma_semaphore, #tpu.memory_space<semaphore_mem>>)
        } else {
        }
      } else {
      }
      %mul3A_1005 = arith.constant 8 : i32
      %mul3A_1006 = arith.muli %while3A_988, %mul3A_1005 : i32
      %add3A_1007 = arith.constant 2 : i32
      %add3A_1008 = arith.addi %mul3A_1006, %add3A_1007 : i32
      %lt3A_1009 = arith.cmpi slt, %add3A_1008, %select_n3A_52 : i32
      %convert_element_type3A_1010 = arith.extui %lt3A_1009 : i1 to i32
      %cond3A_1011 = arith.constant 0 : i32
      %cond3A_1012 = arith.cmpi ne, %convert_element_type3A_1010, %cond3A_1011 : i32
      scf.if %cond3A_1012 {
        %mul3A_1053 = arith.constant 64 : i32
        %mul3A_1054 = arith.muli %add3A_1008, %mul3A_1053 : i32
        %add3A_1055 = arith.addi %multiple_of3A, %mul3A_1054 : i32
        %dma_wait3A = arith.constant 2 : i32
        %dma_wait3A_1056 = arith.constant 2 : i32
        %dma_wait3A_1057 = arith.constant 0 : i32
        %dma_wait3A_1058 = tpu.memref_slice %arg7[%dma_wait3A, %dma_wait3A_1057] : memref<8x64xi32, #tpu.memory_space<vmem>> -> memref<1x64xi32, #tpu.memory_space<vmem>>
        %dma_wait3A_1059 = tpu.memref_squeeze %dma_wait3A_1058 : memref<1x64xi32, #tpu.memory_space<vmem>> -> memref<64xi32, #tpu.memory_space<vmem>>
        %dma_wait3A_1060 = tpu.memref_slice %arg3[%add3A_1055] : memref<320000xi32, #tpu.memory_space<hbm>> -> memref<64xi32, #tpu.memory_space<hbm>>
        %dma_wait3A_1061 = tpu.memref_slice %arg12[%dma_wait3A_1056] : memref<8x!tpu.dma_semaphore, #tpu.memory_space<semaphore_mem>> -> memref<1x!tpu.dma_semaphore, #tpu.memory_space<semaphore_mem>>
        %dma_wait3A_1062 = tpu.memref_squeeze %dma_wait3A_1061 : memref<1x!tpu.dma_semaphore, #tpu.memory_space<semaphore_mem>> -> memref<!tpu.dma_semaphore, #tpu.memory_space<semaphore_mem>>
        %dma_wait3A_1063 = arith.constant 0 : i32
        %dma_wait3A_1064 = tpu.memref_slice %arg7[%dma_wait3A, %dma_wait3A_1063] : memref<8x64xi32, #tpu.memory_space<vmem>> -> memref<1x64xi32, #tpu.memory_space<vmem>>
        %dma_wait3A_1065 = tpu.memref_squeeze %dma_wait3A_1064 : memref<1x64xi32, #tpu.memory_space<vmem>> -> memref<64xi32, #tpu.memory_space<vmem>>
        %dma_wait3A_1066 = tpu.memref_slice %arg3[%add3A_1055] : memref<320000xi32, #tpu.memory_space<hbm>> -> memref<64xi32, #tpu.memory_space<hbm>>
        tpu.wait_dma2 semaphore(%dma_wait3A_1062 : memref<!tpu.dma_semaphore, #tpu.memory_space<semaphore_mem>>) src(%dma_wait3A_1066 : memref<64xi32, #tpu.memory_space<hbm>>) dst(%dma_wait3A_1065 : memref<64xi32, #tpu.memory_space<vmem>>)
        %dma_wait3A_1067 = arith.constant 2 : i32
        %dma_wait3A_1068 = arith.constant 2 : i32
        %dma_wait3A_1069 = arith.constant 0 : i32
        %dma_wait3A_1070 = arith.constant 0 : i32
        %dma_wait3A_1071 = tpu.memref_slice %arg9[%dma_wait3A_1067, %dma_wait3A_1069, %dma_wait3A_1070] : memref<8x64x128xf32, #tpu.memory_space<vmem>> -> memref<1x64x128xf32, #tpu.memory_space<vmem>>
        %dma_wait3A_1072 = tpu.memref_squeeze %dma_wait3A_1071 : memref<1x64x128xf32, #tpu.memory_space<vmem>> -> memref<64x128xf32, #tpu.memory_space<vmem>>
        %dma_wait3A_1073 = arith.constant 0 : i32
        %dma_wait3A_1074 = tpu.memref_slice %arg2[%add3A_1055, %dma_wait3A_1073] : memref<320000x128xf32, #tpu.memory_space<hbm>> -> memref<64x128xf32, #tpu.memory_space<hbm>>
        %dma_wait3A_1075 = tpu.memref_slice %arg12[%dma_wait3A_1068] : memref<8x!tpu.dma_semaphore, #tpu.memory_space<semaphore_mem>> -> memref<1x!tpu.dma_semaphore, #tpu.memory_space<semaphore_mem>>
        %dma_wait3A_1076 = tpu.memref_squeeze %dma_wait3A_1075 : memref<1x!tpu.dma_semaphore, #tpu.memory_space<semaphore_mem>> -> memref<!tpu.dma_semaphore, #tpu.memory_space<semaphore_mem>>
        %dma_wait3A_1077 = arith.constant 0 : i32
        %dma_wait3A_1078 = arith.constant 0 : i32
        %dma_wait3A_1079 = tpu.memref_slice %arg9[%dma_wait3A_1067, %dma_wait3A_1077, %dma_wait3A_1078] : memref<8x64x128xf32, #tpu.memory_space<vmem>> -> memref<1x64x128xf32, #tpu.memory_space<vmem>>
        %dma_wait3A_1080 = tpu.memref_squeeze %dma_wait3A_1079 : memref<1x64x128xf32, #tpu.memory_space<vmem>> -> memref<64x128xf32, #tpu.memory_space<vmem>>
        %dma_wait3A_1081 = arith.constant 0 : i32
        %dma_wait3A_1082 = tpu.memref_slice %arg2[%add3A_1055, %dma_wait3A_1081] : memref<320000x128xf32, #tpu.memory_space<hbm>> -> memref<64x128xf32, #tpu.memory_space<hbm>>
        tpu.wait_dma2 semaphore(%dma_wait3A_1076 : memref<!tpu.dma_semaphore, #tpu.memory_space<semaphore_mem>>) src(%dma_wait3A_1082 : memref<64x128xf32, #tpu.memory_space<hbm>>) dst(%dma_wait3A_1080 : memref<64x128xf32, #tpu.memory_space<vmem>>)
        %mul3A_1083 = arith.constant 64 : i32
        %mul3A_1084 = arith.muli %add3A_1008, %mul3A_1083 : i32
        %add3A_1085 = arith.addi %multiple_of3A, %mul3A_1084 : i32
        %scan3A_1086 = arith.constant 0 : i32
        %scan3A_1087 = arith.constant 2 : i32
        %scan3A_1088 = arith.constant 0 : i32
        %scan3A_1089 = arith.constant 4 : i32
        %scan3A_1090 = arith.addi %scan3A_1088, %scan3A_1089 : i32
        %scan3A_1091 = arith.constant 1 : i32
        scf.for %scan3A_1118 = %scan3A_1088 to %scan3A_1090 step %scan3A_1091  : i32 {
          %mul3A_1119 = arith.constant 16 : i32
          %mul3A_1120 = arith.muli %scan3A_1118, %mul3A_1119 : i32
          %add3A_1121 = arith.addi %add3A_1085, %mul3A_1120 : i32
          %iota3A = tpu.iota {dimensions = array<i32: 0>} : vector<16xi32>
          %add3A_1122 = vector.broadcast %add3A_1121 : i32 to vector<16xi32>
          %add3A_1123 = arith.addi %add3A_1122, %iota3A : vector<16xi32>
          %ge3A_1124 = vector.broadcast %squeeze3A : i32 to vector<16xi32>
          %ge3A_1125 = arith.cmpi sge, %add3A_1123, %ge3A_1124 : vector<16xi32>
          %lt3A_1126 = vector.broadcast %squeeze3A_9 : i32 to vector<16xi32>
          %lt3A_1127 = arith.cmpi slt, %add3A_1123, %lt3A_1126 : vector<16xi32>
          %and3A_1128 = arith.andi %ge3A_1125, %lt3A_1127 : vector<16xi1>
          %get3A_1129 = arith.constant 0 : i32
          %get3A_1130 = tpu.memref_slice %arg7[%scan3A_1087, %get3A_1129] : memref<8x64xi32, #tpu.memory_space<vmem>> -> memref<1x64xi32, #tpu.memory_space<vmem>>
          %get3A_1131 = tpu.memref_squeeze %get3A_1130 : memref<1x64xi32, #tpu.memory_space<vmem>> -> memref<64xi32, #tpu.memory_space<vmem>>
          %get3A_1132 = arith.index_cast %mul3A_1120 : i32 to index
          %get3A_1133 = tpu.vector_load %get3A_1131[%get3A_1132] {strides = array<i32>} : memref<64xi32, #tpu.memory_space<vmem>>, vector<16xi32>,
          %get3A_1134 = vector.shape_cast %get3A_1133 : vector<16xi32> to vector<16xi32>
          %mul3A_1135 = arith.constant 5000 : i32
          %mul3A_1136 = arith.muli %arg0, %mul3A_1135 : i32
          %sub3A_1137 = vector.broadcast %mul3A_1136 : i32 to vector<16xi32>
          %sub3A_1138 = arith.subi %get3A_1134, %sub3A_1137 : vector<16xi32>
          %add3A_1139 = arith.constant 5000 : i32
          %add3A_1140 = arith.addi %add3A_1139, %arg1 : i32
          %broadcast_in_dim3A_1141 = vector.broadcast %add3A_1140 : i32 to vector<16xi32>
          %select_n3A_1142 = arith.select %and3A_1128, %sub3A_1138, %broadcast_in_dim3A_1141 : vector<16xi1>, vector<16xi32>
          %swap3A = arith.constant 0 : i32
          %swap3A_1143 = tpu.memref_slice %arg7[%scan3A_1087, %swap3A] : memref<8x64xi32, #tpu.memory_space<vmem>> -> memref<1x64xi32, #tpu.memory_space<vmem>>
          %swap3A_1144 = tpu.memref_squeeze %swap3A_1143 : memref<1x64xi32, #tpu.memory_space<vmem>> -> memref<64xi32, #tpu.memory_space<vmem>>
          %swap3A_1145 = arith.index_cast %mul3A_1120 : i32 to index
          %swap3A_1146 = tpu.vector_load %swap3A_1144[%swap3A_1145] {strides = array<i32>} : memref<64xi32, #tpu.memory_space<vmem>>, vector<16xi32>,
          %swap3A_1147 = vector.shape_cast %swap3A_1146 : vector<16xi32> to vector<16xi32>
          %swap3A_1148 = vector.shape_cast %select_n3A_1142 : vector<16xi32> to vector<16xi32>
          tpu.vector_store %swap3A_1144[%swap3A_1145], %swap3A_1148 {strides = array<i32>} : memref<64xi32, #tpu.memory_space<vmem>>, vector<16xi32>,
        }
        %scan3A_1092 = arith.constant 4 : i32
        %dma_start3A = arith.constant 2 : i32
        %dma_start3A_1093 = arith.constant 2 : i32
        %dma_start3A_1094 = arith.constant 2 : i32
        %dma_start3A_1095 = arith.constant 0 : i32
        %dma_start3A_1096 = arith.constant 0 : i32
        %dma_start3A_1097 = tpu.memref_slice %arg9[%dma_start3A, %dma_start3A_1095, %dma_start3A_1096] : memref<8x64x128xf32, #tpu.memory_space<vmem>> -> memref<1x64x128xf32, #tpu.memory_space<vmem>>
        %dma_start3A_1098 = tpu.memref_squeeze %dma_start3A_1097 : memref<1x64x128xf32, #tpu.memory_space<vmem>> -> memref<64x128xf32, #tpu.memory_space<vmem>>
        %dma_start3A_1099 = arith.constant 0 : i32
        %dma_start3A_1100 = tpu.memref_slice %arg7[%dma_start3A_1093, %dma_start3A_1099] : memref<8x64xi32, #tpu.memory_space<vmem>> -> memref<1x64xi32, #tpu.memory_space<vmem>>
        %dma_start3A_1101 = tpu.memref_squeeze %dma_start3A_1100 : memref<1x64xi32, #tpu.memory_space<vmem>> -> memref<64xi32, #tpu.memory_space<vmem>>
        %dma_start3A_1102 = arith.constant 0 : i32
        %dma_start3A_1103 = arith.constant 0 : i32
        %dma_start3A_1104 = tpu.memref_slice %arg11[%dma_start3A_1102, %dma_start3A_1103] : memref<5024x128xf32, #tpu.memory_space<vmem_shared>> -> memref<5024x128xf32, #tpu.memory_space<vmem_shared>>
        %dma_start3A_1105 = tpu.memref_slice %arg13[%dma_start3A_1094] : memref<8x!tpu.dma_semaphore, #tpu.memory_space<semaphore_mem>> -> memref<1x!tpu.dma_semaphore, #tpu.memory_space<semaphore_mem>>
        %dma_start3A_1106 = tpu.memref_squeeze %dma_start3A_1105 : memref<1x!tpu.dma_semaphore, #tpu.memory_space<semaphore_mem>> -> memref<!tpu.dma_semaphore, #tpu.memory_space<semaphore_mem>>
        tpu.enqueue_indirect_dma source(%dma_start3A_1098 : memref<64x128xf32, #tpu.memory_space<vmem>>) target(%dma_start3A_1104 : memref<5024x128xf32, #tpu.memory_space<vmem_shared>>) offsets(%dma_start3A_1101 : memref<64xi32, #tpu.memory_space<vmem>>) semaphore(%dma_start3A_1106 : memref<!tpu.dma_semaphore, #tpu.memory_space<semaphore_mem>>) {add = true}
        %ge3A_1107 = arith.constant 4 : i32
        %ge3A_1108 = arith.cmpi sge, %add3A_1008, %ge3A_1107 : i32
        %convert_element_type3A_1109 = arith.extui %ge3A_1108 : i1 to i32
        %cond3A_1110 = arith.constant 0 : i32
        %cond3A_1111 = arith.cmpi ne, %convert_element_type3A_1109, %cond3A_1110 : i32
        scf.if %cond3A_1111 {
          %dma_wait3A_1118 = arith.constant 6 : i32
          %dma_wait3A_1119 = arith.constant 6 : i32
          %dma_wait3A_1120 = arith.constant 0 : i32
          %dma_wait3A_1121 = arith.constant 0 : i32
          %dma_wait3A_1122 = tpu.memref_slice %arg9[%dma_wait3A_1118, %dma_wait3A_1120, %dma_wait3A_1121] : memref<8x64x128xf32, #tpu.memory_space<vmem>> -> memref<1x64x128xf32, #tpu.memory_space<vmem>>
          %dma_wait3A_1123 = tpu.memref_squeeze %dma_wait3A_1122 : memref<1x64x128xf32, #tpu.memory_space<vmem>> -> memref<64x128xf32, #tpu.memory_space<vmem>>
          %dma_wait3A_1124 = arith.constant 0 : i32
          %dma_wait3A_1125 = arith.constant 0 : i32
          %dma_wait3A_1126 = tpu.memref_slice %arg11[%dma_wait3A_1124, %dma_wait3A_1125] : memref<5024x128xf32, #tpu.memory_space<vmem_shared>> -> memref<5024x128xf32, #tpu.memory_space<vmem_shared>>
          %dma_wait3A_1127 = tpu.memref_slice %arg13[%dma_wait3A_1119] : memref<8x!tpu.dma_semaphore, #tpu.memory_space<semaphore_mem>> -> memref<1x!tpu.dma_semaphore, #tpu.memory_space<semaphore_mem>>
          %dma_wait3A_1128 = tpu.memref_squeeze %dma_wait3A_1127 : memref<1x!tpu.dma_semaphore, #tpu.memory_space<semaphore_mem>> -> memref<!tpu.dma_semaphore, #tpu.memory_space<semaphore_mem>>
          tpu.wait_indirect_dma semaphore(%dma_wait3A_1128 : memref<!tpu.dma_semaphore, #tpu.memory_space<semaphore_mem>>) src(%dma_wait3A_1123 : memref<64x128xf32, #tpu.memory_space<vmem>>) dst(%dma_wait3A_1126 : memref<5024x128xf32, #tpu.memory_space<vmem_shared>>)
        } else {
        }
        %add3A_1112 = arith.constant 4 : i32
        %add3A_1113 = arith.addi %add3A_1008, %add3A_1112 : i32
        %lt3A_1114 = arith.cmpi slt, %add3A_1113, %select_n3A_52 : i32
        %convert_element_type3A_1115 = arith.extui %lt3A_1114 : i1 to i32
        %cond3A_1116 = arith.constant 0 : i32
        %cond3A_1117 = arith.cmpi ne, %convert_element_type3A_1115, %cond3A_1116 : i32
        scf.if %cond3A_1117 {
          %add3A_1118 = arith.constant 4 : i32
          %add3A_1119 = arith.addi %add3A_1008, %add3A_1118 : i32
          %mul3A_1120 = arith.constant 64 : i32
          %mul3A_1121 = arith.muli %add3A_1119, %mul3A_1120 : i32
          %add3A_1122 = arith.addi %multiple_of3A, %mul3A_1121 : i32
          %dma_start3A_1123 = arith.constant 6 : i32
          %dma_start3A_1124 = arith.constant 6 : i32
          %dma_start3A_1125 = arith.constant 0 : i32
          %dma_start3A_1126 = tpu.memref_slice %arg7[%dma_start3A_1123, %dma_start3A_1125] : memref<8x64xi32, #tpu.memory_space<vmem>> -> memref<1x64xi32, #tpu.memory_space<vmem>>
          %dma_start3A_1127 = tpu.memref_squeeze %dma_start3A_1126 : memref<1x64xi32, #tpu.memory_space<vmem>> -> memref<64xi32, #tpu.memory_space<vmem>>
          %dma_start3A_1128 = tpu.memref_slice %arg3[%add3A_1122] : memref<320000xi32, #tpu.memory_space<hbm>> -> memref<64xi32, #tpu.memory_space<hbm>>
          %dma_start3A_1129 = tpu.memref_slice %arg12[%dma_start3A_1124] : memref<8x!tpu.dma_semaphore, #tpu.memory_space<semaphore_mem>> -> memref<1x!tpu.dma_semaphore, #tpu.memory_space<semaphore_mem>>
          %dma_start3A_1130 = tpu.memref_squeeze %dma_start3A_1129 : memref<1x!tpu.dma_semaphore, #tpu.memory_space<semaphore_mem>> -> memref<!tpu.dma_semaphore, #tpu.memory_space<semaphore_mem>>
          %dma_start3A_1131 = arith.constant 0 : i32
          %dma_start3A_1132 = tpu.memref_slice %arg7[%dma_start3A_1123, %dma_start3A_1131] : memref<8x64xi32, #tpu.memory_space<vmem>> -> memref<1x64xi32, #tpu.memory_space<vmem>>
          %dma_start3A_1133 = tpu.memref_squeeze %dma_start3A_1132 : memref<1x64xi32, #tpu.memory_space<vmem>> -> memref<64xi32, #tpu.memory_space<vmem>>
          %dma_start3A_1134 = tpu.memref_slice %arg3[%add3A_1122] : memref<320000xi32, #tpu.memory_space<hbm>> -> memref<64xi32, #tpu.memory_space<hbm>>
          tpu.enqueue_dma source(%dma_start3A_1134 : memref<64xi32, #tpu.memory_space<hbm>>) target(%dma_start3A_1133 : memref<64xi32, #tpu.memory_space<vmem>>) target_semaphore(%dma_start3A_1130 : memref<!tpu.dma_semaphore, #tpu.memory_space<semaphore_mem>>)
          %dma_start3A_1135 = arith.constant 6 : i32
          %dma_start3A_1136 = arith.constant 6 : i32
          %dma_start3A_1137 = arith.constant 0 : i32
          %dma_start3A_1138 = arith.constant 0 : i32
          %dma_start3A_1139 = tpu.memref_slice %arg9[%dma_start3A_1135, %dma_start3A_1137, %dma_start3A_1138] : memref<8x64x128xf32, #tpu.memory_space<vmem>> -> memref<1x64x128xf32, #tpu.memory_space<vmem>>
          %dma_start3A_1140 = tpu.memref_squeeze %dma_start3A_1139 : memref<1x64x128xf32, #tpu.memory_space<vmem>> -> memref<64x128xf32, #tpu.memory_space<vmem>>
          %dma_start3A_1141 = arith.constant 0 : i32
          %dma_start3A_1142 = tpu.memref_slice %arg2[%add3A_1122, %dma_start3A_1141] : memref<320000x128xf32, #tpu.memory_space<hbm>> -> memref<64x128xf32, #tpu.memory_space<hbm>>
          %dma_start3A_1143 = tpu.memref_slice %arg12[%dma_start3A_1136] : memref<8x!tpu.dma_semaphore, #tpu.memory_space<semaphore_mem>> -> memref<1x!tpu.dma_semaphore, #tpu.memory_space<semaphore_mem>>
          %dma_start3A_1144 = tpu.memref_squeeze %dma_start3A_1143 : memref<1x!tpu.dma_semaphore, #tpu.memory_space<semaphore_mem>> -> memref<!tpu.dma_semaphore, #tpu.memory_space<semaphore_mem>>
          %dma_start3A_1145 = arith.constant 0 : i32
          %dma_start3A_1146 = arith.constant 0 : i32
          %dma_start3A_1147 = tpu.memref_slice %arg9[%dma_start3A_1135, %dma_start3A_1145, %dma_start3A_1146] : memref<8x64x128xf32, #tpu.memory_space<vmem>> -> memref<1x64x128xf32, #tpu.memory_space<vmem>>
          %dma_start3A_1148 = tpu.memref_squeeze %dma_start3A_1147 : memref<1x64x128xf32, #tpu.memory_space<vmem>> -> memref<64x128xf32, #tpu.memory_space<vmem>>
          %dma_start3A_1149 = arith.constant 0 : i32
          %dma_start3A_1150 = tpu.memref_slice %arg2[%add3A_1122, %dma_start3A_1149] : memref<320000x128xf32, #tpu.memory_space<hbm>> -> memref<64x128xf32, #tpu.memory_space<hbm>>
          tpu.enqueue_dma source(%dma_start3A_1150 : memref<64x128xf32, #tpu.memory_space<hbm>>) target(%dma_start3A_1148 : memref<64x128xf32, #tpu.memory_space<vmem>>) target_semaphore(%dma_start3A_1144 : memref<!tpu.dma_semaphore, #tpu.memory_space<semaphore_mem>>)
        } else {
        }
      } else {
      }
      %mul3A_1013 = arith.constant 8 : i32
      %mul3A_1014 = arith.muli %while3A_988, %mul3A_1013 : i32
      %add3A_1015 = arith.constant 3 : i32
      %add3A_1016 = arith.addi %mul3A_1014, %add3A_1015 : i32
      %lt3A_1017 = arith.cmpi slt, %add3A_1016, %select_n3A_52 : i32
      %convert_element_type3A_1018 = arith.extui %lt3A_1017 : i1 to i32
      %cond3A_1019 = arith.constant 0 : i32
      %cond3A_1020 = arith.cmpi ne, %convert_element_type3A_1018, %cond3A_1019 : i32
      scf.if %cond3A_1020 {
        %mul3A_1053 = arith.constant 64 : i32
        %mul3A_1054 = arith.muli %add3A_1016, %mul3A_1053 : i32
        %add3A_1055 = arith.addi %multiple_of3A, %mul3A_1054 : i32
        %dma_wait3A = arith.constant 3 : i32
        %dma_wait3A_1056 = arith.constant 3 : i32
        %dma_wait3A_1057 = arith.constant 0 : i32
        %dma_wait3A_1058 = tpu.memref_slice %arg7[%dma_wait3A, %dma_wait3A_1057] : memref<8x64xi32, #tpu.memory_space<vmem>> -> memref<1x64xi32, #tpu.memory_space<vmem>>
        %dma_wait3A_1059 = tpu.memref_squeeze %dma_wait3A_1058 : memref<1x64xi32, #tpu.memory_space<vmem>> -> memref<64xi32, #tpu.memory_space<vmem>>
        %dma_wait3A_1060 = tpu.memref_slice %arg3[%add3A_1055] : memref<320000xi32, #tpu.memory_space<hbm>> -> memref<64xi32, #tpu.memory_space<hbm>>
        %dma_wait3A_1061 = tpu.memref_slice %arg12[%dma_wait3A_1056] : memref<8x!tpu.dma_semaphore, #tpu.memory_space<semaphore_mem>> -> memref<1x!tpu.dma_semaphore, #tpu.memory_space<semaphore_mem>>
        %dma_wait3A_1062 = tpu.memref_squeeze %dma_wait3A_1061 : memref<1x!tpu.dma_semaphore, #tpu.memory_space<semaphore_mem>> -> memref<!tpu.dma_semaphore, #tpu.memory_space<semaphore_mem>>
        %dma_wait3A_1063 = arith.constant 0 : i32
        %dma_wait3A_1064 = tpu.memref_slice %arg7[%dma_wait3A, %dma_wait3A_1063] : memref<8x64xi32, #tpu.memory_space<vmem>> -> memref<1x64xi32, #tpu.memory_space<vmem>>
        %dma_wait3A_1065 = tpu.memref_squeeze %dma_wait3A_1064 : memref<1x64xi32, #tpu.memory_space<vmem>> -> memref<64xi32, #tpu.memory_space<vmem>>
        %dma_wait3A_1066 = tpu.memref_slice %arg3[%add3A_1055] : memref<320000xi32, #tpu.memory_space<hbm>> -> memref<64xi32, #tpu.memory_space<hbm>>
        tpu.wait_dma2 semaphore(%dma_wait3A_1062 : memref<!tpu.dma_semaphore, #tpu.memory_space<semaphore_mem>>) src(%dma_wait3A_1066 : memref<64xi32, #tpu.memory_space<hbm>>) dst(%dma_wait3A_1065 : memref<64xi32, #tpu.memory_space<vmem>>)
        %dma_wait3A_1067 = arith.constant 3 : i32
        %dma_wait3A_1068 = arith.constant 3 : i32
        %dma_wait3A_1069 = arith.constant 0 : i32
        %dma_wait3A_1070 = arith.constant 0 : i32
        %dma_wait3A_1071 = tpu.memref_slice %arg9[%dma_wait3A_1067, %dma_wait3A_1069, %dma_wait3A_1070] : memref<8x64x128xf32, #tpu.memory_space<vmem>> -> memref<1x64x128xf32, #tpu.memory_space<vmem>>
        %dma_wait3A_1072 = tpu.memref_squeeze %dma_wait3A_1071 : memref<1x64x128xf32, #tpu.memory_space<vmem>> -> memref<64x128xf32, #tpu.memory_space<vmem>>
        %dma_wait3A_1073 = arith.constant 0 : i32
        %dma_wait3A_1074 = tpu.memref_slice %arg2[%add3A_1055, %dma_wait3A_1073] : memref<320000x128xf32, #tpu.memory_space<hbm>> -> memref<64x128xf32, #tpu.memory_space<hbm>>
        %dma_wait3A_1075 = tpu.memref_slice %arg12[%dma_wait3A_1068] : memref<8x!tpu.dma_semaphore, #tpu.memory_space<semaphore_mem>> -> memref<1x!tpu.dma_semaphore, #tpu.memory_space<semaphore_mem>>
        %dma_wait3A_1076 = tpu.memref_squeeze %dma_wait3A_1075 : memref<1x!tpu.dma_semaphore, #tpu.memory_space<semaphore_mem>> -> memref<!tpu.dma_semaphore, #tpu.memory_space<semaphore_mem>>
        %dma_wait3A_1077 = arith.constant 0 : i32
        %dma_wait3A_1078 = arith.constant 0 : i32
        %dma_wait3A_1079 = tpu.memref_slice %arg9[%dma_wait3A_1067, %dma_wait3A_1077, %dma_wait3A_1078] : memref<8x64x128xf32, #tpu.memory_space<vmem>> -> memref<1x64x128xf32, #tpu.memory_space<vmem>>
        %dma_wait3A_1080 = tpu.memref_squeeze %dma_wait3A_1079 : memref<1x64x128xf32, #tpu.memory_space<vmem>> -> memref<64x128xf32, #tpu.memory_space<vmem>>
        %dma_wait3A_1081 = arith.constant 0 : i32
        %dma_wait3A_1082 = tpu.memref_slice %arg2[%add3A_1055, %dma_wait3A_1081] : memref<320000x128xf32, #tpu.memory_space<hbm>> -> memref<64x128xf32, #tpu.memory_space<hbm>>
        tpu.wait_dma2 semaphore(%dma_wait3A_1076 : memref<!tpu.dma_semaphore, #tpu.memory_space<semaphore_mem>>) src(%dma_wait3A_1082 : memref<64x128xf32, #tpu.memory_space<hbm>>) dst(%dma_wait3A_1080 : memref<64x128xf32, #tpu.memory_space<vmem>>)
        %mul3A_1083 = arith.constant 64 : i32
        %mul3A_1084 = arith.muli %add3A_1016, %mul3A_1083 : i32
        %add3A_1085 = arith.addi %multiple_of3A, %mul3A_1084 : i32
        %scan3A_1086 = arith.constant 0 : i32
        %scan3A_1087 = arith.constant 3 : i32
        %scan3A_1088 = arith.constant 0 : i32
        %scan3A_1089 = arith.constant 4 : i32
        %scan3A_1090 = arith.addi %scan3A_1088, %scan3A_1089 : i32
        %scan3A_1091 = arith.constant 1 : i32
        scf.for %scan3A_1118 = %scan3A_1088 to %scan3A_1090 step %scan3A_1091  : i32 {
          %mul3A_1119 = arith.constant 16 : i32
          %mul3A_1120 = arith.muli %scan3A_1118, %mul3A_1119 : i32
          %add3A_1121 = arith.addi %add3A_1085, %mul3A_1120 : i32
          %iota3A = tpu.iota {dimensions = array<i32: 0>} : vector<16xi32>
          %add3A_1122 = vector.broadcast %add3A_1121 : i32 to vector<16xi32>
          %add3A_1123 = arith.addi %add3A_1122, %iota3A : vector<16xi32>
          %ge3A_1124 = vector.broadcast %squeeze3A : i32 to vector<16xi32>
          %ge3A_1125 = arith.cmpi sge, %add3A_1123, %ge3A_1124 : vector<16xi32>
          %lt3A_1126 = vector.broadcast %squeeze3A_9 : i32 to vector<16xi32>
          %lt3A_1127 = arith.cmpi slt, %add3A_1123, %lt3A_1126 : vector<16xi32>
          %and3A_1128 = arith.andi %ge3A_1125, %lt3A_1127 : vector<16xi1>
          %get3A_1129 = arith.constant 0 : i32
          %get3A_1130 = tpu.memref_slice %arg7[%scan3A_1087, %get3A_1129] : memref<8x64xi32, #tpu.memory_space<vmem>> -> memref<1x64xi32, #tpu.memory_space<vmem>>
          %get3A_1131 = tpu.memref_squeeze %get3A_1130 : memref<1x64xi32, #tpu.memory_space<vmem>> -> memref<64xi32, #tpu.memory_space<vmem>>
          %get3A_1132 = arith.index_cast %mul3A_1120 : i32 to index
          %get3A_1133 = tpu.vector_load %get3A_1131[%get3A_1132] {strides = array<i32>} : memref<64xi32, #tpu.memory_space<vmem>>, vector<16xi32>,
          %get3A_1134 = vector.shape_cast %get3A_1133 : vector<16xi32> to vector<16xi32>
          %mul3A_1135 = arith.constant 5000 : i32
          %mul3A_1136 = arith.muli %arg0, %mul3A_1135 : i32
          %sub3A_1137 = vector.broadcast %mul3A_1136 : i32 to vector<16xi32>
          %sub3A_1138 = arith.subi %get3A_1134, %sub3A_1137 : vector<16xi32>
          %add3A_1139 = arith.constant 5000 : i32
          %add3A_1140 = arith.addi %add3A_1139, %arg1 : i32
          %broadcast_in_dim3A_1141 = vector.broadcast %add3A_1140 : i32 to vector<16xi32>
          %select_n3A_1142 = arith.select %and3A_1128, %sub3A_1138, %broadcast_in_dim3A_1141 : vector<16xi1>, vector<16xi32>
          %swap3A = arith.constant 0 : i32
          %swap3A_1143 = tpu.memref_slice %arg7[%scan3A_1087, %swap3A] : memref<8x64xi32, #tpu.memory_space<vmem>> -> memref<1x64xi32, #tpu.memory_space<vmem>>
          %swap3A_1144 = tpu.memref_squeeze %swap3A_1143 : memref<1x64xi32, #tpu.memory_space<vmem>> -> memref<64xi32, #tpu.memory_space<vmem>>
          %swap3A_1145 = arith.index_cast %mul3A_1120 : i32 to index
          %swap3A_1146 = tpu.vector_load %swap3A_1144[%swap3A_1145] {strides = array<i32>} : memref<64xi32, #tpu.memory_space<vmem>>, vector<16xi32>,
          %swap3A_1147 = vector.shape_cast %swap3A_1146 : vector<16xi32> to vector<16xi32>
          %swap3A_1148 = vector.shape_cast %select_n3A_1142 : vector<16xi32> to vector<16xi32>
          tpu.vector_store %swap3A_1144[%swap3A_1145], %swap3A_1148 {strides = array<i32>} : memref<64xi32, #tpu.memory_space<vmem>>, vector<16xi32>,
        }
        %scan3A_1092 = arith.constant 4 : i32
        %dma_start3A = arith.constant 3 : i32
        %dma_start3A_1093 = arith.constant 3 : i32
        %dma_start3A_1094 = arith.constant 3 : i32
        %dma_start3A_1095 = arith.constant 0 : i32
        %dma_start3A_1096 = arith.constant 0 : i32
        %dma_start3A_1097 = tpu.memref_slice %arg9[%dma_start3A, %dma_start3A_1095, %dma_start3A_1096] : memref<8x64x128xf32, #tpu.memory_space<vmem>> -> memref<1x64x128xf32, #tpu.memory_space<vmem>>
        %dma_start3A_1098 = tpu.memref_squeeze %dma_start3A_1097 : memref<1x64x128xf32, #tpu.memory_space<vmem>> -> memref<64x128xf32, #tpu.memory_space<vmem>>
        %dma_start3A_1099 = arith.constant 0 : i32
        %dma_start3A_1100 = tpu.memref_slice %arg7[%dma_start3A_1093, %dma_start3A_1099] : memref<8x64xi32, #tpu.memory_space<vmem>> -> memref<1x64xi32, #tpu.memory_space<vmem>>
        %dma_start3A_1101 = tpu.memref_squeeze %dma_start3A_1100 : memref<1x64xi32, #tpu.memory_space<vmem>> -> memref<64xi32, #tpu.memory_space<vmem>>
        %dma_start3A_1102 = arith.constant 0 : i32
        %dma_start3A_1103 = arith.constant 0 : i32
        %dma_start3A_1104 = tpu.memref_slice %arg11[%dma_start3A_1102, %dma_start3A_1103] : memref<5024x128xf32, #tpu.memory_space<vmem_shared>> -> memref<5024x128xf32, #tpu.memory_space<vmem_shared>>
        %dma_start3A_1105 = tpu.memref_slice %arg13[%dma_start3A_1094] : memref<8x!tpu.dma_semaphore, #tpu.memory_space<semaphore_mem>> -> memref<1x!tpu.dma_semaphore, #tpu.memory_space<semaphore_mem>>
        %dma_start3A_1106 = tpu.memref_squeeze %dma_start3A_1105 : memref<1x!tpu.dma_semaphore, #tpu.memory_space<semaphore_mem>> -> memref<!tpu.dma_semaphore, #tpu.memory_space<semaphore_mem>>
        tpu.enqueue_indirect_dma source(%dma_start3A_1098 : memref<64x128xf32, #tpu.memory_space<vmem>>) target(%dma_start3A_1104 : memref<5024x128xf32, #tpu.memory_space<vmem_shared>>) offsets(%dma_start3A_1101 : memref<64xi32, #tpu.memory_space<vmem>>) semaphore(%dma_start3A_1106 : memref<!tpu.dma_semaphore, #tpu.memory_space<semaphore_mem>>) {add = true}
        %ge3A_1107 = arith.constant 4 : i32
        %ge3A_1108 = arith.cmpi sge, %add3A_1016, %ge3A_1107 : i32
        %convert_element_type3A_1109 = arith.extui %ge3A_1108 : i1 to i32
        %cond3A_1110 = arith.constant 0 : i32
        %cond3A_1111 = arith.cmpi ne, %convert_element_type3A_1109, %cond3A_1110 : i32
        scf.if %cond3A_1111 {
          %dma_wait3A_1118 = arith.constant 7 : i32
          %dma_wait3A_1119 = arith.constant 7 : i32
          %dma_wait3A_1120 = arith.constant 0 : i32
          %dma_wait3A_1121 = arith.constant 0 : i32
          %dma_wait3A_1122 = tpu.memref_slice %arg9[%dma_wait3A_1118, %dma_wait3A_1120, %dma_wait3A_1121] : memref<8x64x128xf32, #tpu.memory_space<vmem>> -> memref<1x64x128xf32, #tpu.memory_space<vmem>>
          %dma_wait3A_1123 = tpu.memref_squeeze %dma_wait3A_1122 : memref<1x64x128xf32, #tpu.memory_space<vmem>> -> memref<64x128xf32, #tpu.memory_space<vmem>>
          %dma_wait3A_1124 = arith.constant 0 : i32
          %dma_wait3A_1125 = arith.constant 0 : i32
          %dma_wait3A_1126 = tpu.memref_slice %arg11[%dma_wait3A_1124, %dma_wait3A_1125] : memref<5024x128xf32, #tpu.memory_space<vmem_shared>> -> memref<5024x128xf32, #tpu.memory_space<vmem_shared>>
          %dma_wait3A_1127 = tpu.memref_slice %arg13[%dma_wait3A_1119] : memref<8x!tpu.dma_semaphore, #tpu.memory_space<semaphore_mem>> -> memref<1x!tpu.dma_semaphore, #tpu.memory_space<semaphore_mem>>
          %dma_wait3A_1128 = tpu.memref_squeeze %dma_wait3A_1127 : memref<1x!tpu.dma_semaphore, #tpu.memory_space<semaphore_mem>> -> memref<!tpu.dma_semaphore, #tpu.memory_space<semaphore_mem>>
          tpu.wait_indirect_dma semaphore(%dma_wait3A_1128 : memref<!tpu.dma_semaphore, #tpu.memory_space<semaphore_mem>>) src(%dma_wait3A_1123 : memref<64x128xf32, #tpu.memory_space<vmem>>) dst(%dma_wait3A_1126 : memref<5024x128xf32, #tpu.memory_space<vmem_shared>>)
        } else {
        }
        %add3A_1112 = arith.constant 4 : i32
        %add3A_1113 = arith.addi %add3A_1016, %add3A_1112 : i32
        %lt3A_1114 = arith.cmpi slt, %add3A_1113, %select_n3A_52 : i32
        %convert_element_type3A_1115 = arith.extui %lt3A_1114 : i1 to i32
        %cond3A_1116 = arith.constant 0 : i32
        %cond3A_1117 = arith.cmpi ne, %convert_element_type3A_1115, %cond3A_1116 : i32
        scf.if %cond3A_1117 {
          %add3A_1118 = arith.constant 4 : i32
          %add3A_1119 = arith.addi %add3A_1016, %add3A_1118 : i32
          %mul3A_1120 = arith.constant 64 : i32
          %mul3A_1121 = arith.muli %add3A_1119, %mul3A_1120 : i32
          %add3A_1122 = arith.addi %multiple_of3A, %mul3A_1121 : i32
          %dma_start3A_1123 = arith.constant 7 : i32
          %dma_start3A_1124 = arith.constant 7 : i32
          %dma_start3A_1125 = arith.constant 0 : i32
          %dma_start3A_1126 = tpu.memref_slice %arg7[%dma_start3A_1123, %dma_start3A_1125] : memref<8x64xi32, #tpu.memory_space<vmem>> -> memref<1x64xi32, #tpu.memory_space<vmem>>
          %dma_start3A_1127 = tpu.memref_squeeze %dma_start3A_1126 : memref<1x64xi32, #tpu.memory_space<vmem>> -> memref<64xi32, #tpu.memory_space<vmem>>
          %dma_start3A_1128 = tpu.memref_slice %arg3[%add3A_1122] : memref<320000xi32, #tpu.memory_space<hbm>> -> memref<64xi32, #tpu.memory_space<hbm>>
          %dma_start3A_1129 = tpu.memref_slice %arg12[%dma_start3A_1124] : memref<8x!tpu.dma_semaphore, #tpu.memory_space<semaphore_mem>> -> memref<1x!tpu.dma_semaphore, #tpu.memory_space<semaphore_mem>>
          %dma_start3A_1130 = tpu.memref_squeeze %dma_start3A_1129 : memref<1x!tpu.dma_semaphore, #tpu.memory_space<semaphore_mem>> -> memref<!tpu.dma_semaphore, #tpu.memory_space<semaphore_mem>>
          %dma_start3A_1131 = arith.constant 0 : i32
          %dma_start3A_1132 = tpu.memref_slice %arg7[%dma_start3A_1123, %dma_start3A_1131] : memref<8x64xi32, #tpu.memory_space<vmem>> -> memref<1x64xi32, #tpu.memory_space<vmem>>
          %dma_start3A_1133 = tpu.memref_squeeze %dma_start3A_1132 : memref<1x64xi32, #tpu.memory_space<vmem>> -> memref<64xi32, #tpu.memory_space<vmem>>
          %dma_start3A_1134 = tpu.memref_slice %arg3[%add3A_1122] : memref<320000xi32, #tpu.memory_space<hbm>> -> memref<64xi32, #tpu.memory_space<hbm>>
          tpu.enqueue_dma source(%dma_start3A_1134 : memref<64xi32, #tpu.memory_space<hbm>>) target(%dma_start3A_1133 : memref<64xi32, #tpu.memory_space<vmem>>) target_semaphore(%dma_start3A_1130 : memref<!tpu.dma_semaphore, #tpu.memory_space<semaphore_mem>>)
          %dma_start3A_1135 = arith.constant 7 : i32
          %dma_start3A_1136 = arith.constant 7 : i32
          %dma_start3A_1137 = arith.constant 0 : i32
          %dma_start3A_1138 = arith.constant 0 : i32
          %dma_start3A_1139 = tpu.memref_slice %arg9[%dma_start3A_1135, %dma_start3A_1137, %dma_start3A_1138] : memref<8x64x128xf32, #tpu.memory_space<vmem>> -> memref<1x64x128xf32, #tpu.memory_space<vmem>>
          %dma_start3A_1140 = tpu.memref_squeeze %dma_start3A_1139 : memref<1x64x128xf32, #tpu.memory_space<vmem>> -> memref<64x128xf32, #tpu.memory_space<vmem>>
          %dma_start3A_1141 = arith.constant 0 : i32
          %dma_start3A_1142 = tpu.memref_slice %arg2[%add3A_1122, %dma_start3A_1141] : memref<320000x128xf32, #tpu.memory_space<hbm>> -> memref<64x128xf32, #tpu.memory_space<hbm>>
          %dma_start3A_1143 = tpu.memref_slice %arg12[%dma_start3A_1136] : memref<8x!tpu.dma_semaphore, #tpu.memory_space<semaphore_mem>> -> memref<1x!tpu.dma_semaphore, #tpu.memory_space<semaphore_mem>>
          %dma_start3A_1144 = tpu.memref_squeeze %dma_start3A_1143 : memref<1x!tpu.dma_semaphore, #tpu.memory_space<semaphore_mem>> -> memref<!tpu.dma_semaphore, #tpu.memory_space<semaphore_mem>>
          %dma_start3A_1145 = arith.constant 0 : i32
          %dma_start3A_1146 = arith.constant 0 : i32
          %dma_start3A_1147 = tpu.memref_slice %arg9[%dma_start3A_1135, %dma_start3A_1145, %dma_start3A_1146] : memref<8x64x128xf32, #tpu.memory_space<vmem>> -> memref<1x64x128xf32, #tpu.memory_space<vmem>>
          %dma_start3A_1148 = tpu.memref_squeeze %dma_start3A_1147 : memref<1x64x128xf32, #tpu.memory_space<vmem>> -> memref<64x128xf32, #tpu.memory_space<vmem>>
          %dma_start3A_1149 = arith.constant 0 : i32
          %dma_start3A_1150 = tpu.memref_slice %arg2[%add3A_1122, %dma_start3A_1149] : memref<320000x128xf32, #tpu.memory_space<hbm>> -> memref<64x128xf32, #tpu.memory_space<hbm>>
          tpu.enqueue_dma source(%dma_start3A_1150 : memref<64x128xf32, #tpu.memory_space<hbm>>) target(%dma_start3A_1148 : memref<64x128xf32, #tpu.memory_space<vmem>>) target_semaphore(%dma_start3A_1144 : memref<!tpu.dma_semaphore, #tpu.memory_space<semaphore_mem>>)
        } else {
        }
      } else {
      }
      %mul3A_1021 = arith.constant 8 : i32
      %mul3A_1022 = arith.muli %while3A_988, %mul3A_1021 : i32
      %add3A_1023 = arith.constant 4 : i32
      %add3A_1024 = arith.addi %mul3A_1022, %add3A_1023 : i32
      %lt3A_1025 = arith.cmpi slt, %add3A_1024, %select_n3A_52 : i32
      %convert_element_type3A_1026 = arith.extui %lt3A_1025 : i1 to i32
      %cond3A_1027 = arith.constant 0 : i32
      %cond3A_1028 = arith.cmpi ne, %convert_element_type3A_1026, %cond3A_1027 : i32
      scf.if %cond3A_1028 {
        %mul3A_1053 = arith.constant 64 : i32
        %mul3A_1054 = arith.muli %add3A_1024, %mul3A_1053 : i32
        %add3A_1055 = arith.addi %multiple_of3A, %mul3A_1054 : i32
        %dma_wait3A = arith.constant 4 : i32
        %dma_wait3A_1056 = arith.constant 4 : i32
        %dma_wait3A_1057 = arith.constant 0 : i32
        %dma_wait3A_1058 = tpu.memref_slice %arg7[%dma_wait3A, %dma_wait3A_1057] : memref<8x64xi32, #tpu.memory_space<vmem>> -> memref<1x64xi32, #tpu.memory_space<vmem>>
        %dma_wait3A_1059 = tpu.memref_squeeze %dma_wait3A_1058 : memref<1x64xi32, #tpu.memory_space<vmem>> -> memref<64xi32, #tpu.memory_space<vmem>>
        %dma_wait3A_1060 = tpu.memref_slice %arg3[%add3A_1055] : memref<320000xi32, #tpu.memory_space<hbm>> -> memref<64xi32, #tpu.memory_space<hbm>>
        %dma_wait3A_1061 = tpu.memref_slice %arg12[%dma_wait3A_1056] : memref<8x!tpu.dma_semaphore, #tpu.memory_space<semaphore_mem>> -> memref<1x!tpu.dma_semaphore, #tpu.memory_space<semaphore_mem>>
        %dma_wait3A_1062 = tpu.memref_squeeze %dma_wait3A_1061 : memref<1x!tpu.dma_semaphore, #tpu.memory_space<semaphore_mem>> -> memref<!tpu.dma_semaphore, #tpu.memory_space<semaphore_mem>>
        %dma_wait3A_1063 = arith.constant 0 : i32
        %dma_wait3A_1064 = tpu.memref_slice %arg7[%dma_wait3A, %dma_wait3A_1063] : memref<8x64xi32, #tpu.memory_space<vmem>> -> memref<1x64xi32, #tpu.memory_space<vmem>>
        %dma_wait3A_1065 = tpu.memref_squeeze %dma_wait3A_1064 : memref<1x64xi32, #tpu.memory_space<vmem>> -> memref<64xi32, #tpu.memory_space<vmem>>
        %dma_wait3A_1066 = tpu.memref_slice %arg3[%add3A_1055] : memref<320000xi32, #tpu.memory_space<hbm>> -> memref<64xi32, #tpu.memory_space<hbm>>
        tpu.wait_dma2 semaphore(%dma_wait3A_1062 : memref<!tpu.dma_semaphore, #tpu.memory_space<semaphore_mem>>) src(%dma_wait3A_1066 : memref<64xi32, #tpu.memory_space<hbm>>) dst(%dma_wait3A_1065 : memref<64xi32, #tpu.memory_space<vmem>>)
        %dma_wait3A_1067 = arith.constant 4 : i32
        %dma_wait3A_1068 = arith.constant 4 : i32
        %dma_wait3A_1069 = arith.constant 0 : i32
        %dma_wait3A_1070 = arith.constant 0 : i32
        %dma_wait3A_1071 = tpu.memref_slice %arg9[%dma_wait3A_1067, %dma_wait3A_1069, %dma_wait3A_1070] : memref<8x64x128xf32, #tpu.memory_space<vmem>> -> memref<1x64x128xf32, #tpu.memory_space<vmem>>
        %dma_wait3A_1072 = tpu.memref_squeeze %dma_wait3A_1071 : memref<1x64x128xf32, #tpu.memory_space<vmem>> -> memref<64x128xf32, #tpu.memory_space<vmem>>
        %dma_wait3A_1073 = arith.constant 0 : i32
        %dma_wait3A_1074 = tpu.memref_slice %arg2[%add3A_1055, %dma_wait3A_1073] : memref<320000x128xf32, #tpu.memory_space<hbm>> -> memref<64x128xf32, #tpu.memory_space<hbm>>
        %dma_wait3A_1075 = tpu.memref_slice %arg12[%dma_wait3A_1068] : memref<8x!tpu.dma_semaphore, #tpu.memory_space<semaphore_mem>> -> memref<1x!tpu.dma_semaphore, #tpu.memory_space<semaphore_mem>>
        %dma_wait3A_1076 = tpu.memref_squeeze %dma_wait3A_1075 : memref<1x!tpu.dma_semaphore, #tpu.memory_space<semaphore_mem>> -> memref<!tpu.dma_semaphore, #tpu.memory_space<semaphore_mem>>
        %dma_wait3A_1077 = arith.constant 0 : i32
        %dma_wait3A_1078 = arith.constant 0 : i32
        %dma_wait3A_1079 = tpu.memref_slice %arg9[%dma_wait3A_1067, %dma_wait3A_1077, %dma_wait3A_1078] : memref<8x64x128xf32, #tpu.memory_space<vmem>> -> memref<1x64x128xf32, #tpu.memory_space<vmem>>
        %dma_wait3A_1080 = tpu.memref_squeeze %dma_wait3A_1079 : memref<1x64x128xf32, #tpu.memory_space<vmem>> -> memref<64x128xf32, #tpu.memory_space<vmem>>
        %dma_wait3A_1081 = arith.constant 0 : i32
        %dma_wait3A_1082 = tpu.memref_slice %arg2[%add3A_1055, %dma_wait3A_1081] : memref<320000x128xf32, #tpu.memory_space<hbm>> -> memref<64x128xf32, #tpu.memory_space<hbm>>
        tpu.wait_dma2 semaphore(%dma_wait3A_1076 : memref<!tpu.dma_semaphore, #tpu.memory_space<semaphore_mem>>) src(%dma_wait3A_1082 : memref<64x128xf32, #tpu.memory_space<hbm>>) dst(%dma_wait3A_1080 : memref<64x128xf32, #tpu.memory_space<vmem>>)
        %mul3A_1083 = arith.constant 64 : i32
        %mul3A_1084 = arith.muli %add3A_1024, %mul3A_1083 : i32
        %add3A_1085 = arith.addi %multiple_of3A, %mul3A_1084 : i32
        %scan3A_1086 = arith.constant 0 : i32
        %scan3A_1087 = arith.constant 4 : i32
        %scan3A_1088 = arith.constant 0 : i32
        %scan3A_1089 = arith.constant 4 : i32
        %scan3A_1090 = arith.addi %scan3A_1088, %scan3A_1089 : i32
        %scan3A_1091 = arith.constant 1 : i32
        scf.for %scan3A_1118 = %scan3A_1088 to %scan3A_1090 step %scan3A_1091  : i32 {
          %mul3A_1119 = arith.constant 16 : i32
          %mul3A_1120 = arith.muli %scan3A_1118, %mul3A_1119 : i32
          %add3A_1121 = arith.addi %add3A_1085, %mul3A_1120 : i32
          %iota3A = tpu.iota {dimensions = array<i32: 0>} : vector<16xi32>
          %add3A_1122 = vector.broadcast %add3A_1121 : i32 to vector<16xi32>
          %add3A_1123 = arith.addi %add3A_1122, %iota3A : vector<16xi32>
          %ge3A_1124 = vector.broadcast %squeeze3A : i32 to vector<16xi32>
          %ge3A_1125 = arith.cmpi sge, %add3A_1123, %ge3A_1124 : vector<16xi32>
          %lt3A_1126 = vector.broadcast %squeeze3A_9 : i32 to vector<16xi32>
          %lt3A_1127 = arith.cmpi slt, %add3A_1123, %lt3A_1126 : vector<16xi32>
          %and3A_1128 = arith.andi %ge3A_1125, %lt3A_1127 : vector<16xi1>
          %get3A_1129 = arith.constant 0 : i32
          %get3A_1130 = tpu.memref_slice %arg7[%scan3A_1087, %get3A_1129] : memref<8x64xi32, #tpu.memory_space<vmem>> -> memref<1x64xi32, #tpu.memory_space<vmem>>
          %get3A_1131 = tpu.memref_squeeze %get3A_1130 : memref<1x64xi32, #tpu.memory_space<vmem>> -> memref<64xi32, #tpu.memory_space<vmem>>
          %get3A_1132 = arith.index_cast %mul3A_1120 : i32 to index
          %get3A_1133 = tpu.vector_load %get3A_1131[%get3A_1132] {strides = array<i32>} : memref<64xi32, #tpu.memory_space<vmem>>, vector<16xi32>,
          %get3A_1134 = vector.shape_cast %get3A_1133 : vector<16xi32> to vector<16xi32>
          %mul3A_1135 = arith.constant 5000 : i32
          %mul3A_1136 = arith.muli %arg0, %mul3A_1135 : i32
          %sub3A_1137 = vector.broadcast %mul3A_1136 : i32 to vector<16xi32>
          %sub3A_1138 = arith.subi %get3A_1134, %sub3A_1137 : vector<16xi32>
          %add3A_1139 = arith.constant 5000 : i32
          %add3A_1140 = arith.addi %add3A_1139, %arg1 : i32
          %broadcast_in_dim3A_1141 = vector.broadcast %add3A_1140 : i32 to vector<16xi32>
          %select_n3A_1142 = arith.select %and3A_1128, %sub3A_1138, %broadcast_in_dim3A_1141 : vector<16xi1>, vector<16xi32>
          %swap3A = arith.constant 0 : i32
          %swap3A_1143 = tpu.memref_slice %arg7[%scan3A_1087, %swap3A] : memref<8x64xi32, #tpu.memory_space<vmem>> -> memref<1x64xi32, #tpu.memory_space<vmem>>
          %swap3A_1144 = tpu.memref_squeeze %swap3A_1143 : memref<1x64xi32, #tpu.memory_space<vmem>> -> memref<64xi32, #tpu.memory_space<vmem>>
          %swap3A_1145 = arith.index_cast %mul3A_1120 : i32 to index
          %swap3A_1146 = tpu.vector_load %swap3A_1144[%swap3A_1145] {strides = array<i32>} : memref<64xi32, #tpu.memory_space<vmem>>, vector<16xi32>,
          %swap3A_1147 = vector.shape_cast %swap3A_1146 : vector<16xi32> to vector<16xi32>
          %swap3A_1148 = vector.shape_cast %select_n3A_1142 : vector<16xi32> to vector<16xi32>
          tpu.vector_store %swap3A_1144[%swap3A_1145], %swap3A_1148 {strides = array<i32>} : memref<64xi32, #tpu.memory_space<vmem>>, vector<16xi32>,
        }
        %scan3A_1092 = arith.constant 4 : i32
        %dma_start3A = arith.constant 4 : i32
        %dma_start3A_1093 = arith.constant 4 : i32
        %dma_start3A_1094 = arith.constant 4 : i32
        %dma_start3A_1095 = arith.constant 0 : i32
        %dma_start3A_1096 = arith.constant 0 : i32
        %dma_start3A_1097 = tpu.memref_slice %arg9[%dma_start3A, %dma_start3A_1095, %dma_start3A_1096] : memref<8x64x128xf32, #tpu.memory_space<vmem>> -> memref<1x64x128xf32, #tpu.memory_space<vmem>>
        %dma_start3A_1098 = tpu.memref_squeeze %dma_start3A_1097 : memref<1x64x128xf32, #tpu.memory_space<vmem>> -> memref<64x128xf32, #tpu.memory_space<vmem>>
        %dma_start3A_1099 = arith.constant 0 : i32
        %dma_start3A_1100 = tpu.memref_slice %arg7[%dma_start3A_1093, %dma_start3A_1099] : memref<8x64xi32, #tpu.memory_space<vmem>> -> memref<1x64xi32, #tpu.memory_space<vmem>>
        %dma_start3A_1101 = tpu.memref_squeeze %dma_start3A_1100 : memref<1x64xi32, #tpu.memory_space<vmem>> -> memref<64xi32, #tpu.memory_space<vmem>>
        %dma_start3A_1102 = arith.constant 0 : i32
        %dma_start3A_1103 = arith.constant 0 : i32
        %dma_start3A_1104 = tpu.memref_slice %arg11[%dma_start3A_1102, %dma_start3A_1103] : memref<5024x128xf32, #tpu.memory_space<vmem_shared>> -> memref<5024x128xf32, #tpu.memory_space<vmem_shared>>
        %dma_start3A_1105 = tpu.memref_slice %arg13[%dma_start3A_1094] : memref<8x!tpu.dma_semaphore, #tpu.memory_space<semaphore_mem>> -> memref<1x!tpu.dma_semaphore, #tpu.memory_space<semaphore_mem>>
        %dma_start3A_1106 = tpu.memref_squeeze %dma_start3A_1105 : memref<1x!tpu.dma_semaphore, #tpu.memory_space<semaphore_mem>> -> memref<!tpu.dma_semaphore, #tpu.memory_space<semaphore_mem>>
        tpu.enqueue_indirect_dma source(%dma_start3A_1098 : memref<64x128xf32, #tpu.memory_space<vmem>>) target(%dma_start3A_1104 : memref<5024x128xf32, #tpu.memory_space<vmem_shared>>) offsets(%dma_start3A_1101 : memref<64xi32, #tpu.memory_space<vmem>>) semaphore(%dma_start3A_1106 : memref<!tpu.dma_semaphore, #tpu.memory_space<semaphore_mem>>) {add = true}
        %ge3A_1107 = arith.constant 4 : i32
        %ge3A_1108 = arith.cmpi sge, %add3A_1024, %ge3A_1107 : i32
        %convert_element_type3A_1109 = arith.extui %ge3A_1108 : i1 to i32
        %cond3A_1110 = arith.constant 0 : i32
        %cond3A_1111 = arith.cmpi ne, %convert_element_type3A_1109, %cond3A_1110 : i32
        scf.if %cond3A_1111 {
          %dma_wait3A_1118 = arith.constant 0 : i32
          %dma_wait3A_1119 = arith.constant 0 : i32
          %dma_wait3A_1120 = arith.constant 0 : i32
          %dma_wait3A_1121 = arith.constant 0 : i32
          %dma_wait3A_1122 = tpu.memref_slice %arg9[%dma_wait3A_1118, %dma_wait3A_1120, %dma_wait3A_1121] : memref<8x64x128xf32, #tpu.memory_space<vmem>> -> memref<1x64x128xf32, #tpu.memory_space<vmem>>
          %dma_wait3A_1123 = tpu.memref_squeeze %dma_wait3A_1122 : memref<1x64x128xf32, #tpu.memory_space<vmem>> -> memref<64x128xf32, #tpu.memory_space<vmem>>
          %dma_wait3A_1124 = arith.constant 0 : i32
          %dma_wait3A_1125 = arith.constant 0 : i32
          %dma_wait3A_1126 = tpu.memref_slice %arg11[%dma_wait3A_1124, %dma_wait3A_1125] : memref<5024x128xf32, #tpu.memory_space<vmem_shared>> -> memref<5024x128xf32, #tpu.memory_space<vmem_shared>>
          %dma_wait3A_1127 = tpu.memref_slice %arg13[%dma_wait3A_1119] : memref<8x!tpu.dma_semaphore, #tpu.memory_space<semaphore_mem>> -> memref<1x!tpu.dma_semaphore, #tpu.memory_space<semaphore_mem>>
          %dma_wait3A_1128 = tpu.memref_squeeze %dma_wait3A_1127 : memref<1x!tpu.dma_semaphore, #tpu.memory_space<semaphore_mem>> -> memref<!tpu.dma_semaphore, #tpu.memory_space<semaphore_mem>>
          tpu.wait_indirect_dma semaphore(%dma_wait3A_1128 : memref<!tpu.dma_semaphore, #tpu.memory_space<semaphore_mem>>) src(%dma_wait3A_1123 : memref<64x128xf32, #tpu.memory_space<vmem>>) dst(%dma_wait3A_1126 : memref<5024x128xf32, #tpu.memory_space<vmem_shared>>)
        } else {
        }
        %add3A_1112 = arith.constant 4 : i32
        %add3A_1113 = arith.addi %add3A_1024, %add3A_1112 : i32
        %lt3A_1114 = arith.cmpi slt, %add3A_1113, %select_n3A_52 : i32
        %convert_element_type3A_1115 = arith.extui %lt3A_1114 : i1 to i32
        %cond3A_1116 = arith.constant 0 : i32
        %cond3A_1117 = arith.cmpi ne, %convert_element_type3A_1115, %cond3A_1116 : i32
        scf.if %cond3A_1117 {
          %add3A_1118 = arith.constant 4 : i32
          %add3A_1119 = arith.addi %add3A_1024, %add3A_1118 : i32
          %mul3A_1120 = arith.constant 64 : i32
          %mul3A_1121 = arith.muli %add3A_1119, %mul3A_1120 : i32
          %add3A_1122 = arith.addi %multiple_of3A, %mul3A_1121 : i32
          %dma_start3A_1123 = arith.constant 0 : i32
          %dma_start3A_1124 = arith.constant 0 : i32
          %dma_start3A_1125 = arith.constant 0 : i32
          %dma_start3A_1126 = tpu.memref_slice %arg7[%dma_start3A_1123, %dma_start3A_1125] : memref<8x64xi32, #tpu.memory_space<vmem>> -> memref<1x64xi32, #tpu.memory_space<vmem>>
          %dma_start3A_1127 = tpu.memref_squeeze %dma_start3A_1126 : memref<1x64xi32, #tpu.memory_space<vmem>> -> memref<64xi32, #tpu.memory_space<vmem>>
          %dma_start3A_1128 = tpu.memref_slice %arg3[%add3A_1122] : memref<320000xi32, #tpu.memory_space<hbm>> -> memref<64xi32, #tpu.memory_space<hbm>>
          %dma_start3A_1129 = tpu.memref_slice %arg12[%dma_start3A_1124] : memref<8x!tpu.dma_semaphore, #tpu.memory_space<semaphore_mem>> -> memref<1x!tpu.dma_semaphore, #tpu.memory_space<semaphore_mem>>
          %dma_start3A_1130 = tpu.memref_squeeze %dma_start3A_1129 : memref<1x!tpu.dma_semaphore, #tpu.memory_space<semaphore_mem>> -> memref<!tpu.dma_semaphore, #tpu.memory_space<semaphore_mem>>
          %dma_start3A_1131 = arith.constant 0 : i32
          %dma_start3A_1132 = tpu.memref_slice %arg7[%dma_start3A_1123, %dma_start3A_1131] : memref<8x64xi32, #tpu.memory_space<vmem>> -> memref<1x64xi32, #tpu.memory_space<vmem>>
          %dma_start3A_1133 = tpu.memref_squeeze %dma_start3A_1132 : memref<1x64xi32, #tpu.memory_space<vmem>> -> memref<64xi32, #tpu.memory_space<vmem>>
          %dma_start3A_1134 = tpu.memref_slice %arg3[%add3A_1122] : memref<320000xi32, #tpu.memory_space<hbm>> -> memref<64xi32, #tpu.memory_space<hbm>>
          tpu.enqueue_dma source(%dma_start3A_1134 : memref<64xi32, #tpu.memory_space<hbm>>) target(%dma_start3A_1133 : memref<64xi32, #tpu.memory_space<vmem>>) target_semaphore(%dma_start3A_1130 : memref<!tpu.dma_semaphore, #tpu.memory_space<semaphore_mem>>)
          %dma_start3A_1135 = arith.constant 0 : i32
          %dma_start3A_1136 = arith.constant 0 : i32
          %dma_start3A_1137 = arith.constant 0 : i32
          %dma_start3A_1138 = arith.constant 0 : i32
          %dma_start3A_1139 = tpu.memref_slice %arg9[%dma_start3A_1135, %dma_start3A_1137, %dma_start3A_1138] : memref<8x64x128xf32, #tpu.memory_space<vmem>> -> memref<1x64x128xf32, #tpu.memory_space<vmem>>
          %dma_start3A_1140 = tpu.memref_squeeze %dma_start3A_1139 : memref<1x64x128xf32, #tpu.memory_space<vmem>> -> memref<64x128xf32, #tpu.memory_space<vmem>>
          %dma_start3A_1141 = arith.constant 0 : i32
          %dma_start3A_1142 = tpu.memref_slice %arg2[%add3A_1122, %dma_start3A_1141] : memref<320000x128xf32, #tpu.memory_space<hbm>> -> memref<64x128xf32, #tpu.memory_space<hbm>>
          %dma_start3A_1143 = tpu.memref_slice %arg12[%dma_start3A_1136] : memref<8x!tpu.dma_semaphore, #tpu.memory_space<semaphore_mem>> -> memref<1x!tpu.dma_semaphore, #tpu.memory_space<semaphore_mem>>
          %dma_start3A_1144 = tpu.memref_squeeze %dma_start3A_1143 : memref<1x!tpu.dma_semaphore, #tpu.memory_space<semaphore_mem>> -> memref<!tpu.dma_semaphore, #tpu.memory_space<semaphore_mem>>
          %dma_start3A_1145 = arith.constant 0 : i32
          %dma_start3A_1146 = arith.constant 0 : i32
          %dma_start3A_1147 = tpu.memref_slice %arg9[%dma_start3A_1135, %dma_start3A_1145, %dma_start3A_1146] : memref<8x64x128xf32, #tpu.memory_space<vmem>> -> memref<1x64x128xf32, #tpu.memory_space<vmem>>
          %dma_start3A_1148 = tpu.memref_squeeze %dma_start3A_1147 : memref<1x64x128xf32, #tpu.memory_space<vmem>> -> memref<64x128xf32, #tpu.memory_space<vmem>>
          %dma_start3A_1149 = arith.constant 0 : i32
          %dma_start3A_1150 = tpu.memref_slice %arg2[%add3A_1122, %dma_start3A_1149] : memref<320000x128xf32, #tpu.memory_space<hbm>> -> memref<64x128xf32, #tpu.memory_space<hbm>>
          tpu.enqueue_dma source(%dma_start3A_1150 : memref<64x128xf32, #tpu.memory_space<hbm>>) target(%dma_start3A_1148 : memref<64x128xf32, #tpu.memory_space<vmem>>) target_semaphore(%dma_start3A_1144 : memref<!tpu.dma_semaphore, #tpu.memory_space<semaphore_mem>>)
        } else {
        }
      } else {
      }
      %mul3A_1029 = arith.constant 8 : i32
      %mul3A_1030 = arith.muli %while3A_988, %mul3A_1029 : i32
      %add3A_1031 = arith.constant 5 : i32
      %add3A_1032 = arith.addi %mul3A_1030, %add3A_1031 : i32
      %lt3A_1033 = arith.cmpi slt, %add3A_1032, %select_n3A_52 : i32
      %convert_element_type3A_1034 = arith.extui %lt3A_1033 : i1 to i32
      %cond3A_1035 = arith.constant 0 : i32
      %cond3A_1036 = arith.cmpi ne, %convert_element_type3A_1034, %cond3A_1035 : i32
      scf.if %cond3A_1036 {
        %mul3A_1053 = arith.constant 64 : i32
        %mul3A_1054 = arith.muli %add3A_1032, %mul3A_1053 : i32
        %add3A_1055 = arith.addi %multiple_of3A, %mul3A_1054 : i32
        %dma_wait3A = arith.constant 5 : i32
        %dma_wait3A_1056 = arith.constant 5 : i32
        %dma_wait3A_1057 = arith.constant 0 : i32
        %dma_wait3A_1058 = tpu.memref_slice %arg7[%dma_wait3A, %dma_wait3A_1057] : memref<8x64xi32, #tpu.memory_space<vmem>> -> memref<1x64xi32, #tpu.memory_space<vmem>>
        %dma_wait3A_1059 = tpu.memref_squeeze %dma_wait3A_1058 : memref<1x64xi32, #tpu.memory_space<vmem>> -> memref<64xi32, #tpu.memory_space<vmem>>
        %dma_wait3A_1060 = tpu.memref_slice %arg3[%add3A_1055] : memref<320000xi32, #tpu.memory_space<hbm>> -> memref<64xi32, #tpu.memory_space<hbm>>
        %dma_wait3A_1061 = tpu.memref_slice %arg12[%dma_wait3A_1056] : memref<8x!tpu.dma_semaphore, #tpu.memory_space<semaphore_mem>> -> memref<1x!tpu.dma_semaphore, #tpu.memory_space<semaphore_mem>>
        %dma_wait3A_1062 = tpu.memref_squeeze %dma_wait3A_1061 : memref<1x!tpu.dma_semaphore, #tpu.memory_space<semaphore_mem>> -> memref<!tpu.dma_semaphore, #tpu.memory_space<semaphore_mem>>
        %dma_wait3A_1063 = arith.constant 0 : i32
        %dma_wait3A_1064 = tpu.memref_slice %arg7[%dma_wait3A, %dma_wait3A_1063] : memref<8x64xi32, #tpu.memory_space<vmem>> -> memref<1x64xi32, #tpu.memory_space<vmem>>
        %dma_wait3A_1065 = tpu.memref_squeeze %dma_wait3A_1064 : memref<1x64xi32, #tpu.memory_space<vmem>> -> memref<64xi32, #tpu.memory_space<vmem>>
        %dma_wait3A_1066 = tpu.memref_slice %arg3[%add3A_1055] : memref<320000xi32, #tpu.memory_space<hbm>> -> memref<64xi32, #tpu.memory_space<hbm>>
        tpu.wait_dma2 semaphore(%dma_wait3A_1062 : memref<!tpu.dma_semaphore, #tpu.memory_space<semaphore_mem>>) src(%dma_wait3A_1066 : memref<64xi32, #tpu.memory_space<hbm>>) dst(%dma_wait3A_1065 : memref<64xi32, #tpu.memory_space<vmem>>)
        %dma_wait3A_1067 = arith.constant 5 : i32
        %dma_wait3A_1068 = arith.constant 5 : i32
        %dma_wait3A_1069 = arith.constant 0 : i32
        %dma_wait3A_1070 = arith.constant 0 : i32
        %dma_wait3A_1071 = tpu.memref_slice %arg9[%dma_wait3A_1067, %dma_wait3A_1069, %dma_wait3A_1070] : memref<8x64x128xf32, #tpu.memory_space<vmem>> -> memref<1x64x128xf32, #tpu.memory_space<vmem>>
        %dma_wait3A_1072 = tpu.memref_squeeze %dma_wait3A_1071 : memref<1x64x128xf32, #tpu.memory_space<vmem>> -> memref<64x128xf32, #tpu.memory_space<vmem>>
        %dma_wait3A_1073 = arith.constant 0 : i32
        %dma_wait3A_1074 = tpu.memref_slice %arg2[%add3A_1055, %dma_wait3A_1073] : memref<320000x128xf32, #tpu.memory_space<hbm>> -> memref<64x128xf32, #tpu.memory_space<hbm>>
        %dma_wait3A_1075 = tpu.memref_slice %arg12[%dma_wait3A_1068] : memref<8x!tpu.dma_semaphore, #tpu.memory_space<semaphore_mem>> -> memref<1x!tpu.dma_semaphore, #tpu.memory_space<semaphore_mem>>
        %dma_wait3A_1076 = tpu.memref_squeeze %dma_wait3A_1075 : memref<1x!tpu.dma_semaphore, #tpu.memory_space<semaphore_mem>> -> memref<!tpu.dma_semaphore, #tpu.memory_space<semaphore_mem>>
        %dma_wait3A_1077 = arith.constant 0 : i32
        %dma_wait3A_1078 = arith.constant 0 : i32
        %dma_wait3A_1079 = tpu.memref_slice %arg9[%dma_wait3A_1067, %dma_wait3A_1077, %dma_wait3A_1078] : memref<8x64x128xf32, #tpu.memory_space<vmem>> -> memref<1x64x128xf32, #tpu.memory_space<vmem>>
        %dma_wait3A_1080 = tpu.memref_squeeze %dma_wait3A_1079 : memref<1x64x128xf32, #tpu.memory_space<vmem>> -> memref<64x128xf32, #tpu.memory_space<vmem>>
        %dma_wait3A_1081 = arith.constant 0 : i32
        %dma_wait3A_1082 = tpu.memref_slice %arg2[%add3A_1055, %dma_wait3A_1081] : memref<320000x128xf32, #tpu.memory_space<hbm>> -> memref<64x128xf32, #tpu.memory_space<hbm>>
        tpu.wait_dma2 semaphore(%dma_wait3A_1076 : memref<!tpu.dma_semaphore, #tpu.memory_space<semaphore_mem>>) src(%dma_wait3A_1082 : memref<64x128xf32, #tpu.memory_space<hbm>>) dst(%dma_wait3A_1080 : memref<64x128xf32, #tpu.memory_space<vmem>>)
        %mul3A_1083 = arith.constant 64 : i32
        %mul3A_1084 = arith.muli %add3A_1032, %mul3A_1083 : i32
        %add3A_1085 = arith.addi %multiple_of3A, %mul3A_1084 : i32
        %scan3A_1086 = arith.constant 0 : i32
        %scan3A_1087 = arith.constant 5 : i32
        %scan3A_1088 = arith.constant 0 : i32
        %scan3A_1089 = arith.constant 4 : i32
        %scan3A_1090 = arith.addi %scan3A_1088, %scan3A_1089 : i32
        %scan3A_1091 = arith.constant 1 : i32
        scf.for %scan3A_1118 = %scan3A_1088 to %scan3A_1090 step %scan3A_1091  : i32 {
          %mul3A_1119 = arith.constant 16 : i32
          %mul3A_1120 = arith.muli %scan3A_1118, %mul3A_1119 : i32
          %add3A_1121 = arith.addi %add3A_1085, %mul3A_1120 : i32
          %iota3A = tpu.iota {dimensions = array<i32: 0>} : vector<16xi32>
          %add3A_1122 = vector.broadcast %add3A_1121 : i32 to vector<16xi32>
          %add3A_1123 = arith.addi %add3A_1122, %iota3A : vector<16xi32>
          %ge3A_1124 = vector.broadcast %squeeze3A : i32 to vector<16xi32>
          %ge3A_1125 = arith.cmpi sge, %add3A_1123, %ge3A_1124 : vector<16xi32>
          %lt3A_1126 = vector.broadcast %squeeze3A_9 : i32 to vector<16xi32>
          %lt3A_1127 = arith.cmpi slt, %add3A_1123, %lt3A_1126 : vector<16xi32>
          %and3A_1128 = arith.andi %ge3A_1125, %lt3A_1127 : vector<16xi1>
          %get3A_1129 = arith.constant 0 : i32
          %get3A_1130 = tpu.memref_slice %arg7[%scan3A_1087, %get3A_1129] : memref<8x64xi32, #tpu.memory_space<vmem>> -> memref<1x64xi32, #tpu.memory_space<vmem>>
          %get3A_1131 = tpu.memref_squeeze %get3A_1130 : memref<1x64xi32, #tpu.memory_space<vmem>> -> memref<64xi32, #tpu.memory_space<vmem>>
          %get3A_1132 = arith.index_cast %mul3A_1120 : i32 to index
          %get3A_1133 = tpu.vector_load %get3A_1131[%get3A_1132] {strides = array<i32>} : memref<64xi32, #tpu.memory_space<vmem>>, vector<16xi32>,
          %get3A_1134 = vector.shape_cast %get3A_1133 : vector<16xi32> to vector<16xi32>
          %mul3A_1135 = arith.constant 5000 : i32
          %mul3A_1136 = arith.muli %arg0, %mul3A_1135 : i32
          %sub3A_1137 = vector.broadcast %mul3A_1136 : i32 to vector<16xi32>
          %sub3A_1138 = arith.subi %get3A_1134, %sub3A_1137 : vector<16xi32>
          %add3A_1139 = arith.constant 5000 : i32
          %add3A_1140 = arith.addi %add3A_1139, %arg1 : i32
          %broadcast_in_dim3A_1141 = vector.broadcast %add3A_1140 : i32 to vector<16xi32>
          %select_n3A_1142 = arith.select %and3A_1128, %sub3A_1138, %broadcast_in_dim3A_1141 : vector<16xi1>, vector<16xi32>
          %swap3A = arith.constant 0 : i32
          %swap3A_1143 = tpu.memref_slice %arg7[%scan3A_1087, %swap3A] : memref<8x64xi32, #tpu.memory_space<vmem>> -> memref<1x64xi32, #tpu.memory_space<vmem>>
          %swap3A_1144 = tpu.memref_squeeze %swap3A_1143 : memref<1x64xi32, #tpu.memory_space<vmem>> -> memref<64xi32, #tpu.memory_space<vmem>>
          %swap3A_1145 = arith.index_cast %mul3A_1120 : i32 to index
          %swap3A_1146 = tpu.vector_load %swap3A_1144[%swap3A_1145] {strides = array<i32>} : memref<64xi32, #tpu.memory_space<vmem>>, vector<16xi32>,
          %swap3A_1147 = vector.shape_cast %swap3A_1146 : vector<16xi32> to vector<16xi32>
          %swap3A_1148 = vector.shape_cast %select_n3A_1142 : vector<16xi32> to vector<16xi32>
          tpu.vector_store %swap3A_1144[%swap3A_1145], %swap3A_1148 {strides = array<i32>} : memref<64xi32, #tpu.memory_space<vmem>>, vector<16xi32>,
        }
        %scan3A_1092 = arith.constant 4 : i32
        %dma_start3A = arith.constant 5 : i32
        %dma_start3A_1093 = arith.constant 5 : i32
        %dma_start3A_1094 = arith.constant 5 : i32
        %dma_start3A_1095 = arith.constant 0 : i32
        %dma_start3A_1096 = arith.constant 0 : i32
        %dma_start3A_1097 = tpu.memref_slice %arg9[%dma_start3A, %dma_start3A_1095, %dma_start3A_1096] : memref<8x64x128xf32, #tpu.memory_space<vmem>> -> memref<1x64x128xf32, #tpu.memory_space<vmem>>
        %dma_start3A_1098 = tpu.memref_squeeze %dma_start3A_1097 : memref<1x64x128xf32, #tpu.memory_space<vmem>> -> memref<64x128xf32, #tpu.memory_space<vmem>>
        %dma_start3A_1099 = arith.constant 0 : i32
        %dma_start3A_1100 = tpu.memref_slice %arg7[%dma_start3A_1093, %dma_start3A_1099] : memref<8x64xi32, #tpu.memory_space<vmem>> -> memref<1x64xi32, #tpu.memory_space<vmem>>
        %dma_start3A_1101 = tpu.memref_squeeze %dma_start3A_1100 : memref<1x64xi32, #tpu.memory_space<vmem>> -> memref<64xi32, #tpu.memory_space<vmem>>
        %dma_start3A_1102 = arith.constant 0 : i32
        %dma_start3A_1103 = arith.constant 0 : i32
        %dma_start3A_1104 = tpu.memref_slice %arg11[%dma_start3A_1102, %dma_start3A_1103] : memref<5024x128xf32, #tpu.memory_space<vmem_shared>> -> memref<5024x128xf32, #tpu.memory_space<vmem_shared>>
        %dma_start3A_1105 = tpu.memref_slice %arg13[%dma_start3A_1094] : memref<8x!tpu.dma_semaphore, #tpu.memory_space<semaphore_mem>> -> memref<1x!tpu.dma_semaphore, #tpu.memory_space<semaphore_mem>>
        %dma_start3A_1106 = tpu.memref_squeeze %dma_start3A_1105 : memref<1x!tpu.dma_semaphore, #tpu.memory_space<semaphore_mem>> -> memref<!tpu.dma_semaphore, #tpu.memory_space<semaphore_mem>>
        tpu.enqueue_indirect_dma source(%dma_start3A_1098 : memref<64x128xf32, #tpu.memory_space<vmem>>) target(%dma_start3A_1104 : memref<5024x128xf32, #tpu.memory_space<vmem_shared>>) offsets(%dma_start3A_1101 : memref<64xi32, #tpu.memory_space<vmem>>) semaphore(%dma_start3A_1106 : memref<!tpu.dma_semaphore, #tpu.memory_space<semaphore_mem>>) {add = true}
        %ge3A_1107 = arith.constant 4 : i32
        %ge3A_1108 = arith.cmpi sge, %add3A_1032, %ge3A_1107 : i32
        %convert_element_type3A_1109 = arith.extui %ge3A_1108 : i1 to i32
        %cond3A_1110 = arith.constant 0 : i32
        %cond3A_1111 = arith.cmpi ne, %convert_element_type3A_1109, %cond3A_1110 : i32
        scf.if %cond3A_1111 {
          %dma_wait3A_1118 = arith.constant 1 : i32
          %dma_wait3A_1119 = arith.constant 1 : i32
          %dma_wait3A_1120 = arith.constant 0 : i32
          %dma_wait3A_1121 = arith.constant 0 : i32
          %dma_wait3A_1122 = tpu.memref_slice %arg9[%dma_wait3A_1118, %dma_wait3A_1120, %dma_wait3A_1121] : memref<8x64x128xf32, #tpu.memory_space<vmem>> -> memref<1x64x128xf32, #tpu.memory_space<vmem>>
          %dma_wait3A_1123 = tpu.memref_squeeze %dma_wait3A_1122 : memref<1x64x128xf32, #tpu.memory_space<vmem>> -> memref<64x128xf32, #tpu.memory_space<vmem>>
          %dma_wait3A_1124 = arith.constant 0 : i32
          %dma_wait3A_1125 = arith.constant 0 : i32
          %dma_wait3A_1126 = tpu.memref_slice %arg11[%dma_wait3A_1124, %dma_wait3A_1125] : memref<5024x128xf32, #tpu.memory_space<vmem_shared>> -> memref<5024x128xf32, #tpu.memory_space<vmem_shared>>
          %dma_wait3A_1127 = tpu.memref_slice %arg13[%dma_wait3A_1119] : memref<8x!tpu.dma_semaphore, #tpu.memory_space<semaphore_mem>> -> memref<1x!tpu.dma_semaphore, #tpu.memory_space<semaphore_mem>>
          %dma_wait3A_1128 = tpu.memref_squeeze %dma_wait3A_1127 : memref<1x!tpu.dma_semaphore, #tpu.memory_space<semaphore_mem>> -> memref<!tpu.dma_semaphore, #tpu.memory_space<semaphore_mem>>
          tpu.wait_indirect_dma semaphore(%dma_wait3A_1128 : memref<!tpu.dma_semaphore, #tpu.memory_space<semaphore_mem>>) src(%dma_wait3A_1123 : memref<64x128xf32, #tpu.memory_space<vmem>>) dst(%dma_wait3A_1126 : memref<5024x128xf32, #tpu.memory_space<vmem_shared>>)
        } else {
        }
        %add3A_1112 = arith.constant 4 : i32
        %add3A_1113 = arith.addi %add3A_1032, %add3A_1112 : i32
        %lt3A_1114 = arith.cmpi slt, %add3A_1113, %select_n3A_52 : i32
        %convert_element_type3A_1115 = arith.extui %lt3A_1114 : i1 to i32
        %cond3A_1116 = arith.constant 0 : i32
        %cond3A_1117 = arith.cmpi ne, %convert_element_type3A_1115, %cond3A_1116 : i32
        scf.if %cond3A_1117 {
          %add3A_1118 = arith.constant 4 : i32
          %add3A_1119 = arith.addi %add3A_1032, %add3A_1118 : i32
          %mul3A_1120 = arith.constant 64 : i32
          %mul3A_1121 = arith.muli %add3A_1119, %mul3A_1120 : i32
          %add3A_1122 = arith.addi %multiple_of3A, %mul3A_1121 : i32
          %dma_start3A_1123 = arith.constant 1 : i32
          %dma_start3A_1124 = arith.constant 1 : i32
          %dma_start3A_1125 = arith.constant 0 : i32
          %dma_start3A_1126 = tpu.memref_slice %arg7[%dma_start3A_1123, %dma_start3A_1125] : memref<8x64xi32, #tpu.memory_space<vmem>> -> memref<1x64xi32, #tpu.memory_space<vmem>>
          %dma_start3A_1127 = tpu.memref_squeeze %dma_start3A_1126 : memref<1x64xi32, #tpu.memory_space<vmem>> -> memref<64xi32, #tpu.memory_space<vmem>>
          %dma_start3A_1128 = tpu.memref_slice %arg3[%add3A_1122] : memref<320000xi32, #tpu.memory_space<hbm>> -> memref<64xi32, #tpu.memory_space<hbm>>
          %dma_start3A_1129 = tpu.memref_slice %arg12[%dma_start3A_1124] : memref<8x!tpu.dma_semaphore, #tpu.memory_space<semaphore_mem>> -> memref<1x!tpu.dma_semaphore, #tpu.memory_space<semaphore_mem>>
          %dma_start3A_1130 = tpu.memref_squeeze %dma_start3A_1129 : memref<1x!tpu.dma_semaphore, #tpu.memory_space<semaphore_mem>> -> memref<!tpu.dma_semaphore, #tpu.memory_space<semaphore_mem>>
          %dma_start3A_1131 = arith.constant 0 : i32
          %dma_start3A_1132 = tpu.memref_slice %arg7[%dma_start3A_1123, %dma_start3A_1131] : memref<8x64xi32, #tpu.memory_space<vmem>> -> memref<1x64xi32, #tpu.memory_space<vmem>>
          %dma_start3A_1133 = tpu.memref_squeeze %dma_start3A_1132 : memref<1x64xi32, #tpu.memory_space<vmem>> -> memref<64xi32, #tpu.memory_space<vmem>>
          %dma_start3A_1134 = tpu.memref_slice %arg3[%add3A_1122] : memref<320000xi32, #tpu.memory_space<hbm>> -> memref<64xi32, #tpu.memory_space<hbm>>
          tpu.enqueue_dma source(%dma_start3A_1134 : memref<64xi32, #tpu.memory_space<hbm>>) target(%dma_start3A_1133 : memref<64xi32, #tpu.memory_space<vmem>>) target_semaphore(%dma_start3A_1130 : memref<!tpu.dma_semaphore, #tpu.memory_space<semaphore_mem>>)
          %dma_start3A_1135 = arith.constant 1 : i32
          %dma_start3A_1136 = arith.constant 1 : i32
          %dma_start3A_1137 = arith.constant 0 : i32
          %dma_start3A_1138 = arith.constant 0 : i32
          %dma_start3A_1139 = tpu.memref_slice %arg9[%dma_start3A_1135, %dma_start3A_1137, %dma_start3A_1138] : memref<8x64x128xf32, #tpu.memory_space<vmem>> -> memref<1x64x128xf32, #tpu.memory_space<vmem>>
          %dma_start3A_1140 = tpu.memref_squeeze %dma_start3A_1139 : memref<1x64x128xf32, #tpu.memory_space<vmem>> -> memref<64x128xf32, #tpu.memory_space<vmem>>
          %dma_start3A_1141 = arith.constant 0 : i32
          %dma_start3A_1142 = tpu.memref_slice %arg2[%add3A_1122, %dma_start3A_1141] : memref<320000x128xf32, #tpu.memory_space<hbm>> -> memref<64x128xf32, #tpu.memory_space<hbm>>
          %dma_start3A_1143 = tpu.memref_slice %arg12[%dma_start3A_1136] : memref<8x!tpu.dma_semaphore, #tpu.memory_space<semaphore_mem>> -> memref<1x!tpu.dma_semaphore, #tpu.memory_space<semaphore_mem>>
          %dma_start3A_1144 = tpu.memref_squeeze %dma_start3A_1143 : memref<1x!tpu.dma_semaphore, #tpu.memory_space<semaphore_mem>> -> memref<!tpu.dma_semaphore, #tpu.memory_space<semaphore_mem>>
          %dma_start3A_1145 = arith.constant 0 : i32
          %dma_start3A_1146 = arith.constant 0 : i32
          %dma_start3A_1147 = tpu.memref_slice %arg9[%dma_start3A_1135, %dma_start3A_1145, %dma_start3A_1146] : memref<8x64x128xf32, #tpu.memory_space<vmem>> -> memref<1x64x128xf32, #tpu.memory_space<vmem>>
          %dma_start3A_1148 = tpu.memref_squeeze %dma_start3A_1147 : memref<1x64x128xf32, #tpu.memory_space<vmem>> -> memref<64x128xf32, #tpu.memory_space<vmem>>
          %dma_start3A_1149 = arith.constant 0 : i32
          %dma_start3A_1150 = tpu.memref_slice %arg2[%add3A_1122, %dma_start3A_1149] : memref<320000x128xf32, #tpu.memory_space<hbm>> -> memref<64x128xf32, #tpu.memory_space<hbm>>
          tpu.enqueue_dma source(%dma_start3A_1150 : memref<64x128xf32, #tpu.memory_space<hbm>>) target(%dma_start3A_1148 : memref<64x128xf32, #tpu.memory_space<vmem>>) target_semaphore(%dma_start3A_1144 : memref<!tpu.dma_semaphore, #tpu.memory_space<semaphore_mem>>)
        } else {
        }
      } else {
      }
      %mul3A_1037 = arith.constant 8 : i32
      %mul3A_1038 = arith.muli %while3A_988, %mul3A_1037 : i32
      %add3A_1039 = arith.constant 6 : i32
      %add3A_1040 = arith.addi %mul3A_1038, %add3A_1039 : i32
      %lt3A_1041 = arith.cmpi slt, %add3A_1040, %select_n3A_52 : i32
      %convert_element_type3A_1042 = arith.extui %lt3A_1041 : i1 to i32
      %cond3A_1043 = arith.constant 0 : i32
      %cond3A_1044 = arith.cmpi ne, %convert_element_type3A_1042, %cond3A_1043 : i32
      scf.if %cond3A_1044 {
        %mul3A_1053 = arith.constant 64 : i32
        %mul3A_1054 = arith.muli %add3A_1040, %mul3A_1053 : i32
        %add3A_1055 = arith.addi %multiple_of3A, %mul3A_1054 : i32
        %dma_wait3A = arith.constant 6 : i32
        %dma_wait3A_1056 = arith.constant 6 : i32
        %dma_wait3A_1057 = arith.constant 0 : i32
        %dma_wait3A_1058 = tpu.memref_slice %arg7[%dma_wait3A, %dma_wait3A_1057] : memref<8x64xi32, #tpu.memory_space<vmem>> -> memref<1x64xi32, #tpu.memory_space<vmem>>
        %dma_wait3A_1059 = tpu.memref_squeeze %dma_wait3A_1058 : memref<1x64xi32, #tpu.memory_space<vmem>> -> memref<64xi32, #tpu.memory_space<vmem>>
        %dma_wait3A_1060 = tpu.memref_slice %arg3[%add3A_1055] : memref<320000xi32, #tpu.memory_space<hbm>> -> memref<64xi32, #tpu.memory_space<hbm>>
        %dma_wait3A_1061 = tpu.memref_slice %arg12[%dma_wait3A_1056] : memref<8x!tpu.dma_semaphore, #tpu.memory_space<semaphore_mem>> -> memref<1x!tpu.dma_semaphore, #tpu.memory_space<semaphore_mem>>
        %dma_wait3A_1062 = tpu.memref_squeeze %dma_wait3A_1061 : memref<1x!tpu.dma_semaphore, #tpu.memory_space<semaphore_mem>> -> memref<!tpu.dma_semaphore, #tpu.memory_space<semaphore_mem>>
        %dma_wait3A_1063 = arith.constant 0 : i32
        %dma_wait3A_1064 = tpu.memref_slice %arg7[%dma_wait3A, %dma_wait3A_1063] : memref<8x64xi32, #tpu.memory_space<vmem>> -> memref<1x64xi32, #tpu.memory_space<vmem>>
        %dma_wait3A_1065 = tpu.memref_squeeze %dma_wait3A_1064 : memref<1x64xi32, #tpu.memory_space<vmem>> -> memref<64xi32, #tpu.memory_space<vmem>>
        %dma_wait3A_1066 = tpu.memref_slice %arg3[%add3A_1055] : memref<320000xi32, #tpu.memory_space<hbm>> -> memref<64xi32, #tpu.memory_space<hbm>>
        tpu.wait_dma2 semaphore(%dma_wait3A_1062 : memref<!tpu.dma_semaphore, #tpu.memory_space<semaphore_mem>>) src(%dma_wait3A_1066 : memref<64xi32, #tpu.memory_space<hbm>>) dst(%dma_wait3A_1065 : memref<64xi32, #tpu.memory_space<vmem>>)
        %dma_wait3A_1067 = arith.constant 6 : i32
        %dma_wait3A_1068 = arith.constant 6 : i32
        %dma_wait3A_1069 = arith.constant 0 : i32
        %dma_wait3A_1070 = arith.constant 0 : i32
        %dma_wait3A_1071 = tpu.memref_slice %arg9[%dma_wait3A_1067, %dma_wait3A_1069, %dma_wait3A_1070] : memref<8x64x128xf32, #tpu.memory_space<vmem>> -> memref<1x64x128xf32, #tpu.memory_space<vmem>>
        %dma_wait3A_1072 = tpu.memref_squeeze %dma_wait3A_1071 : memref<1x64x128xf32, #tpu.memory_space<vmem>> -> memref<64x128xf32, #tpu.memory_space<vmem>>
        %dma_wait3A_1073 = arith.constant 0 : i32
        %dma_wait3A_1074 = tpu.memref_slice %arg2[%add3A_1055, %dma_wait3A_1073] : memref<320000x128xf32, #tpu.memory_space<hbm>> -> memref<64x128xf32, #tpu.memory_space<hbm>>
        %dma_wait3A_1075 = tpu.memref_slice %arg12[%dma_wait3A_1068] : memref<8x!tpu.dma_semaphore, #tpu.memory_space<semaphore_mem>> -> memref<1x!tpu.dma_semaphore, #tpu.memory_space<semaphore_mem>>
        %dma_wait3A_1076 = tpu.memref_squeeze %dma_wait3A_1075 : memref<1x!tpu.dma_semaphore, #tpu.memory_space<semaphore_mem>> -> memref<!tpu.dma_semaphore, #tpu.memory_space<semaphore_mem>>
        %dma_wait3A_1077 = arith.constant 0 : i32
        %dma_wait3A_1078 = arith.constant 0 : i32
        %dma_wait3A_1079 = tpu.memref_slice %arg9[%dma_wait3A_1067, %dma_wait3A_1077, %dma_wait3A_1078] : memref<8x64x128xf32, #tpu.memory_space<vmem>> -> memref<1x64x128xf32, #tpu.memory_space<vmem>>
        %dma_wait3A_1080 = tpu.memref_squeeze %dma_wait3A_1079 : memref<1x64x128xf32, #tpu.memory_space<vmem>> -> memref<64x128xf32, #tpu.memory_space<vmem>>
        %dma_wait3A_1081 = arith.constant 0 : i32
        %dma_wait3A_1082 = tpu.memref_slice %arg2[%add3A_1055, %dma_wait3A_1081] : memref<320000x128xf32, #tpu.memory_space<hbm>> -> memref<64x128xf32, #tpu.memory_space<hbm>>
        tpu.wait_dma2 semaphore(%dma_wait3A_1076 : memref<!tpu.dma_semaphore, #tpu.memory_space<semaphore_mem>>) src(%dma_wait3A_1082 : memref<64x128xf32, #tpu.memory_space<hbm>>) dst(%dma_wait3A_1080 : memref<64x128xf32, #tpu.memory_space<vmem>>)
        %mul3A_1083 = arith.constant 64 : i32
        %mul3A_1084 = arith.muli %add3A_1040, %mul3A_1083 : i32
        %add3A_1085 = arith.addi %multiple_of3A, %mul3A_1084 : i32
        %scan3A_1086 = arith.constant 0 : i32
        %scan3A_1087 = arith.constant 6 : i32
        %scan3A_1088 = arith.constant 0 : i32
        %scan3A_1089 = arith.constant 4 : i32
        %scan3A_1090 = arith.addi %scan3A_1088, %scan3A_1089 : i32
        %scan3A_1091 = arith.constant 1 : i32
        scf.for %scan3A_1118 = %scan3A_1088 to %scan3A_1090 step %scan3A_1091  : i32 {
          %mul3A_1119 = arith.constant 16 : i32
          %mul3A_1120 = arith.muli %scan3A_1118, %mul3A_1119 : i32
          %add3A_1121 = arith.addi %add3A_1085, %mul3A_1120 : i32
          %iota3A = tpu.iota {dimensions = array<i32: 0>} : vector<16xi32>
          %add3A_1122 = vector.broadcast %add3A_1121 : i32 to vector<16xi32>
          %add3A_1123 = arith.addi %add3A_1122, %iota3A : vector<16xi32>
          %ge3A_1124 = vector.broadcast %squeeze3A : i32 to vector<16xi32>
          %ge3A_1125 = arith.cmpi sge, %add3A_1123, %ge3A_1124 : vector<16xi32>
          %lt3A_1126 = vector.broadcast %squeeze3A_9 : i32 to vector<16xi32>
          %lt3A_1127 = arith.cmpi slt, %add3A_1123, %lt3A_1126 : vector<16xi32>
          %and3A_1128 = arith.andi %ge3A_1125, %lt3A_1127 : vector<16xi1>
          %get3A_1129 = arith.constant 0 : i32
          %get3A_1130 = tpu.memref_slice %arg7[%scan3A_1087, %get3A_1129] : memref<8x64xi32, #tpu.memory_space<vmem>> -> memref<1x64xi32, #tpu.memory_space<vmem>>
          %get3A_1131 = tpu.memref_squeeze %get3A_1130 : memref<1x64xi32, #tpu.memory_space<vmem>> -> memref<64xi32, #tpu.memory_space<vmem>>
          %get3A_1132 = arith.index_cast %mul3A_1120 : i32 to index
          %get3A_1133 = tpu.vector_load %get3A_1131[%get3A_1132] {strides = array<i32>} : memref<64xi32, #tpu.memory_space<vmem>>, vector<16xi32>,
          %get3A_1134 = vector.shape_cast %get3A_1133 : vector<16xi32> to vector<16xi32>
          %mul3A_1135 = arith.constant 5000 : i32
          %mul3A_1136 = arith.muli %arg0, %mul3A_1135 : i32
          %sub3A_1137 = vector.broadcast %mul3A_1136 : i32 to vector<16xi32>
          %sub3A_1138 = arith.subi %get3A_1134, %sub3A_1137 : vector<16xi32>
          %add3A_1139 = arith.constant 5000 : i32
          %add3A_1140 = arith.addi %add3A_1139, %arg1 : i32
          %broadcast_in_dim3A_1141 = vector.broadcast %add3A_1140 : i32 to vector<16xi32>
          %select_n3A_1142 = arith.select %and3A_1128, %sub3A_1138, %broadcast_in_dim3A_1141 : vector<16xi1>, vector<16xi32>
          %swap3A = arith.constant 0 : i32
          %swap3A_1143 = tpu.memref_slice %arg7[%scan3A_1087, %swap3A] : memref<8x64xi32, #tpu.memory_space<vmem>> -> memref<1x64xi32, #tpu.memory_space<vmem>>
          %swap3A_1144 = tpu.memref_squeeze %swap3A_1143 : memref<1x64xi32, #tpu.memory_space<vmem>> -> memref<64xi32, #tpu.memory_space<vmem>>
          %swap3A_1145 = arith.index_cast %mul3A_1120 : i32 to index
          %swap3A_1146 = tpu.vector_load %swap3A_1144[%swap3A_1145] {strides = array<i32>} : memref<64xi32, #tpu.memory_space<vmem>>, vector<16xi32>,
          %swap3A_1147 = vector.shape_cast %swap3A_1146 : vector<16xi32> to vector<16xi32>
          %swap3A_1148 = vector.shape_cast %select_n3A_1142 : vector<16xi32> to vector<16xi32>
          tpu.vector_store %swap3A_1144[%swap3A_1145], %swap3A_1148 {strides = array<i32>} : memref<64xi32, #tpu.memory_space<vmem>>, vector<16xi32>,
        }
        %scan3A_1092 = arith.constant 4 : i32
        %dma_start3A = arith.constant 6 : i32
        %dma_start3A_1093 = arith.constant 6 : i32
        %dma_start3A_1094 = arith.constant 6 : i32
        %dma_start3A_1095 = arith.constant 0 : i32
        %dma_start3A_1096 = arith.constant 0 : i32
        %dma_start3A_1097 = tpu.memref_slice %arg9[%dma_start3A, %dma_start3A_1095, %dma_start3A_1096] : memref<8x64x128xf32, #tpu.memory_space<vmem>> -> memref<1x64x128xf32, #tpu.memory_space<vmem>>
        %dma_start3A_1098 = tpu.memref_squeeze %dma_start3A_1097 : memref<1x64x128xf32, #tpu.memory_space<vmem>> -> memref<64x128xf32, #tpu.memory_space<vmem>>
        %dma_start3A_1099 = arith.constant 0 : i32
        %dma_start3A_1100 = tpu.memref_slice %arg7[%dma_start3A_1093, %dma_start3A_1099] : memref<8x64xi32, #tpu.memory_space<vmem>> -> memref<1x64xi32, #tpu.memory_space<vmem>>
        %dma_start3A_1101 = tpu.memref_squeeze %dma_start3A_1100 : memref<1x64xi32, #tpu.memory_space<vmem>> -> memref<64xi32, #tpu.memory_space<vmem>>
        %dma_start3A_1102 = arith.constant 0 : i32
        %dma_start3A_1103 = arith.constant 0 : i32
        %dma_start3A_1104 = tpu.memref_slice %arg11[%dma_start3A_1102, %dma_start3A_1103] : memref<5024x128xf32, #tpu.memory_space<vmem_shared>> -> memref<5024x128xf32, #tpu.memory_space<vmem_shared>>
        %dma_start3A_1105 = tpu.memref_slice %arg13[%dma_start3A_1094] : memref<8x!tpu.dma_semaphore, #tpu.memory_space<semaphore_mem>> -> memref<1x!tpu.dma_semaphore, #tpu.memory_space<semaphore_mem>>
        %dma_start3A_1106 = tpu.memref_squeeze %dma_start3A_1105 : memref<1x!tpu.dma_semaphore, #tpu.memory_space<semaphore_mem>> -> memref<!tpu.dma_semaphore, #tpu.memory_space<semaphore_mem>>
        tpu.enqueue_indirect_dma source(%dma_start3A_1098 : memref<64x128xf32, #tpu.memory_space<vmem>>) target(%dma_start3A_1104 : memref<5024x128xf32, #tpu.memory_space<vmem_shared>>) offsets(%dma_start3A_1101 : memref<64xi32, #tpu.memory_space<vmem>>) semaphore(%dma_start3A_1106 : memref<!tpu.dma_semaphore, #tpu.memory_space<semaphore_mem>>) {add = true}
        %ge3A_1107 = arith.constant 4 : i32
        %ge3A_1108 = arith.cmpi sge, %add3A_1040, %ge3A_1107 : i32
        %convert_element_type3A_1109 = arith.extui %ge3A_1108 : i1 to i32
        %cond3A_1110 = arith.constant 0 : i32
        %cond3A_1111 = arith.cmpi ne, %convert_element_type3A_1109, %cond3A_1110 : i32
        scf.if %cond3A_1111 {
          %dma_wait3A_1118 = arith.constant 2 : i32
          %dma_wait3A_1119 = arith.constant 2 : i32
          %dma_wait3A_1120 = arith.constant 0 : i32
          %dma_wait3A_1121 = arith.constant 0 : i32
          %dma_wait3A_1122 = tpu.memref_slice %arg9[%dma_wait3A_1118, %dma_wait3A_1120, %dma_wait3A_1121] : memref<8x64x128xf32, #tpu.memory_space<vmem>> -> memref<1x64x128xf32, #tpu.memory_space<vmem>>
          %dma_wait3A_1123 = tpu.memref_squeeze %dma_wait3A_1122 : memref<1x64x128xf32, #tpu.memory_space<vmem>> -> memref<64x128xf32, #tpu.memory_space<vmem>>
          %dma_wait3A_1124 = arith.constant 0 : i32
          %dma_wait3A_1125 = arith.constant 0 : i32
          %dma_wait3A_1126 = tpu.memref_slice %arg11[%dma_wait3A_1124, %dma_wait3A_1125] : memref<5024x128xf32, #tpu.memory_space<vmem_shared>> -> memref<5024x128xf32, #tpu.memory_space<vmem_shared>>
          %dma_wait3A_1127 = tpu.memref_slice %arg13[%dma_wait3A_1119] : memref<8x!tpu.dma_semaphore, #tpu.memory_space<semaphore_mem>> -> memref<1x!tpu.dma_semaphore, #tpu.memory_space<semaphore_mem>>
          %dma_wait3A_1128 = tpu.memref_squeeze %dma_wait3A_1127 : memref<1x!tpu.dma_semaphore, #tpu.memory_space<semaphore_mem>> -> memref<!tpu.dma_semaphore, #tpu.memory_space<semaphore_mem>>
          tpu.wait_indirect_dma semaphore(%dma_wait3A_1128 : memref<!tpu.dma_semaphore, #tpu.memory_space<semaphore_mem>>) src(%dma_wait3A_1123 : memref<64x128xf32, #tpu.memory_space<vmem>>) dst(%dma_wait3A_1126 : memref<5024x128xf32, #tpu.memory_space<vmem_shared>>)
        } else {
        }
        %add3A_1112 = arith.constant 4 : i32
        %add3A_1113 = arith.addi %add3A_1040, %add3A_1112 : i32
        %lt3A_1114 = arith.cmpi slt, %add3A_1113, %select_n3A_52 : i32
        %convert_element_type3A_1115 = arith.extui %lt3A_1114 : i1 to i32
        %cond3A_1116 = arith.constant 0 : i32
        %cond3A_1117 = arith.cmpi ne, %convert_element_type3A_1115, %cond3A_1116 : i32
        scf.if %cond3A_1117 {
          %add3A_1118 = arith.constant 4 : i32
          %add3A_1119 = arith.addi %add3A_1040, %add3A_1118 : i32
          %mul3A_1120 = arith.constant 64 : i32
          %mul3A_1121 = arith.muli %add3A_1119, %mul3A_1120 : i32
          %add3A_1122 = arith.addi %multiple_of3A, %mul3A_1121 : i32
          %dma_start3A_1123 = arith.constant 2 : i32
          %dma_start3A_1124 = arith.constant 2 : i32
          %dma_start3A_1125 = arith.constant 0 : i32
          %dma_start3A_1126 = tpu.memref_slice %arg7[%dma_start3A_1123, %dma_start3A_1125] : memref<8x64xi32, #tpu.memory_space<vmem>> -> memref<1x64xi32, #tpu.memory_space<vmem>>
          %dma_start3A_1127 = tpu.memref_squeeze %dma_start3A_1126 : memref<1x64xi32, #tpu.memory_space<vmem>> -> memref<64xi32, #tpu.memory_space<vmem>>
          %dma_start3A_1128 = tpu.memref_slice %arg3[%add3A_1122] : memref<320000xi32, #tpu.memory_space<hbm>> -> memref<64xi32, #tpu.memory_space<hbm>>
          %dma_start3A_1129 = tpu.memref_slice %arg12[%dma_start3A_1124] : memref<8x!tpu.dma_semaphore, #tpu.memory_space<semaphore_mem>> -> memref<1x!tpu.dma_semaphore, #tpu.memory_space<semaphore_mem>>
          %dma_start3A_1130 = tpu.memref_squeeze %dma_start3A_1129 : memref<1x!tpu.dma_semaphore, #tpu.memory_space<semaphore_mem>> -> memref<!tpu.dma_semaphore, #tpu.memory_space<semaphore_mem>>
          %dma_start3A_1131 = arith.constant 0 : i32
          %dma_start3A_1132 = tpu.memref_slice %arg7[%dma_start3A_1123, %dma_start3A_1131] : memref<8x64xi32, #tpu.memory_space<vmem>> -> memref<1x64xi32, #tpu.memory_space<vmem>>
          %dma_start3A_1133 = tpu.memref_squeeze %dma_start3A_1132 : memref<1x64xi32, #tpu.memory_space<vmem>> -> memref<64xi32, #tpu.memory_space<vmem>>
          %dma_start3A_1134 = tpu.memref_slice %arg3[%add3A_1122] : memref<320000xi32, #tpu.memory_space<hbm>> -> memref<64xi32, #tpu.memory_space<hbm>>
          tpu.enqueue_dma source(%dma_start3A_1134 : memref<64xi32, #tpu.memory_space<hbm>>) target(%dma_start3A_1133 : memref<64xi32, #tpu.memory_space<vmem>>) target_semaphore(%dma_start3A_1130 : memref<!tpu.dma_semaphore, #tpu.memory_space<semaphore_mem>>)
          %dma_start3A_1135 = arith.constant 2 : i32
          %dma_start3A_1136 = arith.constant 2 : i32
          %dma_start3A_1137 = arith.constant 0 : i32
          %dma_start3A_1138 = arith.constant 0 : i32
          %dma_start3A_1139 = tpu.memref_slice %arg9[%dma_start3A_1135, %dma_start3A_1137, %dma_start3A_1138] : memref<8x64x128xf32, #tpu.memory_space<vmem>> -> memref<1x64x128xf32, #tpu.memory_space<vmem>>
          %dma_start3A_1140 = tpu.memref_squeeze %dma_start3A_1139 : memref<1x64x128xf32, #tpu.memory_space<vmem>> -> memref<64x128xf32, #tpu.memory_space<vmem>>
          %dma_start3A_1141 = arith.constant 0 : i32
          %dma_start3A_1142 = tpu.memref_slice %arg2[%add3A_1122, %dma_start3A_1141] : memref<320000x128xf32, #tpu.memory_space<hbm>> -> memref<64x128xf32, #tpu.memory_space<hbm>>
          %dma_start3A_1143 = tpu.memref_slice %arg12[%dma_start3A_1136] : memref<8x!tpu.dma_semaphore, #tpu.memory_space<semaphore_mem>> -> memref<1x!tpu.dma_semaphore, #tpu.memory_space<semaphore_mem>>
          %dma_start3A_1144 = tpu.memref_squeeze %dma_start3A_1143 : memref<1x!tpu.dma_semaphore, #tpu.memory_space<semaphore_mem>> -> memref<!tpu.dma_semaphore, #tpu.memory_space<semaphore_mem>>
          %dma_start3A_1145 = arith.constant 0 : i32
          %dma_start3A_1146 = arith.constant 0 : i32
          %dma_start3A_1147 = tpu.memref_slice %arg9[%dma_start3A_1135, %dma_start3A_1145, %dma_start3A_1146] : memref<8x64x128xf32, #tpu.memory_space<vmem>> -> memref<1x64x128xf32, #tpu.memory_space<vmem>>
          %dma_start3A_1148 = tpu.memref_squeeze %dma_start3A_1147 : memref<1x64x128xf32, #tpu.memory_space<vmem>> -> memref<64x128xf32, #tpu.memory_space<vmem>>
          %dma_start3A_1149 = arith.constant 0 : i32
          %dma_start3A_1150 = tpu.memref_slice %arg2[%add3A_1122, %dma_start3A_1149] : memref<320000x128xf32, #tpu.memory_space<hbm>> -> memref<64x128xf32, #tpu.memory_space<hbm>>
          tpu.enqueue_dma source(%dma_start3A_1150 : memref<64x128xf32, #tpu.memory_space<hbm>>) target(%dma_start3A_1148 : memref<64x128xf32, #tpu.memory_space<vmem>>) target_semaphore(%dma_start3A_1144 : memref<!tpu.dma_semaphore, #tpu.memory_space<semaphore_mem>>)
        } else {
        }
      } else {
      }
      %mul3A_1045 = arith.constant 8 : i32
      %mul3A_1046 = arith.muli %while3A_988, %mul3A_1045 : i32
      %add3A_1047 = arith.constant 7 : i32
      %add3A_1048 = arith.addi %mul3A_1046, %add3A_1047 : i32
      %lt3A_1049 = arith.cmpi slt, %add3A_1048, %select_n3A_52 : i32
      %convert_element_type3A_1050 = arith.extui %lt3A_1049 : i1 to i32
      %cond3A_1051 = arith.constant 0 : i32
      %cond3A_1052 = arith.cmpi ne, %convert_element_type3A_1050, %cond3A_1051 : i32
      scf.if %cond3A_1052 {
        %mul3A_1053 = arith.constant 64 : i32
        %mul3A_1054 = arith.muli %add3A_1048, %mul3A_1053 : i32
        %add3A_1055 = arith.addi %multiple_of3A, %mul3A_1054 : i32
        %dma_wait3A = arith.constant 7 : i32
        %dma_wait3A_1056 = arith.constant 7 : i32
        %dma_wait3A_1057 = arith.constant 0 : i32
        %dma_wait3A_1058 = tpu.memref_slice %arg7[%dma_wait3A, %dma_wait3A_1057] : memref<8x64xi32, #tpu.memory_space<vmem>> -> memref<1x64xi32, #tpu.memory_space<vmem>>
        %dma_wait3A_1059 = tpu.memref_squeeze %dma_wait3A_1058 : memref<1x64xi32, #tpu.memory_space<vmem>> -> memref<64xi32, #tpu.memory_space<vmem>>
        %dma_wait3A_1060 = tpu.memref_slice %arg3[%add3A_1055] : memref<320000xi32, #tpu.memory_space<hbm>> -> memref<64xi32, #tpu.memory_space<hbm>>
        %dma_wait3A_1061 = tpu.memref_slice %arg12[%dma_wait3A_1056] : memref<8x!tpu.dma_semaphore, #tpu.memory_space<semaphore_mem>> -> memref<1x!tpu.dma_semaphore, #tpu.memory_space<semaphore_mem>>
        %dma_wait3A_1062 = tpu.memref_squeeze %dma_wait3A_1061 : memref<1x!tpu.dma_semaphore, #tpu.memory_space<semaphore_mem>> -> memref<!tpu.dma_semaphore, #tpu.memory_space<semaphore_mem>>
        %dma_wait3A_1063 = arith.constant 0 : i32
        %dma_wait3A_1064 = tpu.memref_slice %arg7[%dma_wait3A, %dma_wait3A_1063] : memref<8x64xi32, #tpu.memory_space<vmem>> -> memref<1x64xi32, #tpu.memory_space<vmem>>
        %dma_wait3A_1065 = tpu.memref_squeeze %dma_wait3A_1064 : memref<1x64xi32, #tpu.memory_space<vmem>> -> memref<64xi32, #tpu.memory_space<vmem>>
        %dma_wait3A_1066 = tpu.memref_slice %arg3[%add3A_1055] : memref<320000xi32, #tpu.memory_space<hbm>> -> memref<64xi32, #tpu.memory_space<hbm>>
        tpu.wait_dma2 semaphore(%dma_wait3A_1062 : memref<!tpu.dma_semaphore, #tpu.memory_space<semaphore_mem>>) src(%dma_wait3A_1066 : memref<64xi32, #tpu.memory_space<hbm>>) dst(%dma_wait3A_1065 : memref<64xi32, #tpu.memory_space<vmem>>)
        %dma_wait3A_1067 = arith.constant 7 : i32
        %dma_wait3A_1068 = arith.constant 7 : i32
        %dma_wait3A_1069 = arith.constant 0 : i32
        %dma_wait3A_1070 = arith.constant 0 : i32
        %dma_wait3A_1071 = tpu.memref_slice %arg9[%dma_wait3A_1067, %dma_wait3A_1069, %dma_wait3A_1070] : memref<8x64x128xf32, #tpu.memory_space<vmem>> -> memref<1x64x128xf32, #tpu.memory_space<vmem>>
        %dma_wait3A_1072 = tpu.memref_squeeze %dma_wait3A_1071 : memref<1x64x128xf32, #tpu.memory_space<vmem>> -> memref<64x128xf32, #tpu.memory_space<vmem>>
        %dma_wait3A_1073 = arith.constant 0 : i32
        %dma_wait3A_1074 = tpu.memref_slice %arg2[%add3A_1055, %dma_wait3A_1073] : memref<320000x128xf32, #tpu.memory_space<hbm>> -> memref<64x128xf32, #tpu.memory_space<hbm>>
        %dma_wait3A_1075 = tpu.memref_slice %arg12[%dma_wait3A_1068] : memref<8x!tpu.dma_semaphore, #tpu.memory_space<semaphore_mem>> -> memref<1x!tpu.dma_semaphore, #tpu.memory_space<semaphore_mem>>
        %dma_wait3A_1076 = tpu.memref_squeeze %dma_wait3A_1075 : memref<1x!tpu.dma_semaphore, #tpu.memory_space<semaphore_mem>> -> memref<!tpu.dma_semaphore, #tpu.memory_space<semaphore_mem>>
        %dma_wait3A_1077 = arith.constant 0 : i32
        %dma_wait3A_1078 = arith.constant 0 : i32
        %dma_wait3A_1079 = tpu.memref_slice %arg9[%dma_wait3A_1067, %dma_wait3A_1077, %dma_wait3A_1078] : memref<8x64x128xf32, #tpu.memory_space<vmem>> -> memref<1x64x128xf32, #tpu.memory_space<vmem>>
        %dma_wait3A_1080 = tpu.memref_squeeze %dma_wait3A_1079 : memref<1x64x128xf32, #tpu.memory_space<vmem>> -> memref<64x128xf32, #tpu.memory_space<vmem>>
        %dma_wait3A_1081 = arith.constant 0 : i32
        %dma_wait3A_1082 = tpu.memref_slice %arg2[%add3A_1055, %dma_wait3A_1081] : memref<320000x128xf32, #tpu.memory_space<hbm>> -> memref<64x128xf32, #tpu.memory_space<hbm>>
        tpu.wait_dma2 semaphore(%dma_wait3A_1076 : memref<!tpu.dma_semaphore, #tpu.memory_space<semaphore_mem>>) src(%dma_wait3A_1082 : memref<64x128xf32, #tpu.memory_space<hbm>>) dst(%dma_wait3A_1080 : memref<64x128xf32, #tpu.memory_space<vmem>>)
        %mul3A_1083 = arith.constant 64 : i32
        %mul3A_1084 = arith.muli %add3A_1048, %mul3A_1083 : i32
        %add3A_1085 = arith.addi %multiple_of3A, %mul3A_1084 : i32
        %scan3A_1086 = arith.constant 0 : i32
        %scan3A_1087 = arith.constant 7 : i32
        %scan3A_1088 = arith.constant 0 : i32
        %scan3A_1089 = arith.constant 4 : i32
        %scan3A_1090 = arith.addi %scan3A_1088, %scan3A_1089 : i32
        %scan3A_1091 = arith.constant 1 : i32
        scf.for %scan3A_1118 = %scan3A_1088 to %scan3A_1090 step %scan3A_1091  : i32 {
          %mul3A_1119 = arith.constant 16 : i32
          %mul3A_1120 = arith.muli %scan3A_1118, %mul3A_1119 : i32
          %add3A_1121 = arith.addi %add3A_1085, %mul3A_1120 : i32
          %iota3A = tpu.iota {dimensions = array<i32: 0>} : vector<16xi32>
          %add3A_1122 = vector.broadcast %add3A_1121 : i32 to vector<16xi32>
          %add3A_1123 = arith.addi %add3A_1122, %iota3A : vector<16xi32>
          %ge3A_1124 = vector.broadcast %squeeze3A : i32 to vector<16xi32>
          %ge3A_1125 = arith.cmpi sge, %add3A_1123, %ge3A_1124 : vector<16xi32>
          %lt3A_1126 = vector.broadcast %squeeze3A_9 : i32 to vector<16xi32>
          %lt3A_1127 = arith.cmpi slt, %add3A_1123, %lt3A_1126 : vector<16xi32>
          %and3A_1128 = arith.andi %ge3A_1125, %lt3A_1127 : vector<16xi1>
          %get3A_1129 = arith.constant 0 : i32
          %get3A_1130 = tpu.memref_slice %arg7[%scan3A_1087, %get3A_1129] : memref<8x64xi32, #tpu.memory_space<vmem>> -> memref<1x64xi32, #tpu.memory_space<vmem>>
          %get3A_1131 = tpu.memref_squeeze %get3A_1130 : memref<1x64xi32, #tpu.memory_space<vmem>> -> memref<64xi32, #tpu.memory_space<vmem>>
          %get3A_1132 = arith.index_cast %mul3A_1120 : i32 to index
          %get3A_1133 = tpu.vector_load %get3A_1131[%get3A_1132] {strides = array<i32>} : memref<64xi32, #tpu.memory_space<vmem>>, vector<16xi32>,
          %get3A_1134 = vector.shape_cast %get3A_1133 : vector<16xi32> to vector<16xi32>
          %mul3A_1135 = arith.constant 5000 : i32
          %mul3A_1136 = arith.muli %arg0, %mul3A_1135 : i32
          %sub3A_1137 = vector.broadcast %mul3A_1136 : i32 to vector<16xi32>
          %sub3A_1138 = arith.subi %get3A_1134, %sub3A_1137 : vector<16xi32>
          %add3A_1139 = arith.constant 5000 : i32
          %add3A_1140 = arith.addi %add3A_1139, %arg1 : i32
          %broadcast_in_dim3A_1141 = vector.broadcast %add3A_1140 : i32 to vector<16xi32>
          %select_n3A_1142 = arith.select %and3A_1128, %sub3A_1138, %broadcast_in_dim3A_1141 : vector<16xi1>, vector<16xi32>
          %swap3A = arith.constant 0 : i32
          %swap3A_1143 = tpu.memref_slice %arg7[%scan3A_1087, %swap3A] : memref<8x64xi32, #tpu.memory_space<vmem>> -> memref<1x64xi32, #tpu.memory_space<vmem>>
          %swap3A_1144 = tpu.memref_squeeze %swap3A_1143 : memref<1x64xi32, #tpu.memory_space<vmem>> -> memref<64xi32, #tpu.memory_space<vmem>>
          %swap3A_1145 = arith.index_cast %mul3A_1120 : i32 to index
          %swap3A_1146 = tpu.vector_load %swap3A_1144[%swap3A_1145] {strides = array<i32>} : memref<64xi32, #tpu.memory_space<vmem>>, vector<16xi32>,
          %swap3A_1147 = vector.shape_cast %swap3A_1146 : vector<16xi32> to vector<16xi32>
          %swap3A_1148 = vector.shape_cast %select_n3A_1142 : vector<16xi32> to vector<16xi32>
          tpu.vector_store %swap3A_1144[%swap3A_1145], %swap3A_1148 {strides = array<i32>} : memref<64xi32, #tpu.memory_space<vmem>>, vector<16xi32>,
        }
        %scan3A_1092 = arith.constant 4 : i32
        %dma_start3A = arith.constant 7 : i32
        %dma_start3A_1093 = arith.constant 7 : i32
        %dma_start3A_1094 = arith.constant 7 : i32
        %dma_start3A_1095 = arith.constant 0 : i32
        %dma_start3A_1096 = arith.constant 0 : i32
        %dma_start3A_1097 = tpu.memref_slice %arg9[%dma_start3A, %dma_start3A_1095, %dma_start3A_1096] : memref<8x64x128xf32, #tpu.memory_space<vmem>> -> memref<1x64x128xf32, #tpu.memory_space<vmem>>
        %dma_start3A_1098 = tpu.memref_squeeze %dma_start3A_1097 : memref<1x64x128xf32, #tpu.memory_space<vmem>> -> memref<64x128xf32, #tpu.memory_space<vmem>>
        %dma_start3A_1099 = arith.constant 0 : i32
        %dma_start3A_1100 = tpu.memref_slice %arg7[%dma_start3A_1093, %dma_start3A_1099] : memref<8x64xi32, #tpu.memory_space<vmem>> -> memref<1x64xi32, #tpu.memory_space<vmem>>
        %dma_start3A_1101 = tpu.memref_squeeze %dma_start3A_1100 : memref<1x64xi32, #tpu.memory_space<vmem>> -> memref<64xi32, #tpu.memory_space<vmem>>
        %dma_start3A_1102 = arith.constant 0 : i32
        %dma_start3A_1103 = arith.constant 0 : i32
        %dma_start3A_1104 = tpu.memref_slice %arg11[%dma_start3A_1102, %dma_start3A_1103] : memref<5024x128xf32, #tpu.memory_space<vmem_shared>> -> memref<5024x128xf32, #tpu.memory_space<vmem_shared>>
        %dma_start3A_1105 = tpu.memref_slice %arg13[%dma_start3A_1094] : memref<8x!tpu.dma_semaphore, #tpu.memory_space<semaphore_mem>> -> memref<1x!tpu.dma_semaphore, #tpu.memory_space<semaphore_mem>>
        %dma_start3A_1106 = tpu.memref_squeeze %dma_start3A_1105 : memref<1x!tpu.dma_semaphore, #tpu.memory_space<semaphore_mem>> -> memref<!tpu.dma_semaphore, #tpu.memory_space<semaphore_mem>>
        tpu.enqueue_indirect_dma source(%dma_start3A_1098 : memref<64x128xf32, #tpu.memory_space<vmem>>) target(%dma_start3A_1104 : memref<5024x128xf32, #tpu.memory_space<vmem_shared>>) offsets(%dma_start3A_1101 : memref<64xi32, #tpu.memory_space<vmem>>) semaphore(%dma_start3A_1106 : memref<!tpu.dma_semaphore, #tpu.memory_space<semaphore_mem>>) {add = true}
        %ge3A_1107 = arith.constant 4 : i32
        %ge3A_1108 = arith.cmpi sge, %add3A_1048, %ge3A_1107 : i32
        %convert_element_type3A_1109 = arith.extui %ge3A_1108 : i1 to i32
        %cond3A_1110 = arith.constant 0 : i32
        %cond3A_1111 = arith.cmpi ne, %convert_element_type3A_1109, %cond3A_1110 : i32
        scf.if %cond3A_1111 {
          %dma_wait3A_1118 = arith.constant 3 : i32
          %dma_wait3A_1119 = arith.constant 3 : i32
          %dma_wait3A_1120 = arith.constant 0 : i32
          %dma_wait3A_1121 = arith.constant 0 : i32
          %dma_wait3A_1122 = tpu.memref_slice %arg9[%dma_wait3A_1118, %dma_wait3A_1120, %dma_wait3A_1121] : memref<8x64x128xf32, #tpu.memory_space<vmem>> -> memref<1x64x128xf32, #tpu.memory_space<vmem>>
          %dma_wait3A_1123 = tpu.memref_squeeze %dma_wait3A_1122 : memref<1x64x128xf32, #tpu.memory_space<vmem>> -> memref<64x128xf32, #tpu.memory_space<vmem>>
          %dma_wait3A_1124 = arith.constant 0 : i32
          %dma_wait3A_1125 = arith.constant 0 : i32
          %dma_wait3A_1126 = tpu.memref_slice %arg11[%dma_wait3A_1124, %dma_wait3A_1125] : memref<5024x128xf32, #tpu.memory_space<vmem_shared>> -> memref<5024x128xf32, #tpu.memory_space<vmem_shared>>
          %dma_wait3A_1127 = tpu.memref_slice %arg13[%dma_wait3A_1119] : memref<8x!tpu.dma_semaphore, #tpu.memory_space<semaphore_mem>> -> memref<1x!tpu.dma_semaphore, #tpu.memory_space<semaphore_mem>>
          %dma_wait3A_1128 = tpu.memref_squeeze %dma_wait3A_1127 : memref<1x!tpu.dma_semaphore, #tpu.memory_space<semaphore_mem>> -> memref<!tpu.dma_semaphore, #tpu.memory_space<semaphore_mem>>
          tpu.wait_indirect_dma semaphore(%dma_wait3A_1128 : memref<!tpu.dma_semaphore, #tpu.memory_space<semaphore_mem>>) src(%dma_wait3A_1123 : memref<64x128xf32, #tpu.memory_space<vmem>>) dst(%dma_wait3A_1126 : memref<5024x128xf32, #tpu.memory_space<vmem_shared>>)
        } else {
        }
        %add3A_1112 = arith.constant 4 : i32
        %add3A_1113 = arith.addi %add3A_1048, %add3A_1112 : i32
        %lt3A_1114 = arith.cmpi slt, %add3A_1113, %select_n3A_52 : i32
        %convert_element_type3A_1115 = arith.extui %lt3A_1114 : i1 to i32
        %cond3A_1116 = arith.constant 0 : i32
        %cond3A_1117 = arith.cmpi ne, %convert_element_type3A_1115, %cond3A_1116 : i32
        scf.if %cond3A_1117 {
          %add3A_1118 = arith.constant 4 : i32
          %add3A_1119 = arith.addi %add3A_1048, %add3A_1118 : i32
          %mul3A_1120 = arith.constant 64 : i32
          %mul3A_1121 = arith.muli %add3A_1119, %mul3A_1120 : i32
          %add3A_1122 = arith.addi %multiple_of3A, %mul3A_1121 : i32
          %dma_start3A_1123 = arith.constant 3 : i32
          %dma_start3A_1124 = arith.constant 3 : i32
          %dma_start3A_1125 = arith.constant 0 : i32
          %dma_start3A_1126 = tpu.memref_slice %arg7[%dma_start3A_1123, %dma_start3A_1125] : memref<8x64xi32, #tpu.memory_space<vmem>> -> memref<1x64xi32, #tpu.memory_space<vmem>>
          %dma_start3A_1127 = tpu.memref_squeeze %dma_start3A_1126 : memref<1x64xi32, #tpu.memory_space<vmem>> -> memref<64xi32, #tpu.memory_space<vmem>>
          %dma_start3A_1128 = tpu.memref_slice %arg3[%add3A_1122] : memref<320000xi32, #tpu.memory_space<hbm>> -> memref<64xi32, #tpu.memory_space<hbm>>
          %dma_start3A_1129 = tpu.memref_slice %arg12[%dma_start3A_1124] : memref<8x!tpu.dma_semaphore, #tpu.memory_space<semaphore_mem>> -> memref<1x!tpu.dma_semaphore, #tpu.memory_space<semaphore_mem>>
          %dma_start3A_1130 = tpu.memref_squeeze %dma_start3A_1129 : memref<1x!tpu.dma_semaphore, #tpu.memory_space<semaphore_mem>> -> memref<!tpu.dma_semaphore, #tpu.memory_space<semaphore_mem>>
          %dma_start3A_1131 = arith.constant 0 : i32
          %dma_start3A_1132 = tpu.memref_slice %arg7[%dma_start3A_1123, %dma_start3A_1131] : memref<8x64xi32, #tpu.memory_space<vmem>> -> memref<1x64xi32, #tpu.memory_space<vmem>>
          %dma_start3A_1133 = tpu.memref_squeeze %dma_start3A_1132 : memref<1x64xi32, #tpu.memory_space<vmem>> -> memref<64xi32, #tpu.memory_space<vmem>>
          %dma_start3A_1134 = tpu.memref_slice %arg3[%add3A_1122] : memref<320000xi32, #tpu.memory_space<hbm>> -> memref<64xi32, #tpu.memory_space<hbm>>
          tpu.enqueue_dma source(%dma_start3A_1134 : memref<64xi32, #tpu.memory_space<hbm>>) target(%dma_start3A_1133 : memref<64xi32, #tpu.memory_space<vmem>>) target_semaphore(%dma_start3A_1130 : memref<!tpu.dma_semaphore, #tpu.memory_space<semaphore_mem>>)
          %dma_start3A_1135 = arith.constant 3 : i32
          %dma_start3A_1136 = arith.constant 3 : i32
          %dma_start3A_1137 = arith.constant 0 : i32
          %dma_start3A_1138 = arith.constant 0 : i32
          %dma_start3A_1139 = tpu.memref_slice %arg9[%dma_start3A_1135, %dma_start3A_1137, %dma_start3A_1138] : memref<8x64x128xf32, #tpu.memory_space<vmem>> -> memref<1x64x128xf32, #tpu.memory_space<vmem>>
          %dma_start3A_1140 = tpu.memref_squeeze %dma_start3A_1139 : memref<1x64x128xf32, #tpu.memory_space<vmem>> -> memref<64x128xf32, #tpu.memory_space<vmem>>
          %dma_start3A_1141 = arith.constant 0 : i32
          %dma_start3A_1142 = tpu.memref_slice %arg2[%add3A_1122, %dma_start3A_1141] : memref<320000x128xf32, #tpu.memory_space<hbm>> -> memref<64x128xf32, #tpu.memory_space<hbm>>
          %dma_start3A_1143 = tpu.memref_slice %arg12[%dma_start3A_1136] : memref<8x!tpu.dma_semaphore, #tpu.memory_space<semaphore_mem>> -> memref<1x!tpu.dma_semaphore, #tpu.memory_space<semaphore_mem>>
          %dma_start3A_1144 = tpu.memref_squeeze %dma_start3A_1143 : memref<1x!tpu.dma_semaphore, #tpu.memory_space<semaphore_mem>> -> memref<!tpu.dma_semaphore, #tpu.memory_space<semaphore_mem>>
          %dma_start3A_1145 = arith.constant 0 : i32
          %dma_start3A_1146 = arith.constant 0 : i32
          %dma_start3A_1147 = tpu.memref_slice %arg9[%dma_start3A_1135, %dma_start3A_1145, %dma_start3A_1146] : memref<8x64x128xf32, #tpu.memory_space<vmem>> -> memref<1x64x128xf32, #tpu.memory_space<vmem>>
          %dma_start3A_1148 = tpu.memref_squeeze %dma_start3A_1147 : memref<1x64x128xf32, #tpu.memory_space<vmem>> -> memref<64x128xf32, #tpu.memory_space<vmem>>
          %dma_start3A_1149 = arith.constant 0 : i32
          %dma_start3A_1150 = tpu.memref_slice %arg2[%add3A_1122, %dma_start3A_1149] : memref<320000x128xf32, #tpu.memory_space<hbm>> -> memref<64x128xf32, #tpu.memory_space<hbm>>
          tpu.enqueue_dma source(%dma_start3A_1150 : memref<64x128xf32, #tpu.memory_space<hbm>>) target(%dma_start3A_1148 : memref<64x128xf32, #tpu.memory_space<vmem>>) target_semaphore(%dma_start3A_1144 : memref<!tpu.dma_semaphore, #tpu.memory_space<semaphore_mem>>)
        } else {
        }
      } else {
      }
    }
    %while3A_126 = arith.constant 1 : i32
    scf.for %while3A_988 = %while3A_124 to %while3A_120 step %while3A_126  : i32 {
      %mul3A_989 = arith.constant 8 : i32
      %mul3A_990 = arith.muli %while3A_988, %mul3A_989 : i32
      %add3A_991 = arith.constant 0 : i32
      %add3A_992 = arith.addi %mul3A_990, %add3A_991 : i32
      %lt3A_993 = arith.cmpi slt, %add3A_992, %select_n3A_52 : i32
      %convert_element_type3A_994 = arith.extui %lt3A_993 : i1 to i32
      %cond3A_995 = arith.constant 0 : i32
      %cond3A_996 = arith.cmpi ne, %convert_element_type3A_994, %cond3A_995 : i32
      scf.if %cond3A_996 {
        %mul3A_1053 = arith.constant 64 : i32
        %mul3A_1054 = arith.muli %add3A_992, %mul3A_1053 : i32
        %add3A_1055 = arith.addi %multiple_of3A, %mul3A_1054 : i32
        %dma_wait3A = arith.constant 0 : i32
        %dma_wait3A_1056 = arith.constant 0 : i32
        %dma_wait3A_1057 = arith.constant 0 : i32
        %dma_wait3A_1058 = tpu.memref_slice %arg7[%dma_wait3A, %dma_wait3A_1057] : memref<8x64xi32, #tpu.memory_space<vmem>> -> memref<1x64xi32, #tpu.memory_space<vmem>>
        %dma_wait3A_1059 = tpu.memref_squeeze %dma_wait3A_1058 : memref<1x64xi32, #tpu.memory_space<vmem>> -> memref<64xi32, #tpu.memory_space<vmem>>
        %dma_wait3A_1060 = tpu.memref_slice %arg3[%add3A_1055] : memref<320000xi32, #tpu.memory_space<hbm>> -> memref<64xi32, #tpu.memory_space<hbm>>
        %dma_wait3A_1061 = tpu.memref_slice %arg12[%dma_wait3A_1056] : memref<8x!tpu.dma_semaphore, #tpu.memory_space<semaphore_mem>> -> memref<1x!tpu.dma_semaphore, #tpu.memory_space<semaphore_mem>>
        %dma_wait3A_1062 = tpu.memref_squeeze %dma_wait3A_1061 : memref<1x!tpu.dma_semaphore, #tpu.memory_space<semaphore_mem>> -> memref<!tpu.dma_semaphore, #tpu.memory_space<semaphore_mem>>
        %dma_wait3A_1063 = arith.constant 0 : i32
        %dma_wait3A_1064 = tpu.memref_slice %arg7[%dma_wait3A, %dma_wait3A_1063] : memref<8x64xi32, #tpu.memory_space<vmem>> -> memref<1x64xi32, #tpu.memory_space<vmem>>
        %dma_wait3A_1065 = tpu.memref_squeeze %dma_wait3A_1064 : memref<1x64xi32, #tpu.memory_space<vmem>> -> memref<64xi32, #tpu.memory_space<vmem>>
        %dma_wait3A_1066 = tpu.memref_slice %arg3[%add3A_1055] : memref<320000xi32, #tpu.memory_space<hbm>> -> memref<64xi32, #tpu.memory_space<hbm>>
        tpu.wait_dma2 semaphore(%dma_wait3A_1062 : memref<!tpu.dma_semaphore, #tpu.memory_space<semaphore_mem>>) src(%dma_wait3A_1066 : memref<64xi32, #tpu.memory_space<hbm>>) dst(%dma_wait3A_1065 : memref<64xi32, #tpu.memory_space<vmem>>)
        %dma_wait3A_1067 = arith.constant 0 : i32
        %dma_wait3A_1068 = arith.constant 0 : i32
        %dma_wait3A_1069 = arith.constant 0 : i32
        %dma_wait3A_1070 = arith.constant 0 : i32
        %dma_wait3A_1071 = tpu.memref_slice %arg9[%dma_wait3A_1067, %dma_wait3A_1069, %dma_wait3A_1070] : memref<8x64x128xf32, #tpu.memory_space<vmem>> -> memref<1x64x128xf32, #tpu.memory_space<vmem>>
        %dma_wait3A_1072 = tpu.memref_squeeze %dma_wait3A_1071 : memref<1x64x128xf32, #tpu.memory_space<vmem>> -> memref<64x128xf32, #tpu.memory_space<vmem>>
        %dma_wait3A_1073 = arith.constant 0 : i32
        %dma_wait3A_1074 = tpu.memref_slice %arg2[%add3A_1055, %dma_wait3A_1073] : memref<320000x128xf32, #tpu.memory_space<hbm>> -> memref<64x128xf32, #tpu.memory_space<hbm>>
        %dma_wait3A_1075 = tpu.memref_slice %arg12[%dma_wait3A_1068] : memref<8x!tpu.dma_semaphore, #tpu.memory_space<semaphore_mem>> -> memref<1x!tpu.dma_semaphore, #tpu.memory_space<semaphore_mem>>
        %dma_wait3A_1076 = tpu.memref_squeeze %dma_wait3A_1075 : memref<1x!tpu.dma_semaphore, #tpu.memory_space<semaphore_mem>> -> memref<!tpu.dma_semaphore, #tpu.memory_space<semaphore_mem>>
        %dma_wait3A_1077 = arith.constant 0 : i32
        %dma_wait3A_1078 = arith.constant 0 : i32
        %dma_wait3A_1079 = tpu.memref_slice %arg9[%dma_wait3A_1067, %dma_wait3A_1077, %dma_wait3A_1078] : memref<8x64x128xf32, #tpu.memory_space<vmem>> -> memref<1x64x128xf32, #tpu.memory_space<vmem>>
        %dma_wait3A_1080 = tpu.memref_squeeze %dma_wait3A_1079 : memref<1x64x128xf32, #tpu.memory_space<vmem>> -> memref<64x128xf32, #tpu.memory_space<vmem>>
        %dma_wait3A_1081 = arith.constant 0 : i32
        %dma_wait3A_1082 = tpu.memref_slice %arg2[%add3A_1055, %dma_wait3A_1081] : memref<320000x128xf32, #tpu.memory_space<hbm>> -> memref<64x128xf32, #tpu.memory_space<hbm>>
        tpu.wait_dma2 semaphore(%dma_wait3A_1076 : memref<!tpu.dma_semaphore, #tpu.memory_space<semaphore_mem>>) src(%dma_wait3A_1082 : memref<64x128xf32, #tpu.memory_space<hbm>>) dst(%dma_wait3A_1080 : memref<64x128xf32, #tpu.memory_space<vmem>>)
        %mul3A_1083 = arith.constant 64 : i32
        %mul3A_1084 = arith.muli %add3A_992, %mul3A_1083 : i32
        %add3A_1085 = arith.addi %multiple_of3A, %mul3A_1084 : i32
        %scan3A_1086 = arith.constant 0 : i32
        %scan3A_1087 = arith.constant 0 : i32
        %scan3A_1088 = arith.constant 0 : i32
        %scan3A_1089 = arith.constant 4 : i32
        %scan3A_1090 = arith.addi %scan3A_1088, %scan3A_1089 : i32
        %scan3A_1091 = arith.constant 1 : i32
        scf.for %scan3A_1118 = %scan3A_1088 to %scan3A_1090 step %scan3A_1091  : i32 {
          %mul3A_1119 = arith.constant 16 : i32
          %mul3A_1120 = arith.muli %scan3A_1118, %mul3A_1119 : i32
          %add3A_1121 = arith.addi %add3A_1085, %mul3A_1120 : i32
          %iota3A = tpu.iota {dimensions = array<i32: 0>} : vector<16xi32>
          %add3A_1122 = vector.broadcast %add3A_1121 : i32 to vector<16xi32>
          %add3A_1123 = arith.addi %add3A_1122, %iota3A : vector<16xi32>
          %ge3A_1124 = vector.broadcast %squeeze3A : i32 to vector<16xi32>
          %ge3A_1125 = arith.cmpi sge, %add3A_1123, %ge3A_1124 : vector<16xi32>
          %lt3A_1126 = vector.broadcast %squeeze3A_9 : i32 to vector<16xi32>
          %lt3A_1127 = arith.cmpi slt, %add3A_1123, %lt3A_1126 : vector<16xi32>
          %and3A_1128 = arith.andi %ge3A_1125, %lt3A_1127 : vector<16xi1>
          %get3A_1129 = arith.constant 0 : i32
          %get3A_1130 = tpu.memref_slice %arg7[%scan3A_1087, %get3A_1129] : memref<8x64xi32, #tpu.memory_space<vmem>> -> memref<1x64xi32, #tpu.memory_space<vmem>>
          %get3A_1131 = tpu.memref_squeeze %get3A_1130 : memref<1x64xi32, #tpu.memory_space<vmem>> -> memref<64xi32, #tpu.memory_space<vmem>>
          %get3A_1132 = arith.index_cast %mul3A_1120 : i32 to index
          %get3A_1133 = tpu.vector_load %get3A_1131[%get3A_1132] {strides = array<i32>} : memref<64xi32, #tpu.memory_space<vmem>>, vector<16xi32>,
          %get3A_1134 = vector.shape_cast %get3A_1133 : vector<16xi32> to vector<16xi32>
          %mul3A_1135 = arith.constant 5000 : i32
          %mul3A_1136 = arith.muli %arg0, %mul3A_1135 : i32
          %sub3A_1137 = vector.broadcast %mul3A_1136 : i32 to vector<16xi32>
          %sub3A_1138 = arith.subi %get3A_1134, %sub3A_1137 : vector<16xi32>
          %add3A_1139 = arith.constant 5000 : i32
          %add3A_1140 = arith.addi %add3A_1139, %arg1 : i32
          %broadcast_in_dim3A_1141 = vector.broadcast %add3A_1140 : i32 to vector<16xi32>
          %select_n3A_1142 = arith.select %and3A_1128, %sub3A_1138, %broadcast_in_dim3A_1141 : vector<16xi1>, vector<16xi32>
          %swap3A = arith.constant 0 : i32
          %swap3A_1143 = tpu.memref_slice %arg7[%scan3A_1087, %swap3A] : memref<8x64xi32, #tpu.memory_space<vmem>> -> memref<1x64xi32, #tpu.memory_space<vmem>>
          %swap3A_1144 = tpu.memref_squeeze %swap3A_1143 : memref<1x64xi32, #tpu.memory_space<vmem>> -> memref<64xi32, #tpu.memory_space<vmem>>
          %swap3A_1145 = arith.index_cast %mul3A_1120 : i32 to index
          %swap3A_1146 = tpu.vector_load %swap3A_1144[%swap3A_1145] {strides = array<i32>} : memref<64xi32, #tpu.memory_space<vmem>>, vector<16xi32>,
          %swap3A_1147 = vector.shape_cast %swap3A_1146 : vector<16xi32> to vector<16xi32>
          %swap3A_1148 = vector.shape_cast %select_n3A_1142 : vector<16xi32> to vector<16xi32>
          tpu.vector_store %swap3A_1144[%swap3A_1145], %swap3A_1148 {strides = array<i32>} : memref<64xi32, #tpu.memory_space<vmem>>, vector<16xi32>,
        }
        %scan3A_1092 = arith.constant 4 : i32
        %dma_start3A = arith.constant 0 : i32
        %dma_start3A_1093 = arith.constant 0 : i32
        %dma_start3A_1094 = arith.constant 0 : i32
        %dma_start3A_1095 = arith.constant 0 : i32
        %dma_start3A_1096 = arith.constant 0 : i32
        %dma_start3A_1097 = tpu.memref_slice %arg9[%dma_start3A, %dma_start3A_1095, %dma_start3A_1096] : memref<8x64x128xf32, #tpu.memory_space<vmem>> -> memref<1x64x128xf32, #tpu.memory_space<vmem>>
        %dma_start3A_1098 = tpu.memref_squeeze %dma_start3A_1097 : memref<1x64x128xf32, #tpu.memory_space<vmem>> -> memref<64x128xf32, #tpu.memory_space<vmem>>
        %dma_start3A_1099 = arith.constant 0 : i32
        %dma_start3A_1100 = tpu.memref_slice %arg7[%dma_start3A_1093, %dma_start3A_1099] : memref<8x64xi32, #tpu.memory_space<vmem>> -> memref<1x64xi32, #tpu.memory_space<vmem>>
        %dma_start3A_1101 = tpu.memref_squeeze %dma_start3A_1100 : memref<1x64xi32, #tpu.memory_space<vmem>> -> memref<64xi32, #tpu.memory_space<vmem>>
        %dma_start3A_1102 = arith.constant 0 : i32
        %dma_start3A_1103 = arith.constant 0 : i32
        %dma_start3A_1104 = tpu.memref_slice %arg11[%dma_start3A_1102, %dma_start3A_1103] : memref<5024x128xf32, #tpu.memory_space<vmem_shared>> -> memref<5024x128xf32, #tpu.memory_space<vmem_shared>>
        %dma_start3A_1105 = tpu.memref_slice %arg13[%dma_start3A_1094] : memref<8x!tpu.dma_semaphore, #tpu.memory_space<semaphore_mem>> -> memref<1x!tpu.dma_semaphore, #tpu.memory_space<semaphore_mem>>
        %dma_start3A_1106 = tpu.memref_squeeze %dma_start3A_1105 : memref<1x!tpu.dma_semaphore, #tpu.memory_space<semaphore_mem>> -> memref<!tpu.dma_semaphore, #tpu.memory_space<semaphore_mem>>
        tpu.enqueue_indirect_dma source(%dma_start3A_1098 : memref<64x128xf32, #tpu.memory_space<vmem>>) target(%dma_start3A_1104 : memref<5024x128xf32, #tpu.memory_space<vmem_shared>>) offsets(%dma_start3A_1101 : memref<64xi32, #tpu.memory_space<vmem>>) semaphore(%dma_start3A_1106 : memref<!tpu.dma_semaphore, #tpu.memory_space<semaphore_mem>>) {add = true}
        %ge3A_1107 = arith.constant 4 : i32
        %ge3A_1108 = arith.cmpi sge, %add3A_992, %ge3A_1107 : i32
        %convert_element_type3A_1109 = arith.extui %ge3A_1108 : i1 to i32
        %cond3A_1110 = arith.constant 0 : i32
        %cond3A_1111 = arith.cmpi ne, %convert_element_type3A_1109, %cond3A_1110 : i32
        scf.if %cond3A_1111 {
          %dma_wait3A_1118 = arith.constant 4 : i32
          %dma_wait3A_1119 = arith.constant 4 : i32
          %dma_wait3A_1120 = arith.constant 0 : i32
          %dma_wait3A_1121 = arith.constant 0 : i32
          %dma_wait3A_1122 = tpu.memref_slice %arg9[%dma_wait3A_1118, %dma_wait3A_1120, %dma_wait3A_1121] : memref<8x64x128xf32, #tpu.memory_space<vmem>> -> memref<1x64x128xf32, #tpu.memory_space<vmem>>
          %dma_wait3A_1123 = tpu.memref_squeeze %dma_wait3A_1122 : memref<1x64x128xf32, #tpu.memory_space<vmem>> -> memref<64x128xf32, #tpu.memory_space<vmem>>
          %dma_wait3A_1124 = arith.constant 0 : i32
          %dma_wait3A_1125 = arith.constant 0 : i32
          %dma_wait3A_1126 = tpu.memref_slice %arg11[%dma_wait3A_1124, %dma_wait3A_1125] : memref<5024x128xf32, #tpu.memory_space<vmem_shared>> -> memref<5024x128xf32, #tpu.memory_space<vmem_shared>>
          %dma_wait3A_1127 = tpu.memref_slice %arg13[%dma_wait3A_1119] : memref<8x!tpu.dma_semaphore, #tpu.memory_space<semaphore_mem>> -> memref<1x!tpu.dma_semaphore, #tpu.memory_space<semaphore_mem>>
          %dma_wait3A_1128 = tpu.memref_squeeze %dma_wait3A_1127 : memref<1x!tpu.dma_semaphore, #tpu.memory_space<semaphore_mem>> -> memref<!tpu.dma_semaphore, #tpu.memory_space<semaphore_mem>>
          tpu.wait_indirect_dma semaphore(%dma_wait3A_1128 : memref<!tpu.dma_semaphore, #tpu.memory_space<semaphore_mem>>) src(%dma_wait3A_1123 : memref<64x128xf32, #tpu.memory_space<vmem>>) dst(%dma_wait3A_1126 : memref<5024x128xf32, #tpu.memory_space<vmem_shared>>)
        } else {
        }
        %add3A_1112 = arith.constant 4 : i32
        %add3A_1113 = arith.addi %add3A_992, %add3A_1112 : i32
        %lt3A_1114 = arith.cmpi slt, %add3A_1113, %select_n3A_52 : i32
        %convert_element_type3A_1115 = arith.extui %lt3A_1114 : i1 to i32
        %cond3A_1116 = arith.constant 0 : i32
        %cond3A_1117 = arith.cmpi ne, %convert_element_type3A_1115, %cond3A_1116 : i32
        scf.if %cond3A_1117 {
          %add3A_1118 = arith.constant 4 : i32
          %add3A_1119 = arith.addi %add3A_992, %add3A_1118 : i32
          %mul3A_1120 = arith.constant 64 : i32
          %mul3A_1121 = arith.muli %add3A_1119, %mul3A_1120 : i32
          %add3A_1122 = arith.addi %multiple_of3A, %mul3A_1121 : i32
          %dma_start3A_1123 = arith.constant 4 : i32
          %dma_start3A_1124 = arith.constant 4 : i32
          %dma_start3A_1125 = arith.constant 0 : i32
          %dma_start3A_1126 = tpu.memref_slice %arg7[%dma_start3A_1123, %dma_start3A_1125] : memref<8x64xi32, #tpu.memory_space<vmem>> -> memref<1x64xi32, #tpu.memory_space<vmem>>
          %dma_start3A_1127 = tpu.memref_squeeze %dma_start3A_1126 : memref<1x64xi32, #tpu.memory_space<vmem>> -> memref<64xi32, #tpu.memory_space<vmem>>
          %dma_start3A_1128 = tpu.memref_slice %arg3[%add3A_1122] : memref<320000xi32, #tpu.memory_space<hbm>> -> memref<64xi32, #tpu.memory_space<hbm>>
          %dma_start3A_1129 = tpu.memref_slice %arg12[%dma_start3A_1124] : memref<8x!tpu.dma_semaphore, #tpu.memory_space<semaphore_mem>> -> memref<1x!tpu.dma_semaphore, #tpu.memory_space<semaphore_mem>>
          %dma_start3A_1130 = tpu.memref_squeeze %dma_start3A_1129 : memref<1x!tpu.dma_semaphore, #tpu.memory_space<semaphore_mem>> -> memref<!tpu.dma_semaphore, #tpu.memory_space<semaphore_mem>>
          %dma_start3A_1131 = arith.constant 0 : i32
          %dma_start3A_1132 = tpu.memref_slice %arg7[%dma_start3A_1123, %dma_start3A_1131] : memref<8x64xi32, #tpu.memory_space<vmem>> -> memref<1x64xi32, #tpu.memory_space<vmem>>
          %dma_start3A_1133 = tpu.memref_squeeze %dma_start3A_1132 : memref<1x64xi32, #tpu.memory_space<vmem>> -> memref<64xi32, #tpu.memory_space<vmem>>
          %dma_start3A_1134 = tpu.memref_slice %arg3[%add3A_1122] : memref<320000xi32, #tpu.memory_space<hbm>> -> memref<64xi32, #tpu.memory_space<hbm>>
          tpu.enqueue_dma source(%dma_start3A_1134 : memref<64xi32, #tpu.memory_space<hbm>>) target(%dma_start3A_1133 : memref<64xi32, #tpu.memory_space<vmem>>) target_semaphore(%dma_start3A_1130 : memref<!tpu.dma_semaphore, #tpu.memory_space<semaphore_mem>>)
          %dma_start3A_1135 = arith.constant 4 : i32
          %dma_start3A_1136 = arith.constant 4 : i32
          %dma_start3A_1137 = arith.constant 0 : i32
          %dma_start3A_1138 = arith.constant 0 : i32
          %dma_start3A_1139 = tpu.memref_slice %arg9[%dma_start3A_1135, %dma_start3A_1137, %dma_start3A_1138] : memref<8x64x128xf32, #tpu.memory_space<vmem>> -> memref<1x64x128xf32, #tpu.memory_space<vmem>>
          %dma_start3A_1140 = tpu.memref_squeeze %dma_start3A_1139 : memref<1x64x128xf32, #tpu.memory_space<vmem>> -> memref<64x128xf32, #tpu.memory_space<vmem>>
          %dma_start3A_1141 = arith.constant 0 : i32
          %dma_start3A_1142 = tpu.memref_slice %arg2[%add3A_1122, %dma_start3A_1141] : memref<320000x128xf32, #tpu.memory_space<hbm>> -> memref<64x128xf32, #tpu.memory_space<hbm>>
          %dma_start3A_1143 = tpu.memref_slice %arg12[%dma_start3A_1136] : memref<8x!tpu.dma_semaphore, #tpu.memory_space<semaphore_mem>> -> memref<1x!tpu.dma_semaphore, #tpu.memory_space<semaphore_mem>>
          %dma_start3A_1144 = tpu.memref_squeeze %dma_start3A_1143 : memref<1x!tpu.dma_semaphore, #tpu.memory_space<semaphore_mem>> -> memref<!tpu.dma_semaphore, #tpu.memory_space<semaphore_mem>>
          %dma_start3A_1145 = arith.constant 0 : i32
          %dma_start3A_1146 = arith.constant 0 : i32
          %dma_start3A_1147 = tpu.memref_slice %arg9[%dma_start3A_1135, %dma_start3A_1145, %dma_start3A_1146] : memref<8x64x128xf32, #tpu.memory_space<vmem>> -> memref<1x64x128xf32, #tpu.memory_space<vmem>>
          %dma_start3A_1148 = tpu.memref_squeeze %dma_start3A_1147 : memref<1x64x128xf32, #tpu.memory_space<vmem>> -> memref<64x128xf32, #tpu.memory_space<vmem>>
          %dma_start3A_1149 = arith.constant 0 : i32
          %dma_start3A_1150 = tpu.memref_slice %arg2[%add3A_1122, %dma_start3A_1149] : memref<320000x128xf32, #tpu.memory_space<hbm>> -> memref<64x128xf32, #tpu.memory_space<hbm>>
          tpu.enqueue_dma source(%dma_start3A_1150 : memref<64x128xf32, #tpu.memory_space<hbm>>) target(%dma_start3A_1148 : memref<64x128xf32, #tpu.memory_space<vmem>>) target_semaphore(%dma_start3A_1144 : memref<!tpu.dma_semaphore, #tpu.memory_space<semaphore_mem>>)
        } else {
        }
      } else {
      }
      %mul3A_997 = arith.constant 8 : i32
      %mul3A_998 = arith.muli %while3A_988, %mul3A_997 : i32
      %add3A_999 = arith.constant 1 : i32
      %add3A_1000 = arith.addi %mul3A_998, %add3A_999 : i32
      %lt3A_1001 = arith.cmpi slt, %add3A_1000, %select_n3A_52 : i32
      %convert_element_type3A_1002 = arith.extui %lt3A_1001 : i1 to i32
      %cond3A_1003 = arith.constant 0 : i32
      %cond3A_1004 = arith.cmpi ne, %convert_element_type3A_1002, %cond3A_1003 : i32
      scf.if %cond3A_1004 {
        %mul3A_1053 = arith.constant 64 : i32
        %mul3A_1054 = arith.muli %add3A_1000, %mul3A_1053 : i32
        %add3A_1055 = arith.addi %multiple_of3A, %mul3A_1054 : i32
        %dma_wait3A = arith.constant 1 : i32
        %dma_wait3A_1056 = arith.constant 1 : i32
        %dma_wait3A_1057 = arith.constant 0 : i32
        %dma_wait3A_1058 = tpu.memref_slice %arg7[%dma_wait3A, %dma_wait3A_1057] : memref<8x64xi32, #tpu.memory_space<vmem>> -> memref<1x64xi32, #tpu.memory_space<vmem>>
        %dma_wait3A_1059 = tpu.memref_squeeze %dma_wait3A_1058 : memref<1x64xi32, #tpu.memory_space<vmem>> -> memref<64xi32, #tpu.memory_space<vmem>>
        %dma_wait3A_1060 = tpu.memref_slice %arg3[%add3A_1055] : memref<320000xi32, #tpu.memory_space<hbm>> -> memref<64xi32, #tpu.memory_space<hbm>>
        %dma_wait3A_1061 = tpu.memref_slice %arg12[%dma_wait3A_1056] : memref<8x!tpu.dma_semaphore, #tpu.memory_space<semaphore_mem>> -> memref<1x!tpu.dma_semaphore, #tpu.memory_space<semaphore_mem>>
        %dma_wait3A_1062 = tpu.memref_squeeze %dma_wait3A_1061 : memref<1x!tpu.dma_semaphore, #tpu.memory_space<semaphore_mem>> -> memref<!tpu.dma_semaphore, #tpu.memory_space<semaphore_mem>>
        %dma_wait3A_1063 = arith.constant 0 : i32
        %dma_wait3A_1064 = tpu.memref_slice %arg7[%dma_wait3A, %dma_wait3A_1063] : memref<8x64xi32, #tpu.memory_space<vmem>> -> memref<1x64xi32, #tpu.memory_space<vmem>>
        %dma_wait3A_1065 = tpu.memref_squeeze %dma_wait3A_1064 : memref<1x64xi32, #tpu.memory_space<vmem>> -> memref<64xi32, #tpu.memory_space<vmem>>
        %dma_wait3A_1066 = tpu.memref_slice %arg3[%add3A_1055] : memref<320000xi32, #tpu.memory_space<hbm>> -> memref<64xi32, #tpu.memory_space<hbm>>
        tpu.wait_dma2 semaphore(%dma_wait3A_1062 : memref<!tpu.dma_semaphore, #tpu.memory_space<semaphore_mem>>) src(%dma_wait3A_1066 : memref<64xi32, #tpu.memory_space<hbm>>) dst(%dma_wait3A_1065 : memref<64xi32, #tpu.memory_space<vmem>>)
        %dma_wait3A_1067 = arith.constant 1 : i32
        %dma_wait3A_1068 = arith.constant 1 : i32
        %dma_wait3A_1069 = arith.constant 0 : i32
        %dma_wait3A_1070 = arith.constant 0 : i32
        %dma_wait3A_1071 = tpu.memref_slice %arg9[%dma_wait3A_1067, %dma_wait3A_1069, %dma_wait3A_1070] : memref<8x64x128xf32, #tpu.memory_space<vmem>> -> memref<1x64x128xf32, #tpu.memory_space<vmem>>
        %dma_wait3A_1072 = tpu.memref_squeeze %dma_wait3A_1071 : memref<1x64x128xf32, #tpu.memory_space<vmem>> -> memref<64x128xf32, #tpu.memory_space<vmem>>
        %dma_wait3A_1073 = arith.constant 0 : i32
        %dma_wait3A_1074 = tpu.memref_slice %arg2[%add3A_1055, %dma_wait3A_1073] : memref<320000x128xf32, #tpu.memory_space<hbm>> -> memref<64x128xf32, #tpu.memory_space<hbm>>
        %dma_wait3A_1075 = tpu.memref_slice %arg12[%dma_wait3A_1068] : memref<8x!tpu.dma_semaphore, #tpu.memory_space<semaphore_mem>> -> memref<1x!tpu.dma_semaphore, #tpu.memory_space<semaphore_mem>>
        %dma_wait3A_1076 = tpu.memref_squeeze %dma_wait3A_1075 : memref<1x!tpu.dma_semaphore, #tpu.memory_space<semaphore_mem>> -> memref<!tpu.dma_semaphore, #tpu.memory_space<semaphore_mem>>
        %dma_wait3A_1077 = arith.constant 0 : i32
        %dma_wait3A_1078 = arith.constant 0 : i32
        %dma_wait3A_1079 = tpu.memref_slice %arg9[%dma_wait3A_1067, %dma_wait3A_1077, %dma_wait3A_1078] : memref<8x64x128xf32, #tpu.memory_space<vmem>> -> memref<1x64x128xf32, #tpu.memory_space<vmem>>
        %dma_wait3A_1080 = tpu.memref_squeeze %dma_wait3A_1079 : memref<1x64x128xf32, #tpu.memory_space<vmem>> -> memref<64x128xf32, #tpu.memory_space<vmem>>
        %dma_wait3A_1081 = arith.constant 0 : i32
        %dma_wait3A_1082 = tpu.memref_slice %arg2[%add3A_1055, %dma_wait3A_1081] : memref<320000x128xf32, #tpu.memory_space<hbm>> -> memref<64x128xf32, #tpu.memory_space<hbm>>
        tpu.wait_dma2 semaphore(%dma_wait3A_1076 : memref<!tpu.dma_semaphore, #tpu.memory_space<semaphore_mem>>) src(%dma_wait3A_1082 : memref<64x128xf32, #tpu.memory_space<hbm>>) dst(%dma_wait3A_1080 : memref<64x128xf32, #tpu.memory_space<vmem>>)
        %mul3A_1083 = arith.constant 64 : i32
        %mul3A_1084 = arith.muli %add3A_1000, %mul3A_1083 : i32
        %add3A_1085 = arith.addi %multiple_of3A, %mul3A_1084 : i32
        %scan3A_1086 = arith.constant 0 : i32
        %scan3A_1087 = arith.constant 1 : i32
        %scan3A_1088 = arith.constant 0 : i32
        %scan3A_1089 = arith.constant 4 : i32
        %scan3A_1090 = arith.addi %scan3A_1088, %scan3A_1089 : i32
        %scan3A_1091 = arith.constant 1 : i32
        scf.for %scan3A_1118 = %scan3A_1088 to %scan3A_1090 step %scan3A_1091  : i32 {
          %mul3A_1119 = arith.constant 16 : i32
          %mul3A_1120 = arith.muli %scan3A_1118, %mul3A_1119 : i32
          %add3A_1121 = arith.addi %add3A_1085, %mul3A_1120 : i32
          %iota3A = tpu.iota {dimensions = array<i32: 0>} : vector<16xi32>
          %add3A_1122 = vector.broadcast %add3A_1121 : i32 to vector<16xi32>
          %add3A_1123 = arith.addi %add3A_1122, %iota3A : vector<16xi32>
          %ge3A_1124 = vector.broadcast %squeeze3A : i32 to vector<16xi32>
          %ge3A_1125 = arith.cmpi sge, %add3A_1123, %ge3A_1124 : vector<16xi32>
          %lt3A_1126 = vector.broadcast %squeeze3A_9 : i32 to vector<16xi32>
          %lt3A_1127 = arith.cmpi slt, %add3A_1123, %lt3A_1126 : vector<16xi32>
          %and3A_1128 = arith.andi %ge3A_1125, %lt3A_1127 : vector<16xi1>
          %get3A_1129 = arith.constant 0 : i32
          %get3A_1130 = tpu.memref_slice %arg7[%scan3A_1087, %get3A_1129] : memref<8x64xi32, #tpu.memory_space<vmem>> -> memref<1x64xi32, #tpu.memory_space<vmem>>
          %get3A_1131 = tpu.memref_squeeze %get3A_1130 : memref<1x64xi32, #tpu.memory_space<vmem>> -> memref<64xi32, #tpu.memory_space<vmem>>
          %get3A_1132 = arith.index_cast %mul3A_1120 : i32 to index
          %get3A_1133 = tpu.vector_load %get3A_1131[%get3A_1132] {strides = array<i32>} : memref<64xi32, #tpu.memory_space<vmem>>, vector<16xi32>,
          %get3A_1134 = vector.shape_cast %get3A_1133 : vector<16xi32> to vector<16xi32>
          %mul3A_1135 = arith.constant 5000 : i32
          %mul3A_1136 = arith.muli %arg0, %mul3A_1135 : i32
          %sub3A_1137 = vector.broadcast %mul3A_1136 : i32 to vector<16xi32>
          %sub3A_1138 = arith.subi %get3A_1134, %sub3A_1137 : vector<16xi32>
          %add3A_1139 = arith.constant 5000 : i32
          %add3A_1140 = arith.addi %add3A_1139, %arg1 : i32
          %broadcast_in_dim3A_1141 = vector.broadcast %add3A_1140 : i32 to vector<16xi32>
          %select_n3A_1142 = arith.select %and3A_1128, %sub3A_1138, %broadcast_in_dim3A_1141 : vector<16xi1>, vector<16xi32>
          %swap3A = arith.constant 0 : i32
          %swap3A_1143 = tpu.memref_slice %arg7[%scan3A_1087, %swap3A] : memref<8x64xi32, #tpu.memory_space<vmem>> -> memref<1x64xi32, #tpu.memory_space<vmem>>
          %swap3A_1144 = tpu.memref_squeeze %swap3A_1143 : memref<1x64xi32, #tpu.memory_space<vmem>> -> memref<64xi32, #tpu.memory_space<vmem>>
          %swap3A_1145 = arith.index_cast %mul3A_1120 : i32 to index
          %swap3A_1146 = tpu.vector_load %swap3A_1144[%swap3A_1145] {strides = array<i32>} : memref<64xi32, #tpu.memory_space<vmem>>, vector<16xi32>,
          %swap3A_1147 = vector.shape_cast %swap3A_1146 : vector<16xi32> to vector<16xi32>
          %swap3A_1148 = vector.shape_cast %select_n3A_1142 : vector<16xi32> to vector<16xi32>
          tpu.vector_store %swap3A_1144[%swap3A_1145], %swap3A_1148 {strides = array<i32>} : memref<64xi32, #tpu.memory_space<vmem>>, vector<16xi32>,
        }
        %scan3A_1092 = arith.constant 4 : i32
        %dma_start3A = arith.constant 1 : i32
        %dma_start3A_1093 = arith.constant 1 : i32
        %dma_start3A_1094 = arith.constant 1 : i32
        %dma_start3A_1095 = arith.constant 0 : i32
        %dma_start3A_1096 = arith.constant 0 : i32
        %dma_start3A_1097 = tpu.memref_slice %arg9[%dma_start3A, %dma_start3A_1095, %dma_start3A_1096] : memref<8x64x128xf32, #tpu.memory_space<vmem>> -> memref<1x64x128xf32, #tpu.memory_space<vmem>>
        %dma_start3A_1098 = tpu.memref_squeeze %dma_start3A_1097 : memref<1x64x128xf32, #tpu.memory_space<vmem>> -> memref<64x128xf32, #tpu.memory_space<vmem>>
        %dma_start3A_1099 = arith.constant 0 : i32
        %dma_start3A_1100 = tpu.memref_slice %arg7[%dma_start3A_1093, %dma_start3A_1099] : memref<8x64xi32, #tpu.memory_space<vmem>> -> memref<1x64xi32, #tpu.memory_space<vmem>>
        %dma_start3A_1101 = tpu.memref_squeeze %dma_start3A_1100 : memref<1x64xi32, #tpu.memory_space<vmem>> -> memref<64xi32, #tpu.memory_space<vmem>>
        %dma_start3A_1102 = arith.constant 0 : i32
        %dma_start3A_1103 = arith.constant 0 : i32
        %dma_start3A_1104 = tpu.memref_slice %arg11[%dma_start3A_1102, %dma_start3A_1103] : memref<5024x128xf32, #tpu.memory_space<vmem_shared>> -> memref<5024x128xf32, #tpu.memory_space<vmem_shared>>
        %dma_start3A_1105 = tpu.memref_slice %arg13[%dma_start3A_1094] : memref<8x!tpu.dma_semaphore, #tpu.memory_space<semaphore_mem>> -> memref<1x!tpu.dma_semaphore, #tpu.memory_space<semaphore_mem>>
        %dma_start3A_1106 = tpu.memref_squeeze %dma_start3A_1105 : memref<1x!tpu.dma_semaphore, #tpu.memory_space<semaphore_mem>> -> memref<!tpu.dma_semaphore, #tpu.memory_space<semaphore_mem>>
        tpu.enqueue_indirect_dma source(%dma_start3A_1098 : memref<64x128xf32, #tpu.memory_space<vmem>>) target(%dma_start3A_1104 : memref<5024x128xf32, #tpu.memory_space<vmem_shared>>) offsets(%dma_start3A_1101 : memref<64xi32, #tpu.memory_space<vmem>>) semaphore(%dma_start3A_1106 : memref<!tpu.dma_semaphore, #tpu.memory_space<semaphore_mem>>) {add = true}
        %ge3A_1107 = arith.constant 4 : i32
        %ge3A_1108 = arith.cmpi sge, %add3A_1000, %ge3A_1107 : i32
        %convert_element_type3A_1109 = arith.extui %ge3A_1108 : i1 to i32
        %cond3A_1110 = arith.constant 0 : i32
        %cond3A_1111 = arith.cmpi ne, %convert_element_type3A_1109, %cond3A_1110 : i32
        scf.if %cond3A_1111 {
          %dma_wait3A_1118 = arith.constant 5 : i32
          %dma_wait3A_1119 = arith.constant 5 : i32
          %dma_wait3A_1120 = arith.constant 0 : i32
          %dma_wait3A_1121 = arith.constant 0 : i32
          %dma_wait3A_1122 = tpu.memref_slice %arg9[%dma_wait3A_1118, %dma_wait3A_1120, %dma_wait3A_1121] : memref<8x64x128xf32, #tpu.memory_space<vmem>> -> memref<1x64x128xf32, #tpu.memory_space<vmem>>
          %dma_wait3A_1123 = tpu.memref_squeeze %dma_wait3A_1122 : memref<1x64x128xf32, #tpu.memory_space<vmem>> -> memref<64x128xf32, #tpu.memory_space<vmem>>
          %dma_wait3A_1124 = arith.constant 0 : i32
          %dma_wait3A_1125 = arith.constant 0 : i32
          %dma_wait3A_1126 = tpu.memref_slice %arg11[%dma_wait3A_1124, %dma_wait3A_1125] : memref<5024x128xf32, #tpu.memory_space<vmem_shared>> -> memref<5024x128xf32, #tpu.memory_space<vmem_shared>>
          %dma_wait3A_1127 = tpu.memref_slice %arg13[%dma_wait3A_1119] : memref<8x!tpu.dma_semaphore, #tpu.memory_space<semaphore_mem>> -> memref<1x!tpu.dma_semaphore, #tpu.memory_space<semaphore_mem>>
          %dma_wait3A_1128 = tpu.memref_squeeze %dma_wait3A_1127 : memref<1x!tpu.dma_semaphore, #tpu.memory_space<semaphore_mem>> -> memref<!tpu.dma_semaphore, #tpu.memory_space<semaphore_mem>>
          tpu.wait_indirect_dma semaphore(%dma_wait3A_1128 : memref<!tpu.dma_semaphore, #tpu.memory_space<semaphore_mem>>) src(%dma_wait3A_1123 : memref<64x128xf32, #tpu.memory_space<vmem>>) dst(%dma_wait3A_1126 : memref<5024x128xf32, #tpu.memory_space<vmem_shared>>)
        } else {
        }
        %add3A_1112 = arith.constant 4 : i32
        %add3A_1113 = arith.addi %add3A_1000, %add3A_1112 : i32
        %lt3A_1114 = arith.cmpi slt, %add3A_1113, %select_n3A_52 : i32
        %convert_element_type3A_1115 = arith.extui %lt3A_1114 : i1 to i32
        %cond3A_1116 = arith.constant 0 : i32
        %cond3A_1117 = arith.cmpi ne, %convert_element_type3A_1115, %cond3A_1116 : i32
        scf.if %cond3A_1117 {
          %add3A_1118 = arith.constant 4 : i32
          %add3A_1119 = arith.addi %add3A_1000, %add3A_1118 : i32
          %mul3A_1120 = arith.constant 64 : i32
          %mul3A_1121 = arith.muli %add3A_1119, %mul3A_1120 : i32
          %add3A_1122 = arith.addi %multiple_of3A, %mul3A_1121 : i32
          %dma_start3A_1123 = arith.constant 5 : i32
          %dma_start3A_1124 = arith.constant 5 : i32
          %dma_start3A_1125 = arith.constant 0 : i32
          %dma_start3A_1126 = tpu.memref_slice %arg7[%dma_start3A_1123, %dma_start3A_1125] : memref<8x64xi32, #tpu.memory_space<vmem>> -> memref<1x64xi32, #tpu.memory_space<vmem>>
          %dma_start3A_1127 = tpu.memref_squeeze %dma_start3A_1126 : memref<1x64xi32, #tpu.memory_space<vmem>> -> memref<64xi32, #tpu.memory_space<vmem>>
          %dma_start3A_1128 = tpu.memref_slice %arg3[%add3A_1122] : memref<320000xi32, #tpu.memory_space<hbm>> -> memref<64xi32, #tpu.memory_space<hbm>>
          %dma_start3A_1129 = tpu.memref_slice %arg12[%dma_start3A_1124] : memref<8x!tpu.dma_semaphore, #tpu.memory_space<semaphore_mem>> -> memref<1x!tpu.dma_semaphore, #tpu.memory_space<semaphore_mem>>
          %dma_start3A_1130 = tpu.memref_squeeze %dma_start3A_1129 : memref<1x!tpu.dma_semaphore, #tpu.memory_space<semaphore_mem>> -> memref<!tpu.dma_semaphore, #tpu.memory_space<semaphore_mem>>
          %dma_start3A_1131 = arith.constant 0 : i32
          %dma_start3A_1132 = tpu.memref_slice %arg7[%dma_start3A_1123, %dma_start3A_1131] : memref<8x64xi32, #tpu.memory_space<vmem>> -> memref<1x64xi32, #tpu.memory_space<vmem>>
          %dma_start3A_1133 = tpu.memref_squeeze %dma_start3A_1132 : memref<1x64xi32, #tpu.memory_space<vmem>> -> memref<64xi32, #tpu.memory_space<vmem>>
          %dma_start3A_1134 = tpu.memref_slice %arg3[%add3A_1122] : memref<320000xi32, #tpu.memory_space<hbm>> -> memref<64xi32, #tpu.memory_space<hbm>>
          tpu.enqueue_dma source(%dma_start3A_1134 : memref<64xi32, #tpu.memory_space<hbm>>) target(%dma_start3A_1133 : memref<64xi32, #tpu.memory_space<vmem>>) target_semaphore(%dma_start3A_1130 : memref<!tpu.dma_semaphore, #tpu.memory_space<semaphore_mem>>)
          %dma_start3A_1135 = arith.constant 5 : i32
          %dma_start3A_1136 = arith.constant 5 : i32
          %dma_start3A_1137 = arith.constant 0 : i32
          %dma_start3A_1138 = arith.constant 0 : i32
          %dma_start3A_1139 = tpu.memref_slice %arg9[%dma_start3A_1135, %dma_start3A_1137, %dma_start3A_1138] : memref<8x64x128xf32, #tpu.memory_space<vmem>> -> memref<1x64x128xf32, #tpu.memory_space<vmem>>
          %dma_start3A_1140 = tpu.memref_squeeze %dma_start3A_1139 : memref<1x64x128xf32, #tpu.memory_space<vmem>> -> memref<64x128xf32, #tpu.memory_space<vmem>>
          %dma_start3A_1141 = arith.constant 0 : i32
          %dma_start3A_1142 = tpu.memref_slice %arg2[%add3A_1122, %dma_start3A_1141] : memref<320000x128xf32, #tpu.memory_space<hbm>> -> memref<64x128xf32, #tpu.memory_space<hbm>>
          %dma_start3A_1143 = tpu.memref_slice %arg12[%dma_start3A_1136] : memref<8x!tpu.dma_semaphore, #tpu.memory_space<semaphore_mem>> -> memref<1x!tpu.dma_semaphore, #tpu.memory_space<semaphore_mem>>
          %dma_start3A_1144 = tpu.memref_squeeze %dma_start3A_1143 : memref<1x!tpu.dma_semaphore, #tpu.memory_space<semaphore_mem>> -> memref<!tpu.dma_semaphore, #tpu.memory_space<semaphore_mem>>
          %dma_start3A_1145 = arith.constant 0 : i32
          %dma_start3A_1146 = arith.constant 0 : i32
          %dma_start3A_1147 = tpu.memref_slice %arg9[%dma_start3A_1135, %dma_start3A_1145, %dma_start3A_1146] : memref<8x64x128xf32, #tpu.memory_space<vmem>> -> memref<1x64x128xf32, #tpu.memory_space<vmem>>
          %dma_start3A_1148 = tpu.memref_squeeze %dma_start3A_1147 : memref<1x64x128xf32, #tpu.memory_space<vmem>> -> memref<64x128xf32, #tpu.memory_space<vmem>>
          %dma_start3A_1149 = arith.constant 0 : i32
          %dma_start3A_1150 = tpu.memref_slice %arg2[%add3A_1122, %dma_start3A_1149] : memref<320000x128xf32, #tpu.memory_space<hbm>> -> memref<64x128xf32, #tpu.memory_space<hbm>>
          tpu.enqueue_dma source(%dma_start3A_1150 : memref<64x128xf32, #tpu.memory_space<hbm>>) target(%dma_start3A_1148 : memref<64x128xf32, #tpu.memory_space<vmem>>) target_semaphore(%dma_start3A_1144 : memref<!tpu.dma_semaphore, #tpu.memory_space<semaphore_mem>>)
        } else {
        }
      } else {
      }
      %mul3A_1005 = arith.constant 8 : i32
      %mul3A_1006 = arith.muli %while3A_988, %mul3A_1005 : i32
      %add3A_1007 = arith.constant 2 : i32
      %add3A_1008 = arith.addi %mul3A_1006, %add3A_1007 : i32
      %lt3A_1009 = arith.cmpi slt, %add3A_1008, %select_n3A_52 : i32
      %convert_element_type3A_1010 = arith.extui %lt3A_1009 : i1 to i32
      %cond3A_1011 = arith.constant 0 : i32
      %cond3A_1012 = arith.cmpi ne, %convert_element_type3A_1010, %cond3A_1011 : i32
      scf.if %cond3A_1012 {
        %mul3A_1053 = arith.constant 64 : i32
        %mul3A_1054 = arith.muli %add3A_1008, %mul3A_1053 : i32
        %add3A_1055 = arith.addi %multiple_of3A, %mul3A_1054 : i32
        %dma_wait3A = arith.constant 2 : i32
        %dma_wait3A_1056 = arith.constant 2 : i32
        %dma_wait3A_1057 = arith.constant 0 : i32
        %dma_wait3A_1058 = tpu.memref_slice %arg7[%dma_wait3A, %dma_wait3A_1057] : memref<8x64xi32, #tpu.memory_space<vmem>> -> memref<1x64xi32, #tpu.memory_space<vmem>>
        %dma_wait3A_1059 = tpu.memref_squeeze %dma_wait3A_1058 : memref<1x64xi32, #tpu.memory_space<vmem>> -> memref<64xi32, #tpu.memory_space<vmem>>
        %dma_wait3A_1060 = tpu.memref_slice %arg3[%add3A_1055] : memref<320000xi32, #tpu.memory_space<hbm>> -> memref<64xi32, #tpu.memory_space<hbm>>
        %dma_wait3A_1061 = tpu.memref_slice %arg12[%dma_wait3A_1056] : memref<8x!tpu.dma_semaphore, #tpu.memory_space<semaphore_mem>> -> memref<1x!tpu.dma_semaphore, #tpu.memory_space<semaphore_mem>>
        %dma_wait3A_1062 = tpu.memref_squeeze %dma_wait3A_1061 : memref<1x!tpu.dma_semaphore, #tpu.memory_space<semaphore_mem>> -> memref<!tpu.dma_semaphore, #tpu.memory_space<semaphore_mem>>
        %dma_wait3A_1063 = arith.constant 0 : i32
        %dma_wait3A_1064 = tpu.memref_slice %arg7[%dma_wait3A, %dma_wait3A_1063] : memref<8x64xi32, #tpu.memory_space<vmem>> -> memref<1x64xi32, #tpu.memory_space<vmem>>
        %dma_wait3A_1065 = tpu.memref_squeeze %dma_wait3A_1064 : memref<1x64xi32, #tpu.memory_space<vmem>> -> memref<64xi32, #tpu.memory_space<vmem>>
        %dma_wait3A_1066 = tpu.memref_slice %arg3[%add3A_1055] : memref<320000xi32, #tpu.memory_space<hbm>> -> memref<64xi32, #tpu.memory_space<hbm>>
        tpu.wait_dma2 semaphore(%dma_wait3A_1062 : memref<!tpu.dma_semaphore, #tpu.memory_space<semaphore_mem>>) src(%dma_wait3A_1066 : memref<64xi32, #tpu.memory_space<hbm>>) dst(%dma_wait3A_1065 : memref<64xi32, #tpu.memory_space<vmem>>)
        %dma_wait3A_1067 = arith.constant 2 : i32
        %dma_wait3A_1068 = arith.constant 2 : i32
        %dma_wait3A_1069 = arith.constant 0 : i32
        %dma_wait3A_1070 = arith.constant 0 : i32
        %dma_wait3A_1071 = tpu.memref_slice %arg9[%dma_wait3A_1067, %dma_wait3A_1069, %dma_wait3A_1070] : memref<8x64x128xf32, #tpu.memory_space<vmem>> -> memref<1x64x128xf32, #tpu.memory_space<vmem>>
        %dma_wait3A_1072 = tpu.memref_squeeze %dma_wait3A_1071 : memref<1x64x128xf32, #tpu.memory_space<vmem>> -> memref<64x128xf32, #tpu.memory_space<vmem>>
        %dma_wait3A_1073 = arith.constant 0 : i32
        %dma_wait3A_1074 = tpu.memref_slice %arg2[%add3A_1055, %dma_wait3A_1073] : memref<320000x128xf32, #tpu.memory_space<hbm>> -> memref<64x128xf32, #tpu.memory_space<hbm>>
        %dma_wait3A_1075 = tpu.memref_slice %arg12[%dma_wait3A_1068] : memref<8x!tpu.dma_semaphore, #tpu.memory_space<semaphore_mem>> -> memref<1x!tpu.dma_semaphore, #tpu.memory_space<semaphore_mem>>
        %dma_wait3A_1076 = tpu.memref_squeeze %dma_wait3A_1075 : memref<1x!tpu.dma_semaphore, #tpu.memory_space<semaphore_mem>> -> memref<!tpu.dma_semaphore, #tpu.memory_space<semaphore_mem>>
        %dma_wait3A_1077 = arith.constant 0 : i32
        %dma_wait3A_1078 = arith.constant 0 : i32
        %dma_wait3A_1079 = tpu.memref_slice %arg9[%dma_wait3A_1067, %dma_wait3A_1077, %dma_wait3A_1078] : memref<8x64x128xf32, #tpu.memory_space<vmem>> -> memref<1x64x128xf32, #tpu.memory_space<vmem>>
        %dma_wait3A_1080 = tpu.memref_squeeze %dma_wait3A_1079 : memref<1x64x128xf32, #tpu.memory_space<vmem>> -> memref<64x128xf32, #tpu.memory_space<vmem>>
        %dma_wait3A_1081 = arith.constant 0 : i32
        %dma_wait3A_1082 = tpu.memref_slice %arg2[%add3A_1055, %dma_wait3A_1081] : memref<320000x128xf32, #tpu.memory_space<hbm>> -> memref<64x128xf32, #tpu.memory_space<hbm>>
        tpu.wait_dma2 semaphore(%dma_wait3A_1076 : memref<!tpu.dma_semaphore, #tpu.memory_space<semaphore_mem>>) src(%dma_wait3A_1082 : memref<64x128xf32, #tpu.memory_space<hbm>>) dst(%dma_wait3A_1080 : memref<64x128xf32, #tpu.memory_space<vmem>>)
        %mul3A_1083 = arith.constant 64 : i32
        %mul3A_1084 = arith.muli %add3A_1008, %mul3A_1083 : i32
        %add3A_1085 = arith.addi %multiple_of3A, %mul3A_1084 : i32
        %scan3A_1086 = arith.constant 0 : i32
        %scan3A_1087 = arith.constant 2 : i32
        %scan3A_1088 = arith.constant 0 : i32
        %scan3A_1089 = arith.constant 4 : i32
        %scan3A_1090 = arith.addi %scan3A_1088, %scan3A_1089 : i32
        %scan3A_1091 = arith.constant 1 : i32
        scf.for %scan3A_1118 = %scan3A_1088 to %scan3A_1090 step %scan3A_1091  : i32 {
          %mul3A_1119 = arith.constant 16 : i32
          %mul3A_1120 = arith.muli %scan3A_1118, %mul3A_1119 : i32
          %add3A_1121 = arith.addi %add3A_1085, %mul3A_1120 : i32
          %iota3A = tpu.iota {dimensions = array<i32: 0>} : vector<16xi32>
          %add3A_1122 = vector.broadcast %add3A_1121 : i32 to vector<16xi32>
          %add3A_1123 = arith.addi %add3A_1122, %iota3A : vector<16xi32>
          %ge3A_1124 = vector.broadcast %squeeze3A : i32 to vector<16xi32>
          %ge3A_1125 = arith.cmpi sge, %add3A_1123, %ge3A_1124 : vector<16xi32>
          %lt3A_1126 = vector.broadcast %squeeze3A_9 : i32 to vector<16xi32>
          %lt3A_1127 = arith.cmpi slt, %add3A_1123, %lt3A_1126 : vector<16xi32>
          %and3A_1128 = arith.andi %ge3A_1125, %lt3A_1127 : vector<16xi1>
          %get3A_1129 = arith.constant 0 : i32
          %get3A_1130 = tpu.memref_slice %arg7[%scan3A_1087, %get3A_1129] : memref<8x64xi32, #tpu.memory_space<vmem>> -> memref<1x64xi32, #tpu.memory_space<vmem>>
          %get3A_1131 = tpu.memref_squeeze %get3A_1130 : memref<1x64xi32, #tpu.memory_space<vmem>> -> memref<64xi32, #tpu.memory_space<vmem>>
          %get3A_1132 = arith.index_cast %mul3A_1120 : i32 to index
          %get3A_1133 = tpu.vector_load %get3A_1131[%get3A_1132] {strides = array<i32>} : memref<64xi32, #tpu.memory_space<vmem>>, vector<16xi32>,
          %get3A_1134 = vector.shape_cast %get3A_1133 : vector<16xi32> to vector<16xi32>
          %mul3A_1135 = arith.constant 5000 : i32
          %mul3A_1136 = arith.muli %arg0, %mul3A_1135 : i32
          %sub3A_1137 = vector.broadcast %mul3A_1136 : i32 to vector<16xi32>
          %sub3A_1138 = arith.subi %get3A_1134, %sub3A_1137 : vector<16xi32>
          %add3A_1139 = arith.constant 5000 : i32
          %add3A_1140 = arith.addi %add3A_1139, %arg1 : i32
          %broadcast_in_dim3A_1141 = vector.broadcast %add3A_1140 : i32 to vector<16xi32>
          %select_n3A_1142 = arith.select %and3A_1128, %sub3A_1138, %broadcast_in_dim3A_1141 : vector<16xi1>, vector<16xi32>
          %swap3A = arith.constant 0 : i32
          %swap3A_1143 = tpu.memref_slice %arg7[%scan3A_1087, %swap3A] : memref<8x64xi32, #tpu.memory_space<vmem>> -> memref<1x64xi32, #tpu.memory_space<vmem>>
          %swap3A_1144 = tpu.memref_squeeze %swap3A_1143 : memref<1x64xi32, #tpu.memory_space<vmem>> -> memref<64xi32, #tpu.memory_space<vmem>>
          %swap3A_1145 = arith.index_cast %mul3A_1120 : i32 to index
          %swap3A_1146 = tpu.vector_load %swap3A_1144[%swap3A_1145] {strides = array<i32>} : memref<64xi32, #tpu.memory_space<vmem>>, vector<16xi32>,
          %swap3A_1147 = vector.shape_cast %swap3A_1146 : vector<16xi32> to vector<16xi32>
          %swap3A_1148 = vector.shape_cast %select_n3A_1142 : vector<16xi32> to vector<16xi32>
          tpu.vector_store %swap3A_1144[%swap3A_1145], %swap3A_1148 {strides = array<i32>} : memref<64xi32, #tpu.memory_space<vmem>>, vector<16xi32>,
        }
        %scan3A_1092 = arith.constant 4 : i32
        %dma_start3A = arith.constant 2 : i32
        %dma_start3A_1093 = arith.constant 2 : i32
        %dma_start3A_1094 = arith.constant 2 : i32
        %dma_start3A_1095 = arith.constant 0 : i32
        %dma_start3A_1096 = arith.constant 0 : i32
        %dma_start3A_1097 = tpu.memref_slice %arg9[%dma_start3A, %dma_start3A_1095, %dma_start3A_1096] : memref<8x64x128xf32, #tpu.memory_space<vmem>> -> memref<1x64x128xf32, #tpu.memory_space<vmem>>
        %dma_start3A_1098 = tpu.memref_squeeze %dma_start3A_1097 : memref<1x64x128xf32, #tpu.memory_space<vmem>> -> memref<64x128xf32, #tpu.memory_space<vmem>>
        %dma_start3A_1099 = arith.constant 0 : i32
        %dma_start3A_1100 = tpu.memref_slice %arg7[%dma_start3A_1093, %dma_start3A_1099] : memref<8x64xi32, #tpu.memory_space<vmem>> -> memref<1x64xi32, #tpu.memory_space<vmem>>
        %dma_start3A_1101 = tpu.memref_squeeze %dma_start3A_1100 : memref<1x64xi32, #tpu.memory_space<vmem>> -> memref<64xi32, #tpu.memory_space<vmem>>
        %dma_start3A_1102 = arith.constant 0 : i32
        %dma_start3A_1103 = arith.constant 0 : i32
        %dma_start3A_1104 = tpu.memref_slice %arg11[%dma_start3A_1102, %dma_start3A_1103] : memref<5024x128xf32, #tpu.memory_space<vmem_shared>> -> memref<5024x128xf32, #tpu.memory_space<vmem_shared>>
        %dma_start3A_1105 = tpu.memref_slice %arg13[%dma_start3A_1094] : memref<8x!tpu.dma_semaphore, #tpu.memory_space<semaphore_mem>> -> memref<1x!tpu.dma_semaphore, #tpu.memory_space<semaphore_mem>>
        %dma_start3A_1106 = tpu.memref_squeeze %dma_start3A_1105 : memref<1x!tpu.dma_semaphore, #tpu.memory_space<semaphore_mem>> -> memref<!tpu.dma_semaphore, #tpu.memory_space<semaphore_mem>>
        tpu.enqueue_indirect_dma source(%dma_start3A_1098 : memref<64x128xf32, #tpu.memory_space<vmem>>) target(%dma_start3A_1104 : memref<5024x128xf32, #tpu.memory_space<vmem_shared>>) offsets(%dma_start3A_1101 : memref<64xi32, #tpu.memory_space<vmem>>) semaphore(%dma_start3A_1106 : memref<!tpu.dma_semaphore, #tpu.memory_space<semaphore_mem>>) {add = true}
        %ge3A_1107 = arith.constant 4 : i32
        %ge3A_1108 = arith.cmpi sge, %add3A_1008, %ge3A_1107 : i32
        %convert_element_type3A_1109 = arith.extui %ge3A_1108 : i1 to i32
        %cond3A_1110 = arith.constant 0 : i32
        %cond3A_1111 = arith.cmpi ne, %convert_element_type3A_1109, %cond3A_1110 : i32
        scf.if %cond3A_1111 {
          %dma_wait3A_1118 = arith.constant 6 : i32
          %dma_wait3A_1119 = arith.constant 6 : i32
          %dma_wait3A_1120 = arith.constant 0 : i32
          %dma_wait3A_1121 = arith.constant 0 : i32
          %dma_wait3A_1122 = tpu.memref_slice %arg9[%dma_wait3A_1118, %dma_wait3A_1120, %dma_wait3A_1121] : memref<8x64x128xf32, #tpu.memory_space<vmem>> -> memref<1x64x128xf32, #tpu.memory_space<vmem>>
          %dma_wait3A_1123 = tpu.memref_squeeze %dma_wait3A_1122 : memref<1x64x128xf32, #tpu.memory_space<vmem>> -> memref<64x128xf32, #tpu.memory_space<vmem>>
          %dma_wait3A_1124 = arith.constant 0 : i32
          %dma_wait3A_1125 = arith.constant 0 : i32
          %dma_wait3A_1126 = tpu.memref_slice %arg11[%dma_wait3A_1124, %dma_wait3A_1125] : memref<5024x128xf32, #tpu.memory_space<vmem_shared>> -> memref<5024x128xf32, #tpu.memory_space<vmem_shared>>
          %dma_wait3A_1127 = tpu.memref_slice %arg13[%dma_wait3A_1119] : memref<8x!tpu.dma_semaphore, #tpu.memory_space<semaphore_mem>> -> memref<1x!tpu.dma_semaphore, #tpu.memory_space<semaphore_mem>>
          %dma_wait3A_1128 = tpu.memref_squeeze %dma_wait3A_1127 : memref<1x!tpu.dma_semaphore, #tpu.memory_space<semaphore_mem>> -> memref<!tpu.dma_semaphore, #tpu.memory_space<semaphore_mem>>
          tpu.wait_indirect_dma semaphore(%dma_wait3A_1128 : memref<!tpu.dma_semaphore, #tpu.memory_space<semaphore_mem>>) src(%dma_wait3A_1123 : memref<64x128xf32, #tpu.memory_space<vmem>>) dst(%dma_wait3A_1126 : memref<5024x128xf32, #tpu.memory_space<vmem_shared>>)
        } else {
        }
        %add3A_1112 = arith.constant 4 : i32
        %add3A_1113 = arith.addi %add3A_1008, %add3A_1112 : i32
        %lt3A_1114 = arith.cmpi slt, %add3A_1113, %select_n3A_52 : i32
        %convert_element_type3A_1115 = arith.extui %lt3A_1114 : i1 to i32
        %cond3A_1116 = arith.constant 0 : i32
        %cond3A_1117 = arith.cmpi ne, %convert_element_type3A_1115, %cond3A_1116 : i32
        scf.if %cond3A_1117 {
          %add3A_1118 = arith.constant 4 : i32
          %add3A_1119 = arith.addi %add3A_1008, %add3A_1118 : i32
          %mul3A_1120 = arith.constant 64 : i32
          %mul3A_1121 = arith.muli %add3A_1119, %mul3A_1120 : i32
          %add3A_1122 = arith.addi %multiple_of3A, %mul3A_1121 : i32
          %dma_start3A_1123 = arith.constant 6 : i32
          %dma_start3A_1124 = arith.constant 6 : i32
          %dma_start3A_1125 = arith.constant 0 : i32
          %dma_start3A_1126 = tpu.memref_slice %arg7[%dma_start3A_1123, %dma_start3A_1125] : memref<8x64xi32, #tpu.memory_space<vmem>> -> memref<1x64xi32, #tpu.memory_space<vmem>>
          %dma_start3A_1127 = tpu.memref_squeeze %dma_start3A_1126 : memref<1x64xi32, #tpu.memory_space<vmem>> -> memref<64xi32, #tpu.memory_space<vmem>>
          %dma_start3A_1128 = tpu.memref_slice %arg3[%add3A_1122] : memref<320000xi32, #tpu.memory_space<hbm>> -> memref<64xi32, #tpu.memory_space<hbm>>
          %dma_start3A_1129 = tpu.memref_slice %arg12[%dma_start3A_1124] : memref<8x!tpu.dma_semaphore, #tpu.memory_space<semaphore_mem>> -> memref<1x!tpu.dma_semaphore, #tpu.memory_space<semaphore_mem>>
          %dma_start3A_1130 = tpu.memref_squeeze %dma_start3A_1129 : memref<1x!tpu.dma_semaphore, #tpu.memory_space<semaphore_mem>> -> memref<!tpu.dma_semaphore, #tpu.memory_space<semaphore_mem>>
          %dma_start3A_1131 = arith.constant 0 : i32
          %dma_start3A_1132 = tpu.memref_slice %arg7[%dma_start3A_1123, %dma_start3A_1131] : memref<8x64xi32, #tpu.memory_space<vmem>> -> memref<1x64xi32, #tpu.memory_space<vmem>>
          %dma_start3A_1133 = tpu.memref_squeeze %dma_start3A_1132 : memref<1x64xi32, #tpu.memory_space<vmem>> -> memref<64xi32, #tpu.memory_space<vmem>>
          %dma_start3A_1134 = tpu.memref_slice %arg3[%add3A_1122] : memref<320000xi32, #tpu.memory_space<hbm>> -> memref<64xi32, #tpu.memory_space<hbm>>
          tpu.enqueue_dma source(%dma_start3A_1134 : memref<64xi32, #tpu.memory_space<hbm>>) target(%dma_start3A_1133 : memref<64xi32, #tpu.memory_space<vmem>>) target_semaphore(%dma_start3A_1130 : memref<!tpu.dma_semaphore, #tpu.memory_space<semaphore_mem>>)
          %dma_start3A_1135 = arith.constant 6 : i32
          %dma_start3A_1136 = arith.constant 6 : i32
          %dma_start3A_1137 = arith.constant 0 : i32
          %dma_start3A_1138 = arith.constant 0 : i32
          %dma_start3A_1139 = tpu.memref_slice %arg9[%dma_start3A_1135, %dma_start3A_1137, %dma_start3A_1138] : memref<8x64x128xf32, #tpu.memory_space<vmem>> -> memref<1x64x128xf32, #tpu.memory_space<vmem>>
          %dma_start3A_1140 = tpu.memref_squeeze %dma_start3A_1139 : memref<1x64x128xf32, #tpu.memory_space<vmem>> -> memref<64x128xf32, #tpu.memory_space<vmem>>
          %dma_start3A_1141 = arith.constant 0 : i32
          %dma_start3A_1142 = tpu.memref_slice %arg2[%add3A_1122, %dma_start3A_1141] : memref<320000x128xf32, #tpu.memory_space<hbm>> -> memref<64x128xf32, #tpu.memory_space<hbm>>
          %dma_start3A_1143 = tpu.memref_slice %arg12[%dma_start3A_1136] : memref<8x!tpu.dma_semaphore, #tpu.memory_space<semaphore_mem>> -> memref<1x!tpu.dma_semaphore, #tpu.memory_space<semaphore_mem>>
          %dma_start3A_1144 = tpu.memref_squeeze %dma_start3A_1143 : memref<1x!tpu.dma_semaphore, #tpu.memory_space<semaphore_mem>> -> memref<!tpu.dma_semaphore, #tpu.memory_space<semaphore_mem>>
          %dma_start3A_1145 = arith.constant 0 : i32
          %dma_start3A_1146 = arith.constant 0 : i32
          %dma_start3A_1147 = tpu.memref_slice %arg9[%dma_start3A_1135, %dma_start3A_1145, %dma_start3A_1146] : memref<8x64x128xf32, #tpu.memory_space<vmem>> -> memref<1x64x128xf32, #tpu.memory_space<vmem>>
          %dma_start3A_1148 = tpu.memref_squeeze %dma_start3A_1147 : memref<1x64x128xf32, #tpu.memory_space<vmem>> -> memref<64x128xf32, #tpu.memory_space<vmem>>
          %dma_start3A_1149 = arith.constant 0 : i32
          %dma_start3A_1150 = tpu.memref_slice %arg2[%add3A_1122, %dma_start3A_1149] : memref<320000x128xf32, #tpu.memory_space<hbm>> -> memref<64x128xf32, #tpu.memory_space<hbm>>
          tpu.enqueue_dma source(%dma_start3A_1150 : memref<64x128xf32, #tpu.memory_space<hbm>>) target(%dma_start3A_1148 : memref<64x128xf32, #tpu.memory_space<vmem>>) target_semaphore(%dma_start3A_1144 : memref<!tpu.dma_semaphore, #tpu.memory_space<semaphore_mem>>)
        } else {
        }
      } else {
      }
      %mul3A_1013 = arith.constant 8 : i32
      %mul3A_1014 = arith.muli %while3A_988, %mul3A_1013 : i32
      %add3A_1015 = arith.constant 3 : i32
      %add3A_1016 = arith.addi %mul3A_1014, %add3A_1015 : i32
      %lt3A_1017 = arith.cmpi slt, %add3A_1016, %select_n3A_52 : i32
      %convert_element_type3A_1018 = arith.extui %lt3A_1017 : i1 to i32
      %cond3A_1019 = arith.constant 0 : i32
      %cond3A_1020 = arith.cmpi ne, %convert_element_type3A_1018, %cond3A_1019 : i32
      scf.if %cond3A_1020 {
        %mul3A_1053 = arith.constant 64 : i32
        %mul3A_1054 = arith.muli %add3A_1016, %mul3A_1053 : i32
        %add3A_1055 = arith.addi %multiple_of3A, %mul3A_1054 : i32
        %dma_wait3A = arith.constant 3 : i32
        %dma_wait3A_1056 = arith.constant 3 : i32
        %dma_wait3A_1057 = arith.constant 0 : i32
        %dma_wait3A_1058 = tpu.memref_slice %arg7[%dma_wait3A, %dma_wait3A_1057] : memref<8x64xi32, #tpu.memory_space<vmem>> -> memref<1x64xi32, #tpu.memory_space<vmem>>
        %dma_wait3A_1059 = tpu.memref_squeeze %dma_wait3A_1058 : memref<1x64xi32, #tpu.memory_space<vmem>> -> memref<64xi32, #tpu.memory_space<vmem>>
        %dma_wait3A_1060 = tpu.memref_slice %arg3[%add3A_1055] : memref<320000xi32, #tpu.memory_space<hbm>> -> memref<64xi32, #tpu.memory_space<hbm>>
        %dma_wait3A_1061 = tpu.memref_slice %arg12[%dma_wait3A_1056] : memref<8x!tpu.dma_semaphore, #tpu.memory_space<semaphore_mem>> -> memref<1x!tpu.dma_semaphore, #tpu.memory_space<semaphore_mem>>
        %dma_wait3A_1062 = tpu.memref_squeeze %dma_wait3A_1061 : memref<1x!tpu.dma_semaphore, #tpu.memory_space<semaphore_mem>> -> memref<!tpu.dma_semaphore, #tpu.memory_space<semaphore_mem>>
        %dma_wait3A_1063 = arith.constant 0 : i32
        %dma_wait3A_1064 = tpu.memref_slice %arg7[%dma_wait3A, %dma_wait3A_1063] : memref<8x64xi32, #tpu.memory_space<vmem>> -> memref<1x64xi32, #tpu.memory_space<vmem>>
        %dma_wait3A_1065 = tpu.memref_squeeze %dma_wait3A_1064 : memref<1x64xi32, #tpu.memory_space<vmem>> -> memref<64xi32, #tpu.memory_space<vmem>>
        %dma_wait3A_1066 = tpu.memref_slice %arg3[%add3A_1055] : memref<320000xi32, #tpu.memory_space<hbm>> -> memref<64xi32, #tpu.memory_space<hbm>>
        tpu.wait_dma2 semaphore(%dma_wait3A_1062 : memref<!tpu.dma_semaphore, #tpu.memory_space<semaphore_mem>>) src(%dma_wait3A_1066 : memref<64xi32, #tpu.memory_space<hbm>>) dst(%dma_wait3A_1065 : memref<64xi32, #tpu.memory_space<vmem>>)
        %dma_wait3A_1067 = arith.constant 3 : i32
        %dma_wait3A_1068 = arith.constant 3 : i32
        %dma_wait3A_1069 = arith.constant 0 : i32
        %dma_wait3A_1070 = arith.constant 0 : i32
        %dma_wait3A_1071 = tpu.memref_slice %arg9[%dma_wait3A_1067, %dma_wait3A_1069, %dma_wait3A_1070] : memref<8x64x128xf32, #tpu.memory_space<vmem>> -> memref<1x64x128xf32, #tpu.memory_space<vmem>>
        %dma_wait3A_1072 = tpu.memref_squeeze %dma_wait3A_1071 : memref<1x64x128xf32, #tpu.memory_space<vmem>> -> memref<64x128xf32, #tpu.memory_space<vmem>>
        %dma_wait3A_1073 = arith.constant 0 : i32
        %dma_wait3A_1074 = tpu.memref_slice %arg2[%add3A_1055, %dma_wait3A_1073] : memref<320000x128xf32, #tpu.memory_space<hbm>> -> memref<64x128xf32, #tpu.memory_space<hbm>>
        %dma_wait3A_1075 = tpu.memref_slice %arg12[%dma_wait3A_1068] : memref<8x!tpu.dma_semaphore, #tpu.memory_space<semaphore_mem>> -> memref<1x!tpu.dma_semaphore, #tpu.memory_space<semaphore_mem>>
        %dma_wait3A_1076 = tpu.memref_squeeze %dma_wait3A_1075 : memref<1x!tpu.dma_semaphore, #tpu.memory_space<semaphore_mem>> -> memref<!tpu.dma_semaphore, #tpu.memory_space<semaphore_mem>>
        %dma_wait3A_1077 = arith.constant 0 : i32
        %dma_wait3A_1078 = arith.constant 0 : i32
        %dma_wait3A_1079 = tpu.memref_slice %arg9[%dma_wait3A_1067, %dma_wait3A_1077, %dma_wait3A_1078] : memref<8x64x128xf32, #tpu.memory_space<vmem>> -> memref<1x64x128xf32, #tpu.memory_space<vmem>>
        %dma_wait3A_1080 = tpu.memref_squeeze %dma_wait3A_1079 : memref<1x64x128xf32, #tpu.memory_space<vmem>> -> memref<64x128xf32, #tpu.memory_space<vmem>>
        %dma_wait3A_1081 = arith.constant 0 : i32
        %dma_wait3A_1082 = tpu.memref_slice %arg2[%add3A_1055, %dma_wait3A_1081] : memref<320000x128xf32, #tpu.memory_space<hbm>> -> memref<64x128xf32, #tpu.memory_space<hbm>>
        tpu.wait_dma2 semaphore(%dma_wait3A_1076 : memref<!tpu.dma_semaphore, #tpu.memory_space<semaphore_mem>>) src(%dma_wait3A_1082 : memref<64x128xf32, #tpu.memory_space<hbm>>) dst(%dma_wait3A_1080 : memref<64x128xf32, #tpu.memory_space<vmem>>)
        %mul3A_1083 = arith.constant 64 : i32
        %mul3A_1084 = arith.muli %add3A_1016, %mul3A_1083 : i32
        %add3A_1085 = arith.addi %multiple_of3A, %mul3A_1084 : i32
        %scan3A_1086 = arith.constant 0 : i32
        %scan3A_1087 = arith.constant 3 : i32
        %scan3A_1088 = arith.constant 0 : i32
        %scan3A_1089 = arith.constant 4 : i32
        %scan3A_1090 = arith.addi %scan3A_1088, %scan3A_1089 : i32
        %scan3A_1091 = arith.constant 1 : i32
        scf.for %scan3A_1118 = %scan3A_1088 to %scan3A_1090 step %scan3A_1091  : i32 {
          %mul3A_1119 = arith.constant 16 : i32
          %mul3A_1120 = arith.muli %scan3A_1118, %mul3A_1119 : i32
          %add3A_1121 = arith.addi %add3A_1085, %mul3A_1120 : i32
          %iota3A = tpu.iota {dimensions = array<i32: 0>} : vector<16xi32>
          %add3A_1122 = vector.broadcast %add3A_1121 : i32 to vector<16xi32>
          %add3A_1123 = arith.addi %add3A_1122, %iota3A : vector<16xi32>
          %ge3A_1124 = vector.broadcast %squeeze3A : i32 to vector<16xi32>
          %ge3A_1125 = arith.cmpi sge, %add3A_1123, %ge3A_1124 : vector<16xi32>
          %lt3A_1126 = vector.broadcast %squeeze3A_9 : i32 to vector<16xi32>
          %lt3A_1127 = arith.cmpi slt, %add3A_1123, %lt3A_1126 : vector<16xi32>
          %and3A_1128 = arith.andi %ge3A_1125, %lt3A_1127 : vector<16xi1>
          %get3A_1129 = arith.constant 0 : i32
          %get3A_1130 = tpu.memref_slice %arg7[%scan3A_1087, %get3A_1129] : memref<8x64xi32, #tpu.memory_space<vmem>> -> memref<1x64xi32, #tpu.memory_space<vmem>>
          %get3A_1131 = tpu.memref_squeeze %get3A_1130 : memref<1x64xi32, #tpu.memory_space<vmem>> -> memref<64xi32, #tpu.memory_space<vmem>>
          %get3A_1132 = arith.index_cast %mul3A_1120 : i32 to index
          %get3A_1133 = tpu.vector_load %get3A_1131[%get3A_1132] {strides = array<i32>} : memref<64xi32, #tpu.memory_space<vmem>>, vector<16xi32>,
          %get3A_1134 = vector.shape_cast %get3A_1133 : vector<16xi32> to vector<16xi32>
          %mul3A_1135 = arith.constant 5000 : i32
          %mul3A_1136 = arith.muli %arg0, %mul3A_1135 : i32
          %sub3A_1137 = vector.broadcast %mul3A_1136 : i32 to vector<16xi32>
          %sub3A_1138 = arith.subi %get3A_1134, %sub3A_1137 : vector<16xi32>
          %add3A_1139 = arith.constant 5000 : i32
          %add3A_1140 = arith.addi %add3A_1139, %arg1 : i32
          %broadcast_in_dim3A_1141 = vector.broadcast %add3A_1140 : i32 to vector<16xi32>
          %select_n3A_1142 = arith.select %and3A_1128, %sub3A_1138, %broadcast_in_dim3A_1141 : vector<16xi1>, vector<16xi32>
          %swap3A = arith.constant 0 : i32
          %swap3A_1143 = tpu.memref_slice %arg7[%scan3A_1087, %swap3A] : memref<8x64xi32, #tpu.memory_space<vmem>> -> memref<1x64xi32, #tpu.memory_space<vmem>>
          %swap3A_1144 = tpu.memref_squeeze %swap3A_1143 : memref<1x64xi32, #tpu.memory_space<vmem>> -> memref<64xi32, #tpu.memory_space<vmem>>
          %swap3A_1145 = arith.index_cast %mul3A_1120 : i32 to index
          %swap3A_1146 = tpu.vector_load %swap3A_1144[%swap3A_1145] {strides = array<i32>} : memref<64xi32, #tpu.memory_space<vmem>>, vector<16xi32>,
          %swap3A_1147 = vector.shape_cast %swap3A_1146 : vector<16xi32> to vector<16xi32>
          %swap3A_1148 = vector.shape_cast %select_n3A_1142 : vector<16xi32> to vector<16xi32>
          tpu.vector_store %swap3A_1144[%swap3A_1145], %swap3A_1148 {strides = array<i32>} : memref<64xi32, #tpu.memory_space<vmem>>, vector<16xi32>,
        }
        %scan3A_1092 = arith.constant 4 : i32
        %dma_start3A = arith.constant 3 : i32
        %dma_start3A_1093 = arith.constant 3 : i32
        %dma_start3A_1094 = arith.constant 3 : i32
        %dma_start3A_1095 = arith.constant 0 : i32
        %dma_start3A_1096 = arith.constant 0 : i32
        %dma_start3A_1097 = tpu.memref_slice %arg9[%dma_start3A, %dma_start3A_1095, %dma_start3A_1096] : memref<8x64x128xf32, #tpu.memory_space<vmem>> -> memref<1x64x128xf32, #tpu.memory_space<vmem>>
        %dma_start3A_1098 = tpu.memref_squeeze %dma_start3A_1097 : memref<1x64x128xf32, #tpu.memory_space<vmem>> -> memref<64x128xf32, #tpu.memory_space<vmem>>
        %dma_start3A_1099 = arith.constant 0 : i32
        %dma_start3A_1100 = tpu.memref_slice %arg7[%dma_start3A_1093, %dma_start3A_1099] : memref<8x64xi32, #tpu.memory_space<vmem>> -> memref<1x64xi32, #tpu.memory_space<vmem>>
        %dma_start3A_1101 = tpu.memref_squeeze %dma_start3A_1100 : memref<1x64xi32, #tpu.memory_space<vmem>> -> memref<64xi32, #tpu.memory_space<vmem>>
        %dma_start3A_1102 = arith.constant 0 : i32
        %dma_start3A_1103 = arith.constant 0 : i32
        %dma_start3A_1104 = tpu.memref_slice %arg11[%dma_start3A_1102, %dma_start3A_1103] : memref<5024x128xf32, #tpu.memory_space<vmem_shared>> -> memref<5024x128xf32, #tpu.memory_space<vmem_shared>>
        %dma_start3A_1105 = tpu.memref_slice %arg13[%dma_start3A_1094] : memref<8x!tpu.dma_semaphore, #tpu.memory_space<semaphore_mem>> -> memref<1x!tpu.dma_semaphore, #tpu.memory_space<semaphore_mem>>
        %dma_start3A_1106 = tpu.memref_squeeze %dma_start3A_1105 : memref<1x!tpu.dma_semaphore, #tpu.memory_space<semaphore_mem>> -> memref<!tpu.dma_semaphore, #tpu.memory_space<semaphore_mem>>
        tpu.enqueue_indirect_dma source(%dma_start3A_1098 : memref<64x128xf32, #tpu.memory_space<vmem>>) target(%dma_start3A_1104 : memref<5024x128xf32, #tpu.memory_space<vmem_shared>>) offsets(%dma_start3A_1101 : memref<64xi32, #tpu.memory_space<vmem>>) semaphore(%dma_start3A_1106 : memref<!tpu.dma_semaphore, #tpu.memory_space<semaphore_mem>>) {add = true}
        %ge3A_1107 = arith.constant 4 : i32
        %ge3A_1108 = arith.cmpi sge, %add3A_1016, %ge3A_1107 : i32
        %convert_element_type3A_1109 = arith.extui %ge3A_1108 : i1 to i32
        %cond3A_1110 = arith.constant 0 : i32
        %cond3A_1111 = arith.cmpi ne, %convert_element_type3A_1109, %cond3A_1110 : i32
        scf.if %cond3A_1111 {
          %dma_wait3A_1118 = arith.constant 7 : i32
          %dma_wait3A_1119 = arith.constant 7 : i32
          %dma_wait3A_1120 = arith.constant 0 : i32
          %dma_wait3A_1121 = arith.constant 0 : i32
          %dma_wait3A_1122 = tpu.memref_slice %arg9[%dma_wait3A_1118, %dma_wait3A_1120, %dma_wait3A_1121] : memref<8x64x128xf32, #tpu.memory_space<vmem>> -> memref<1x64x128xf32, #tpu.memory_space<vmem>>
          %dma_wait3A_1123 = tpu.memref_squeeze %dma_wait3A_1122 : memref<1x64x128xf32, #tpu.memory_space<vmem>> -> memref<64x128xf32, #tpu.memory_space<vmem>>
          %dma_wait3A_1124 = arith.constant 0 : i32
          %dma_wait3A_1125 = arith.constant 0 : i32
          %dma_wait3A_1126 = tpu.memref_slice %arg11[%dma_wait3A_1124, %dma_wait3A_1125] : memref<5024x128xf32, #tpu.memory_space<vmem_shared>> -> memref<5024x128xf32, #tpu.memory_space<vmem_shared>>
          %dma_wait3A_1127 = tpu.memref_slice %arg13[%dma_wait3A_1119] : memref<8x!tpu.dma_semaphore, #tpu.memory_space<semaphore_mem>> -> memref<1x!tpu.dma_semaphore, #tpu.memory_space<semaphore_mem>>
          %dma_wait3A_1128 = tpu.memref_squeeze %dma_wait3A_1127 : memref<1x!tpu.dma_semaphore, #tpu.memory_space<semaphore_mem>> -> memref<!tpu.dma_semaphore, #tpu.memory_space<semaphore_mem>>
          tpu.wait_indirect_dma semaphore(%dma_wait3A_1128 : memref<!tpu.dma_semaphore, #tpu.memory_space<semaphore_mem>>) src(%dma_wait3A_1123 : memref<64x128xf32, #tpu.memory_space<vmem>>) dst(%dma_wait3A_1126 : memref<5024x128xf32, #tpu.memory_space<vmem_shared>>)
        } else {
        }
        %add3A_1112 = arith.constant 4 : i32
        %add3A_1113 = arith.addi %add3A_1016, %add3A_1112 : i32
        %lt3A_1114 = arith.cmpi slt, %add3A_1113, %select_n3A_52 : i32
        %convert_element_type3A_1115 = arith.extui %lt3A_1114 : i1 to i32
        %cond3A_1116 = arith.constant 0 : i32
        %cond3A_1117 = arith.cmpi ne, %convert_element_type3A_1115, %cond3A_1116 : i32
        scf.if %cond3A_1117 {
          %add3A_1118 = arith.constant 4 : i32
          %add3A_1119 = arith.addi %add3A_1016, %add3A_1118 : i32
          %mul3A_1120 = arith.constant 64 : i32
          %mul3A_1121 = arith.muli %add3A_1119, %mul3A_1120 : i32
          %add3A_1122 = arith.addi %multiple_of3A, %mul3A_1121 : i32
          %dma_start3A_1123 = arith.constant 7 : i32
          %dma_start3A_1124 = arith.constant 7 : i32
          %dma_start3A_1125 = arith.constant 0 : i32
          %dma_start3A_1126 = tpu.memref_slice %arg7[%dma_start3A_1123, %dma_start3A_1125] : memref<8x64xi32, #tpu.memory_space<vmem>> -> memref<1x64xi32, #tpu.memory_space<vmem>>
          %dma_start3A_1127 = tpu.memref_squeeze %dma_start3A_1126 : memref<1x64xi32, #tpu.memory_space<vmem>> -> memref<64xi32, #tpu.memory_space<vmem>>
          %dma_start3A_1128 = tpu.memref_slice %arg3[%add3A_1122] : memref<320000xi32, #tpu.memory_space<hbm>> -> memref<64xi32, #tpu.memory_space<hbm>>
          %dma_start3A_1129 = tpu.memref_slice %arg12[%dma_start3A_1124] : memref<8x!tpu.dma_semaphore, #tpu.memory_space<semaphore_mem>> -> memref<1x!tpu.dma_semaphore, #tpu.memory_space<semaphore_mem>>
          %dma_start3A_1130 = tpu.memref_squeeze %dma_start3A_1129 : memref<1x!tpu.dma_semaphore, #tpu.memory_space<semaphore_mem>> -> memref<!tpu.dma_semaphore, #tpu.memory_space<semaphore_mem>>
          %dma_start3A_1131 = arith.constant 0 : i32
          %dma_start3A_1132 = tpu.memref_slice %arg7[%dma_start3A_1123, %dma_start3A_1131] : memref<8x64xi32, #tpu.memory_space<vmem>> -> memref<1x64xi32, #tpu.memory_space<vmem>>
          %dma_start3A_1133 = tpu.memref_squeeze %dma_start3A_1132 : memref<1x64xi32, #tpu.memory_space<vmem>> -> memref<64xi32, #tpu.memory_space<vmem>>
          %dma_start3A_1134 = tpu.memref_slice %arg3[%add3A_1122] : memref<320000xi32, #tpu.memory_space<hbm>> -> memref<64xi32, #tpu.memory_space<hbm>>
          tpu.enqueue_dma source(%dma_start3A_1134 : memref<64xi32, #tpu.memory_space<hbm>>) target(%dma_start3A_1133 : memref<64xi32, #tpu.memory_space<vmem>>) target_semaphore(%dma_start3A_1130 : memref<!tpu.dma_semaphore, #tpu.memory_space<semaphore_mem>>)
          %dma_start3A_1135 = arith.constant 7 : i32
          %dma_start3A_1136 = arith.constant 7 : i32
          %dma_start3A_1137 = arith.constant 0 : i32
          %dma_start3A_1138 = arith.constant 0 : i32
          %dma_start3A_1139 = tpu.memref_slice %arg9[%dma_start3A_1135, %dma_start3A_1137, %dma_start3A_1138] : memref<8x64x128xf32, #tpu.memory_space<vmem>> -> memref<1x64x128xf32, #tpu.memory_space<vmem>>
          %dma_start3A_1140 = tpu.memref_squeeze %dma_start3A_1139 : memref<1x64x128xf32, #tpu.memory_space<vmem>> -> memref<64x128xf32, #tpu.memory_space<vmem>>
          %dma_start3A_1141 = arith.constant 0 : i32
          %dma_start3A_1142 = tpu.memref_slice %arg2[%add3A_1122, %dma_start3A_1141] : memref<320000x128xf32, #tpu.memory_space<hbm>> -> memref<64x128xf32, #tpu.memory_space<hbm>>
          %dma_start3A_1143 = tpu.memref_slice %arg12[%dma_start3A_1136] : memref<8x!tpu.dma_semaphore, #tpu.memory_space<semaphore_mem>> -> memref<1x!tpu.dma_semaphore, #tpu.memory_space<semaphore_mem>>
          %dma_start3A_1144 = tpu.memref_squeeze %dma_start3A_1143 : memref<1x!tpu.dma_semaphore, #tpu.memory_space<semaphore_mem>> -> memref<!tpu.dma_semaphore, #tpu.memory_space<semaphore_mem>>
          %dma_start3A_1145 = arith.constant 0 : i32
          %dma_start3A_1146 = arith.constant 0 : i32
          %dma_start3A_1147 = tpu.memref_slice %arg9[%dma_start3A_1135, %dma_start3A_1145, %dma_start3A_1146] : memref<8x64x128xf32, #tpu.memory_space<vmem>> -> memref<1x64x128xf32, #tpu.memory_space<vmem>>
          %dma_start3A_1148 = tpu.memref_squeeze %dma_start3A_1147 : memref<1x64x128xf32, #tpu.memory_space<vmem>> -> memref<64x128xf32, #tpu.memory_space<vmem>>
          %dma_start3A_1149 = arith.constant 0 : i32
          %dma_start3A_1150 = tpu.memref_slice %arg2[%add3A_1122, %dma_start3A_1149] : memref<320000x128xf32, #tpu.memory_space<hbm>> -> memref<64x128xf32, #tpu.memory_space<hbm>>
          tpu.enqueue_dma source(%dma_start3A_1150 : memref<64x128xf32, #tpu.memory_space<hbm>>) target(%dma_start3A_1148 : memref<64x128xf32, #tpu.memory_space<vmem>>) target_semaphore(%dma_start3A_1144 : memref<!tpu.dma_semaphore, #tpu.memory_space<semaphore_mem>>)
        } else {
        }
      } else {
      }
      %mul3A_1021 = arith.constant 8 : i32
      %mul3A_1022 = arith.muli %while3A_988, %mul3A_1021 : i32
      %add3A_1023 = arith.constant 4 : i32
      %add3A_1024 = arith.addi %mul3A_1022, %add3A_1023 : i32
      %lt3A_1025 = arith.cmpi slt, %add3A_1024, %select_n3A_52 : i32
      %convert_element_type3A_1026 = arith.extui %lt3A_1025 : i1 to i32
      %cond3A_1027 = arith.constant 0 : i32
      %cond3A_1028 = arith.cmpi ne, %convert_element_type3A_1026, %cond3A_1027 : i32
      scf.if %cond3A_1028 {
        %mul3A_1053 = arith.constant 64 : i32
        %mul3A_1054 = arith.muli %add3A_1024, %mul3A_1053 : i32
        %add3A_1055 = arith.addi %multiple_of3A, %mul3A_1054 : i32
        %dma_wait3A = arith.constant 4 : i32
        %dma_wait3A_1056 = arith.constant 4 : i32
        %dma_wait3A_1057 = arith.constant 0 : i32
        %dma_wait3A_1058 = tpu.memref_slice %arg7[%dma_wait3A, %dma_wait3A_1057] : memref<8x64xi32, #tpu.memory_space<vmem>> -> memref<1x64xi32, #tpu.memory_space<vmem>>
        %dma_wait3A_1059 = tpu.memref_squeeze %dma_wait3A_1058 : memref<1x64xi32, #tpu.memory_space<vmem>> -> memref<64xi32, #tpu.memory_space<vmem>>
        %dma_wait3A_1060 = tpu.memref_slice %arg3[%add3A_1055] : memref<320000xi32, #tpu.memory_space<hbm>> -> memref<64xi32, #tpu.memory_space<hbm>>
        %dma_wait3A_1061 = tpu.memref_slice %arg12[%dma_wait3A_1056] : memref<8x!tpu.dma_semaphore, #tpu.memory_space<semaphore_mem>> -> memref<1x!tpu.dma_semaphore, #tpu.memory_space<semaphore_mem>>
        %dma_wait3A_1062 = tpu.memref_squeeze %dma_wait3A_1061 : memref<1x!tpu.dma_semaphore, #tpu.memory_space<semaphore_mem>> -> memref<!tpu.dma_semaphore, #tpu.memory_space<semaphore_mem>>
        %dma_wait3A_1063 = arith.constant 0 : i32
        %dma_wait3A_1064 = tpu.memref_slice %arg7[%dma_wait3A, %dma_wait3A_1063] : memref<8x64xi32, #tpu.memory_space<vmem>> -> memref<1x64xi32, #tpu.memory_space<vmem>>
        %dma_wait3A_1065 = tpu.memref_squeeze %dma_wait3A_1064 : memref<1x64xi32, #tpu.memory_space<vmem>> -> memref<64xi32, #tpu.memory_space<vmem>>
        %dma_wait3A_1066 = tpu.memref_slice %arg3[%add3A_1055] : memref<320000xi32, #tpu.memory_space<hbm>> -> memref<64xi32, #tpu.memory_space<hbm>>
        tpu.wait_dma2 semaphore(%dma_wait3A_1062 : memref<!tpu.dma_semaphore, #tpu.memory_space<semaphore_mem>>) src(%dma_wait3A_1066 : memref<64xi32, #tpu.memory_space<hbm>>) dst(%dma_wait3A_1065 : memref<64xi32, #tpu.memory_space<vmem>>)
        %dma_wait3A_1067 = arith.constant 4 : i32
        %dma_wait3A_1068 = arith.constant 4 : i32
        %dma_wait3A_1069 = arith.constant 0 : i32
        %dma_wait3A_1070 = arith.constant 0 : i32
        %dma_wait3A_1071 = tpu.memref_slice %arg9[%dma_wait3A_1067, %dma_wait3A_1069, %dma_wait3A_1070] : memref<8x64x128xf32, #tpu.memory_space<vmem>> -> memref<1x64x128xf32, #tpu.memory_space<vmem>>
        %dma_wait3A_1072 = tpu.memref_squeeze %dma_wait3A_1071 : memref<1x64x128xf32, #tpu.memory_space<vmem>> -> memref<64x128xf32, #tpu.memory_space<vmem>>
        %dma_wait3A_1073 = arith.constant 0 : i32
        %dma_wait3A_1074 = tpu.memref_slice %arg2[%add3A_1055, %dma_wait3A_1073] : memref<320000x128xf32, #tpu.memory_space<hbm>> -> memref<64x128xf32, #tpu.memory_space<hbm>>
        %dma_wait3A_1075 = tpu.memref_slice %arg12[%dma_wait3A_1068] : memref<8x!tpu.dma_semaphore, #tpu.memory_space<semaphore_mem>> -> memref<1x!tpu.dma_semaphore, #tpu.memory_space<semaphore_mem>>
        %dma_wait3A_1076 = tpu.memref_squeeze %dma_wait3A_1075 : memref<1x!tpu.dma_semaphore, #tpu.memory_space<semaphore_mem>> -> memref<!tpu.dma_semaphore, #tpu.memory_space<semaphore_mem>>
        %dma_wait3A_1077 = arith.constant 0 : i32
        %dma_wait3A_1078 = arith.constant 0 : i32
        %dma_wait3A_1079 = tpu.memref_slice %arg9[%dma_wait3A_1067, %dma_wait3A_1077, %dma_wait3A_1078] : memref<8x64x128xf32, #tpu.memory_space<vmem>> -> memref<1x64x128xf32, #tpu.memory_space<vmem>>
        %dma_wait3A_1080 = tpu.memref_squeeze %dma_wait3A_1079 : memref<1x64x128xf32, #tpu.memory_space<vmem>> -> memref<64x128xf32, #tpu.memory_space<vmem>>
        %dma_wait3A_1081 = arith.constant 0 : i32
        %dma_wait3A_1082 = tpu.memref_slice %arg2[%add3A_1055, %dma_wait3A_1081] : memref<320000x128xf32, #tpu.memory_space<hbm>> -> memref<64x128xf32, #tpu.memory_space<hbm>>
        tpu.wait_dma2 semaphore(%dma_wait3A_1076 : memref<!tpu.dma_semaphore, #tpu.memory_space<semaphore_mem>>) src(%dma_wait3A_1082 : memref<64x128xf32, #tpu.memory_space<hbm>>) dst(%dma_wait3A_1080 : memref<64x128xf32, #tpu.memory_space<vmem>>)
        %mul3A_1083 = arith.constant 64 : i32
        %mul3A_1084 = arith.muli %add3A_1024, %mul3A_1083 : i32
        %add3A_1085 = arith.addi %multiple_of3A, %mul3A_1084 : i32
        %scan3A_1086 = arith.constant 0 : i32
        %scan3A_1087 = arith.constant 4 : i32
        %scan3A_1088 = arith.constant 0 : i32
        %scan3A_1089 = arith.constant 4 : i32
        %scan3A_1090 = arith.addi %scan3A_1088, %scan3A_1089 : i32
        %scan3A_1091 = arith.constant 1 : i32
        scf.for %scan3A_1118 = %scan3A_1088 to %scan3A_1090 step %scan3A_1091  : i32 {
          %mul3A_1119 = arith.constant 16 : i32
          %mul3A_1120 = arith.muli %scan3A_1118, %mul3A_1119 : i32
          %add3A_1121 = arith.addi %add3A_1085, %mul3A_1120 : i32
          %iota3A = tpu.iota {dimensions = array<i32: 0>} : vector<16xi32>
          %add3A_1122 = vector.broadcast %add3A_1121 : i32 to vector<16xi32>
          %add3A_1123 = arith.addi %add3A_1122, %iota3A : vector<16xi32>
          %ge3A_1124 = vector.broadcast %squeeze3A : i32 to vector<16xi32>
          %ge3A_1125 = arith.cmpi sge, %add3A_1123, %ge3A_1124 : vector<16xi32>
          %lt3A_1126 = vector.broadcast %squeeze3A_9 : i32 to vector<16xi32>
          %lt3A_1127 = arith.cmpi slt, %add3A_1123, %lt3A_1126 : vector<16xi32>
          %and3A_1128 = arith.andi %ge3A_1125, %lt3A_1127 : vector<16xi1>
          %get3A_1129 = arith.constant 0 : i32
          %get3A_1130 = tpu.memref_slice %arg7[%scan3A_1087, %get3A_1129] : memref<8x64xi32, #tpu.memory_space<vmem>> -> memref<1x64xi32, #tpu.memory_space<vmem>>
          %get3A_1131 = tpu.memref_squeeze %get3A_1130 : memref<1x64xi32, #tpu.memory_space<vmem>> -> memref<64xi32, #tpu.memory_space<vmem>>
          %get3A_1132 = arith.index_cast %mul3A_1120 : i32 to index
          %get3A_1133 = tpu.vector_load %get3A_1131[%get3A_1132] {strides = array<i32>} : memref<64xi32, #tpu.memory_space<vmem>>, vector<16xi32>,
          %get3A_1134 = vector.shape_cast %get3A_1133 : vector<16xi32> to vector<16xi32>
          %mul3A_1135 = arith.constant 5000 : i32
          %mul3A_1136 = arith.muli %arg0, %mul3A_1135 : i32
          %sub3A_1137 = vector.broadcast %mul3A_1136 : i32 to vector<16xi32>
          %sub3A_1138 = arith.subi %get3A_1134, %sub3A_1137 : vector<16xi32>
          %add3A_1139 = arith.constant 5000 : i32
          %add3A_1140 = arith.addi %add3A_1139, %arg1 : i32
          %broadcast_in_dim3A_1141 = vector.broadcast %add3A_1140 : i32 to vector<16xi32>
          %select_n3A_1142 = arith.select %and3A_1128, %sub3A_1138, %broadcast_in_dim3A_1141 : vector<16xi1>, vector<16xi32>
          %swap3A = arith.constant 0 : i32
          %swap3A_1143 = tpu.memref_slice %arg7[%scan3A_1087, %swap3A] : memref<8x64xi32, #tpu.memory_space<vmem>> -> memref<1x64xi32, #tpu.memory_space<vmem>>
          %swap3A_1144 = tpu.memref_squeeze %swap3A_1143 : memref<1x64xi32, #tpu.memory_space<vmem>> -> memref<64xi32, #tpu.memory_space<vmem>>
          %swap3A_1145 = arith.index_cast %mul3A_1120 : i32 to index
          %swap3A_1146 = tpu.vector_load %swap3A_1144[%swap3A_1145] {strides = array<i32>} : memref<64xi32, #tpu.memory_space<vmem>>, vector<16xi32>,
          %swap3A_1147 = vector.shape_cast %swap3A_1146 : vector<16xi32> to vector<16xi32>
          %swap3A_1148 = vector.shape_cast %select_n3A_1142 : vector<16xi32> to vector<16xi32>
          tpu.vector_store %swap3A_1144[%swap3A_1145], %swap3A_1148 {strides = array<i32>} : memref<64xi32, #tpu.memory_space<vmem>>, vector<16xi32>,
        }
        %scan3A_1092 = arith.constant 4 : i32
        %dma_start3A = arith.constant 4 : i32
        %dma_start3A_1093 = arith.constant 4 : i32
        %dma_start3A_1094 = arith.constant 4 : i32
        %dma_start3A_1095 = arith.constant 0 : i32
        %dma_start3A_1096 = arith.constant 0 : i32
        %dma_start3A_1097 = tpu.memref_slice %arg9[%dma_start3A, %dma_start3A_1095, %dma_start3A_1096] : memref<8x64x128xf32, #tpu.memory_space<vmem>> -> memref<1x64x128xf32, #tpu.memory_space<vmem>>
        %dma_start3A_1098 = tpu.memref_squeeze %dma_start3A_1097 : memref<1x64x128xf32, #tpu.memory_space<vmem>> -> memref<64x128xf32, #tpu.memory_space<vmem>>
        %dma_start3A_1099 = arith.constant 0 : i32
        %dma_start3A_1100 = tpu.memref_slice %arg7[%dma_start3A_1093, %dma_start3A_1099] : memref<8x64xi32, #tpu.memory_space<vmem>> -> memref<1x64xi32, #tpu.memory_space<vmem>>
        %dma_start3A_1101 = tpu.memref_squeeze %dma_start3A_1100 : memref<1x64xi32, #tpu.memory_space<vmem>> -> memref<64xi32, #tpu.memory_space<vmem>>
        %dma_start3A_1102 = arith.constant 0 : i32
        %dma_start3A_1103 = arith.constant 0 : i32
        %dma_start3A_1104 = tpu.memref_slice %arg11[%dma_start3A_1102, %dma_start3A_1103] : memref<5024x128xf32, #tpu.memory_space<vmem_shared>> -> memref<5024x128xf32, #tpu.memory_space<vmem_shared>>
        %dma_start3A_1105 = tpu.memref_slice %arg13[%dma_start3A_1094] : memref<8x!tpu.dma_semaphore, #tpu.memory_space<semaphore_mem>> -> memref<1x!tpu.dma_semaphore, #tpu.memory_space<semaphore_mem>>
        %dma_start3A_1106 = tpu.memref_squeeze %dma_start3A_1105 : memref<1x!tpu.dma_semaphore, #tpu.memory_space<semaphore_mem>> -> memref<!tpu.dma_semaphore, #tpu.memory_space<semaphore_mem>>
        tpu.enqueue_indirect_dma source(%dma_start3A_1098 : memref<64x128xf32, #tpu.memory_space<vmem>>) target(%dma_start3A_1104 : memref<5024x128xf32, #tpu.memory_space<vmem_shared>>) offsets(%dma_start3A_1101 : memref<64xi32, #tpu.memory_space<vmem>>) semaphore(%dma_start3A_1106 : memref<!tpu.dma_semaphore, #tpu.memory_space<semaphore_mem>>) {add = true}
        %ge3A_1107 = arith.constant 4 : i32
        %ge3A_1108 = arith.cmpi sge, %add3A_1024, %ge3A_1107 : i32
        %convert_element_type3A_1109 = arith.extui %ge3A_1108 : i1 to i32
        %cond3A_1110 = arith.constant 0 : i32
        %cond3A_1111 = arith.cmpi ne, %convert_element_type3A_1109, %cond3A_1110 : i32
        scf.if %cond3A_1111 {
          %dma_wait3A_1118 = arith.constant 0 : i32
          %dma_wait3A_1119 = arith.constant 0 : i32
          %dma_wait3A_1120 = arith.constant 0 : i32
          %dma_wait3A_1121 = arith.constant 0 : i32
          %dma_wait3A_1122 = tpu.memref_slice %arg9[%dma_wait3A_1118, %dma_wait3A_1120, %dma_wait3A_1121] : memref<8x64x128xf32, #tpu.memory_space<vmem>> -> memref<1x64x128xf32, #tpu.memory_space<vmem>>
          %dma_wait3A_1123 = tpu.memref_squeeze %dma_wait3A_1122 : memref<1x64x128xf32, #tpu.memory_space<vmem>> -> memref<64x128xf32, #tpu.memory_space<vmem>>
          %dma_wait3A_1124 = arith.constant 0 : i32
          %dma_wait3A_1125 = arith.constant 0 : i32
          %dma_wait3A_1126 = tpu.memref_slice %arg11[%dma_wait3A_1124, %dma_wait3A_1125] : memref<5024x128xf32, #tpu.memory_space<vmem_shared>> -> memref<5024x128xf32, #tpu.memory_space<vmem_shared>>
          %dma_wait3A_1127 = tpu.memref_slice %arg13[%dma_wait3A_1119] : memref<8x!tpu.dma_semaphore, #tpu.memory_space<semaphore_mem>> -> memref<1x!tpu.dma_semaphore, #tpu.memory_space<semaphore_mem>>
          %dma_wait3A_1128 = tpu.memref_squeeze %dma_wait3A_1127 : memref<1x!tpu.dma_semaphore, #tpu.memory_space<semaphore_mem>> -> memref<!tpu.dma_semaphore, #tpu.memory_space<semaphore_mem>>
          tpu.wait_indirect_dma semaphore(%dma_wait3A_1128 : memref<!tpu.dma_semaphore, #tpu.memory_space<semaphore_mem>>) src(%dma_wait3A_1123 : memref<64x128xf32, #tpu.memory_space<vmem>>) dst(%dma_wait3A_1126 : memref<5024x128xf32, #tpu.memory_space<vmem_shared>>)
        } else {
        }
        %add3A_1112 = arith.constant 4 : i32
        %add3A_1113 = arith.addi %add3A_1024, %add3A_1112 : i32
        %lt3A_1114 = arith.cmpi slt, %add3A_1113, %select_n3A_52 : i32
        %convert_element_type3A_1115 = arith.extui %lt3A_1114 : i1 to i32
        %cond3A_1116 = arith.constant 0 : i32
        %cond3A_1117 = arith.cmpi ne, %convert_element_type3A_1115, %cond3A_1116 : i32
        scf.if %cond3A_1117 {
          %add3A_1118 = arith.constant 4 : i32
          %add3A_1119 = arith.addi %add3A_1024, %add3A_1118 : i32
          %mul3A_1120 = arith.constant 64 : i32
          %mul3A_1121 = arith.muli %add3A_1119, %mul3A_1120 : i32
          %add3A_1122 = arith.addi %multiple_of3A, %mul3A_1121 : i32
          %dma_start3A_1123 = arith.constant 0 : i32
          %dma_start3A_1124 = arith.constant 0 : i32
          %dma_start3A_1125 = arith.constant 0 : i32
          %dma_start3A_1126 = tpu.memref_slice %arg7[%dma_start3A_1123, %dma_start3A_1125] : memref<8x64xi32, #tpu.memory_space<vmem>> -> memref<1x64xi32, #tpu.memory_space<vmem>>
          %dma_start3A_1127 = tpu.memref_squeeze %dma_start3A_1126 : memref<1x64xi32, #tpu.memory_space<vmem>> -> memref<64xi32, #tpu.memory_space<vmem>>
          %dma_start3A_1128 = tpu.memref_slice %arg3[%add3A_1122] : memref<320000xi32, #tpu.memory_space<hbm>> -> memref<64xi32, #tpu.memory_space<hbm>>
          %dma_start3A_1129 = tpu.memref_slice %arg12[%dma_start3A_1124] : memref<8x!tpu.dma_semaphore, #tpu.memory_space<semaphore_mem>> -> memref<1x!tpu.dma_semaphore, #tpu.memory_space<semaphore_mem>>
          %dma_start3A_1130 = tpu.memref_squeeze %dma_start3A_1129 : memref<1x!tpu.dma_semaphore, #tpu.memory_space<semaphore_mem>> -> memref<!tpu.dma_semaphore, #tpu.memory_space<semaphore_mem>>
          %dma_start3A_1131 = arith.constant 0 : i32
          %dma_start3A_1132 = tpu.memref_slice %arg7[%dma_start3A_1123, %dma_start3A_1131] : memref<8x64xi32, #tpu.memory_space<vmem>> -> memref<1x64xi32, #tpu.memory_space<vmem>>
          %dma_start3A_1133 = tpu.memref_squeeze %dma_start3A_1132 : memref<1x64xi32, #tpu.memory_space<vmem>> -> memref<64xi32, #tpu.memory_space<vmem>>
          %dma_start3A_1134 = tpu.memref_slice %arg3[%add3A_1122] : memref<320000xi32, #tpu.memory_space<hbm>> -> memref<64xi32, #tpu.memory_space<hbm>>
          tpu.enqueue_dma source(%dma_start3A_1134 : memref<64xi32, #tpu.memory_space<hbm>>) target(%dma_start3A_1133 : memref<64xi32, #tpu.memory_space<vmem>>) target_semaphore(%dma_start3A_1130 : memref<!tpu.dma_semaphore, #tpu.memory_space<semaphore_mem>>)
          %dma_start3A_1135 = arith.constant 0 : i32
          %dma_start3A_1136 = arith.constant 0 : i32
          %dma_start3A_1137 = arith.constant 0 : i32
          %dma_start3A_1138 = arith.constant 0 : i32
          %dma_start3A_1139 = tpu.memref_slice %arg9[%dma_start3A_1135, %dma_start3A_1137, %dma_start3A_1138] : memref<8x64x128xf32, #tpu.memory_space<vmem>> -> memref<1x64x128xf32, #tpu.memory_space<vmem>>
          %dma_start3A_1140 = tpu.memref_squeeze %dma_start3A_1139 : memref<1x64x128xf32, #tpu.memory_space<vmem>> -> memref<64x128xf32, #tpu.memory_space<vmem>>
          %dma_start3A_1141 = arith.constant 0 : i32
          %dma_start3A_1142 = tpu.memref_slice %arg2[%add3A_1122, %dma_start3A_1141] : memref<320000x128xf32, #tpu.memory_space<hbm>> -> memref<64x128xf32, #tpu.memory_space<hbm>>
          %dma_start3A_1143 = tpu.memref_slice %arg12[%dma_start3A_1136] : memref<8x!tpu.dma_semaphore, #tpu.memory_space<semaphore_mem>> -> memref<1x!tpu.dma_semaphore, #tpu.memory_space<semaphore_mem>>
          %dma_start3A_1144 = tpu.memref_squeeze %dma_start3A_1143 : memref<1x!tpu.dma_semaphore, #tpu.memory_space<semaphore_mem>> -> memref<!tpu.dma_semaphore, #tpu.memory_space<semaphore_mem>>
          %dma_start3A_1145 = arith.constant 0 : i32
          %dma_start3A_1146 = arith.constant 0 : i32
          %dma_start3A_1147 = tpu.memref_slice %arg9[%dma_start3A_1135, %dma_start3A_1145, %dma_start3A_1146] : memref<8x64x128xf32, #tpu.memory_space<vmem>> -> memref<1x64x128xf32, #tpu.memory_space<vmem>>
          %dma_start3A_1148 = tpu.memref_squeeze %dma_start3A_1147 : memref<1x64x128xf32, #tpu.memory_space<vmem>> -> memref<64x128xf32, #tpu.memory_space<vmem>>
          %dma_start3A_1149 = arith.constant 0 : i32
          %dma_start3A_1150 = tpu.memref_slice %arg2[%add3A_1122, %dma_start3A_1149] : memref<320000x128xf32, #tpu.memory_space<hbm>> -> memref<64x128xf32, #tpu.memory_space<hbm>>
          tpu.enqueue_dma source(%dma_start3A_1150 : memref<64x128xf32, #tpu.memory_space<hbm>>) target(%dma_start3A_1148 : memref<64x128xf32, #tpu.memory_space<vmem>>) target_semaphore(%dma_start3A_1144 : memref<!tpu.dma_semaphore, #tpu.memory_space<semaphore_mem>>)
        } else {
        }
      } else {
      }
      %mul3A_1029 = arith.constant 8 : i32
      %mul3A_1030 = arith.muli %while3A_988, %mul3A_1029 : i32
      %add3A_1031 = arith.constant 5 : i32
      %add3A_1032 = arith.addi %mul3A_1030, %add3A_1031 : i32
      %lt3A_1033 = arith.cmpi slt, %add3A_1032, %select_n3A_52 : i32
      %convert_element_type3A_1034 = arith.extui %lt3A_1033 : i1 to i32
      %cond3A_1035 = arith.constant 0 : i32
      %cond3A_1036 = arith.cmpi ne, %convert_element_type3A_1034, %cond3A_1035 : i32
      scf.if %cond3A_1036 {
        %mul3A_1053 = arith.constant 64 : i32
        %mul3A_1054 = arith.muli %add3A_1032, %mul3A_1053 : i32
        %add3A_1055 = arith.addi %multiple_of3A, %mul3A_1054 : i32
        %dma_wait3A = arith.constant 5 : i32
        %dma_wait3A_1056 = arith.constant 5 : i32
        %dma_wait3A_1057 = arith.constant 0 : i32
        %dma_wait3A_1058 = tpu.memref_slice %arg7[%dma_wait3A, %dma_wait3A_1057] : memref<8x64xi32, #tpu.memory_space<vmem>> -> memref<1x64xi32, #tpu.memory_space<vmem>>
        %dma_wait3A_1059 = tpu.memref_squeeze %dma_wait3A_1058 : memref<1x64xi32, #tpu.memory_space<vmem>> -> memref<64xi32, #tpu.memory_space<vmem>>
        %dma_wait3A_1060 = tpu.memref_slice %arg3[%add3A_1055] : memref<320000xi32, #tpu.memory_space<hbm>> -> memref<64xi32, #tpu.memory_space<hbm>>
        %dma_wait3A_1061 = tpu.memref_slice %arg12[%dma_wait3A_1056] : memref<8x!tpu.dma_semaphore, #tpu.memory_space<semaphore_mem>> -> memref<1x!tpu.dma_semaphore, #tpu.memory_space<semaphore_mem>>
        %dma_wait3A_1062 = tpu.memref_squeeze %dma_wait3A_1061 : memref<1x!tpu.dma_semaphore, #tpu.memory_space<semaphore_mem>> -> memref<!tpu.dma_semaphore, #tpu.memory_space<semaphore_mem>>
        %dma_wait3A_1063 = arith.constant 0 : i32
        %dma_wait3A_1064 = tpu.memref_slice %arg7[%dma_wait3A, %dma_wait3A_1063] : memref<8x64xi32, #tpu.memory_space<vmem>> -> memref<1x64xi32, #tpu.memory_space<vmem>>
        %dma_wait3A_1065 = tpu.memref_squeeze %dma_wait3A_1064 : memref<1x64xi32, #tpu.memory_space<vmem>> -> memref<64xi32, #tpu.memory_space<vmem>>
        %dma_wait3A_1066 = tpu.memref_slice %arg3[%add3A_1055] : memref<320000xi32, #tpu.memory_space<hbm>> -> memref<64xi32, #tpu.memory_space<hbm>>
        tpu.wait_dma2 semaphore(%dma_wait3A_1062 : memref<!tpu.dma_semaphore, #tpu.memory_space<semaphore_mem>>) src(%dma_wait3A_1066 : memref<64xi32, #tpu.memory_space<hbm>>) dst(%dma_wait3A_1065 : memref<64xi32, #tpu.memory_space<vmem>>)
        %dma_wait3A_1067 = arith.constant 5 : i32
        %dma_wait3A_1068 = arith.constant 5 : i32
        %dma_wait3A_1069 = arith.constant 0 : i32
        %dma_wait3A_1070 = arith.constant 0 : i32
        %dma_wait3A_1071 = tpu.memref_slice %arg9[%dma_wait3A_1067, %dma_wait3A_1069, %dma_wait3A_1070] : memref<8x64x128xf32, #tpu.memory_space<vmem>> -> memref<1x64x128xf32, #tpu.memory_space<vmem>>
        %dma_wait3A_1072 = tpu.memref_squeeze %dma_wait3A_1071 : memref<1x64x128xf32, #tpu.memory_space<vmem>> -> memref<64x128xf32, #tpu.memory_space<vmem>>
        %dma_wait3A_1073 = arith.constant 0 : i32
        %dma_wait3A_1074 = tpu.memref_slice %arg2[%add3A_1055, %dma_wait3A_1073] : memref<320000x128xf32, #tpu.memory_space<hbm>> -> memref<64x128xf32, #tpu.memory_space<hbm>>
        %dma_wait3A_1075 = tpu.memref_slice %arg12[%dma_wait3A_1068] : memref<8x!tpu.dma_semaphore, #tpu.memory_space<semaphore_mem>> -> memref<1x!tpu.dma_semaphore, #tpu.memory_space<semaphore_mem>>
        %dma_wait3A_1076 = tpu.memref_squeeze %dma_wait3A_1075 : memref<1x!tpu.dma_semaphore, #tpu.memory_space<semaphore_mem>> -> memref<!tpu.dma_semaphore, #tpu.memory_space<semaphore_mem>>
        %dma_wait3A_1077 = arith.constant 0 : i32
        %dma_wait3A_1078 = arith.constant 0 : i32
        %dma_wait3A_1079 = tpu.memref_slice %arg9[%dma_wait3A_1067, %dma_wait3A_1077, %dma_wait3A_1078] : memref<8x64x128xf32, #tpu.memory_space<vmem>> -> memref<1x64x128xf32, #tpu.memory_space<vmem>>
        %dma_wait3A_1080 = tpu.memref_squeeze %dma_wait3A_1079 : memref<1x64x128xf32, #tpu.memory_space<vmem>> -> memref<64x128xf32, #tpu.memory_space<vmem>>
        %dma_wait3A_1081 = arith.constant 0 : i32
        %dma_wait3A_1082 = tpu.memref_slice %arg2[%add3A_1055, %dma_wait3A_1081] : memref<320000x128xf32, #tpu.memory_space<hbm>> -> memref<64x128xf32, #tpu.memory_space<hbm>>
        tpu.wait_dma2 semaphore(%dma_wait3A_1076 : memref<!tpu.dma_semaphore, #tpu.memory_space<semaphore_mem>>) src(%dma_wait3A_1082 : memref<64x128xf32, #tpu.memory_space<hbm>>) dst(%dma_wait3A_1080 : memref<64x128xf32, #tpu.memory_space<vmem>>)
        %mul3A_1083 = arith.constant 64 : i32
        %mul3A_1084 = arith.muli %add3A_1032, %mul3A_1083 : i32
        %add3A_1085 = arith.addi %multiple_of3A, %mul3A_1084 : i32
        %scan3A_1086 = arith.constant 0 : i32
        %scan3A_1087 = arith.constant 5 : i32
        %scan3A_1088 = arith.constant 0 : i32
        %scan3A_1089 = arith.constant 4 : i32
        %scan3A_1090 = arith.addi %scan3A_1088, %scan3A_1089 : i32
        %scan3A_1091 = arith.constant 1 : i32
        scf.for %scan3A_1118 = %scan3A_1088 to %scan3A_1090 step %scan3A_1091  : i32 {
          %mul3A_1119 = arith.constant 16 : i32
          %mul3A_1120 = arith.muli %scan3A_1118, %mul3A_1119 : i32
          %add3A_1121 = arith.addi %add3A_1085, %mul3A_1120 : i32
          %iota3A = tpu.iota {dimensions = array<i32: 0>} : vector<16xi32>
          %add3A_1122 = vector.broadcast %add3A_1121 : i32 to vector<16xi32>
          %add3A_1123 = arith.addi %add3A_1122, %iota3A : vector<16xi32>
          %ge3A_1124 = vector.broadcast %squeeze3A : i32 to vector<16xi32>
          %ge3A_1125 = arith.cmpi sge, %add3A_1123, %ge3A_1124 : vector<16xi32>
          %lt3A_1126 = vector.broadcast %squeeze3A_9 : i32 to vector<16xi32>
          %lt3A_1127 = arith.cmpi slt, %add3A_1123, %lt3A_1126 : vector<16xi32>
          %and3A_1128 = arith.andi %ge3A_1125, %lt3A_1127 : vector<16xi1>
          %get3A_1129 = arith.constant 0 : i32
          %get3A_1130 = tpu.memref_slice %arg7[%scan3A_1087, %get3A_1129] : memref<8x64xi32, #tpu.memory_space<vmem>> -> memref<1x64xi32, #tpu.memory_space<vmem>>
          %get3A_1131 = tpu.memref_squeeze %get3A_1130 : memref<1x64xi32, #tpu.memory_space<vmem>> -> memref<64xi32, #tpu.memory_space<vmem>>
          %get3A_1132 = arith.index_cast %mul3A_1120 : i32 to index
          %get3A_1133 = tpu.vector_load %get3A_1131[%get3A_1132] {strides = array<i32>} : memref<64xi32, #tpu.memory_space<vmem>>, vector<16xi32>,
          %get3A_1134 = vector.shape_cast %get3A_1133 : vector<16xi32> to vector<16xi32>
          %mul3A_1135 = arith.constant 5000 : i32
          %mul3A_1136 = arith.muli %arg0, %mul3A_1135 : i32
          %sub3A_1137 = vector.broadcast %mul3A_1136 : i32 to vector<16xi32>
          %sub3A_1138 = arith.subi %get3A_1134, %sub3A_1137 : vector<16xi32>
          %add3A_1139 = arith.constant 5000 : i32
          %add3A_1140 = arith.addi %add3A_1139, %arg1 : i32
          %broadcast_in_dim3A_1141 = vector.broadcast %add3A_1140 : i32 to vector<16xi32>
          %select_n3A_1142 = arith.select %and3A_1128, %sub3A_1138, %broadcast_in_dim3A_1141 : vector<16xi1>, vector<16xi32>
          %swap3A = arith.constant 0 : i32
          %swap3A_1143 = tpu.memref_slice %arg7[%scan3A_1087, %swap3A] : memref<8x64xi32, #tpu.memory_space<vmem>> -> memref<1x64xi32, #tpu.memory_space<vmem>>
          %swap3A_1144 = tpu.memref_squeeze %swap3A_1143 : memref<1x64xi32, #tpu.memory_space<vmem>> -> memref<64xi32, #tpu.memory_space<vmem>>
          %swap3A_1145 = arith.index_cast %mul3A_1120 : i32 to index
          %swap3A_1146 = tpu.vector_load %swap3A_1144[%swap3A_1145] {strides = array<i32>} : memref<64xi32, #tpu.memory_space<vmem>>, vector<16xi32>,
          %swap3A_1147 = vector.shape_cast %swap3A_1146 : vector<16xi32> to vector<16xi32>
          %swap3A_1148 = vector.shape_cast %select_n3A_1142 : vector<16xi32> to vector<16xi32>
          tpu.vector_store %swap3A_1144[%swap3A_1145], %swap3A_1148 {strides = array<i32>} : memref<64xi32, #tpu.memory_space<vmem>>, vector<16xi32>,
        }
        %scan3A_1092 = arith.constant 4 : i32
        %dma_start3A = arith.constant 5 : i32
        %dma_start3A_1093 = arith.constant 5 : i32
        %dma_start3A_1094 = arith.constant 5 : i32
        %dma_start3A_1095 = arith.constant 0 : i32
        %dma_start3A_1096 = arith.constant 0 : i32
        %dma_start3A_1097 = tpu.memref_slice %arg9[%dma_start3A, %dma_start3A_1095, %dma_start3A_1096] : memref<8x64x128xf32, #tpu.memory_space<vmem>> -> memref<1x64x128xf32, #tpu.memory_space<vmem>>
        %dma_start3A_1098 = tpu.memref_squeeze %dma_start3A_1097 : memref<1x64x128xf32, #tpu.memory_space<vmem>> -> memref<64x128xf32, #tpu.memory_space<vmem>>
        %dma_start3A_1099 = arith.constant 0 : i32
        %dma_start3A_1100 = tpu.memref_slice %arg7[%dma_start3A_1093, %dma_start3A_1099] : memref<8x64xi32, #tpu.memory_space<vmem>> -> memref<1x64xi32, #tpu.memory_space<vmem>>
        %dma_start3A_1101 = tpu.memref_squeeze %dma_start3A_1100 : memref<1x64xi32, #tpu.memory_space<vmem>> -> memref<64xi32, #tpu.memory_space<vmem>>
        %dma_start3A_1102 = arith.constant 0 : i32
        %dma_start3A_1103 = arith.constant 0 : i32
        %dma_start3A_1104 = tpu.memref_slice %arg11[%dma_start3A_1102, %dma_start3A_1103] : memref<5024x128xf32, #tpu.memory_space<vmem_shared>> -> memref<5024x128xf32, #tpu.memory_space<vmem_shared>>
        %dma_start3A_1105 = tpu.memref_slice %arg13[%dma_start3A_1094] : memref<8x!tpu.dma_semaphore, #tpu.memory_space<semaphore_mem>> -> memref<1x!tpu.dma_semaphore, #tpu.memory_space<semaphore_mem>>
        %dma_start3A_1106 = tpu.memref_squeeze %dma_start3A_1105 : memref<1x!tpu.dma_semaphore, #tpu.memory_space<semaphore_mem>> -> memref<!tpu.dma_semaphore, #tpu.memory_space<semaphore_mem>>
        tpu.enqueue_indirect_dma source(%dma_start3A_1098 : memref<64x128xf32, #tpu.memory_space<vmem>>) target(%dma_start3A_1104 : memref<5024x128xf32, #tpu.memory_space<vmem_shared>>) offsets(%dma_start3A_1101 : memref<64xi32, #tpu.memory_space<vmem>>) semaphore(%dma_start3A_1106 : memref<!tpu.dma_semaphore, #tpu.memory_space<semaphore_mem>>) {add = true}
        %ge3A_1107 = arith.constant 4 : i32
        %ge3A_1108 = arith.cmpi sge, %add3A_1032, %ge3A_1107 : i32
        %convert_element_type3A_1109 = arith.extui %ge3A_1108 : i1 to i32
        %cond3A_1110 = arith.constant 0 : i32
        %cond3A_1111 = arith.cmpi ne, %convert_element_type3A_1109, %cond3A_1110 : i32
        scf.if %cond3A_1111 {
          %dma_wait3A_1118 = arith.constant 1 : i32
          %dma_wait3A_1119 = arith.constant 1 : i32
          %dma_wait3A_1120 = arith.constant 0 : i32
          %dma_wait3A_1121 = arith.constant 0 : i32
          %dma_wait3A_1122 = tpu.memref_slice %arg9[%dma_wait3A_1118, %dma_wait3A_1120, %dma_wait3A_1121] : memref<8x64x128xf32, #tpu.memory_space<vmem>> -> memref<1x64x128xf32, #tpu.memory_space<vmem>>
          %dma_wait3A_1123 = tpu.memref_squeeze %dma_wait3A_1122 : memref<1x64x128xf32, #tpu.memory_space<vmem>> -> memref<64x128xf32, #tpu.memory_space<vmem>>
          %dma_wait3A_1124 = arith.constant 0 : i32
          %dma_wait3A_1125 = arith.constant 0 : i32
          %dma_wait3A_1126 = tpu.memref_slice %arg11[%dma_wait3A_1124, %dma_wait3A_1125] : memref<5024x128xf32, #tpu.memory_space<vmem_shared>> -> memref<5024x128xf32, #tpu.memory_space<vmem_shared>>
          %dma_wait3A_1127 = tpu.memref_slice %arg13[%dma_wait3A_1119] : memref<8x!tpu.dma_semaphore, #tpu.memory_space<semaphore_mem>> -> memref<1x!tpu.dma_semaphore, #tpu.memory_space<semaphore_mem>>
          %dma_wait3A_1128 = tpu.memref_squeeze %dma_wait3A_1127 : memref<1x!tpu.dma_semaphore, #tpu.memory_space<semaphore_mem>> -> memref<!tpu.dma_semaphore, #tpu.memory_space<semaphore_mem>>
          tpu.wait_indirect_dma semaphore(%dma_wait3A_1128 : memref<!tpu.dma_semaphore, #tpu.memory_space<semaphore_mem>>) src(%dma_wait3A_1123 : memref<64x128xf32, #tpu.memory_space<vmem>>) dst(%dma_wait3A_1126 : memref<5024x128xf32, #tpu.memory_space<vmem_shared>>)
        } else {
        }
        %add3A_1112 = arith.constant 4 : i32
        %add3A_1113 = arith.addi %add3A_1032, %add3A_1112 : i32
        %lt3A_1114 = arith.cmpi slt, %add3A_1113, %select_n3A_52 : i32
        %convert_element_type3A_1115 = arith.extui %lt3A_1114 : i1 to i32
        %cond3A_1116 = arith.constant 0 : i32
        %cond3A_1117 = arith.cmpi ne, %convert_element_type3A_1115, %cond3A_1116 : i32
        scf.if %cond3A_1117 {
          %add3A_1118 = arith.constant 4 : i32
          %add3A_1119 = arith.addi %add3A_1032, %add3A_1118 : i32
          %mul3A_1120 = arith.constant 64 : i32
          %mul3A_1121 = arith.muli %add3A_1119, %mul3A_1120 : i32
          %add3A_1122 = arith.addi %multiple_of3A, %mul3A_1121 : i32
          %dma_start3A_1123 = arith.constant 1 : i32
          %dma_start3A_1124 = arith.constant 1 : i32
          %dma_start3A_1125 = arith.constant 0 : i32
          %dma_start3A_1126 = tpu.memref_slice %arg7[%dma_start3A_1123, %dma_start3A_1125] : memref<8x64xi32, #tpu.memory_space<vmem>> -> memref<1x64xi32, #tpu.memory_space<vmem>>
          %dma_start3A_1127 = tpu.memref_squeeze %dma_start3A_1126 : memref<1x64xi32, #tpu.memory_space<vmem>> -> memref<64xi32, #tpu.memory_space<vmem>>
          %dma_start3A_1128 = tpu.memref_slice %arg3[%add3A_1122] : memref<320000xi32, #tpu.memory_space<hbm>> -> memref<64xi32, #tpu.memory_space<hbm>>
          %dma_start3A_1129 = tpu.memref_slice %arg12[%dma_start3A_1124] : memref<8x!tpu.dma_semaphore, #tpu.memory_space<semaphore_mem>> -> memref<1x!tpu.dma_semaphore, #tpu.memory_space<semaphore_mem>>
          %dma_start3A_1130 = tpu.memref_squeeze %dma_start3A_1129 : memref<1x!tpu.dma_semaphore, #tpu.memory_space<semaphore_mem>> -> memref<!tpu.dma_semaphore, #tpu.memory_space<semaphore_mem>>
          %dma_start3A_1131 = arith.constant 0 : i32
          %dma_start3A_1132 = tpu.memref_slice %arg7[%dma_start3A_1123, %dma_start3A_1131] : memref<8x64xi32, #tpu.memory_space<vmem>> -> memref<1x64xi32, #tpu.memory_space<vmem>>
          %dma_start3A_1133 = tpu.memref_squeeze %dma_start3A_1132 : memref<1x64xi32, #tpu.memory_space<vmem>> -> memref<64xi32, #tpu.memory_space<vmem>>
          %dma_start3A_1134 = tpu.memref_slice %arg3[%add3A_1122] : memref<320000xi32, #tpu.memory_space<hbm>> -> memref<64xi32, #tpu.memory_space<hbm>>
          tpu.enqueue_dma source(%dma_start3A_1134 : memref<64xi32, #tpu.memory_space<hbm>>) target(%dma_start3A_1133 : memref<64xi32, #tpu.memory_space<vmem>>) target_semaphore(%dma_start3A_1130 : memref<!tpu.dma_semaphore, #tpu.memory_space<semaphore_mem>>)
          %dma_start3A_1135 = arith.constant 1 : i32
          %dma_start3A_1136 = arith.constant 1 : i32
          %dma_start3A_1137 = arith.constant 0 : i32
          %dma_start3A_1138 = arith.constant 0 : i32
          %dma_start3A_1139 = tpu.memref_slice %arg9[%dma_start3A_1135, %dma_start3A_1137, %dma_start3A_1138] : memref<8x64x128xf32, #tpu.memory_space<vmem>> -> memref<1x64x128xf32, #tpu.memory_space<vmem>>
          %dma_start3A_1140 = tpu.memref_squeeze %dma_start3A_1139 : memref<1x64x128xf32, #tpu.memory_space<vmem>> -> memref<64x128xf32, #tpu.memory_space<vmem>>
          %dma_start3A_1141 = arith.constant 0 : i32
          %dma_start3A_1142 = tpu.memref_slice %arg2[%add3A_1122, %dma_start3A_1141] : memref<320000x128xf32, #tpu.memory_space<hbm>> -> memref<64x128xf32, #tpu.memory_space<hbm>>
          %dma_start3A_1143 = tpu.memref_slice %arg12[%dma_start3A_1136] : memref<8x!tpu.dma_semaphore, #tpu.memory_space<semaphore_mem>> -> memref<1x!tpu.dma_semaphore, #tpu.memory_space<semaphore_mem>>
          %dma_start3A_1144 = tpu.memref_squeeze %dma_start3A_1143 : memref<1x!tpu.dma_semaphore, #tpu.memory_space<semaphore_mem>> -> memref<!tpu.dma_semaphore, #tpu.memory_space<semaphore_mem>>
          %dma_start3A_1145 = arith.constant 0 : i32
          %dma_start3A_1146 = arith.constant 0 : i32
          %dma_start3A_1147 = tpu.memref_slice %arg9[%dma_start3A_1135, %dma_start3A_1145, %dma_start3A_1146] : memref<8x64x128xf32, #tpu.memory_space<vmem>> -> memref<1x64x128xf32, #tpu.memory_space<vmem>>
          %dma_start3A_1148 = tpu.memref_squeeze %dma_start3A_1147 : memref<1x64x128xf32, #tpu.memory_space<vmem>> -> memref<64x128xf32, #tpu.memory_space<vmem>>
          %dma_start3A_1149 = arith.constant 0 : i32
          %dma_start3A_1150 = tpu.memref_slice %arg2[%add3A_1122, %dma_start3A_1149] : memref<320000x128xf32, #tpu.memory_space<hbm>> -> memref<64x128xf32, #tpu.memory_space<hbm>>
          tpu.enqueue_dma source(%dma_start3A_1150 : memref<64x128xf32, #tpu.memory_space<hbm>>) target(%dma_start3A_1148 : memref<64x128xf32, #tpu.memory_space<vmem>>) target_semaphore(%dma_start3A_1144 : memref<!tpu.dma_semaphore, #tpu.memory_space<semaphore_mem>>)
        } else {
        }
      } else {
      }
      %mul3A_1037 = arith.constant 8 : i32
      %mul3A_1038 = arith.muli %while3A_988, %mul3A_1037 : i32
      %add3A_1039 = arith.constant 6 : i32
      %add3A_1040 = arith.addi %mul3A_1038, %add3A_1039 : i32
      %lt3A_1041 = arith.cmpi slt, %add3A_1040, %select_n3A_52 : i32
      %convert_element_type3A_1042 = arith.extui %lt3A_1041 : i1 to i32
      %cond3A_1043 = arith.constant 0 : i32
      %cond3A_1044 = arith.cmpi ne, %convert_element_type3A_1042, %cond3A_1043 : i32
      scf.if %cond3A_1044 {
        %mul3A_1053 = arith.constant 64 : i32
        %mul3A_1054 = arith.muli %add3A_1040, %mul3A_1053 : i32
        %add3A_1055 = arith.addi %multiple_of3A, %mul3A_1054 : i32
        %dma_wait3A = arith.constant 6 : i32
        %dma_wait3A_1056 = arith.constant 6 : i32
        %dma_wait3A_1057 = arith.constant 0 : i32
        %dma_wait3A_1058 = tpu.memref_slice %arg7[%dma_wait3A, %dma_wait3A_1057] : memref<8x64xi32, #tpu.memory_space<vmem>> -> memref<1x64xi32, #tpu.memory_space<vmem>>
        %dma_wait3A_1059 = tpu.memref_squeeze %dma_wait3A_1058 : memref<1x64xi32, #tpu.memory_space<vmem>> -> memref<64xi32, #tpu.memory_space<vmem>>
        %dma_wait3A_1060 = tpu.memref_slice %arg3[%add3A_1055] : memref<320000xi32, #tpu.memory_space<hbm>> -> memref<64xi32, #tpu.memory_space<hbm>>
        %dma_wait3A_1061 = tpu.memref_slice %arg12[%dma_wait3A_1056] : memref<8x!tpu.dma_semaphore, #tpu.memory_space<semaphore_mem>> -> memref<1x!tpu.dma_semaphore, #tpu.memory_space<semaphore_mem>>
        %dma_wait3A_1062 = tpu.memref_squeeze %dma_wait3A_1061 : memref<1x!tpu.dma_semaphore, #tpu.memory_space<semaphore_mem>> -> memref<!tpu.dma_semaphore, #tpu.memory_space<semaphore_mem>>
        %dma_wait3A_1063 = arith.constant 0 : i32
        %dma_wait3A_1064 = tpu.memref_slice %arg7[%dma_wait3A, %dma_wait3A_1063] : memref<8x64xi32, #tpu.memory_space<vmem>> -> memref<1x64xi32, #tpu.memory_space<vmem>>
        %dma_wait3A_1065 = tpu.memref_squeeze %dma_wait3A_1064 : memref<1x64xi32, #tpu.memory_space<vmem>> -> memref<64xi32, #tpu.memory_space<vmem>>
        %dma_wait3A_1066 = tpu.memref_slice %arg3[%add3A_1055] : memref<320000xi32, #tpu.memory_space<hbm>> -> memref<64xi32, #tpu.memory_space<hbm>>
        tpu.wait_dma2 semaphore(%dma_wait3A_1062 : memref<!tpu.dma_semaphore, #tpu.memory_space<semaphore_mem>>) src(%dma_wait3A_1066 : memref<64xi32, #tpu.memory_space<hbm>>) dst(%dma_wait3A_1065 : memref<64xi32, #tpu.memory_space<vmem>>)
        %dma_wait3A_1067 = arith.constant 6 : i32
        %dma_wait3A_1068 = arith.constant 6 : i32
        %dma_wait3A_1069 = arith.constant 0 : i32
        %dma_wait3A_1070 = arith.constant 0 : i32
        %dma_wait3A_1071 = tpu.memref_slice %arg9[%dma_wait3A_1067, %dma_wait3A_1069, %dma_wait3A_1070] : memref<8x64x128xf32, #tpu.memory_space<vmem>> -> memref<1x64x128xf32, #tpu.memory_space<vmem>>
        %dma_wait3A_1072 = tpu.memref_squeeze %dma_wait3A_1071 : memref<1x64x128xf32, #tpu.memory_space<vmem>> -> memref<64x128xf32, #tpu.memory_space<vmem>>
        %dma_wait3A_1073 = arith.constant 0 : i32
        %dma_wait3A_1074 = tpu.memref_slice %arg2[%add3A_1055, %dma_wait3A_1073] : memref<320000x128xf32, #tpu.memory_space<hbm>> -> memref<64x128xf32, #tpu.memory_space<hbm>>
        %dma_wait3A_1075 = tpu.memref_slice %arg12[%dma_wait3A_1068] : memref<8x!tpu.dma_semaphore, #tpu.memory_space<semaphore_mem>> -> memref<1x!tpu.dma_semaphore, #tpu.memory_space<semaphore_mem>>
        %dma_wait3A_1076 = tpu.memref_squeeze %dma_wait3A_1075 : memref<1x!tpu.dma_semaphore, #tpu.memory_space<semaphore_mem>> -> memref<!tpu.dma_semaphore, #tpu.memory_space<semaphore_mem>>
        %dma_wait3A_1077 = arith.constant 0 : i32
        %dma_wait3A_1078 = arith.constant 0 : i32
        %dma_wait3A_1079 = tpu.memref_slice %arg9[%dma_wait3A_1067, %dma_wait3A_1077, %dma_wait3A_1078] : memref<8x64x128xf32, #tpu.memory_space<vmem>> -> memref<1x64x128xf32, #tpu.memory_space<vmem>>
        %dma_wait3A_1080 = tpu.memref_squeeze %dma_wait3A_1079 : memref<1x64x128xf32, #tpu.memory_space<vmem>> -> memref<64x128xf32, #tpu.memory_space<vmem>>
        %dma_wait3A_1081 = arith.constant 0 : i32
        %dma_wait3A_1082 = tpu.memref_slice %arg2[%add3A_1055, %dma_wait3A_1081] : memref<320000x128xf32, #tpu.memory_space<hbm>> -> memref<64x128xf32, #tpu.memory_space<hbm>>
        tpu.wait_dma2 semaphore(%dma_wait3A_1076 : memref<!tpu.dma_semaphore, #tpu.memory_space<semaphore_mem>>) src(%dma_wait3A_1082 : memref<64x128xf32, #tpu.memory_space<hbm>>) dst(%dma_wait3A_1080 : memref<64x128xf32, #tpu.memory_space<vmem>>)
        %mul3A_1083 = arith.constant 64 : i32
        %mul3A_1084 = arith.muli %add3A_1040, %mul3A_1083 : i32
        %add3A_1085 = arith.addi %multiple_of3A, %mul3A_1084 : i32
        %scan3A_1086 = arith.constant 0 : i32
        %scan3A_1087 = arith.constant 6 : i32
        %scan3A_1088 = arith.constant 0 : i32
        %scan3A_1089 = arith.constant 4 : i32
        %scan3A_1090 = arith.addi %scan3A_1088, %scan3A_1089 : i32
        %scan3A_1091 = arith.constant 1 : i32
        scf.for %scan3A_1118 = %scan3A_1088 to %scan3A_1090 step %scan3A_1091  : i32 {
          %mul3A_1119 = arith.constant 16 : i32
          %mul3A_1120 = arith.muli %scan3A_1118, %mul3A_1119 : i32
          %add3A_1121 = arith.addi %add3A_1085, %mul3A_1120 : i32
          %iota3A = tpu.iota {dimensions = array<i32: 0>} : vector<16xi32>
          %add3A_1122 = vector.broadcast %add3A_1121 : i32 to vector<16xi32>
          %add3A_1123 = arith.addi %add3A_1122, %iota3A : vector<16xi32>
          %ge3A_1124 = vector.broadcast %squeeze3A : i32 to vector<16xi32>
          %ge3A_1125 = arith.cmpi sge, %add3A_1123, %ge3A_1124 : vector<16xi32>
          %lt3A_1126 = vector.broadcast %squeeze3A_9 : i32 to vector<16xi32>
          %lt3A_1127 = arith.cmpi slt, %add3A_1123, %lt3A_1126 : vector<16xi32>
          %and3A_1128 = arith.andi %ge3A_1125, %lt3A_1127 : vector<16xi1>
          %get3A_1129 = arith.constant 0 : i32
          %get3A_1130 = tpu.memref_slice %arg7[%scan3A_1087, %get3A_1129] : memref<8x64xi32, #tpu.memory_space<vmem>> -> memref<1x64xi32, #tpu.memory_space<vmem>>
          %get3A_1131 = tpu.memref_squeeze %get3A_1130 : memref<1x64xi32, #tpu.memory_space<vmem>> -> memref<64xi32, #tpu.memory_space<vmem>>
          %get3A_1132 = arith.index_cast %mul3A_1120 : i32 to index
          %get3A_1133 = tpu.vector_load %get3A_1131[%get3A_1132] {strides = array<i32>} : memref<64xi32, #tpu.memory_space<vmem>>, vector<16xi32>,
          %get3A_1134 = vector.shape_cast %get3A_1133 : vector<16xi32> to vector<16xi32>
          %mul3A_1135 = arith.constant 5000 : i32
          %mul3A_1136 = arith.muli %arg0, %mul3A_1135 : i32
          %sub3A_1137 = vector.broadcast %mul3A_1136 : i32 to vector<16xi32>
          %sub3A_1138 = arith.subi %get3A_1134, %sub3A_1137 : vector<16xi32>
          %add3A_1139 = arith.constant 5000 : i32
          %add3A_1140 = arith.addi %add3A_1139, %arg1 : i32
          %broadcast_in_dim3A_1141 = vector.broadcast %add3A_1140 : i32 to vector<16xi32>
          %select_n3A_1142 = arith.select %and3A_1128, %sub3A_1138, %broadcast_in_dim3A_1141 : vector<16xi1>, vector<16xi32>
          %swap3A = arith.constant 0 : i32
          %swap3A_1143 = tpu.memref_slice %arg7[%scan3A_1087, %swap3A] : memref<8x64xi32, #tpu.memory_space<vmem>> -> memref<1x64xi32, #tpu.memory_space<vmem>>
          %swap3A_1144 = tpu.memref_squeeze %swap3A_1143 : memref<1x64xi32, #tpu.memory_space<vmem>> -> memref<64xi32, #tpu.memory_space<vmem>>
          %swap3A_1145 = arith.index_cast %mul3A_1120 : i32 to index
          %swap3A_1146 = tpu.vector_load %swap3A_1144[%swap3A_1145] {strides = array<i32>} : memref<64xi32, #tpu.memory_space<vmem>>, vector<16xi32>,
          %swap3A_1147 = vector.shape_cast %swap3A_1146 : vector<16xi32> to vector<16xi32>
          %swap3A_1148 = vector.shape_cast %select_n3A_1142 : vector<16xi32> to vector<16xi32>
          tpu.vector_store %swap3A_1144[%swap3A_1145], %swap3A_1148 {strides = array<i32>} : memref<64xi32, #tpu.memory_space<vmem>>, vector<16xi32>,
        }
        %scan3A_1092 = arith.constant 4 : i32
        %dma_start3A = arith.constant 6 : i32
        %dma_start3A_1093 = arith.constant 6 : i32
        %dma_start3A_1094 = arith.constant 6 : i32
        %dma_start3A_1095 = arith.constant 0 : i32
        %dma_start3A_1096 = arith.constant 0 : i32
        %dma_start3A_1097 = tpu.memref_slice %arg9[%dma_start3A, %dma_start3A_1095, %dma_start3A_1096] : memref<8x64x128xf32, #tpu.memory_space<vmem>> -> memref<1x64x128xf32, #tpu.memory_space<vmem>>
        %dma_start3A_1098 = tpu.memref_squeeze %dma_start3A_1097 : memref<1x64x128xf32, #tpu.memory_space<vmem>> -> memref<64x128xf32, #tpu.memory_space<vmem>>
        %dma_start3A_1099 = arith.constant 0 : i32
        %dma_start3A_1100 = tpu.memref_slice %arg7[%dma_start3A_1093, %dma_start3A_1099] : memref<8x64xi32, #tpu.memory_space<vmem>> -> memref<1x64xi32, #tpu.memory_space<vmem>>
        %dma_start3A_1101 = tpu.memref_squeeze %dma_start3A_1100 : memref<1x64xi32, #tpu.memory_space<vmem>> -> memref<64xi32, #tpu.memory_space<vmem>>
        %dma_start3A_1102 = arith.constant 0 : i32
        %dma_start3A_1103 = arith.constant 0 : i32
        %dma_start3A_1104 = tpu.memref_slice %arg11[%dma_start3A_1102, %dma_start3A_1103] : memref<5024x128xf32, #tpu.memory_space<vmem_shared>> -> memref<5024x128xf32, #tpu.memory_space<vmem_shared>>
        %dma_start3A_1105 = tpu.memref_slice %arg13[%dma_start3A_1094] : memref<8x!tpu.dma_semaphore, #tpu.memory_space<semaphore_mem>> -> memref<1x!tpu.dma_semaphore, #tpu.memory_space<semaphore_mem>>
        %dma_start3A_1106 = tpu.memref_squeeze %dma_start3A_1105 : memref<1x!tpu.dma_semaphore, #tpu.memory_space<semaphore_mem>> -> memref<!tpu.dma_semaphore, #tpu.memory_space<semaphore_mem>>
        tpu.enqueue_indirect_dma source(%dma_start3A_1098 : memref<64x128xf32, #tpu.memory_space<vmem>>) target(%dma_start3A_1104 : memref<5024x128xf32, #tpu.memory_space<vmem_shared>>) offsets(%dma_start3A_1101 : memref<64xi32, #tpu.memory_space<vmem>>) semaphore(%dma_start3A_1106 : memref<!tpu.dma_semaphore, #tpu.memory_space<semaphore_mem>>) {add = true}
        %ge3A_1107 = arith.constant 4 : i32
        %ge3A_1108 = arith.cmpi sge, %add3A_1040, %ge3A_1107 : i32
        %convert_element_type3A_1109 = arith.extui %ge3A_1108 : i1 to i32
        %cond3A_1110 = arith.constant 0 : i32
        %cond3A_1111 = arith.cmpi ne, %convert_element_type3A_1109, %cond3A_1110 : i32
        scf.if %cond3A_1111 {
          %dma_wait3A_1118 = arith.constant 2 : i32
          %dma_wait3A_1119 = arith.constant 2 : i32
          %dma_wait3A_1120 = arith.constant 0 : i32
          %dma_wait3A_1121 = arith.constant 0 : i32
          %dma_wait3A_1122 = tpu.memref_slice %arg9[%dma_wait3A_1118, %dma_wait3A_1120, %dma_wait3A_1121] : memref<8x64x128xf32, #tpu.memory_space<vmem>> -> memref<1x64x128xf32, #tpu.memory_space<vmem>>
          %dma_wait3A_1123 = tpu.memref_squeeze %dma_wait3A_1122 : memref<1x64x128xf32, #tpu.memory_space<vmem>> -> memref<64x128xf32, #tpu.memory_space<vmem>>
          %dma_wait3A_1124 = arith.constant 0 : i32
          %dma_wait3A_1125 = arith.constant 0 : i32
          %dma_wait3A_1126 = tpu.memref_slice %arg11[%dma_wait3A_1124, %dma_wait3A_1125] : memref<5024x128xf32, #tpu.memory_space<vmem_shared>> -> memref<5024x128xf32, #tpu.memory_space<vmem_shared>>
          %dma_wait3A_1127 = tpu.memref_slice %arg13[%dma_wait3A_1119] : memref<8x!tpu.dma_semaphore, #tpu.memory_space<semaphore_mem>> -> memref<1x!tpu.dma_semaphore, #tpu.memory_space<semaphore_mem>>
          %dma_wait3A_1128 = tpu.memref_squeeze %dma_wait3A_1127 : memref<1x!tpu.dma_semaphore, #tpu.memory_space<semaphore_mem>> -> memref<!tpu.dma_semaphore, #tpu.memory_space<semaphore_mem>>
          tpu.wait_indirect_dma semaphore(%dma_wait3A_1128 : memref<!tpu.dma_semaphore, #tpu.memory_space<semaphore_mem>>) src(%dma_wait3A_1123 : memref<64x128xf32, #tpu.memory_space<vmem>>) dst(%dma_wait3A_1126 : memref<5024x128xf32, #tpu.memory_space<vmem_shared>>)
        } else {
        }
        %add3A_1112 = arith.constant 4 : i32
        %add3A_1113 = arith.addi %add3A_1040, %add3A_1112 : i32
        %lt3A_1114 = arith.cmpi slt, %add3A_1113, %select_n3A_52 : i32
        %convert_element_type3A_1115 = arith.extui %lt3A_1114 : i1 to i32
        %cond3A_1116 = arith.constant 0 : i32
        %cond3A_1117 = arith.cmpi ne, %convert_element_type3A_1115, %cond3A_1116 : i32
        scf.if %cond3A_1117 {
          %add3A_1118 = arith.constant 4 : i32
          %add3A_1119 = arith.addi %add3A_1040, %add3A_1118 : i32
          %mul3A_1120 = arith.constant 64 : i32
          %mul3A_1121 = arith.muli %add3A_1119, %mul3A_1120 : i32
          %add3A_1122 = arith.addi %multiple_of3A, %mul3A_1121 : i32
          %dma_start3A_1123 = arith.constant 2 : i32
          %dma_start3A_1124 = arith.constant 2 : i32
          %dma_start3A_1125 = arith.constant 0 : i32
          %dma_start3A_1126 = tpu.memref_slice %arg7[%dma_start3A_1123, %dma_start3A_1125] : memref<8x64xi32, #tpu.memory_space<vmem>> -> memref<1x64xi32, #tpu.memory_space<vmem>>
          %dma_start3A_1127 = tpu.memref_squeeze %dma_start3A_1126 : memref<1x64xi32, #tpu.memory_space<vmem>> -> memref<64xi32, #tpu.memory_space<vmem>>
          %dma_start3A_1128 = tpu.memref_slice %arg3[%add3A_1122] : memref<320000xi32, #tpu.memory_space<hbm>> -> memref<64xi32, #tpu.memory_space<hbm>>
          %dma_start3A_1129 = tpu.memref_slice %arg12[%dma_start3A_1124] : memref<8x!tpu.dma_semaphore, #tpu.memory_space<semaphore_mem>> -> memref<1x!tpu.dma_semaphore, #tpu.memory_space<semaphore_mem>>
          %dma_start3A_1130 = tpu.memref_squeeze %dma_start3A_1129 : memref<1x!tpu.dma_semaphore, #tpu.memory_space<semaphore_mem>> -> memref<!tpu.dma_semaphore, #tpu.memory_space<semaphore_mem>>
          %dma_start3A_1131 = arith.constant 0 : i32
          %dma_start3A_1132 = tpu.memref_slice %arg7[%dma_start3A_1123, %dma_start3A_1131] : memref<8x64xi32, #tpu.memory_space<vmem>> -> memref<1x64xi32, #tpu.memory_space<vmem>>
          %dma_start3A_1133 = tpu.memref_squeeze %dma_start3A_1132 : memref<1x64xi32, #tpu.memory_space<vmem>> -> memref<64xi32, #tpu.memory_space<vmem>>
          %dma_start3A_1134 = tpu.memref_slice %arg3[%add3A_1122] : memref<320000xi32, #tpu.memory_space<hbm>> -> memref<64xi32, #tpu.memory_space<hbm>>
          tpu.enqueue_dma source(%dma_start3A_1134 : memref<64xi32, #tpu.memory_space<hbm>>) target(%dma_start3A_1133 : memref<64xi32, #tpu.memory_space<vmem>>) target_semaphore(%dma_start3A_1130 : memref<!tpu.dma_semaphore, #tpu.memory_space<semaphore_mem>>)
          %dma_start3A_1135 = arith.constant 2 : i32
          %dma_start3A_1136 = arith.constant 2 : i32
          %dma_start3A_1137 = arith.constant 0 : i32
          %dma_start3A_1138 = arith.constant 0 : i32
          %dma_start3A_1139 = tpu.memref_slice %arg9[%dma_start3A_1135, %dma_start3A_1137, %dma_start3A_1138] : memref<8x64x128xf32, #tpu.memory_space<vmem>> -> memref<1x64x128xf32, #tpu.memory_space<vmem>>
          %dma_start3A_1140 = tpu.memref_squeeze %dma_start3A_1139 : memref<1x64x128xf32, #tpu.memory_space<vmem>> -> memref<64x128xf32, #tpu.memory_space<vmem>>
          %dma_start3A_1141 = arith.constant 0 : i32
          %dma_start3A_1142 = tpu.memref_slice %arg2[%add3A_1122, %dma_start3A_1141] : memref<320000x128xf32, #tpu.memory_space<hbm>> -> memref<64x128xf32, #tpu.memory_space<hbm>>
          %dma_start3A_1143 = tpu.memref_slice %arg12[%dma_start3A_1136] : memref<8x!tpu.dma_semaphore, #tpu.memory_space<semaphore_mem>> -> memref<1x!tpu.dma_semaphore, #tpu.memory_space<semaphore_mem>>
          %dma_start3A_1144 = tpu.memref_squeeze %dma_start3A_1143 : memref<1x!tpu.dma_semaphore, #tpu.memory_space<semaphore_mem>> -> memref<!tpu.dma_semaphore, #tpu.memory_space<semaphore_mem>>
          %dma_start3A_1145 = arith.constant 0 : i32
          %dma_start3A_1146 = arith.constant 0 : i32
          %dma_start3A_1147 = tpu.memref_slice %arg9[%dma_start3A_1135, %dma_start3A_1145, %dma_start3A_1146] : memref<8x64x128xf32, #tpu.memory_space<vmem>> -> memref<1x64x128xf32, #tpu.memory_space<vmem>>
          %dma_start3A_1148 = tpu.memref_squeeze %dma_start3A_1147 : memref<1x64x128xf32, #tpu.memory_space<vmem>> -> memref<64x128xf32, #tpu.memory_space<vmem>>
          %dma_start3A_1149 = arith.constant 0 : i32
          %dma_start3A_1150 = tpu.memref_slice %arg2[%add3A_1122, %dma_start3A_1149] : memref<320000x128xf32, #tpu.memory_space<hbm>> -> memref<64x128xf32, #tpu.memory_space<hbm>>
          tpu.enqueue_dma source(%dma_start3A_1150 : memref<64x128xf32, #tpu.memory_space<hbm>>) target(%dma_start3A_1148 : memref<64x128xf32, #tpu.memory_space<vmem>>) target_semaphore(%dma_start3A_1144 : memref<!tpu.dma_semaphore, #tpu.memory_space<semaphore_mem>>)
        } else {
        }
      } else {
      }
      %mul3A_1045 = arith.constant 8 : i32
      %mul3A_1046 = arith.muli %while3A_988, %mul3A_1045 : i32
      %add3A_1047 = arith.constant 7 : i32
      %add3A_1048 = arith.addi %mul3A_1046, %add3A_1047 : i32
      %lt3A_1049 = arith.cmpi slt, %add3A_1048, %select_n3A_52 : i32
      %convert_element_type3A_1050 = arith.extui %lt3A_1049 : i1 to i32
      %cond3A_1051 = arith.constant 0 : i32
      %cond3A_1052 = arith.cmpi ne, %convert_element_type3A_1050, %cond3A_1051 : i32
      scf.if %cond3A_1052 {
        %mul3A_1053 = arith.constant 64 : i32
        %mul3A_1054 = arith.muli %add3A_1048, %mul3A_1053 : i32
        %add3A_1055 = arith.addi %multiple_of3A, %mul3A_1054 : i32
        %dma_wait3A = arith.constant 7 : i32
        %dma_wait3A_1056 = arith.constant 7 : i32
        %dma_wait3A_1057 = arith.constant 0 : i32
        %dma_wait3A_1058 = tpu.memref_slice %arg7[%dma_wait3A, %dma_wait3A_1057] : memref<8x64xi32, #tpu.memory_space<vmem>> -> memref<1x64xi32, #tpu.memory_space<vmem>>
        %dma_wait3A_1059 = tpu.memref_squeeze %dma_wait3A_1058 : memref<1x64xi32, #tpu.memory_space<vmem>> -> memref<64xi32, #tpu.memory_space<vmem>>
        %dma_wait3A_1060 = tpu.memref_slice %arg3[%add3A_1055] : memref<320000xi32, #tpu.memory_space<hbm>> -> memref<64xi32, #tpu.memory_space<hbm>>
        %dma_wait3A_1061 = tpu.memref_slice %arg12[%dma_wait3A_1056] : memref<8x!tpu.dma_semaphore, #tpu.memory_space<semaphore_mem>> -> memref<1x!tpu.dma_semaphore, #tpu.memory_space<semaphore_mem>>
        %dma_wait3A_1062 = tpu.memref_squeeze %dma_wait3A_1061 : memref<1x!tpu.dma_semaphore, #tpu.memory_space<semaphore_mem>> -> memref<!tpu.dma_semaphore, #tpu.memory_space<semaphore_mem>>
        %dma_wait3A_1063 = arith.constant 0 : i32
        %dma_wait3A_1064 = tpu.memref_slice %arg7[%dma_wait3A, %dma_wait3A_1063] : memref<8x64xi32, #tpu.memory_space<vmem>> -> memref<1x64xi32, #tpu.memory_space<vmem>>
        %dma_wait3A_1065 = tpu.memref_squeeze %dma_wait3A_1064 : memref<1x64xi32, #tpu.memory_space<vmem>> -> memref<64xi32, #tpu.memory_space<vmem>>
        %dma_wait3A_1066 = tpu.memref_slice %arg3[%add3A_1055] : memref<320000xi32, #tpu.memory_space<hbm>> -> memref<64xi32, #tpu.memory_space<hbm>>
        tpu.wait_dma2 semaphore(%dma_wait3A_1062 : memref<!tpu.dma_semaphore, #tpu.memory_space<semaphore_mem>>) src(%dma_wait3A_1066 : memref<64xi32, #tpu.memory_space<hbm>>) dst(%dma_wait3A_1065 : memref<64xi32, #tpu.memory_space<vmem>>)
        %dma_wait3A_1067 = arith.constant 7 : i32
        %dma_wait3A_1068 = arith.constant 7 : i32
        %dma_wait3A_1069 = arith.constant 0 : i32
        %dma_wait3A_1070 = arith.constant 0 : i32
        %dma_wait3A_1071 = tpu.memref_slice %arg9[%dma_wait3A_1067, %dma_wait3A_1069, %dma_wait3A_1070] : memref<8x64x128xf32, #tpu.memory_space<vmem>> -> memref<1x64x128xf32, #tpu.memory_space<vmem>>
        %dma_wait3A_1072 = tpu.memref_squeeze %dma_wait3A_1071 : memref<1x64x128xf32, #tpu.memory_space<vmem>> -> memref<64x128xf32, #tpu.memory_space<vmem>>
        %dma_wait3A_1073 = arith.constant 0 : i32
        %dma_wait3A_1074 = tpu.memref_slice %arg2[%add3A_1055, %dma_wait3A_1073] : memref<320000x128xf32, #tpu.memory_space<hbm>> -> memref<64x128xf32, #tpu.memory_space<hbm>>
        %dma_wait3A_1075 = tpu.memref_slice %arg12[%dma_wait3A_1068] : memref<8x!tpu.dma_semaphore, #tpu.memory_space<semaphore_mem>> -> memref<1x!tpu.dma_semaphore, #tpu.memory_space<semaphore_mem>>
        %dma_wait3A_1076 = tpu.memref_squeeze %dma_wait3A_1075 : memref<1x!tpu.dma_semaphore, #tpu.memory_space<semaphore_mem>> -> memref<!tpu.dma_semaphore, #tpu.memory_space<semaphore_mem>>
        %dma_wait3A_1077 = arith.constant 0 : i32
        %dma_wait3A_1078 = arith.constant 0 : i32
        %dma_wait3A_1079 = tpu.memref_slice %arg9[%dma_wait3A_1067, %dma_wait3A_1077, %dma_wait3A_1078] : memref<8x64x128xf32, #tpu.memory_space<vmem>> -> memref<1x64x128xf32, #tpu.memory_space<vmem>>
        %dma_wait3A_1080 = tpu.memref_squeeze %dma_wait3A_1079 : memref<1x64x128xf32, #tpu.memory_space<vmem>> -> memref<64x128xf32, #tpu.memory_space<vmem>>
        %dma_wait3A_1081 = arith.constant 0 : i32
        %dma_wait3A_1082 = tpu.memref_slice %arg2[%add3A_1055, %dma_wait3A_1081] : memref<320000x128xf32, #tpu.memory_space<hbm>> -> memref<64x128xf32, #tpu.memory_space<hbm>>
        tpu.wait_dma2 semaphore(%dma_wait3A_1076 : memref<!tpu.dma_semaphore, #tpu.memory_space<semaphore_mem>>) src(%dma_wait3A_1082 : memref<64x128xf32, #tpu.memory_space<hbm>>) dst(%dma_wait3A_1080 : memref<64x128xf32, #tpu.memory_space<vmem>>)
        %mul3A_1083 = arith.constant 64 : i32
        %mul3A_1084 = arith.muli %add3A_1048, %mul3A_1083 : i32
        %add3A_1085 = arith.addi %multiple_of3A, %mul3A_1084 : i32
        %scan3A_1086 = arith.constant 0 : i32
        %scan3A_1087 = arith.constant 7 : i32
        %scan3A_1088 = arith.constant 0 : i32
        %scan3A_1089 = arith.constant 4 : i32
        %scan3A_1090 = arith.addi %scan3A_1088, %scan3A_1089 : i32
        %scan3A_1091 = arith.constant 1 : i32
        scf.for %scan3A_1118 = %scan3A_1088 to %scan3A_1090 step %scan3A_1091  : i32 {
          %mul3A_1119 = arith.constant 16 : i32
          %mul3A_1120 = arith.muli %scan3A_1118, %mul3A_1119 : i32
          %add3A_1121 = arith.addi %add3A_1085, %mul3A_1120 : i32
          %iota3A = tpu.iota {dimensions = array<i32: 0>} : vector<16xi32>
          %add3A_1122 = vector.broadcast %add3A_1121 : i32 to vector<16xi32>
          %add3A_1123 = arith.addi %add3A_1122, %iota3A : vector<16xi32>
          %ge3A_1124 = vector.broadcast %squeeze3A : i32 to vector<16xi32>
          %ge3A_1125 = arith.cmpi sge, %add3A_1123, %ge3A_1124 : vector<16xi32>
          %lt3A_1126 = vector.broadcast %squeeze3A_9 : i32 to vector<16xi32>
          %lt3A_1127 = arith.cmpi slt, %add3A_1123, %lt3A_1126 : vector<16xi32>
          %and3A_1128 = arith.andi %ge3A_1125, %lt3A_1127 : vector<16xi1>
          %get3A_1129 = arith.constant 0 : i32
          %get3A_1130 = tpu.memref_slice %arg7[%scan3A_1087, %get3A_1129] : memref<8x64xi32, #tpu.memory_space<vmem>> -> memref<1x64xi32, #tpu.memory_space<vmem>>
          %get3A_1131 = tpu.memref_squeeze %get3A_1130 : memref<1x64xi32, #tpu.memory_space<vmem>> -> memref<64xi32, #tpu.memory_space<vmem>>
          %get3A_1132 = arith.index_cast %mul3A_1120 : i32 to index
          %get3A_1133 = tpu.vector_load %get3A_1131[%get3A_1132] {strides = array<i32>} : memref<64xi32, #tpu.memory_space<vmem>>, vector<16xi32>,
          %get3A_1134 = vector.shape_cast %get3A_1133 : vector<16xi32> to vector<16xi32>
          %mul3A_1135 = arith.constant 5000 : i32
          %mul3A_1136 = arith.muli %arg0, %mul3A_1135 : i32
          %sub3A_1137 = vector.broadcast %mul3A_1136 : i32 to vector<16xi32>
          %sub3A_1138 = arith.subi %get3A_1134, %sub3A_1137 : vector<16xi32>
          %add3A_1139 = arith.constant 5000 : i32
          %add3A_1140 = arith.addi %add3A_1139, %arg1 : i32
          %broadcast_in_dim3A_1141 = vector.broadcast %add3A_1140 : i32 to vector<16xi32>
          %select_n3A_1142 = arith.select %and3A_1128, %sub3A_1138, %broadcast_in_dim3A_1141 : vector<16xi1>, vector<16xi32>
          %swap3A = arith.constant 0 : i32
          %swap3A_1143 = tpu.memref_slice %arg7[%scan3A_1087, %swap3A] : memref<8x64xi32, #tpu.memory_space<vmem>> -> memref<1x64xi32, #tpu.memory_space<vmem>>
          %swap3A_1144 = tpu.memref_squeeze %swap3A_1143 : memref<1x64xi32, #tpu.memory_space<vmem>> -> memref<64xi32, #tpu.memory_space<vmem>>
          %swap3A_1145 = arith.index_cast %mul3A_1120 : i32 to index
          %swap3A_1146 = tpu.vector_load %swap3A_1144[%swap3A_1145] {strides = array<i32>} : memref<64xi32, #tpu.memory_space<vmem>>, vector<16xi32>,
          %swap3A_1147 = vector.shape_cast %swap3A_1146 : vector<16xi32> to vector<16xi32>
          %swap3A_1148 = vector.shape_cast %select_n3A_1142 : vector<16xi32> to vector<16xi32>
          tpu.vector_store %swap3A_1144[%swap3A_1145], %swap3A_1148 {strides = array<i32>} : memref<64xi32, #tpu.memory_space<vmem>>, vector<16xi32>,
        }
        %scan3A_1092 = arith.constant 4 : i32
        %dma_start3A = arith.constant 7 : i32
        %dma_start3A_1093 = arith.constant 7 : i32
        %dma_start3A_1094 = arith.constant 7 : i32
        %dma_start3A_1095 = arith.constant 0 : i32
        %dma_start3A_1096 = arith.constant 0 : i32
        %dma_start3A_1097 = tpu.memref_slice %arg9[%dma_start3A, %dma_start3A_1095, %dma_start3A_1096] : memref<8x64x128xf32, #tpu.memory_space<vmem>> -> memref<1x64x128xf32, #tpu.memory_space<vmem>>
        %dma_start3A_1098 = tpu.memref_squeeze %dma_start3A_1097 : memref<1x64x128xf32, #tpu.memory_space<vmem>> -> memref<64x128xf32, #tpu.memory_space<vmem>>
        %dma_start3A_1099 = arith.constant 0 : i32
        %dma_start3A_1100 = tpu.memref_slice %arg7[%dma_start3A_1093, %dma_start3A_1099] : memref<8x64xi32, #tpu.memory_space<vmem>> -> memref<1x64xi32, #tpu.memory_space<vmem>>
        %dma_start3A_1101 = tpu.memref_squeeze %dma_start3A_1100 : memref<1x64xi32, #tpu.memory_space<vmem>> -> memref<64xi32, #tpu.memory_space<vmem>>
        %dma_start3A_1102 = arith.constant 0 : i32
        %dma_start3A_1103 = arith.constant 0 : i32
        %dma_start3A_1104 = tpu.memref_slice %arg11[%dma_start3A_1102, %dma_start3A_1103] : memref<5024x128xf32, #tpu.memory_space<vmem_shared>> -> memref<5024x128xf32, #tpu.memory_space<vmem_shared>>
        %dma_start3A_1105 = tpu.memref_slice %arg13[%dma_start3A_1094] : memref<8x!tpu.dma_semaphore, #tpu.memory_space<semaphore_mem>> -> memref<1x!tpu.dma_semaphore, #tpu.memory_space<semaphore_mem>>
        %dma_start3A_1106 = tpu.memref_squeeze %dma_start3A_1105 : memref<1x!tpu.dma_semaphore, #tpu.memory_space<semaphore_mem>> -> memref<!tpu.dma_semaphore, #tpu.memory_space<semaphore_mem>>
        tpu.enqueue_indirect_dma source(%dma_start3A_1098 : memref<64x128xf32, #tpu.memory_space<vmem>>) target(%dma_start3A_1104 : memref<5024x128xf32, #tpu.memory_space<vmem_shared>>) offsets(%dma_start3A_1101 : memref<64xi32, #tpu.memory_space<vmem>>) semaphore(%dma_start3A_1106 : memref<!tpu.dma_semaphore, #tpu.memory_space<semaphore_mem>>) {add = true}
        %ge3A_1107 = arith.constant 4 : i32
        %ge3A_1108 = arith.cmpi sge, %add3A_1048, %ge3A_1107 : i32
        %convert_element_type3A_1109 = arith.extui %ge3A_1108 : i1 to i32
        %cond3A_1110 = arith.constant 0 : i32
        %cond3A_1111 = arith.cmpi ne, %convert_element_type3A_1109, %cond3A_1110 : i32
        scf.if %cond3A_1111 {
          %dma_wait3A_1118 = arith.constant 3 : i32
          %dma_wait3A_1119 = arith.constant 3 : i32
          %dma_wait3A_1120 = arith.constant 0 : i32
          %dma_wait3A_1121 = arith.constant 0 : i32
          %dma_wait3A_1122 = tpu.memref_slice %arg9[%dma_wait3A_1118, %dma_wait3A_1120, %dma_wait3A_1121] : memref<8x64x128xf32, #tpu.memory_space<vmem>> -> memref<1x64x128xf32, #tpu.memory_space<vmem>>
          %dma_wait3A_1123 = tpu.memref_squeeze %dma_wait3A_1122 : memref<1x64x128xf32, #tpu.memory_space<vmem>> -> memref<64x128xf32, #tpu.memory_space<vmem>>
          %dma_wait3A_1124 = arith.constant 0 : i32
          %dma_wait3A_1125 = arith.constant 0 : i32
          %dma_wait3A_1126 = tpu.memref_slice %arg11[%dma_wait3A_1124, %dma_wait3A_1125] : memref<5024x128xf32, #tpu.memory_space<vmem_shared>> -> memref<5024x128xf32, #tpu.memory_space<vmem_shared>>
          %dma_wait3A_1127 = tpu.memref_slice %arg13[%dma_wait3A_1119] : memref<8x!tpu.dma_semaphore, #tpu.memory_space<semaphore_mem>> -> memref<1x!tpu.dma_semaphore, #tpu.memory_space<semaphore_mem>>
          %dma_wait3A_1128 = tpu.memref_squeeze %dma_wait3A_1127 : memref<1x!tpu.dma_semaphore, #tpu.memory_space<semaphore_mem>> -> memref<!tpu.dma_semaphore, #tpu.memory_space<semaphore_mem>>
          tpu.wait_indirect_dma semaphore(%dma_wait3A_1128 : memref<!tpu.dma_semaphore, #tpu.memory_space<semaphore_mem>>) src(%dma_wait3A_1123 : memref<64x128xf32, #tpu.memory_space<vmem>>) dst(%dma_wait3A_1126 : memref<5024x128xf32, #tpu.memory_space<vmem_shared>>)
        } else {
        }
        %add3A_1112 = arith.constant 4 : i32
        %add3A_1113 = arith.addi %add3A_1048, %add3A_1112 : i32
        %lt3A_1114 = arith.cmpi slt, %add3A_1113, %select_n3A_52 : i32
        %convert_element_type3A_1115 = arith.extui %lt3A_1114 : i1 to i32
        %cond3A_1116 = arith.constant 0 : i32
        %cond3A_1117 = arith.cmpi ne, %convert_element_type3A_1115, %cond3A_1116 : i32
        scf.if %cond3A_1117 {
          %add3A_1118 = arith.constant 4 : i32
          %add3A_1119 = arith.addi %add3A_1048, %add3A_1118 : i32
          %mul3A_1120 = arith.constant 64 : i32
          %mul3A_1121 = arith.muli %add3A_1119, %mul3A_1120 : i32
          %add3A_1122 = arith.addi %multiple_of3A, %mul3A_1121 : i32
          %dma_start3A_1123 = arith.constant 3 : i32
          %dma_start3A_1124 = arith.constant 3 : i32
          %dma_start3A_1125 = arith.constant 0 : i32
          %dma_start3A_1126 = tpu.memref_slice %arg7[%dma_start3A_1123, %dma_start3A_1125] : memref<8x64xi32, #tpu.memory_space<vmem>> -> memref<1x64xi32, #tpu.memory_space<vmem>>
          %dma_start3A_1127 = tpu.memref_squeeze %dma_start3A_1126 : memref<1x64xi32, #tpu.memory_space<vmem>> -> memref<64xi32, #tpu.memory_space<vmem>>
          %dma_start3A_1128 = tpu.memref_slice %arg3[%add3A_1122] : memref<320000xi32, #tpu.memory_space<hbm>> -> memref<64xi32, #tpu.memory_space<hbm>>
          %dma_start3A_1129 = tpu.memref_slice %arg12[%dma_start3A_1124] : memref<8x!tpu.dma_semaphore, #tpu.memory_space<semaphore_mem>> -> memref<1x!tpu.dma_semaphore, #tpu.memory_space<semaphore_mem>>
          %dma_start3A_1130 = tpu.memref_squeeze %dma_start3A_1129 : memref<1x!tpu.dma_semaphore, #tpu.memory_space<semaphore_mem>> -> memref<!tpu.dma_semaphore, #tpu.memory_space<semaphore_mem>>
          %dma_start3A_1131 = arith.constant 0 : i32
          %dma_start3A_1132 = tpu.memref_slice %arg7[%dma_start3A_1123, %dma_start3A_1131] : memref<8x64xi32, #tpu.memory_space<vmem>> -> memref<1x64xi32, #tpu.memory_space<vmem>>
          %dma_start3A_1133 = tpu.memref_squeeze %dma_start3A_1132 : memref<1x64xi32, #tpu.memory_space<vmem>> -> memref<64xi32, #tpu.memory_space<vmem>>
          %dma_start3A_1134 = tpu.memref_slice %arg3[%add3A_1122] : memref<320000xi32, #tpu.memory_space<hbm>> -> memref<64xi32, #tpu.memory_space<hbm>>
          tpu.enqueue_dma source(%dma_start3A_1134 : memref<64xi32, #tpu.memory_space<hbm>>) target(%dma_start3A_1133 : memref<64xi32, #tpu.memory_space<vmem>>) target_semaphore(%dma_start3A_1130 : memref<!tpu.dma_semaphore, #tpu.memory_space<semaphore_mem>>)
          %dma_start3A_1135 = arith.constant 3 : i32
          %dma_start3A_1136 = arith.constant 3 : i32
          %dma_start3A_1137 = arith.constant 0 : i32
          %dma_start3A_1138 = arith.constant 0 : i32
          %dma_start3A_1139 = tpu.memref_slice %arg9[%dma_start3A_1135, %dma_start3A_1137, %dma_start3A_1138] : memref<8x64x128xf32, #tpu.memory_space<vmem>> -> memref<1x64x128xf32, #tpu.memory_space<vmem>>
          %dma_start3A_1140 = tpu.memref_squeeze %dma_start3A_1139 : memref<1x64x128xf32, #tpu.memory_space<vmem>> -> memref<64x128xf32, #tpu.memory_space<vmem>>
          %dma_start3A_1141 = arith.constant 0 : i32
          %dma_start3A_1142 = tpu.memref_slice %arg2[%add3A_1122, %dma_start3A_1141] : memref<320000x128xf32, #tpu.memory_space<hbm>> -> memref<64x128xf32, #tpu.memory_space<hbm>>
          %dma_start3A_1143 = tpu.memref_slice %arg12[%dma_start3A_1136] : memref<8x!tpu.dma_semaphore, #tpu.memory_space<semaphore_mem>> -> memref<1x!tpu.dma_semaphore, #tpu.memory_space<semaphore_mem>>
          %dma_start3A_1144 = tpu.memref_squeeze %dma_start3A_1143 : memref<1x!tpu.dma_semaphore, #tpu.memory_space<semaphore_mem>> -> memref<!tpu.dma_semaphore, #tpu.memory_space<semaphore_mem>>
          %dma_start3A_1145 = arith.constant 0 : i32
          %dma_start3A_1146 = arith.constant 0 : i32
          %dma_start3A_1147 = tpu.memref_slice %arg9[%dma_start3A_1135, %dma_start3A_1145, %dma_start3A_1146] : memref<8x64x128xf32, #tpu.memory_space<vmem>> -> memref<1x64x128xf32, #tpu.memory_space<vmem>>
          %dma_start3A_1148 = tpu.memref_squeeze %dma_start3A_1147 : memref<1x64x128xf32, #tpu.memory_space<vmem>> -> memref<64x128xf32, #tpu.memory_space<vmem>>
          %dma_start3A_1149 = arith.constant 0 : i32
          %dma_start3A_1150 = tpu.memref_slice %arg2[%add3A_1122, %dma_start3A_1149] : memref<320000x128xf32, #tpu.memory_space<hbm>> -> memref<64x128xf32, #tpu.memory_space<hbm>>
          tpu.enqueue_dma source(%dma_start3A_1150 : memref<64x128xf32, #tpu.memory_space<hbm>>) target(%dma_start3A_1148 : memref<64x128xf32, #tpu.memory_space<vmem>>) target_semaphore(%dma_start3A_1144 : memref<!tpu.dma_semaphore, #tpu.memory_space<semaphore_mem>>)
        } else {
        }
      } else {
      }
    }
    %sub3A_127 = arith.constant 1 : i32
    %sub3A_128 = arith.subi %select_n3A_52, %sub3A_127 : i32
    %ge3A = arith.constant 0 : i32
    %ge3A_129 = arith.cmpi sge, %sub3A_128, %ge3A : i32
    %jit3A_130 = arith.constant 8 : i32
    %eq3A_131 = arith.constant 0 : i32
    %eq3A_132 = arith.cmpi eq, %jit3A_130, %eq3A_131 : i32
    %jit3A_133 = arith.constant 1 : i32
    %select_n3A_134 = arith.select %eq3A_132, %jit3A_133, %jit3A_130 : i32
    %rem3A_135 = arith.remsi %sub3A_128, %select_n3A_134 : i32
    %ne3A_136 = arith.constant 0 : i32
    %ne3A_137 = arith.cmpi ne, %rem3A_135, %ne3A_136 : i32
    %lt3A = arith.constant 0 : i32
    %lt3A_138 = arith.cmpi slt, %rem3A_135, %lt3A : i32
    %lt3A_139 = arith.constant 0 : i32
    %lt3A_140 = arith.cmpi slt, %select_n3A_134, %lt3A_139 : i32
    %ne3A_141 = arith.xori %lt3A_138, %lt3A_140 : i1
    %and3A_142 = arith.andi %ne3A_141, %ne3A_137 : i1
    %add3A_143 = arith.addi %rem3A_135, %select_n3A_134 : i32
    %select_n3A_144 = arith.select %and3A_142, %add3A_143, %rem3A_135 : i32
    %eq3A_145 = arith.constant 0 : i32
    %eq3A_146 = arith.cmpi eq, %select_n3A_144, %eq3A_145 : i32
    %and3A_147 = arith.andi %ge3A_129, %eq3A_146 : i1
    %or3A = arith.constant false
    %or3A_148 = arith.ori %or3A, %and3A_147 : i1
    %sub3A_149 = arith.constant 2 : i32
    %sub3A_150 = arith.subi %select_n3A_52, %sub3A_149 : i32
    %ge3A_151 = arith.constant 0 : i32
    %ge3A_152 = arith.cmpi sge, %sub3A_150, %ge3A_151 : i32
    %jit3A_153 = arith.constant 8 : i32
    %eq3A_154 = arith.constant 0 : i32
    %eq3A_155 = arith.cmpi eq, %jit3A_153, %eq3A_154 : i32
    %jit3A_156 = arith.constant 1 : i32
    %select_n3A_157 = arith.select %eq3A_155, %jit3A_156, %jit3A_153 : i32
    %rem3A_158 = arith.remsi %sub3A_150, %select_n3A_157 : i32
    %ne3A_159 = arith.constant 0 : i32
    %ne3A_160 = arith.cmpi ne, %rem3A_158, %ne3A_159 : i32
    %lt3A_161 = arith.constant 0 : i32
    %lt3A_162 = arith.cmpi slt, %rem3A_158, %lt3A_161 : i32
    %lt3A_163 = arith.constant 0 : i32
    %lt3A_164 = arith.cmpi slt, %select_n3A_157, %lt3A_163 : i32
    %ne3A_165 = arith.xori %lt3A_162, %lt3A_164 : i1
    %and3A_166 = arith.andi %ne3A_165, %ne3A_160 : i1
    %add3A_167 = arith.addi %rem3A_158, %select_n3A_157 : i32
    %select_n3A_168 = arith.select %and3A_166, %add3A_167, %rem3A_158 : i32
    %eq3A_169 = arith.constant 0 : i32
    %eq3A_170 = arith.cmpi eq, %select_n3A_168, %eq3A_169 : i32
    %and3A_171 = arith.andi %ge3A_152, %eq3A_170 : i1
    %or3A_172 = arith.ori %or3A_148, %and3A_171 : i1
    %sub3A_173 = arith.constant 3 : i32
    %sub3A_174 = arith.subi %select_n3A_52, %sub3A_173 : i32
    %ge3A_175 = arith.constant 0 : i32
    %ge3A_176 = arith.cmpi sge, %sub3A_174, %ge3A_175 : i32
    %jit3A_177 = arith.constant 8 : i32
    %eq3A_178 = arith.constant 0 : i32
    %eq3A_179 = arith.cmpi eq, %jit3A_177, %eq3A_178 : i32
    %jit3A_180 = arith.constant 1 : i32
    %select_n3A_181 = arith.select %eq3A_179, %jit3A_180, %jit3A_177 : i32
    %rem3A_182 = arith.remsi %sub3A_174, %select_n3A_181 : i32
    %ne3A_183 = arith.constant 0 : i32
    %ne3A_184 = arith.cmpi ne, %rem3A_182, %ne3A_183 : i32
    %lt3A_185 = arith.constant 0 : i32
    %lt3A_186 = arith.cmpi slt, %rem3A_182, %lt3A_185 : i32
    %lt3A_187 = arith.constant 0 : i32
    %lt3A_188 = arith.cmpi slt, %select_n3A_181, %lt3A_187 : i32
    %ne3A_189 = arith.xori %lt3A_186, %lt3A_188 : i1
    %and3A_190 = arith.andi %ne3A_189, %ne3A_184 : i1
    %add3A_191 = arith.addi %rem3A_182, %select_n3A_181 : i32
    %select_n3A_192 = arith.select %and3A_190, %add3A_191, %rem3A_182 : i32
    %eq3A_193 = arith.constant 0 : i32
    %eq3A_194 = arith.cmpi eq, %select_n3A_192, %eq3A_193 : i32
    %and3A_195 = arith.andi %ge3A_176, %eq3A_194 : i1
    %or3A_196 = arith.ori %or3A_172, %and3A_195 : i1
    %sub3A_197 = arith.constant 4 : i32
    %sub3A_198 = arith.subi %select_n3A_52, %sub3A_197 : i32
    %ge3A_199 = arith.constant 0 : i32
    %ge3A_200 = arith.cmpi sge, %sub3A_198, %ge3A_199 : i32
    %jit3A_201 = arith.constant 8 : i32
    %eq3A_202 = arith.constant 0 : i32
    %eq3A_203 = arith.cmpi eq, %jit3A_201, %eq3A_202 : i32
    %jit3A_204 = arith.constant 1 : i32
    %select_n3A_205 = arith.select %eq3A_203, %jit3A_204, %jit3A_201 : i32
    %rem3A_206 = arith.remsi %sub3A_198, %select_n3A_205 : i32
    %ne3A_207 = arith.constant 0 : i32
    %ne3A_208 = arith.cmpi ne, %rem3A_206, %ne3A_207 : i32
    %lt3A_209 = arith.constant 0 : i32
    %lt3A_210 = arith.cmpi slt, %rem3A_206, %lt3A_209 : i32
    %lt3A_211 = arith.constant 0 : i32
    %lt3A_212 = arith.cmpi slt, %select_n3A_205, %lt3A_211 : i32
    %ne3A_213 = arith.xori %lt3A_210, %lt3A_212 : i1
    %and3A_214 = arith.andi %ne3A_213, %ne3A_208 : i1
    %add3A_215 = arith.addi %rem3A_206, %select_n3A_205 : i32
    %select_n3A_216 = arith.select %and3A_214, %add3A_215, %rem3A_206 : i32
    %eq3A_217 = arith.constant 0 : i32
    %eq3A_218 = arith.cmpi eq, %select_n3A_216, %eq3A_217 : i32
    %and3A_219 = arith.andi %ge3A_200, %eq3A_218 : i1
    %or3A_220 = arith.ori %or3A_196, %and3A_219 : i1
    %convert_element_type3A_221 = arith.extui %or3A_220 : i1 to i32
    %cond3A_222 = arith.constant 0 : i32
    %cond3A_223 = arith.cmpi ne, %convert_element_type3A_221, %cond3A_222 : i32
    scf.if %cond3A_223 {
      %dma_wait3A = arith.constant 0 : i32
      %dma_wait3A_988 = arith.constant 0 : i32
      %dma_wait3A_989 = arith.constant 0 : i32
      %dma_wait3A_990 = arith.constant 0 : i32
      %dma_wait3A_991 = tpu.memref_slice %arg9[%dma_wait3A, %dma_wait3A_989, %dma_wait3A_990] : memref<8x64x128xf32, #tpu.memory_space<vmem>> -> memref<1x64x128xf32, #tpu.memory_space<vmem>>
      %dma_wait3A_992 = tpu.memref_squeeze %dma_wait3A_991 : memref<1x64x128xf32, #tpu.memory_space<vmem>> -> memref<64x128xf32, #tpu.memory_space<vmem>>
      %dma_wait3A_993 = arith.constant 0 : i32
      %dma_wait3A_994 = arith.constant 0 : i32
      %dma_wait3A_995 = tpu.memref_slice %arg11[%dma_wait3A_993, %dma_wait3A_994] : memref<5024x128xf32, #tpu.memory_space<vmem_shared>> -> memref<5024x128xf32, #tpu.memory_space<vmem_shared>>
      %dma_wait3A_996 = tpu.memref_slice %arg13[%dma_wait3A_988] : memref<8x!tpu.dma_semaphore, #tpu.memory_space<semaphore_mem>> -> memref<1x!tpu.dma_semaphore, #tpu.memory_space<semaphore_mem>>
      %dma_wait3A_997 = tpu.memref_squeeze %dma_wait3A_996 : memref<1x!tpu.dma_semaphore, #tpu.memory_space<semaphore_mem>> -> memref<!tpu.dma_semaphore, #tpu.memory_space<semaphore_mem>>
      tpu.wait_indirect_dma semaphore(%dma_wait3A_997 : memref<!tpu.dma_semaphore, #tpu.memory_space<semaphore_mem>>) src(%dma_wait3A_992 : memref<64x128xf32, #tpu.memory_space<vmem>>) dst(%dma_wait3A_995 : memref<5024x128xf32, #tpu.memory_space<vmem_shared>>)
    } else {
    }
    %sub3A_224 = arith.constant 1 : i32
    %sub3A_225 = arith.subi %select_n3A_52, %sub3A_224 : i32
    %ge3A_226 = arith.constant 0 : i32
    %ge3A_227 = arith.cmpi sge, %sub3A_225, %ge3A_226 : i32
    %jit3A_228 = arith.constant 8 : i32
    %eq3A_229 = arith.constant 0 : i32
    %eq3A_230 = arith.cmpi eq, %jit3A_228, %eq3A_229 : i32
    %jit3A_231 = arith.constant 1 : i32
    %select_n3A_232 = arith.select %eq3A_230, %jit3A_231, %jit3A_228 : i32
    %rem3A_233 = arith.remsi %sub3A_225, %select_n3A_232 : i32
    %ne3A_234 = arith.constant 0 : i32
    %ne3A_235 = arith.cmpi ne, %rem3A_233, %ne3A_234 : i32
    %lt3A_236 = arith.constant 0 : i32
    %lt3A_237 = arith.cmpi slt, %rem3A_233, %lt3A_236 : i32
    %lt3A_238 = arith.constant 0 : i32
    %lt3A_239 = arith.cmpi slt, %select_n3A_232, %lt3A_238 : i32
    %ne3A_240 = arith.xori %lt3A_237, %lt3A_239 : i1
    %and3A_241 = arith.andi %ne3A_240, %ne3A_235 : i1
    %add3A_242 = arith.addi %rem3A_233, %select_n3A_232 : i32
    %select_n3A_243 = arith.select %and3A_241, %add3A_242, %rem3A_233 : i32
    %eq3A_244 = arith.constant 1 : i32
    %eq3A_245 = arith.cmpi eq, %select_n3A_243, %eq3A_244 : i32
    %and3A_246 = arith.andi %ge3A_227, %eq3A_245 : i1
    %or3A_247 = arith.constant false
    %or3A_248 = arith.ori %or3A_247, %and3A_246 : i1
    %sub3A_249 = arith.constant 2 : i32
    %sub3A_250 = arith.subi %select_n3A_52, %sub3A_249 : i32
    %ge3A_251 = arith.constant 0 : i32
    %ge3A_252 = arith.cmpi sge, %sub3A_250, %ge3A_251 : i32
    %jit3A_253 = arith.constant 8 : i32
    %eq3A_254 = arith.constant 0 : i32
    %eq3A_255 = arith.cmpi eq, %jit3A_253, %eq3A_254 : i32
    %jit3A_256 = arith.constant 1 : i32
    %select_n3A_257 = arith.select %eq3A_255, %jit3A_256, %jit3A_253 : i32
    %rem3A_258 = arith.remsi %sub3A_250, %select_n3A_257 : i32
    %ne3A_259 = arith.constant 0 : i32
    %ne3A_260 = arith.cmpi ne, %rem3A_258, %ne3A_259 : i32
    %lt3A_261 = arith.constant 0 : i32
    %lt3A_262 = arith.cmpi slt, %rem3A_258, %lt3A_261 : i32
    %lt3A_263 = arith.constant 0 : i32
    %lt3A_264 = arith.cmpi slt, %select_n3A_257, %lt3A_263 : i32
    %ne3A_265 = arith.xori %lt3A_262, %lt3A_264 : i1
    %and3A_266 = arith.andi %ne3A_265, %ne3A_260 : i1
    %add3A_267 = arith.addi %rem3A_258, %select_n3A_257 : i32
    %select_n3A_268 = arith.select %and3A_266, %add3A_267, %rem3A_258 : i32
    %eq3A_269 = arith.constant 1 : i32
    %eq3A_270 = arith.cmpi eq, %select_n3A_268, %eq3A_269 : i32
    %and3A_271 = arith.andi %ge3A_252, %eq3A_270 : i1
    %or3A_272 = arith.ori %or3A_248, %and3A_271 : i1
    %sub3A_273 = arith.constant 3 : i32
    %sub3A_274 = arith.subi %select_n3A_52, %sub3A_273 : i32
    %ge3A_275 = arith.constant 0 : i32
    %ge3A_276 = arith.cmpi sge, %sub3A_274, %ge3A_275 : i32
    %jit3A_277 = arith.constant 8 : i32
    %eq3A_278 = arith.constant 0 : i32
    %eq3A_279 = arith.cmpi eq, %jit3A_277, %eq3A_278 : i32
    %jit3A_280 = arith.constant 1 : i32
    %select_n3A_281 = arith.select %eq3A_279, %jit3A_280, %jit3A_277 : i32
    %rem3A_282 = arith.remsi %sub3A_274, %select_n3A_281 : i32
    %ne3A_283 = arith.constant 0 : i32
    %ne3A_284 = arith.cmpi ne, %rem3A_282, %ne3A_283 : i32
    %lt3A_285 = arith.constant 0 : i32
    %lt3A_286 = arith.cmpi slt, %rem3A_282, %lt3A_285 : i32
    %lt3A_287 = arith.constant 0 : i32
    %lt3A_288 = arith.cmpi slt, %select_n3A_281, %lt3A_287 : i32
    %ne3A_289 = arith.xori %lt3A_286, %lt3A_288 : i1
    %and3A_290 = arith.andi %ne3A_289, %ne3A_284 : i1
    %add3A_291 = arith.addi %rem3A_282, %select_n3A_281 : i32
    %select_n3A_292 = arith.select %and3A_290, %add3A_291, %rem3A_282 : i32
    %eq3A_293 = arith.constant 1 : i32
    %eq3A_294 = arith.cmpi eq, %select_n3A_292, %eq3A_293 : i32
    %and3A_295 = arith.andi %ge3A_276, %eq3A_294 : i1
    %or3A_296 = arith.ori %or3A_272, %and3A_295 : i1
    %sub3A_297 = arith.constant 4 : i32
    %sub3A_298 = arith.subi %select_n3A_52, %sub3A_297 : i32
    %ge3A_299 = arith.constant 0 : i32
    %ge3A_300 = arith.cmpi sge, %sub3A_298, %ge3A_299 : i32
    %jit3A_301 = arith.constant 8 : i32
    %eq3A_302 = arith.constant 0 : i32
    %eq3A_303 = arith.cmpi eq, %jit3A_301, %eq3A_302 : i32
    %jit3A_304 = arith.constant 1 : i32
    %select_n3A_305 = arith.select %eq3A_303, %jit3A_304, %jit3A_301 : i32
    %rem3A_306 = arith.remsi %sub3A_298, %select_n3A_305 : i32
    %ne3A_307 = arith.constant 0 : i32
    %ne3A_308 = arith.cmpi ne, %rem3A_306, %ne3A_307 : i32
    %lt3A_309 = arith.constant 0 : i32
    %lt3A_310 = arith.cmpi slt, %rem3A_306, %lt3A_309 : i32
    %lt3A_311 = arith.constant 0 : i32
    %lt3A_312 = arith.cmpi slt, %select_n3A_305, %lt3A_311 : i32
    %ne3A_313 = arith.xori %lt3A_310, %lt3A_312 : i1
    %and3A_314 = arith.andi %ne3A_313, %ne3A_308 : i1
    %add3A_315 = arith.addi %rem3A_306, %select_n3A_305 : i32
    %select_n3A_316 = arith.select %and3A_314, %add3A_315, %rem3A_306 : i32
    %eq3A_317 = arith.constant 1 : i32
    %eq3A_318 = arith.cmpi eq, %select_n3A_316, %eq3A_317 : i32
    %and3A_319 = arith.andi %ge3A_300, %eq3A_318 : i1
    %or3A_320 = arith.ori %or3A_296, %and3A_319 : i1
    %convert_element_type3A_321 = arith.extui %or3A_320 : i1 to i32
    %cond3A_322 = arith.constant 0 : i32
    %cond3A_323 = arith.cmpi ne, %convert_element_type3A_321, %cond3A_322 : i32
    scf.if %cond3A_323 {
      %dma_wait3A = arith.constant 1 : i32
      %dma_wait3A_988 = arith.constant 1 : i32
      %dma_wait3A_989 = arith.constant 0 : i32
      %dma_wait3A_990 = arith.constant 0 : i32
      %dma_wait3A_991 = tpu.memref_slice %arg9[%dma_wait3A, %dma_wait3A_989, %dma_wait3A_990] : memref<8x64x128xf32, #tpu.memory_space<vmem>> -> memref<1x64x128xf32, #tpu.memory_space<vmem>>
      %dma_wait3A_992 = tpu.memref_squeeze %dma_wait3A_991 : memref<1x64x128xf32, #tpu.memory_space<vmem>> -> memref<64x128xf32, #tpu.memory_space<vmem>>
      %dma_wait3A_993 = arith.constant 0 : i32
      %dma_wait3A_994 = arith.constant 0 : i32
      %dma_wait3A_995 = tpu.memref_slice %arg11[%dma_wait3A_993, %dma_wait3A_994] : memref<5024x128xf32, #tpu.memory_space<vmem_shared>> -> memref<5024x128xf32, #tpu.memory_space<vmem_shared>>
      %dma_wait3A_996 = tpu.memref_slice %arg13[%dma_wait3A_988] : memref<8x!tpu.dma_semaphore, #tpu.memory_space<semaphore_mem>> -> memref<1x!tpu.dma_semaphore, #tpu.memory_space<semaphore_mem>>
      %dma_wait3A_997 = tpu.memref_squeeze %dma_wait3A_996 : memref<1x!tpu.dma_semaphore, #tpu.memory_space<semaphore_mem>> -> memref<!tpu.dma_semaphore, #tpu.memory_space<semaphore_mem>>
      tpu.wait_indirect_dma semaphore(%dma_wait3A_997 : memref<!tpu.dma_semaphore, #tpu.memory_space<semaphore_mem>>) src(%dma_wait3A_992 : memref<64x128xf32, #tpu.memory_space<vmem>>) dst(%dma_wait3A_995 : memref<5024x128xf32, #tpu.memory_space<vmem_shared>>)
    } else {
    }
    %sub3A_324 = arith.constant 1 : i32
    %sub3A_325 = arith.subi %select_n3A_52, %sub3A_324 : i32
    %ge3A_326 = arith.constant 0 : i32
    %ge3A_327 = arith.cmpi sge, %sub3A_325, %ge3A_326 : i32
    %jit3A_328 = arith.constant 8 : i32
    %eq3A_329 = arith.constant 0 : i32
    %eq3A_330 = arith.cmpi eq, %jit3A_328, %eq3A_329 : i32
    %jit3A_331 = arith.constant 1 : i32
    %select_n3A_332 = arith.select %eq3A_330, %jit3A_331, %jit3A_328 : i32
    %rem3A_333 = arith.remsi %sub3A_325, %select_n3A_332 : i32
    %ne3A_334 = arith.constant 0 : i32
    %ne3A_335 = arith.cmpi ne, %rem3A_333, %ne3A_334 : i32
    %lt3A_336 = arith.constant 0 : i32
    %lt3A_337 = arith.cmpi slt, %rem3A_333, %lt3A_336 : i32
    %lt3A_338 = arith.constant 0 : i32
    %lt3A_339 = arith.cmpi slt, %select_n3A_332, %lt3A_338 : i32
    %ne3A_340 = arith.xori %lt3A_337, %lt3A_339 : i1
    %and3A_341 = arith.andi %ne3A_340, %ne3A_335 : i1
    %add3A_342 = arith.addi %rem3A_333, %select_n3A_332 : i32
    %select_n3A_343 = arith.select %and3A_341, %add3A_342, %rem3A_333 : i32
    %eq3A_344 = arith.constant 2 : i32
    %eq3A_345 = arith.cmpi eq, %select_n3A_343, %eq3A_344 : i32
    %and3A_346 = arith.andi %ge3A_327, %eq3A_345 : i1
    %or3A_347 = arith.constant false
    %or3A_348 = arith.ori %or3A_347, %and3A_346 : i1
    %sub3A_349 = arith.constant 2 : i32
    %sub3A_350 = arith.subi %select_n3A_52, %sub3A_349 : i32
    %ge3A_351 = arith.constant 0 : i32
    %ge3A_352 = arith.cmpi sge, %sub3A_350, %ge3A_351 : i32
    %jit3A_353 = arith.constant 8 : i32
    %eq3A_354 = arith.constant 0 : i32
    %eq3A_355 = arith.cmpi eq, %jit3A_353, %eq3A_354 : i32
    %jit3A_356 = arith.constant 1 : i32
    %select_n3A_357 = arith.select %eq3A_355, %jit3A_356, %jit3A_353 : i32
    %rem3A_358 = arith.remsi %sub3A_350, %select_n3A_357 : i32
    %ne3A_359 = arith.constant 0 : i32
    %ne3A_360 = arith.cmpi ne, %rem3A_358, %ne3A_359 : i32
    %lt3A_361 = arith.constant 0 : i32
    %lt3A_362 = arith.cmpi slt, %rem3A_358, %lt3A_361 : i32
    %lt3A_363 = arith.constant 0 : i32
    %lt3A_364 = arith.cmpi slt, %select_n3A_357, %lt3A_363 : i32
    %ne3A_365 = arith.xori %lt3A_362, %lt3A_364 : i1
    %and3A_366 = arith.andi %ne3A_365, %ne3A_360 : i1
    %add3A_367 = arith.addi %rem3A_358, %select_n3A_357 : i32
    %select_n3A_368 = arith.select %and3A_366, %add3A_367, %rem3A_358 : i32
    %eq3A_369 = arith.constant 2 : i32
    %eq3A_370 = arith.cmpi eq, %select_n3A_368, %eq3A_369 : i32
    %and3A_371 = arith.andi %ge3A_352, %eq3A_370 : i1
    %or3A_372 = arith.ori %or3A_348, %and3A_371 : i1
    %sub3A_373 = arith.constant 3 : i32
    %sub3A_374 = arith.subi %select_n3A_52, %sub3A_373 : i32
    %ge3A_375 = arith.constant 0 : i32
    %ge3A_376 = arith.cmpi sge, %sub3A_374, %ge3A_375 : i32
    %jit3A_377 = arith.constant 8 : i32
    %eq3A_378 = arith.constant 0 : i32
    %eq3A_379 = arith.cmpi eq, %jit3A_377, %eq3A_378 : i32
    %jit3A_380 = arith.constant 1 : i32
    %select_n3A_381 = arith.select %eq3A_379, %jit3A_380, %jit3A_377 : i32
    %rem3A_382 = arith.remsi %sub3A_374, %select_n3A_381 : i32
    %ne3A_383 = arith.constant 0 : i32
    %ne3A_384 = arith.cmpi ne, %rem3A_382, %ne3A_383 : i32
    %lt3A_385 = arith.constant 0 : i32
    %lt3A_386 = arith.cmpi slt, %rem3A_382, %lt3A_385 : i32
    %lt3A_387 = arith.constant 0 : i32
    %lt3A_388 = arith.cmpi slt, %select_n3A_381, %lt3A_387 : i32
    %ne3A_389 = arith.xori %lt3A_386, %lt3A_388 : i1
    %and3A_390 = arith.andi %ne3A_389, %ne3A_384 : i1
    %add3A_391 = arith.addi %rem3A_382, %select_n3A_381 : i32
    %select_n3A_392 = arith.select %and3A_390, %add3A_391, %rem3A_382 : i32
    %eq3A_393 = arith.constant 2 : i32
    %eq3A_394 = arith.cmpi eq, %select_n3A_392, %eq3A_393 : i32
    %and3A_395 = arith.andi %ge3A_376, %eq3A_394 : i1
    %or3A_396 = arith.ori %or3A_372, %and3A_395 : i1
    %sub3A_397 = arith.constant 4 : i32
    %sub3A_398 = arith.subi %select_n3A_52, %sub3A_397 : i32
    %ge3A_399 = arith.constant 0 : i32
    %ge3A_400 = arith.cmpi sge, %sub3A_398, %ge3A_399 : i32
    %jit3A_401 = arith.constant 8 : i32
    %eq3A_402 = arith.constant 0 : i32
    %eq3A_403 = arith.cmpi eq, %jit3A_401, %eq3A_402 : i32
    %jit3A_404 = arith.constant 1 : i32
    %select_n3A_405 = arith.select %eq3A_403, %jit3A_404, %jit3A_401 : i32
    %rem3A_406 = arith.remsi %sub3A_398, %select_n3A_405 : i32
    %ne3A_407 = arith.constant 0 : i32
    %ne3A_408 = arith.cmpi ne, %rem3A_406, %ne3A_407 : i32
    %lt3A_409 = arith.constant 0 : i32
    %lt3A_410 = arith.cmpi slt, %rem3A_406, %lt3A_409 : i32
    %lt3A_411 = arith.constant 0 : i32
    %lt3A_412 = arith.cmpi slt, %select_n3A_405, %lt3A_411 : i32
    %ne3A_413 = arith.xori %lt3A_410, %lt3A_412 : i1
    %and3A_414 = arith.andi %ne3A_413, %ne3A_408 : i1
    %add3A_415 = arith.addi %rem3A_406, %select_n3A_405 : i32
    %select_n3A_416 = arith.select %and3A_414, %add3A_415, %rem3A_406 : i32
    %eq3A_417 = arith.constant 2 : i32
    %eq3A_418 = arith.cmpi eq, %select_n3A_416, %eq3A_417 : i32
    %and3A_419 = arith.andi %ge3A_400, %eq3A_418 : i1
    %or3A_420 = arith.ori %or3A_396, %and3A_419 : i1
    %convert_element_type3A_421 = arith.extui %or3A_420 : i1 to i32
    %cond3A_422 = arith.constant 0 : i32
    %cond3A_423 = arith.cmpi ne, %convert_element_type3A_421, %cond3A_422 : i32
    scf.if %cond3A_423 {
      %dma_wait3A = arith.constant 2 : i32
      %dma_wait3A_988 = arith.constant 2 : i32
      %dma_wait3A_989 = arith.constant 0 : i32
      %dma_wait3A_990 = arith.constant 0 : i32
      %dma_wait3A_991 = tpu.memref_slice %arg9[%dma_wait3A, %dma_wait3A_989, %dma_wait3A_990] : memref<8x64x128xf32, #tpu.memory_space<vmem>> -> memref<1x64x128xf32, #tpu.memory_space<vmem>>
      %dma_wait3A_992 = tpu.memref_squeeze %dma_wait3A_991 : memref<1x64x128xf32, #tpu.memory_space<vmem>> -> memref<64x128xf32, #tpu.memory_space<vmem>>
      %dma_wait3A_993 = arith.constant 0 : i32
      %dma_wait3A_994 = arith.constant 0 : i32
      %dma_wait3A_995 = tpu.memref_slice %arg11[%dma_wait3A_993, %dma_wait3A_994] : memref<5024x128xf32, #tpu.memory_space<vmem_shared>> -> memref<5024x128xf32, #tpu.memory_space<vmem_shared>>
      %dma_wait3A_996 = tpu.memref_slice %arg13[%dma_wait3A_988] : memref<8x!tpu.dma_semaphore, #tpu.memory_space<semaphore_mem>> -> memref<1x!tpu.dma_semaphore, #tpu.memory_space<semaphore_mem>>
      %dma_wait3A_997 = tpu.memref_squeeze %dma_wait3A_996 : memref<1x!tpu.dma_semaphore, #tpu.memory_space<semaphore_mem>> -> memref<!tpu.dma_semaphore, #tpu.memory_space<semaphore_mem>>
      tpu.wait_indirect_dma semaphore(%dma_wait3A_997 : memref<!tpu.dma_semaphore, #tpu.memory_space<semaphore_mem>>) src(%dma_wait3A_992 : memref<64x128xf32, #tpu.memory_space<vmem>>) dst(%dma_wait3A_995 : memref<5024x128xf32, #tpu.memory_space<vmem_shared>>)
    } else {
    }
    %sub3A_424 = arith.constant 1 : i32
    %sub3A_425 = arith.subi %select_n3A_52, %sub3A_424 : i32
    %ge3A_426 = arith.constant 0 : i32
    %ge3A_427 = arith.cmpi sge, %sub3A_425, %ge3A_426 : i32
    %jit3A_428 = arith.constant 8 : i32
    %eq3A_429 = arith.constant 0 : i32
    %eq3A_430 = arith.cmpi eq, %jit3A_428, %eq3A_429 : i32
    %jit3A_431 = arith.constant 1 : i32
    %select_n3A_432 = arith.select %eq3A_430, %jit3A_431, %jit3A_428 : i32
    %rem3A_433 = arith.remsi %sub3A_425, %select_n3A_432 : i32
    %ne3A_434 = arith.constant 0 : i32
    %ne3A_435 = arith.cmpi ne, %rem3A_433, %ne3A_434 : i32
    %lt3A_436 = arith.constant 0 : i32
    %lt3A_437 = arith.cmpi slt, %rem3A_433, %lt3A_436 : i32
    %lt3A_438 = arith.constant 0 : i32
    %lt3A_439 = arith.cmpi slt, %select_n3A_432, %lt3A_438 : i32
    %ne3A_440 = arith.xori %lt3A_437, %lt3A_439 : i1
    %and3A_441 = arith.andi %ne3A_440, %ne3A_435 : i1
    %add3A_442 = arith.addi %rem3A_433, %select_n3A_432 : i32
    %select_n3A_443 = arith.select %and3A_441, %add3A_442, %rem3A_433 : i32
    %eq3A_444 = arith.constant 3 : i32
    %eq3A_445 = arith.cmpi eq, %select_n3A_443, %eq3A_444 : i32
    %and3A_446 = arith.andi %ge3A_427, %eq3A_445 : i1
    %or3A_447 = arith.constant false
    %or3A_448 = arith.ori %or3A_447, %and3A_446 : i1
    %sub3A_449 = arith.constant 2 : i32
    %sub3A_450 = arith.subi %select_n3A_52, %sub3A_449 : i32
    %ge3A_451 = arith.constant 0 : i32
    %ge3A_452 = arith.cmpi sge, %sub3A_450, %ge3A_451 : i32
    %jit3A_453 = arith.constant 8 : i32
    %eq3A_454 = arith.constant 0 : i32
    %eq3A_455 = arith.cmpi eq, %jit3A_453, %eq3A_454 : i32
    %jit3A_456 = arith.constant 1 : i32
    %select_n3A_457 = arith.select %eq3A_455, %jit3A_456, %jit3A_453 : i32
    %rem3A_458 = arith.remsi %sub3A_450, %select_n3A_457 : i32
    %ne3A_459 = arith.constant 0 : i32
    %ne3A_460 = arith.cmpi ne, %rem3A_458, %ne3A_459 : i32
    %lt3A_461 = arith.constant 0 : i32
    %lt3A_462 = arith.cmpi slt, %rem3A_458, %lt3A_461 : i32
    %lt3A_463 = arith.constant 0 : i32
    %lt3A_464 = arith.cmpi slt, %select_n3A_457, %lt3A_463 : i32
    %ne3A_465 = arith.xori %lt3A_462, %lt3A_464 : i1
    %and3A_466 = arith.andi %ne3A_465, %ne3A_460 : i1
    %add3A_467 = arith.addi %rem3A_458, %select_n3A_457 : i32
    %select_n3A_468 = arith.select %and3A_466, %add3A_467, %rem3A_458 : i32
    %eq3A_469 = arith.constant 3 : i32
    %eq3A_470 = arith.cmpi eq, %select_n3A_468, %eq3A_469 : i32
    %and3A_471 = arith.andi %ge3A_452, %eq3A_470 : i1
    %or3A_472 = arith.ori %or3A_448, %and3A_471 : i1
    %sub3A_473 = arith.constant 3 : i32
    %sub3A_474 = arith.subi %select_n3A_52, %sub3A_473 : i32
    %ge3A_475 = arith.constant 0 : i32
    %ge3A_476 = arith.cmpi sge, %sub3A_474, %ge3A_475 : i32
    %jit3A_477 = arith.constant 8 : i32
    %eq3A_478 = arith.constant 0 : i32
    %eq3A_479 = arith.cmpi eq, %jit3A_477, %eq3A_478 : i32
    %jit3A_480 = arith.constant 1 : i32
    %select_n3A_481 = arith.select %eq3A_479, %jit3A_480, %jit3A_477 : i32
    %rem3A_482 = arith.remsi %sub3A_474, %select_n3A_481 : i32
    %ne3A_483 = arith.constant 0 : i32
    %ne3A_484 = arith.cmpi ne, %rem3A_482, %ne3A_483 : i32
    %lt3A_485 = arith.constant 0 : i32
    %lt3A_486 = arith.cmpi slt, %rem3A_482, %lt3A_485 : i32
    %lt3A_487 = arith.constant 0 : i32
    %lt3A_488 = arith.cmpi slt, %select_n3A_481, %lt3A_487 : i32
    %ne3A_489 = arith.xori %lt3A_486, %lt3A_488 : i1
    %and3A_490 = arith.andi %ne3A_489, %ne3A_484 : i1
    %add3A_491 = arith.addi %rem3A_482, %select_n3A_481 : i32
    %select_n3A_492 = arith.select %and3A_490, %add3A_491, %rem3A_482 : i32
    %eq3A_493 = arith.constant 3 : i32
    %eq3A_494 = arith.cmpi eq, %select_n3A_492, %eq3A_493 : i32
    %and3A_495 = arith.andi %ge3A_476, %eq3A_494 : i1
    %or3A_496 = arith.ori %or3A_472, %and3A_495 : i1
    %sub3A_497 = arith.constant 4 : i32
    %sub3A_498 = arith.subi %select_n3A_52, %sub3A_497 : i32
    %ge3A_499 = arith.constant 0 : i32
    %ge3A_500 = arith.cmpi sge, %sub3A_498, %ge3A_499 : i32
    %jit3A_501 = arith.constant 8 : i32
    %eq3A_502 = arith.constant 0 : i32
    %eq3A_503 = arith.cmpi eq, %jit3A_501, %eq3A_502 : i32
    %jit3A_504 = arith.constant 1 : i32
    %select_n3A_505 = arith.select %eq3A_503, %jit3A_504, %jit3A_501 : i32
    %rem3A_506 = arith.remsi %sub3A_498, %select_n3A_505 : i32
    %ne3A_507 = arith.constant 0 : i32
    %ne3A_508 = arith.cmpi ne, %rem3A_506, %ne3A_507 : i32
    %lt3A_509 = arith.constant 0 : i32
    %lt3A_510 = arith.cmpi slt, %rem3A_506, %lt3A_509 : i32
    %lt3A_511 = arith.constant 0 : i32
    %lt3A_512 = arith.cmpi slt, %select_n3A_505, %lt3A_511 : i32
    %ne3A_513 = arith.xori %lt3A_510, %lt3A_512 : i1
    %and3A_514 = arith.andi %ne3A_513, %ne3A_508 : i1
    %add3A_515 = arith.addi %rem3A_506, %select_n3A_505 : i32
    %select_n3A_516 = arith.select %and3A_514, %add3A_515, %rem3A_506 : i32
    %eq3A_517 = arith.constant 3 : i32
    %eq3A_518 = arith.cmpi eq, %select_n3A_516, %eq3A_517 : i32
    %and3A_519 = arith.andi %ge3A_500, %eq3A_518 : i1
    %or3A_520 = arith.ori %or3A_496, %and3A_519 : i1
    %convert_element_type3A_521 = arith.extui %or3A_520 : i1 to i32
    %cond3A_522 = arith.constant 0 : i32
    %cond3A_523 = arith.cmpi ne, %convert_element_type3A_521, %cond3A_522 : i32
    scf.if %cond3A_523 {
      %dma_wait3A = arith.constant 3 : i32
      %dma_wait3A_988 = arith.constant 3 : i32
      %dma_wait3A_989 = arith.constant 0 : i32
      %dma_wait3A_990 = arith.constant 0 : i32
      %dma_wait3A_991 = tpu.memref_slice %arg9[%dma_wait3A, %dma_wait3A_989, %dma_wait3A_990] : memref<8x64x128xf32, #tpu.memory_space<vmem>> -> memref<1x64x128xf32, #tpu.memory_space<vmem>>
      %dma_wait3A_992 = tpu.memref_squeeze %dma_wait3A_991 : memref<1x64x128xf32, #tpu.memory_space<vmem>> -> memref<64x128xf32, #tpu.memory_space<vmem>>
      %dma_wait3A_993 = arith.constant 0 : i32
      %dma_wait3A_994 = arith.constant 0 : i32
      %dma_wait3A_995 = tpu.memref_slice %arg11[%dma_wait3A_993, %dma_wait3A_994] : memref<5024x128xf32, #tpu.memory_space<vmem_shared>> -> memref<5024x128xf32, #tpu.memory_space<vmem_shared>>
      %dma_wait3A_996 = tpu.memref_slice %arg13[%dma_wait3A_988] : memref<8x!tpu.dma_semaphore, #tpu.memory_space<semaphore_mem>> -> memref<1x!tpu.dma_semaphore, #tpu.memory_space<semaphore_mem>>
      %dma_wait3A_997 = tpu.memref_squeeze %dma_wait3A_996 : memref<1x!tpu.dma_semaphore, #tpu.memory_space<semaphore_mem>> -> memref<!tpu.dma_semaphore, #tpu.memory_space<semaphore_mem>>
      tpu.wait_indirect_dma semaphore(%dma_wait3A_997 : memref<!tpu.dma_semaphore, #tpu.memory_space<semaphore_mem>>) src(%dma_wait3A_992 : memref<64x128xf32, #tpu.memory_space<vmem>>) dst(%dma_wait3A_995 : memref<5024x128xf32, #tpu.memory_space<vmem_shared>>)
    } else {
    }
    %sub3A_524 = arith.constant 1 : i32
    %sub3A_525 = arith.subi %select_n3A_52, %sub3A_524 : i32
    %ge3A_526 = arith.constant 0 : i32
    %ge3A_527 = arith.cmpi sge, %sub3A_525, %ge3A_526 : i32
    %jit3A_528 = arith.constant 8 : i32
    %eq3A_529 = arith.constant 0 : i32
    %eq3A_530 = arith.cmpi eq, %jit3A_528, %eq3A_529 : i32
    %jit3A_531 = arith.constant 1 : i32
    %select_n3A_532 = arith.select %eq3A_530, %jit3A_531, %jit3A_528 : i32
    %rem3A_533 = arith.remsi %sub3A_525, %select_n3A_532 : i32
    %ne3A_534 = arith.constant 0 : i32
    %ne3A_535 = arith.cmpi ne, %rem3A_533, %ne3A_534 : i32
    %lt3A_536 = arith.constant 0 : i32
    %lt3A_537 = arith.cmpi slt, %rem3A_533, %lt3A_536 : i32
    %lt3A_538 = arith.constant 0 : i32
    %lt3A_539 = arith.cmpi slt, %select_n3A_532, %lt3A_538 : i32
    %ne3A_540 = arith.xori %lt3A_537, %lt3A_539 : i1
    %and3A_541 = arith.andi %ne3A_540, %ne3A_535 : i1
    %add3A_542 = arith.addi %rem3A_533, %select_n3A_532 : i32
    %select_n3A_543 = arith.select %and3A_541, %add3A_542, %rem3A_533 : i32
    %eq3A_544 = arith.constant 4 : i32
    %eq3A_545 = arith.cmpi eq, %select_n3A_543, %eq3A_544 : i32
    %and3A_546 = arith.andi %ge3A_527, %eq3A_545 : i1
    %or3A_547 = arith.constant false
    %or3A_548 = arith.ori %or3A_547, %and3A_546 : i1
    %sub3A_549 = arith.constant 2 : i32
    %sub3A_550 = arith.subi %select_n3A_52, %sub3A_549 : i32
    %ge3A_551 = arith.constant 0 : i32
    %ge3A_552 = arith.cmpi sge, %sub3A_550, %ge3A_551 : i32
    %jit3A_553 = arith.constant 8 : i32
    %eq3A_554 = arith.constant 0 : i32
    %eq3A_555 = arith.cmpi eq, %jit3A_553, %eq3A_554 : i32
    %jit3A_556 = arith.constant 1 : i32
    %select_n3A_557 = arith.select %eq3A_555, %jit3A_556, %jit3A_553 : i32
    %rem3A_558 = arith.remsi %sub3A_550, %select_n3A_557 : i32
    %ne3A_559 = arith.constant 0 : i32
    %ne3A_560 = arith.cmpi ne, %rem3A_558, %ne3A_559 : i32
    %lt3A_561 = arith.constant 0 : i32
    %lt3A_562 = arith.cmpi slt, %rem3A_558, %lt3A_561 : i32
    %lt3A_563 = arith.constant 0 : i32
    %lt3A_564 = arith.cmpi slt, %select_n3A_557, %lt3A_563 : i32
    %ne3A_565 = arith.xori %lt3A_562, %lt3A_564 : i1
    %and3A_566 = arith.andi %ne3A_565, %ne3A_560 : i1
    %add3A_567 = arith.addi %rem3A_558, %select_n3A_557 : i32
    %select_n3A_568 = arith.select %and3A_566, %add3A_567, %rem3A_558 : i32
    %eq3A_569 = arith.constant 4 : i32
    %eq3A_570 = arith.cmpi eq, %select_n3A_568, %eq3A_569 : i32
    %and3A_571 = arith.andi %ge3A_552, %eq3A_570 : i1
    %or3A_572 = arith.ori %or3A_548, %and3A_571 : i1
    %sub3A_573 = arith.constant 3 : i32
    %sub3A_574 = arith.subi %select_n3A_52, %sub3A_573 : i32
    %ge3A_575 = arith.constant 0 : i32
    %ge3A_576 = arith.cmpi sge, %sub3A_574, %ge3A_575 : i32
    %jit3A_577 = arith.constant 8 : i32
    %eq3A_578 = arith.constant 0 : i32
    %eq3A_579 = arith.cmpi eq, %jit3A_577, %eq3A_578 : i32
    %jit3A_580 = arith.constant 1 : i32
    %select_n3A_581 = arith.select %eq3A_579, %jit3A_580, %jit3A_577 : i32
    %rem3A_582 = arith.remsi %sub3A_574, %select_n3A_581 : i32
    %ne3A_583 = arith.constant 0 : i32
    %ne3A_584 = arith.cmpi ne, %rem3A_582, %ne3A_583 : i32
    %lt3A_585 = arith.constant 0 : i32
    %lt3A_586 = arith.cmpi slt, %rem3A_582, %lt3A_585 : i32
    %lt3A_587 = arith.constant 0 : i32
    %lt3A_588 = arith.cmpi slt, %select_n3A_581, %lt3A_587 : i32
    %ne3A_589 = arith.xori %lt3A_586, %lt3A_588 : i1
    %and3A_590 = arith.andi %ne3A_589, %ne3A_584 : i1
    %add3A_591 = arith.addi %rem3A_582, %select_n3A_581 : i32
    %select_n3A_592 = arith.select %and3A_590, %add3A_591, %rem3A_582 : i32
    %eq3A_593 = arith.constant 4 : i32
    %eq3A_594 = arith.cmpi eq, %select_n3A_592, %eq3A_593 : i32
    %and3A_595 = arith.andi %ge3A_576, %eq3A_594 : i1
    %or3A_596 = arith.ori %or3A_572, %and3A_595 : i1
    %sub3A_597 = arith.constant 4 : i32
    %sub3A_598 = arith.subi %select_n3A_52, %sub3A_597 : i32
    %ge3A_599 = arith.constant 0 : i32
    %ge3A_600 = arith.cmpi sge, %sub3A_598, %ge3A_599 : i32
    %jit3A_601 = arith.constant 8 : i32
    %eq3A_602 = arith.constant 0 : i32
    %eq3A_603 = arith.cmpi eq, %jit3A_601, %eq3A_602 : i32
    %jit3A_604 = arith.constant 1 : i32
    %select_n3A_605 = arith.select %eq3A_603, %jit3A_604, %jit3A_601 : i32
    %rem3A_606 = arith.remsi %sub3A_598, %select_n3A_605 : i32
    %ne3A_607 = arith.constant 0 : i32
    %ne3A_608 = arith.cmpi ne, %rem3A_606, %ne3A_607 : i32
    %lt3A_609 = arith.constant 0 : i32
    %lt3A_610 = arith.cmpi slt, %rem3A_606, %lt3A_609 : i32
    %lt3A_611 = arith.constant 0 : i32
    %lt3A_612 = arith.cmpi slt, %select_n3A_605, %lt3A_611 : i32
    %ne3A_613 = arith.xori %lt3A_610, %lt3A_612 : i1
    %and3A_614 = arith.andi %ne3A_613, %ne3A_608 : i1
    %add3A_615 = arith.addi %rem3A_606, %select_n3A_605 : i32
    %select_n3A_616 = arith.select %and3A_614, %add3A_615, %rem3A_606 : i32
    %eq3A_617 = arith.constant 4 : i32
    %eq3A_618 = arith.cmpi eq, %select_n3A_616, %eq3A_617 : i32
    %and3A_619 = arith.andi %ge3A_600, %eq3A_618 : i1
    %or3A_620 = arith.ori %or3A_596, %and3A_619 : i1
    %convert_element_type3A_621 = arith.extui %or3A_620 : i1 to i32
    %cond3A_622 = arith.constant 0 : i32
    %cond3A_623 = arith.cmpi ne, %convert_element_type3A_621, %cond3A_622 : i32
    scf.if %cond3A_623 {
      %dma_wait3A = arith.constant 4 : i32
      %dma_wait3A_988 = arith.constant 4 : i32
      %dma_wait3A_989 = arith.constant 0 : i32
      %dma_wait3A_990 = arith.constant 0 : i32
      %dma_wait3A_991 = tpu.memref_slice %arg9[%dma_wait3A, %dma_wait3A_989, %dma_wait3A_990] : memref<8x64x128xf32, #tpu.memory_space<vmem>> -> memref<1x64x128xf32, #tpu.memory_space<vmem>>
      %dma_wait3A_992 = tpu.memref_squeeze %dma_wait3A_991 : memref<1x64x128xf32, #tpu.memory_space<vmem>> -> memref<64x128xf32, #tpu.memory_space<vmem>>
      %dma_wait3A_993 = arith.constant 0 : i32
      %dma_wait3A_994 = arith.constant 0 : i32
      %dma_wait3A_995 = tpu.memref_slice %arg11[%dma_wait3A_993, %dma_wait3A_994] : memref<5024x128xf32, #tpu.memory_space<vmem_shared>> -> memref<5024x128xf32, #tpu.memory_space<vmem_shared>>
      %dma_wait3A_996 = tpu.memref_slice %arg13[%dma_wait3A_988] : memref<8x!tpu.dma_semaphore, #tpu.memory_space<semaphore_mem>> -> memref<1x!tpu.dma_semaphore, #tpu.memory_space<semaphore_mem>>
      %dma_wait3A_997 = tpu.memref_squeeze %dma_wait3A_996 : memref<1x!tpu.dma_semaphore, #tpu.memory_space<semaphore_mem>> -> memref<!tpu.dma_semaphore, #tpu.memory_space<semaphore_mem>>
      tpu.wait_indirect_dma semaphore(%dma_wait3A_997 : memref<!tpu.dma_semaphore, #tpu.memory_space<semaphore_mem>>) src(%dma_wait3A_992 : memref<64x128xf32, #tpu.memory_space<vmem>>) dst(%dma_wait3A_995 : memref<5024x128xf32, #tpu.memory_space<vmem_shared>>)
    } else {
    }
    %sub3A_624 = arith.constant 1 : i32
    %sub3A_625 = arith.subi %select_n3A_52, %sub3A_624 : i32
    %ge3A_626 = arith.constant 0 : i32
    %ge3A_627 = arith.cmpi sge, %sub3A_625, %ge3A_626 : i32
    %jit3A_628 = arith.constant 8 : i32
    %eq3A_629 = arith.constant 0 : i32
    %eq3A_630 = arith.cmpi eq, %jit3A_628, %eq3A_629 : i32
    %jit3A_631 = arith.constant 1 : i32
    %select_n3A_632 = arith.select %eq3A_630, %jit3A_631, %jit3A_628 : i32
    %rem3A_633 = arith.remsi %sub3A_625, %select_n3A_632 : i32
    %ne3A_634 = arith.constant 0 : i32
    %ne3A_635 = arith.cmpi ne, %rem3A_633, %ne3A_634 : i32
    %lt3A_636 = arith.constant 0 : i32
    %lt3A_637 = arith.cmpi slt, %rem3A_633, %lt3A_636 : i32
    %lt3A_638 = arith.constant 0 : i32
    %lt3A_639 = arith.cmpi slt, %select_n3A_632, %lt3A_638 : i32
    %ne3A_640 = arith.xori %lt3A_637, %lt3A_639 : i1
    %and3A_641 = arith.andi %ne3A_640, %ne3A_635 : i1
    %add3A_642 = arith.addi %rem3A_633, %select_n3A_632 : i32
    %select_n3A_643 = arith.select %and3A_641, %add3A_642, %rem3A_633 : i32
    %eq3A_644 = arith.constant 5 : i32
    %eq3A_645 = arith.cmpi eq, %select_n3A_643, %eq3A_644 : i32
    %and3A_646 = arith.andi %ge3A_627, %eq3A_645 : i1
    %or3A_647 = arith.constant false
    %or3A_648 = arith.ori %or3A_647, %and3A_646 : i1
    %sub3A_649 = arith.constant 2 : i32
    %sub3A_650 = arith.subi %select_n3A_52, %sub3A_649 : i32
    %ge3A_651 = arith.constant 0 : i32
    %ge3A_652 = arith.cmpi sge, %sub3A_650, %ge3A_651 : i32
    %jit3A_653 = arith.constant 8 : i32
    %eq3A_654 = arith.constant 0 : i32
    %eq3A_655 = arith.cmpi eq, %jit3A_653, %eq3A_654 : i32
    %jit3A_656 = arith.constant 1 : i32
    %select_n3A_657 = arith.select %eq3A_655, %jit3A_656, %jit3A_653 : i32
    %rem3A_658 = arith.remsi %sub3A_650, %select_n3A_657 : i32
    %ne3A_659 = arith.constant 0 : i32
    %ne3A_660 = arith.cmpi ne, %rem3A_658, %ne3A_659 : i32
    %lt3A_661 = arith.constant 0 : i32
    %lt3A_662 = arith.cmpi slt, %rem3A_658, %lt3A_661 : i32
    %lt3A_663 = arith.constant 0 : i32
    %lt3A_664 = arith.cmpi slt, %select_n3A_657, %lt3A_663 : i32
    %ne3A_665 = arith.xori %lt3A_662, %lt3A_664 : i1
    %and3A_666 = arith.andi %ne3A_665, %ne3A_660 : i1
    %add3A_667 = arith.addi %rem3A_658, %select_n3A_657 : i32
    %select_n3A_668 = arith.select %and3A_666, %add3A_667, %rem3A_658 : i32
    %eq3A_669 = arith.constant 5 : i32
    %eq3A_670 = arith.cmpi eq, %select_n3A_668, %eq3A_669 : i32
    %and3A_671 = arith.andi %ge3A_652, %eq3A_670 : i1
    %or3A_672 = arith.ori %or3A_648, %and3A_671 : i1
    %sub3A_673 = arith.constant 3 : i32
    %sub3A_674 = arith.subi %select_n3A_52, %sub3A_673 : i32
    %ge3A_675 = arith.constant 0 : i32
    %ge3A_676 = arith.cmpi sge, %sub3A_674, %ge3A_675 : i32
    %jit3A_677 = arith.constant 8 : i32
    %eq3A_678 = arith.constant 0 : i32
    %eq3A_679 = arith.cmpi eq, %jit3A_677, %eq3A_678 : i32
    %jit3A_680 = arith.constant 1 : i32
    %select_n3A_681 = arith.select %eq3A_679, %jit3A_680, %jit3A_677 : i32
    %rem3A_682 = arith.remsi %sub3A_674, %select_n3A_681 : i32
    %ne3A_683 = arith.constant 0 : i32
    %ne3A_684 = arith.cmpi ne, %rem3A_682, %ne3A_683 : i32
    %lt3A_685 = arith.constant 0 : i32
    %lt3A_686 = arith.cmpi slt, %rem3A_682, %lt3A_685 : i32
    %lt3A_687 = arith.constant 0 : i32
    %lt3A_688 = arith.cmpi slt, %select_n3A_681, %lt3A_687 : i32
    %ne3A_689 = arith.xori %lt3A_686, %lt3A_688 : i1
    %and3A_690 = arith.andi %ne3A_689, %ne3A_684 : i1
    %add3A_691 = arith.addi %rem3A_682, %select_n3A_681 : i32
    %select_n3A_692 = arith.select %and3A_690, %add3A_691, %rem3A_682 : i32
    %eq3A_693 = arith.constant 5 : i32
    %eq3A_694 = arith.cmpi eq, %select_n3A_692, %eq3A_693 : i32
    %and3A_695 = arith.andi %ge3A_676, %eq3A_694 : i1
    %or3A_696 = arith.ori %or3A_672, %and3A_695 : i1
    %sub3A_697 = arith.constant 4 : i32
    %sub3A_698 = arith.subi %select_n3A_52, %sub3A_697 : i32
    %ge3A_699 = arith.constant 0 : i32
    %ge3A_700 = arith.cmpi sge, %sub3A_698, %ge3A_699 : i32
    %jit3A_701 = arith.constant 8 : i32
    %eq3A_702 = arith.constant 0 : i32
    %eq3A_703 = arith.cmpi eq, %jit3A_701, %eq3A_702 : i32
    %jit3A_704 = arith.constant 1 : i32
    %select_n3A_705 = arith.select %eq3A_703, %jit3A_704, %jit3A_701 : i32
    %rem3A_706 = arith.remsi %sub3A_698, %select_n3A_705 : i32
    %ne3A_707 = arith.constant 0 : i32
    %ne3A_708 = arith.cmpi ne, %rem3A_706, %ne3A_707 : i32
    %lt3A_709 = arith.constant 0 : i32
    %lt3A_710 = arith.cmpi slt, %rem3A_706, %lt3A_709 : i32
    %lt3A_711 = arith.constant 0 : i32
    %lt3A_712 = arith.cmpi slt, %select_n3A_705, %lt3A_711 : i32
    %ne3A_713 = arith.xori %lt3A_710, %lt3A_712 : i1
    %and3A_714 = arith.andi %ne3A_713, %ne3A_708 : i1
    %add3A_715 = arith.addi %rem3A_706, %select_n3A_705 : i32
    %select_n3A_716 = arith.select %and3A_714, %add3A_715, %rem3A_706 : i32
    %eq3A_717 = arith.constant 5 : i32
    %eq3A_718 = arith.cmpi eq, %select_n3A_716, %eq3A_717 : i32
    %and3A_719 = arith.andi %ge3A_700, %eq3A_718 : i1
    %or3A_720 = arith.ori %or3A_696, %and3A_719 : i1
    %convert_element_type3A_721 = arith.extui %or3A_720 : i1 to i32
    %cond3A_722 = arith.constant 0 : i32
    %cond3A_723 = arith.cmpi ne, %convert_element_type3A_721, %cond3A_722 : i32
    scf.if %cond3A_723 {
      %dma_wait3A = arith.constant 5 : i32
      %dma_wait3A_988 = arith.constant 5 : i32
      %dma_wait3A_989 = arith.constant 0 : i32
      %dma_wait3A_990 = arith.constant 0 : i32
      %dma_wait3A_991 = tpu.memref_slice %arg9[%dma_wait3A, %dma_wait3A_989, %dma_wait3A_990] : memref<8x64x128xf32, #tpu.memory_space<vmem>> -> memref<1x64x128xf32, #tpu.memory_space<vmem>>
      %dma_wait3A_992 = tpu.memref_squeeze %dma_wait3A_991 : memref<1x64x128xf32, #tpu.memory_space<vmem>> -> memref<64x128xf32, #tpu.memory_space<vmem>>
      %dma_wait3A_993 = arith.constant 0 : i32
      %dma_wait3A_994 = arith.constant 0 : i32
      %dma_wait3A_995 = tpu.memref_slice %arg11[%dma_wait3A_993, %dma_wait3A_994] : memref<5024x128xf32, #tpu.memory_space<vmem_shared>> -> memref<5024x128xf32, #tpu.memory_space<vmem_shared>>
      %dma_wait3A_996 = tpu.memref_slice %arg13[%dma_wait3A_988] : memref<8x!tpu.dma_semaphore, #tpu.memory_space<semaphore_mem>> -> memref<1x!tpu.dma_semaphore, #tpu.memory_space<semaphore_mem>>
      %dma_wait3A_997 = tpu.memref_squeeze %dma_wait3A_996 : memref<1x!tpu.dma_semaphore, #tpu.memory_space<semaphore_mem>> -> memref<!tpu.dma_semaphore, #tpu.memory_space<semaphore_mem>>
      tpu.wait_indirect_dma semaphore(%dma_wait3A_997 : memref<!tpu.dma_semaphore, #tpu.memory_space<semaphore_mem>>) src(%dma_wait3A_992 : memref<64x128xf32, #tpu.memory_space<vmem>>) dst(%dma_wait3A_995 : memref<5024x128xf32, #tpu.memory_space<vmem_shared>>)
    } else {
    }
    %sub3A_724 = arith.constant 1 : i32
    %sub3A_725 = arith.subi %select_n3A_52, %sub3A_724 : i32
    %ge3A_726 = arith.constant 0 : i32
    %ge3A_727 = arith.cmpi sge, %sub3A_725, %ge3A_726 : i32
    %jit3A_728 = arith.constant 8 : i32
    %eq3A_729 = arith.constant 0 : i32
    %eq3A_730 = arith.cmpi eq, %jit3A_728, %eq3A_729 : i32
    %jit3A_731 = arith.constant 1 : i32
    %select_n3A_732 = arith.select %eq3A_730, %jit3A_731, %jit3A_728 : i32
    %rem3A_733 = arith.remsi %sub3A_725, %select_n3A_732 : i32
    %ne3A_734 = arith.constant 0 : i32
    %ne3A_735 = arith.cmpi ne, %rem3A_733, %ne3A_734 : i32
    %lt3A_736 = arith.constant 0 : i32
    %lt3A_737 = arith.cmpi slt, %rem3A_733, %lt3A_736 : i32
    %lt3A_738 = arith.constant 0 : i32
    %lt3A_739 = arith.cmpi slt, %select_n3A_732, %lt3A_738 : i32
    %ne3A_740 = arith.xori %lt3A_737, %lt3A_739 : i1
    %and3A_741 = arith.andi %ne3A_740, %ne3A_735 : i1
    %add3A_742 = arith.addi %rem3A_733, %select_n3A_732 : i32
    %select_n3A_743 = arith.select %and3A_741, %add3A_742, %rem3A_733 : i32
    %eq3A_744 = arith.constant 6 : i32
    %eq3A_745 = arith.cmpi eq, %select_n3A_743, %eq3A_744 : i32
    %and3A_746 = arith.andi %ge3A_727, %eq3A_745 : i1
    %or3A_747 = arith.constant false
    %or3A_748 = arith.ori %or3A_747, %and3A_746 : i1
    %sub3A_749 = arith.constant 2 : i32
    %sub3A_750 = arith.subi %select_n3A_52, %sub3A_749 : i32
    %ge3A_751 = arith.constant 0 : i32
    %ge3A_752 = arith.cmpi sge, %sub3A_750, %ge3A_751 : i32
    %jit3A_753 = arith.constant 8 : i32
    %eq3A_754 = arith.constant 0 : i32
    %eq3A_755 = arith.cmpi eq, %jit3A_753, %eq3A_754 : i32
    %jit3A_756 = arith.constant 1 : i32
    %select_n3A_757 = arith.select %eq3A_755, %jit3A_756, %jit3A_753 : i32
    %rem3A_758 = arith.remsi %sub3A_750, %select_n3A_757 : i32
    %ne3A_759 = arith.constant 0 : i32
    %ne3A_760 = arith.cmpi ne, %rem3A_758, %ne3A_759 : i32
    %lt3A_761 = arith.constant 0 : i32
    %lt3A_762 = arith.cmpi slt, %rem3A_758, %lt3A_761 : i32
    %lt3A_763 = arith.constant 0 : i32
    %lt3A_764 = arith.cmpi slt, %select_n3A_757, %lt3A_763 : i32
    %ne3A_765 = arith.xori %lt3A_762, %lt3A_764 : i1
    %and3A_766 = arith.andi %ne3A_765, %ne3A_760 : i1
    %add3A_767 = arith.addi %rem3A_758, %select_n3A_757 : i32
    %select_n3A_768 = arith.select %and3A_766, %add3A_767, %rem3A_758 : i32
    %eq3A_769 = arith.constant 6 : i32
    %eq3A_770 = arith.cmpi eq, %select_n3A_768, %eq3A_769 : i32
    %and3A_771 = arith.andi %ge3A_752, %eq3A_770 : i1
    %or3A_772 = arith.ori %or3A_748, %and3A_771 : i1
    %sub3A_773 = arith.constant 3 : i32
    %sub3A_774 = arith.subi %select_n3A_52, %sub3A_773 : i32
    %ge3A_775 = arith.constant 0 : i32
    %ge3A_776 = arith.cmpi sge, %sub3A_774, %ge3A_775 : i32
    %jit3A_777 = arith.constant 8 : i32
    %eq3A_778 = arith.constant 0 : i32
    %eq3A_779 = arith.cmpi eq, %jit3A_777, %eq3A_778 : i32
    %jit3A_780 = arith.constant 1 : i32
    %select_n3A_781 = arith.select %eq3A_779, %jit3A_780, %jit3A_777 : i32
    %rem3A_782 = arith.remsi %sub3A_774, %select_n3A_781 : i32
    %ne3A_783 = arith.constant 0 : i32
    %ne3A_784 = arith.cmpi ne, %rem3A_782, %ne3A_783 : i32
    %lt3A_785 = arith.constant 0 : i32
    %lt3A_786 = arith.cmpi slt, %rem3A_782, %lt3A_785 : i32
    %lt3A_787 = arith.constant 0 : i32
    %lt3A_788 = arith.cmpi slt, %select_n3A_781, %lt3A_787 : i32
    %ne3A_789 = arith.xori %lt3A_786, %lt3A_788 : i1
    %and3A_790 = arith.andi %ne3A_789, %ne3A_784 : i1
    %add3A_791 = arith.addi %rem3A_782, %select_n3A_781 : i32
    %select_n3A_792 = arith.select %and3A_790, %add3A_791, %rem3A_782 : i32
    %eq3A_793 = arith.constant 6 : i32
    %eq3A_794 = arith.cmpi eq, %select_n3A_792, %eq3A_793 : i32
    %and3A_795 = arith.andi %ge3A_776, %eq3A_794 : i1
    %or3A_796 = arith.ori %or3A_772, %and3A_795 : i1
    %sub3A_797 = arith.constant 4 : i32
    %sub3A_798 = arith.subi %select_n3A_52, %sub3A_797 : i32
    %ge3A_799 = arith.constant 0 : i32
    %ge3A_800 = arith.cmpi sge, %sub3A_798, %ge3A_799 : i32
    %jit3A_801 = arith.constant 8 : i32
    %eq3A_802 = arith.constant 0 : i32
    %eq3A_803 = arith.cmpi eq, %jit3A_801, %eq3A_802 : i32
    %jit3A_804 = arith.constant 1 : i32
    %select_n3A_805 = arith.select %eq3A_803, %jit3A_804, %jit3A_801 : i32
    %rem3A_806 = arith.remsi %sub3A_798, %select_n3A_805 : i32
    %ne3A_807 = arith.constant 0 : i32
    %ne3A_808 = arith.cmpi ne, %rem3A_806, %ne3A_807 : i32
    %lt3A_809 = arith.constant 0 : i32
    %lt3A_810 = arith.cmpi slt, %rem3A_806, %lt3A_809 : i32
    %lt3A_811 = arith.constant 0 : i32
    %lt3A_812 = arith.cmpi slt, %select_n3A_805, %lt3A_811 : i32
    %ne3A_813 = arith.xori %lt3A_810, %lt3A_812 : i1
    %and3A_814 = arith.andi %ne3A_813, %ne3A_808 : i1
    %add3A_815 = arith.addi %rem3A_806, %select_n3A_805 : i32
    %select_n3A_816 = arith.select %and3A_814, %add3A_815, %rem3A_806 : i32
    %eq3A_817 = arith.constant 6 : i32
    %eq3A_818 = arith.cmpi eq, %select_n3A_816, %eq3A_817 : i32
    %and3A_819 = arith.andi %ge3A_800, %eq3A_818 : i1
    %or3A_820 = arith.ori %or3A_796, %and3A_819 : i1
    %convert_element_type3A_821 = arith.extui %or3A_820 : i1 to i32
    %cond3A_822 = arith.constant 0 : i32
    %cond3A_823 = arith.cmpi ne, %convert_element_type3A_821, %cond3A_822 : i32
    scf.if %cond3A_823 {
      %dma_wait3A = arith.constant 6 : i32
      %dma_wait3A_988 = arith.constant 6 : i32
      %dma_wait3A_989 = arith.constant 0 : i32
      %dma_wait3A_990 = arith.constant 0 : i32
      %dma_wait3A_991 = tpu.memref_slice %arg9[%dma_wait3A, %dma_wait3A_989, %dma_wait3A_990] : memref<8x64x128xf32, #tpu.memory_space<vmem>> -> memref<1x64x128xf32, #tpu.memory_space<vmem>>
      %dma_wait3A_992 = tpu.memref_squeeze %dma_wait3A_991 : memref<1x64x128xf32, #tpu.memory_space<vmem>> -> memref<64x128xf32, #tpu.memory_space<vmem>>
      %dma_wait3A_993 = arith.constant 0 : i32
      %dma_wait3A_994 = arith.constant 0 : i32
      %dma_wait3A_995 = tpu.memref_slice %arg11[%dma_wait3A_993, %dma_wait3A_994] : memref<5024x128xf32, #tpu.memory_space<vmem_shared>> -> memref<5024x128xf32, #tpu.memory_space<vmem_shared>>
      %dma_wait3A_996 = tpu.memref_slice %arg13[%dma_wait3A_988] : memref<8x!tpu.dma_semaphore, #tpu.memory_space<semaphore_mem>> -> memref<1x!tpu.dma_semaphore, #tpu.memory_space<semaphore_mem>>
      %dma_wait3A_997 = tpu.memref_squeeze %dma_wait3A_996 : memref<1x!tpu.dma_semaphore, #tpu.memory_space<semaphore_mem>> -> memref<!tpu.dma_semaphore, #tpu.memory_space<semaphore_mem>>
      tpu.wait_indirect_dma semaphore(%dma_wait3A_997 : memref<!tpu.dma_semaphore, #tpu.memory_space<semaphore_mem>>) src(%dma_wait3A_992 : memref<64x128xf32, #tpu.memory_space<vmem>>) dst(%dma_wait3A_995 : memref<5024x128xf32, #tpu.memory_space<vmem_shared>>)
    } else {
    }
    %sub3A_824 = arith.constant 1 : i32
    %sub3A_825 = arith.subi %select_n3A_52, %sub3A_824 : i32
    %ge3A_826 = arith.constant 0 : i32
    %ge3A_827 = arith.cmpi sge, %sub3A_825, %ge3A_826 : i32
    %jit3A_828 = arith.constant 8 : i32
    %eq3A_829 = arith.constant 0 : i32
    %eq3A_830 = arith.cmpi eq, %jit3A_828, %eq3A_829 : i32
    %jit3A_831 = arith.constant 1 : i32
    %select_n3A_832 = arith.select %eq3A_830, %jit3A_831, %jit3A_828 : i32
    %rem3A_833 = arith.remsi %sub3A_825, %select_n3A_832 : i32
    %ne3A_834 = arith.constant 0 : i32
    %ne3A_835 = arith.cmpi ne, %rem3A_833, %ne3A_834 : i32
    %lt3A_836 = arith.constant 0 : i32
    %lt3A_837 = arith.cmpi slt, %rem3A_833, %lt3A_836 : i32
    %lt3A_838 = arith.constant 0 : i32
    %lt3A_839 = arith.cmpi slt, %select_n3A_832, %lt3A_838 : i32
    %ne3A_840 = arith.xori %lt3A_837, %lt3A_839 : i1
    %and3A_841 = arith.andi %ne3A_840, %ne3A_835 : i1
    %add3A_842 = arith.addi %rem3A_833, %select_n3A_832 : i32
    %select_n3A_843 = arith.select %and3A_841, %add3A_842, %rem3A_833 : i32
    %eq3A_844 = arith.constant 7 : i32
    %eq3A_845 = arith.cmpi eq, %select_n3A_843, %eq3A_844 : i32
    %and3A_846 = arith.andi %ge3A_827, %eq3A_845 : i1
    %or3A_847 = arith.constant false
    %or3A_848 = arith.ori %or3A_847, %and3A_846 : i1
    %sub3A_849 = arith.constant 2 : i32
    %sub3A_850 = arith.subi %select_n3A_52, %sub3A_849 : i32
    %ge3A_851 = arith.constant 0 : i32
    %ge3A_852 = arith.cmpi sge, %sub3A_850, %ge3A_851 : i32
    %jit3A_853 = arith.constant 8 : i32
    %eq3A_854 = arith.constant 0 : i32
    %eq3A_855 = arith.cmpi eq, %jit3A_853, %eq3A_854 : i32
    %jit3A_856 = arith.constant 1 : i32
    %select_n3A_857 = arith.select %eq3A_855, %jit3A_856, %jit3A_853 : i32
    %rem3A_858 = arith.remsi %sub3A_850, %select_n3A_857 : i32
    %ne3A_859 = arith.constant 0 : i32
    %ne3A_860 = arith.cmpi ne, %rem3A_858, %ne3A_859 : i32
    %lt3A_861 = arith.constant 0 : i32
    %lt3A_862 = arith.cmpi slt, %rem3A_858, %lt3A_861 : i32
    %lt3A_863 = arith.constant 0 : i32
    %lt3A_864 = arith.cmpi slt, %select_n3A_857, %lt3A_863 : i32
    %ne3A_865 = arith.xori %lt3A_862, %lt3A_864 : i1
    %and3A_866 = arith.andi %ne3A_865, %ne3A_860 : i1
    %add3A_867 = arith.addi %rem3A_858, %select_n3A_857 : i32
    %select_n3A_868 = arith.select %and3A_866, %add3A_867, %rem3A_858 : i32
    %eq3A_869 = arith.constant 7 : i32
    %eq3A_870 = arith.cmpi eq, %select_n3A_868, %eq3A_869 : i32
    %and3A_871 = arith.andi %ge3A_852, %eq3A_870 : i1
    %or3A_872 = arith.ori %or3A_848, %and3A_871 : i1
    %sub3A_873 = arith.constant 3 : i32
    %sub3A_874 = arith.subi %select_n3A_52, %sub3A_873 : i32
    %ge3A_875 = arith.constant 0 : i32
    %ge3A_876 = arith.cmpi sge, %sub3A_874, %ge3A_875 : i32
    %jit3A_877 = arith.constant 8 : i32
    %eq3A_878 = arith.constant 0 : i32
    %eq3A_879 = arith.cmpi eq, %jit3A_877, %eq3A_878 : i32
    %jit3A_880 = arith.constant 1 : i32
    %select_n3A_881 = arith.select %eq3A_879, %jit3A_880, %jit3A_877 : i32
    %rem3A_882 = arith.remsi %sub3A_874, %select_n3A_881 : i32
    %ne3A_883 = arith.constant 0 : i32
    %ne3A_884 = arith.cmpi ne, %rem3A_882, %ne3A_883 : i32
    %lt3A_885 = arith.constant 0 : i32
    %lt3A_886 = arith.cmpi slt, %rem3A_882, %lt3A_885 : i32
    %lt3A_887 = arith.constant 0 : i32
    %lt3A_888 = arith.cmpi slt, %select_n3A_881, %lt3A_887 : i32
    %ne3A_889 = arith.xori %lt3A_886, %lt3A_888 : i1
    %and3A_890 = arith.andi %ne3A_889, %ne3A_884 : i1
    %add3A_891 = arith.addi %rem3A_882, %select_n3A_881 : i32
    %select_n3A_892 = arith.select %and3A_890, %add3A_891, %rem3A_882 : i32
    %eq3A_893 = arith.constant 7 : i32
    %eq3A_894 = arith.cmpi eq, %select_n3A_892, %eq3A_893 : i32
    %and3A_895 = arith.andi %ge3A_876, %eq3A_894 : i1
    %or3A_896 = arith.ori %or3A_872, %and3A_895 : i1
    %sub3A_897 = arith.constant 4 : i32
    %sub3A_898 = arith.subi %select_n3A_52, %sub3A_897 : i32
    %ge3A_899 = arith.constant 0 : i32
    %ge3A_900 = arith.cmpi sge, %sub3A_898, %ge3A_899 : i32
    %jit3A_901 = arith.constant 8 : i32
    %eq3A_902 = arith.constant 0 : i32
    %eq3A_903 = arith.cmpi eq, %jit3A_901, %eq3A_902 : i32
    %jit3A_904 = arith.constant 1 : i32
    %select_n3A_905 = arith.select %eq3A_903, %jit3A_904, %jit3A_901 : i32
    %rem3A_906 = arith.remsi %sub3A_898, %select_n3A_905 : i32
    %ne3A_907 = arith.constant 0 : i32
    %ne3A_908 = arith.cmpi ne, %rem3A_906, %ne3A_907 : i32
    %lt3A_909 = arith.constant 0 : i32
    %lt3A_910 = arith.cmpi slt, %rem3A_906, %lt3A_909 : i32
    %lt3A_911 = arith.constant 0 : i32
    %lt3A_912 = arith.cmpi slt, %select_n3A_905, %lt3A_911 : i32
    %ne3A_913 = arith.xori %lt3A_910, %lt3A_912 : i1
    %and3A_914 = arith.andi %ne3A_913, %ne3A_908 : i1
    %add3A_915 = arith.addi %rem3A_906, %select_n3A_905 : i32
    %select_n3A_916 = arith.select %and3A_914, %add3A_915, %rem3A_906 : i32
    %eq3A_917 = arith.constant 7 : i32
    %eq3A_918 = arith.cmpi eq, %select_n3A_916, %eq3A_917 : i32
    %and3A_919 = arith.andi %ge3A_900, %eq3A_918 : i1
    %or3A_920 = arith.ori %or3A_896, %and3A_919 : i1
    %convert_element_type3A_921 = arith.extui %or3A_920 : i1 to i32
    %cond3A_922 = arith.constant 0 : i32
    %cond3A_923 = arith.cmpi ne, %convert_element_type3A_921, %cond3A_922 : i32
    scf.if %cond3A_923 {
      %dma_wait3A = arith.constant 7 : i32
      %dma_wait3A_988 = arith.constant 7 : i32
      %dma_wait3A_989 = arith.constant 0 : i32
      %dma_wait3A_990 = arith.constant 0 : i32
      %dma_wait3A_991 = tpu.memref_slice %arg9[%dma_wait3A, %dma_wait3A_989, %dma_wait3A_990] : memref<8x64x128xf32, #tpu.memory_space<vmem>> -> memref<1x64x128xf32, #tpu.memory_space<vmem>>
      %dma_wait3A_992 = tpu.memref_squeeze %dma_wait3A_991 : memref<1x64x128xf32, #tpu.memory_space<vmem>> -> memref<64x128xf32, #tpu.memory_space<vmem>>
      %dma_wait3A_993 = arith.constant 0 : i32
      %dma_wait3A_994 = arith.constant 0 : i32
      %dma_wait3A_995 = tpu.memref_slice %arg11[%dma_wait3A_993, %dma_wait3A_994] : memref<5024x128xf32, #tpu.memory_space<vmem_shared>> -> memref<5024x128xf32, #tpu.memory_space<vmem_shared>>
      %dma_wait3A_996 = tpu.memref_slice %arg13[%dma_wait3A_988] : memref<8x!tpu.dma_semaphore, #tpu.memory_space<semaphore_mem>> -> memref<1x!tpu.dma_semaphore, #tpu.memory_space<semaphore_mem>>
      %dma_wait3A_997 = tpu.memref_squeeze %dma_wait3A_996 : memref<1x!tpu.dma_semaphore, #tpu.memory_space<semaphore_mem>> -> memref<!tpu.dma_semaphore, #tpu.memory_space<semaphore_mem>>
      tpu.wait_indirect_dma semaphore(%dma_wait3A_997 : memref<!tpu.dma_semaphore, #tpu.memory_space<semaphore_mem>>) src(%dma_wait3A_992 : memref<64x128xf32, #tpu.memory_space<vmem>>) dst(%dma_wait3A_995 : memref<5024x128xf32, #tpu.memory_space<vmem_shared>>)
    } else {
    }
    %mul3A_924 = arith.constant 64 : i32
    %mul3A_925 = arith.muli %select_n3A_52, %mul3A_924 : i32
    %add3A_926 = arith.addi %multiple_of3A, %mul3A_925 : i32
    %sub3A_927 = arith.subi %squeeze3A_9, %add3A_926 : i32
    %gt3A_928 = arith.constant 0 : i32
    %gt3A_929 = arith.cmpi sgt, %sub3A_927, %gt3A_928 : i32
    %convert_element_type3A_930 = arith.extui %gt3A_929 : i1 to i32
    %cond3A_931 = arith.constant 0 : i32
    %cond3A_932 = arith.cmpi ne, %convert_element_type3A_930, %cond3A_931 : i32
    scf.if %cond3A_932 {
      %add3A_988 = arith.constant 7 : i32
      %add3A_989 = arith.addi %squeeze3A_9, %add3A_988 : i32
      %jit3A_990 = arith.constant 8 : i32
      %div3A_991 = arith.divsi %add3A_989, %jit3A_990 : i32
      %sign3A_992 = arith.constant 0 : i32
      %sign3A_993 = arith.cmpi sgt, %add3A_989, %sign3A_992 : i32
      %sign3A_994 = arith.extui %sign3A_993 : i1 to i32
      %sign3A_995 = arith.constant 0 : i32
      %sign3A_996 = arith.cmpi slt, %add3A_989, %sign3A_995 : i32
      %sign3A_997 = arith.extui %sign3A_996 : i1 to i32
      %sign3A_998 = arith.subi %sign3A_994, %sign3A_997 : i32
      %sign3A_999 = arith.constant 0 : i32
      %sign3A_1000 = arith.cmpi sgt, %jit3A_990, %sign3A_999 : i32
      %sign3A_1001 = arith.extui %sign3A_1000 : i1 to i32
      %sign3A_1002 = arith.constant 0 : i32
      %sign3A_1003 = arith.cmpi slt, %jit3A_990, %sign3A_1002 : i32
      %sign3A_1004 = arith.extui %sign3A_1003 : i1 to i32
      %sign3A_1005 = arith.subi %sign3A_1001, %sign3A_1004 : i32
      %ne3A_1006 = arith.cmpi ne, %sign3A_998, %sign3A_1005 : i32
      %rem3A_1007 = arith.remsi %add3A_989, %jit3A_990 : i32
      %ne3A_1008 = arith.constant 0 : i32
      %ne3A_1009 = arith.cmpi ne, %rem3A_1007, %ne3A_1008 : i32
      %and3A_1010 = arith.andi %ne3A_1006, %ne3A_1009 : i1
      %sub3A_1011 = arith.constant 1 : i32
      %sub3A_1012 = arith.subi %div3A_991, %sub3A_1011 : i32
      %select_n3A_1013 = arith.select %and3A_1010, %sub3A_1012, %div3A_991 : i32
      %mul3A_1014 = arith.constant 8 : i32
      %mul3A_1015 = arith.muli %select_n3A_1013, %mul3A_1014 : i32
      %sub3A_1016 = arith.constant 64 : i32
      %sub3A_1017 = arith.subi %mul3A_1015, %sub3A_1016 : i32
      %max3A = arith.constant 0 : i32
      %max3A_1018 = arith.maxsi %sub3A_1017, %max3A : i32
      %multiple_of3A_1019 = tpu.assume_multiple %max3A_1018, 8 : i32
      "tpu.region"() ({
        %run_scoped3A_1031 = tpu.sem_alloc : memref<!tpu.dma_semaphore, #tpu.memory_space<semaphore_mem>>
        %dma_start3A = tpu.memref_slice %arg3[%multiple_of3A_1019] : memref<320000xi32, #tpu.memory_space<hbm>> -> memref<64xi32, #tpu.memory_space<hbm>>
        %dma_start3A_1032 = tpu.memref_slice %arg3[%multiple_of3A_1019] : memref<320000xi32, #tpu.memory_space<hbm>> -> memref<64xi32, #tpu.memory_space<hbm>>
        tpu.enqueue_dma source(%dma_start3A_1032 : memref<64xi32, #tpu.memory_space<hbm>>) target(%arg8 : memref<64xi32, #tpu.memory_space<vmem>>) target_semaphore(%run_scoped3A_1031 : memref<!tpu.dma_semaphore, #tpu.memory_space<semaphore_mem>>)
        %dma_wait3A = tpu.memref_slice %arg3[%multiple_of3A_1019] : memref<320000xi32, #tpu.memory_space<hbm>> -> memref<64xi32, #tpu.memory_space<hbm>>
        %dma_wait3A_1033 = tpu.memref_slice %arg3[%multiple_of3A_1019] : memref<320000xi32, #tpu.memory_space<hbm>> -> memref<64xi32, #tpu.memory_space<hbm>>
        tpu.wait_dma2 semaphore(%run_scoped3A_1031 : memref<!tpu.dma_semaphore, #tpu.memory_space<semaphore_mem>>) src(%dma_wait3A_1033 : memref<64xi32, #tpu.memory_space<hbm>>) dst(%arg8 : memref<64xi32, #tpu.memory_space<vmem>>)
        tpu.yield
      }) : () -> ()
      %run_scoped3A = arith.constant 0 : i32
      "tpu.region"() ({
        %run_scoped3A_1031 = tpu.sem_alloc : memref<!tpu.dma_semaphore, #tpu.memory_space<semaphore_mem>>
        %dma_start3A = arith.constant 0 : i32
        %dma_start3A_1032 = arith.constant 0 : i32
        %dma_start3A_1033 = tpu.memref_slice %arg9[%run_scoped3A, %dma_start3A, %dma_start3A_1032] : memref<8x64x128xf32, #tpu.memory_space<vmem>> -> memref<1x64x128xf32, #tpu.memory_space<vmem>>
        %dma_start3A_1034 = tpu.memref_squeeze %dma_start3A_1033 : memref<1x64x128xf32, #tpu.memory_space<vmem>> -> memref<64x128xf32, #tpu.memory_space<vmem>>
        %dma_start3A_1035 = arith.constant 0 : i32
        %dma_start3A_1036 = tpu.memref_slice %arg2[%multiple_of3A_1019, %dma_start3A_1035] : memref<320000x128xf32, #tpu.memory_space<hbm>> -> memref<64x128xf32, #tpu.memory_space<hbm>>
        %dma_start3A_1037 = arith.constant 0 : i32
        %dma_start3A_1038 = arith.constant 0 : i32
        %dma_start3A_1039 = tpu.memref_slice %arg9[%run_scoped3A, %dma_start3A_1037, %dma_start3A_1038] : memref<8x64x128xf32, #tpu.memory_space<vmem>> -> memref<1x64x128xf32, #tpu.memory_space<vmem>>
        %dma_start3A_1040 = tpu.memref_squeeze %dma_start3A_1039 : memref<1x64x128xf32, #tpu.memory_space<vmem>> -> memref<64x128xf32, #tpu.memory_space<vmem>>
        %dma_start3A_1041 = arith.constant 0 : i32
        %dma_start3A_1042 = tpu.memref_slice %arg2[%multiple_of3A_1019, %dma_start3A_1041] : memref<320000x128xf32, #tpu.memory_space<hbm>> -> memref<64x128xf32, #tpu.memory_space<hbm>>
        tpu.enqueue_dma source(%dma_start3A_1042 : memref<64x128xf32, #tpu.memory_space<hbm>>) target(%dma_start3A_1040 : memref<64x128xf32, #tpu.memory_space<vmem>>) target_semaphore(%run_scoped3A_1031 : memref<!tpu.dma_semaphore, #tpu.memory_space<semaphore_mem>>)
        %dma_wait3A = arith.constant 0 : i32
        %dma_wait3A_1043 = arith.constant 0 : i32
        %dma_wait3A_1044 = tpu.memref_slice %arg9[%run_scoped3A, %dma_wait3A, %dma_wait3A_1043] : memref<8x64x128xf32, #tpu.memory_space<vmem>> -> memref<1x64x128xf32, #tpu.memory_space<vmem>>
        %dma_wait3A_1045 = tpu.memref_squeeze %dma_wait3A_1044 : memref<1x64x128xf32, #tpu.memory_space<vmem>> -> memref<64x128xf32, #tpu.memory_space<vmem>>
        %dma_wait3A_1046 = arith.constant 0 : i32
        %dma_wait3A_1047 = tpu.memref_slice %arg2[%multiple_of3A_1019, %dma_wait3A_1046] : memref<320000x128xf32, #tpu.memory_space<hbm>> -> memref<64x128xf32, #tpu.memory_space<hbm>>
        %dma_wait3A_1048 = arith.constant 0 : i32
        %dma_wait3A_1049 = arith.constant 0 : i32
        %dma_wait3A_1050 = tpu.memref_slice %arg9[%run_scoped3A, %dma_wait3A_1048, %dma_wait3A_1049] : memref<8x64x128xf32, #tpu.memory_space<vmem>> -> memref<1x64x128xf32, #tpu.memory_space<vmem>>
        %dma_wait3A_1051 = tpu.memref_squeeze %dma_wait3A_1050 : memref<1x64x128xf32, #tpu.memory_space<vmem>> -> memref<64x128xf32, #tpu.memory_space<vmem>>
        %dma_wait3A_1052 = arith.constant 0 : i32
        %dma_wait3A_1053 = tpu.memref_slice %arg2[%multiple_of3A_1019, %dma_wait3A_1052] : memref<320000x128xf32, #tpu.memory_space<hbm>> -> memref<64x128xf32, #tpu.memory_space<hbm>>
        tpu.wait_dma2 semaphore(%run_scoped3A_1031 : memref<!tpu.dma_semaphore, #tpu.memory_space<semaphore_mem>>) src(%dma_wait3A_1053 : memref<64x128xf32, #tpu.memory_space<hbm>>) dst(%dma_wait3A_1051 : memref<64x128xf32, #tpu.memory_space<vmem>>)
        tpu.yield
      }) : () -> ()
      %mul3A_1020 = arith.constant 64 : i32
      %mul3A_1021 = arith.muli %select_n3A_52, %mul3A_1020 : i32
      %add3A_1022 = arith.addi %multiple_of3A, %mul3A_1021 : i32
      %max3A_1023 = arith.maxsi %squeeze3A, %add3A_1022 : i32
      %scan3A_1024 = arith.constant 0 : i32
      %scan3A_1025 = arith.constant 0 : i32
      %scan3A_1026 = arith.constant 4 : i32
      %scan3A_1027 = arith.addi %scan3A_1025, %scan3A_1026 : i32
      %scan3A_1028 = arith.constant 1 : i32
      scf.for %scan3A_1031 = %scan3A_1025 to %scan3A_1027 step %scan3A_1028  : i32 {
        %mul3A_1032 = arith.constant 16 : i32
        %mul3A_1033 = arith.muli %scan3A_1031, %mul3A_1032 : i32
        %add3A_1034 = arith.addi %multiple_of3A_1019, %mul3A_1033 : i32
        %iota3A = tpu.iota {dimensions = array<i32: 0>} : vector<16xi32>
        %add3A_1035 = vector.broadcast %add3A_1034 : i32 to vector<16xi32>
        %add3A_1036 = arith.addi %add3A_1035, %iota3A : vector<16xi32>
        %ge3A_1037 = vector.broadcast %max3A_1023 : i32 to vector<16xi32>
        %ge3A_1038 = arith.cmpi sge, %add3A_1036, %ge3A_1037 : vector<16xi32>
        %lt3A_1039 = vector.broadcast %squeeze3A_9 : i32 to vector<16xi32>
        %lt3A_1040 = arith.cmpi slt, %add3A_1036, %lt3A_1039 : vector<16xi32>
        %and3A_1041 = arith.andi %ge3A_1038, %lt3A_1040 : vector<16xi1>
        %get3A_1042 = arith.index_cast %mul3A_1033 : i32 to index
        %get3A_1043 = tpu.vector_load %arg8[%get3A_1042] {strides = array<i32>} : memref<64xi32, #tpu.memory_space<vmem>>, vector<16xi32>,
        %get3A_1044 = vector.shape_cast %get3A_1043 : vector<16xi32> to vector<16xi32>
        %mul3A_1045 = arith.constant 5000 : i32
        %mul3A_1046 = arith.muli %arg0, %mul3A_1045 : i32
        %sub3A_1047 = vector.broadcast %mul3A_1046 : i32 to vector<16xi32>
        %sub3A_1048 = arith.subi %get3A_1044, %sub3A_1047 : vector<16xi32>
        %add3A_1049 = arith.constant 5000 : i32
        %add3A_1050 = arith.addi %add3A_1049, %arg1 : i32
        %broadcast_in_dim3A_1051 = vector.broadcast %add3A_1050 : i32 to vector<16xi32>
        %select_n3A_1052 = arith.select %and3A_1041, %sub3A_1048, %broadcast_in_dim3A_1051 : vector<16xi1>, vector<16xi32>
        %swap3A = arith.index_cast %mul3A_1033 : i32 to index
        %swap3A_1053 = tpu.vector_load %arg8[%swap3A] {strides = array<i32>} : memref<64xi32, #tpu.memory_space<vmem>>, vector<16xi32>,
        %swap3A_1054 = vector.shape_cast %swap3A_1053 : vector<16xi32> to vector<16xi32>
        %swap3A_1055 = vector.shape_cast %select_n3A_1052 : vector<16xi32> to vector<16xi32>
        tpu.vector_store %arg8[%swap3A], %swap3A_1055 {strides = array<i32>} : memref<64xi32, #tpu.memory_space<vmem>>, vector<16xi32>,
      }
      %scan3A_1029 = arith.constant 4 : i32
      %run_scoped3A_1030 = arith.constant 0 : i32
      "tpu.region"() ({
        %run_scoped3A_1031 = tpu.sem_alloc : memref<!tpu.dma_semaphore, #tpu.memory_space<semaphore_mem>>
        %dma_start3A = arith.constant 0 : i32
        %dma_start3A_1032 = arith.constant 0 : i32
        %dma_start3A_1033 = tpu.memref_slice %arg9[%run_scoped3A_1030, %dma_start3A, %dma_start3A_1032] : memref<8x64x128xf32, #tpu.memory_space<vmem>> -> memref<1x64x128xf32, #tpu.memory_space<vmem>>
        %dma_start3A_1034 = tpu.memref_squeeze %dma_start3A_1033 : memref<1x64x128xf32, #tpu.memory_space<vmem>> -> memref<64x128xf32, #tpu.memory_space<vmem>>
        %dma_start3A_1035 = arith.constant 0 : i32
        %dma_start3A_1036 = arith.constant 0 : i32
        %dma_start3A_1037 = tpu.memref_slice %arg11[%dma_start3A_1035, %dma_start3A_1036] : memref<5024x128xf32, #tpu.memory_space<vmem_shared>> -> memref<5024x128xf32, #tpu.memory_space<vmem_shared>>
        tpu.enqueue_indirect_dma source(%dma_start3A_1034 : memref<64x128xf32, #tpu.memory_space<vmem>>) target(%dma_start3A_1037 : memref<5024x128xf32, #tpu.memory_space<vmem_shared>>) offsets(%arg8 : memref<64xi32, #tpu.memory_space<vmem>>) semaphore(%run_scoped3A_1031 : memref<!tpu.dma_semaphore, #tpu.memory_space<semaphore_mem>>) {add = true}
        %dma_wait3A = arith.constant 0 : i32
        %dma_wait3A_1038 = arith.constant 0 : i32
        %dma_wait3A_1039 = tpu.memref_slice %arg9[%run_scoped3A_1030, %dma_wait3A, %dma_wait3A_1038] : memref<8x64x128xf32, #tpu.memory_space<vmem>> -> memref<1x64x128xf32, #tpu.memory_space<vmem>>
        %dma_wait3A_1040 = tpu.memref_squeeze %dma_wait3A_1039 : memref<1x64x128xf32, #tpu.memory_space<vmem>> -> memref<64x128xf32, #tpu.memory_space<vmem>>
        %dma_wait3A_1041 = arith.constant 0 : i32
        %dma_wait3A_1042 = arith.constant 0 : i32
        %dma_wait3A_1043 = tpu.memref_slice %arg11[%dma_wait3A_1041, %dma_wait3A_1042] : memref<5024x128xf32, #tpu.memory_space<vmem_shared>> -> memref<5024x128xf32, #tpu.memory_space<vmem_shared>>
        tpu.wait_indirect_dma semaphore(%run_scoped3A_1031 : memref<!tpu.dma_semaphore, #tpu.memory_space<semaphore_mem>>) src(%dma_wait3A_1040 : memref<64x128xf32, #tpu.memory_space<vmem>>) dst(%dma_wait3A_1043 : memref<5024x128xf32, #tpu.memory_space<vmem_shared>>)
        tpu.yield
      }) : () -> ()
    } else {
    }
    %add3A_933 = arith.constant 0 : i32
    %add3A_934 = arith.addi %mul3A_60, %add3A_933 : i32
    "tpu.region"() ({
      %run_scoped3A = tpu.sem_alloc : memref<!tpu.dma_semaphore, #tpu.memory_space<semaphore_mem>>
      %dma_start3A = arith.constant 0 : i32
      %dma_start3A_988 = arith.constant 0 : i32
      %dma_start3A_989 = tpu.memref_slice %arg10[%dma_start3A, %dma_start3A_988] : memref<64x128xf32, #tpu.memory_space<vmem>> -> memref<64x128xf32, #tpu.memory_space<vmem>>
      %dma_start3A_990 = arith.constant 0 : i32
      %dma_start3A_991 = tpu.memref_slice %arg11[%add3A_934, %dma_start3A_990] : memref<5024x128xf32, #tpu.memory_space<vmem_shared>> -> memref<64x128xf32, #tpu.memory_space<vmem_shared>>
      %dma_start3A_992 = arith.constant 0 : i32
      %dma_start3A_993 = arith.constant 0 : i32
      %dma_start3A_994 = tpu.memref_slice %arg10[%dma_start3A_992, %dma_start3A_993] : memref<64x128xf32, #tpu.memory_space<vmem>> -> memref<64x128xf32, #tpu.memory_space<vmem>>
      %dma_start3A_995 = arith.constant 0 : i32
      %dma_start3A_996 = tpu.memref_slice %arg11[%add3A_934, %dma_start3A_995] : memref<5024x128xf32, #tpu.memory_space<vmem_shared>> -> memref<64x128xf32, #tpu.memory_space<vmem_shared>>
      tpu.enqueue_dma source(%dma_start3A_996 : memref<64x128xf32, #tpu.memory_space<vmem_shared>>) target(%dma_start3A_994 : memref<64x128xf32, #tpu.memory_space<vmem>>) target_semaphore(%run_scoped3A : memref<!tpu.dma_semaphore, #tpu.memory_space<semaphore_mem>>)
      %dma_wait3A = arith.constant 0 : i32
      %dma_wait3A_997 = arith.constant 0 : i32
      %dma_wait3A_998 = tpu.memref_slice %arg10[%dma_wait3A, %dma_wait3A_997] : memref<64x128xf32, #tpu.memory_space<vmem>> -> memref<64x128xf32, #tpu.memory_space<vmem>>
      %dma_wait3A_999 = arith.constant 0 : i32
      %dma_wait3A_1000 = tpu.memref_slice %arg11[%add3A_934, %dma_wait3A_999] : memref<5024x128xf32, #tpu.memory_space<vmem_shared>> -> memref<64x128xf32, #tpu.memory_space<vmem_shared>>
      %dma_wait3A_1001 = arith.constant 0 : i32
      %dma_wait3A_1002 = arith.constant 0 : i32
      %dma_wait3A_1003 = tpu.memref_slice %arg10[%dma_wait3A_1001, %dma_wait3A_1002] : memref<64x128xf32, #tpu.memory_space<vmem>> -> memref<64x128xf32, #tpu.memory_space<vmem>>
      %dma_wait3A_1004 = arith.constant 0 : i32
      %dma_wait3A_1005 = tpu.memref_slice %arg11[%add3A_934, %dma_wait3A_1004] : memref<5024x128xf32, #tpu.memory_space<vmem_shared>> -> memref<64x128xf32, #tpu.memory_space<vmem_shared>>
      tpu.wait_dma2 semaphore(%run_scoped3A : memref<!tpu.dma_semaphore, #tpu.memory_space<semaphore_mem>>) src(%dma_wait3A_1005 : memref<64x128xf32, #tpu.memory_space<vmem_shared>>) dst(%dma_wait3A_1003 : memref<64x128xf32, #tpu.memory_space<vmem>>)
      tpu.yield
    }) : () -> ()
    %scan3A_935 = arith.constant 0 : i32
    %scan3A_936 = arith.constant 0 : i32
    %scan3A_937 = arith.constant 512 : i32
    %scan3A_938 = arith.addi %scan3A_936, %scan3A_937 : i32
    %scan3A_939 = arith.constant 1 : i32
    scf.for %scan3A_988 = %scan3A_936 to %scan3A_938 step %scan3A_939  : i32 {
      %jit3A_989 = arith.constant 8 : i32
      %div3A_990 = arith.divsi %scan3A_988, %jit3A_989 : i32
      %sign3A_991 = arith.constant 0 : i32
      %sign3A_992 = arith.cmpi sgt, %scan3A_988, %sign3A_991 : i32
      %sign3A_993 = arith.extui %sign3A_992 : i1 to i32
      %sign3A_994 = arith.constant 0 : i32
      %sign3A_995 = arith.cmpi slt, %scan3A_988, %sign3A_994 : i32
      %sign3A_996 = arith.extui %sign3A_995 : i1 to i32
      %sign3A_997 = arith.subi %sign3A_993, %sign3A_996 : i32
      %sign3A_998 = arith.constant 0 : i32
      %sign3A_999 = arith.cmpi sgt, %jit3A_989, %sign3A_998 : i32
      %sign3A_1000 = arith.extui %sign3A_999 : i1 to i32
      %sign3A_1001 = arith.constant 0 : i32
      %sign3A_1002 = arith.cmpi slt, %jit3A_989, %sign3A_1001 : i32
      %sign3A_1003 = arith.extui %sign3A_1002 : i1 to i32
      %sign3A_1004 = arith.subi %sign3A_1000, %sign3A_1003 : i32
      %ne3A_1005 = arith.cmpi ne, %sign3A_997, %sign3A_1004 : i32
      %rem3A_1006 = arith.remsi %scan3A_988, %jit3A_989 : i32
      %ne3A_1007 = arith.constant 0 : i32
      %ne3A_1008 = arith.cmpi ne, %rem3A_1006, %ne3A_1007 : i32
      %and3A_1009 = arith.andi %ne3A_1005, %ne3A_1008 : i1
      %sub3A_1010 = arith.constant 1 : i32
      %sub3A_1011 = arith.subi %div3A_990, %sub3A_1010 : i32
      %select_n3A_1012 = arith.select %and3A_1009, %sub3A_1011, %div3A_990 : i32
      %jit3A_1013 = arith.constant 8 : i32
      %eq3A_1014 = arith.constant 0 : i32
      %eq3A_1015 = arith.cmpi eq, %jit3A_1013, %eq3A_1014 : i32
      %jit3A_1016 = arith.constant 1 : i32
      %select_n3A_1017 = arith.select %eq3A_1015, %jit3A_1016, %jit3A_1013 : i32
      %rem3A_1018 = arith.remsi %scan3A_988, %select_n3A_1017 : i32
      %ne3A_1019 = arith.constant 0 : i32
      %ne3A_1020 = arith.cmpi ne, %rem3A_1018, %ne3A_1019 : i32
      %lt3A_1021 = arith.constant 0 : i32
      %lt3A_1022 = arith.cmpi slt, %rem3A_1018, %lt3A_1021 : i32
      %lt3A_1023 = arith.constant 0 : i32
      %lt3A_1024 = arith.cmpi slt, %select_n3A_1017, %lt3A_1023 : i32
      %ne3A_1025 = arith.xori %lt3A_1022, %lt3A_1024 : i1
      %and3A_1026 = arith.andi %ne3A_1025, %ne3A_1020 : i1
      %add3A_1027 = arith.addi %rem3A_1018, %select_n3A_1017 : i32
      %select_n3A_1028 = arith.select %and3A_1026, %add3A_1027, %rem3A_1018 : i32
      %mul3A_1029 = arith.constant 16 : i32
      %mul3A_1030 = arith.muli %select_n3A_1028, %mul3A_1029 : i32
      %get3A_1031 = arith.index_cast %select_n3A_1012 : i32 to index
      %get3A_1032 = arith.index_cast %mul3A_1030 : i32 to index
      %get3A_1033 = tpu.vector_load %arg10[%get3A_1031, %get3A_1032] {strides = array<i32>} : memref<64x128xf32, #tpu.memory_space<vmem>>, vector<1x16xf32>,
      %get3A_1034 = vector.shape_cast %get3A_1033 : vector<1x16xf32> to vector<16xf32>
      %mul3A_1035 = arith.constant 0.176776692 : f32
      %mul3A_1036 = vector.broadcast %mul3A_1035 : f32 to vector<16xf32>
      %mul3A_1037 = arith.mulf %get3A_1034, %mul3A_1036 : vector<16xf32>
      %jit3A_1038 = arith.constant 8 : i32
      %div3A_1039 = arith.divsi %scan3A_988, %jit3A_1038 : i32
      %sign3A_1040 = arith.constant 0 : i32
      %sign3A_1041 = arith.cmpi sgt, %scan3A_988, %sign3A_1040 : i32
      %sign3A_1042 = arith.extui %sign3A_1041 : i1 to i32
      %sign3A_1043 = arith.constant 0 : i32
      %sign3A_1044 = arith.cmpi slt, %scan3A_988, %sign3A_1043 : i32
      %sign3A_1045 = arith.extui %sign3A_1044 : i1 to i32
      %sign3A_1046 = arith.subi %sign3A_1042, %sign3A_1045 : i32
      %sign3A_1047 = arith.constant 0 : i32
      %sign3A_1048 = arith.cmpi sgt, %jit3A_1038, %sign3A_1047 : i32
      %sign3A_1049 = arith.extui %sign3A_1048 : i1 to i32
      %sign3A_1050 = arith.constant 0 : i32
      %sign3A_1051 = arith.cmpi slt, %jit3A_1038, %sign3A_1050 : i32
      %sign3A_1052 = arith.extui %sign3A_1051 : i1 to i32
      %sign3A_1053 = arith.subi %sign3A_1049, %sign3A_1052 : i32
      %ne3A_1054 = arith.cmpi ne, %sign3A_1046, %sign3A_1053 : i32
      %rem3A_1055 = arith.remsi %scan3A_988, %jit3A_1038 : i32
      %ne3A_1056 = arith.constant 0 : i32
      %ne3A_1057 = arith.cmpi ne, %rem3A_1055, %ne3A_1056 : i32
      %and3A_1058 = arith.andi %ne3A_1054, %ne3A_1057 : i1
      %sub3A_1059 = arith.constant 1 : i32
      %sub3A_1060 = arith.subi %div3A_1039, %sub3A_1059 : i32
      %select_n3A_1061 = arith.select %and3A_1058, %sub3A_1060, %div3A_1039 : i32
      %jit3A_1062 = arith.constant 8 : i32
      %eq3A_1063 = arith.constant 0 : i32
      %eq3A_1064 = arith.cmpi eq, %jit3A_1062, %eq3A_1063 : i32
      %jit3A_1065 = arith.constant 1 : i32
      %select_n3A_1066 = arith.select %eq3A_1064, %jit3A_1065, %jit3A_1062 : i32
      %rem3A_1067 = arith.remsi %scan3A_988, %select_n3A_1066 : i32
      %ne3A_1068 = arith.constant 0 : i32
      %ne3A_1069 = arith.cmpi ne, %rem3A_1067, %ne3A_1068 : i32
      %lt3A_1070 = arith.constant 0 : i32
      %lt3A_1071 = arith.cmpi slt, %rem3A_1067, %lt3A_1070 : i32
      %lt3A_1072 = arith.constant 0 : i32
      %lt3A_1073 = arith.cmpi slt, %select_n3A_1066, %lt3A_1072 : i32
      %ne3A_1074 = arith.xori %lt3A_1071, %lt3A_1073 : i1
      %and3A_1075 = arith.andi %ne3A_1074, %ne3A_1069 : i1
      %add3A_1076 = arith.addi %rem3A_1067, %select_n3A_1066 : i32
      %select_n3A_1077 = arith.select %and3A_1075, %add3A_1076, %rem3A_1067 : i32
      %mul3A_1078 = arith.constant 16 : i32
      %mul3A_1079 = arith.muli %select_n3A_1077, %mul3A_1078 : i32
      %swap3A = arith.index_cast %select_n3A_1061 : i32 to index
      %swap3A_1080 = arith.index_cast %mul3A_1079 : i32 to index
      %swap3A_1081 = tpu.vector_load %arg10[%swap3A, %swap3A_1080] {strides = array<i32>} : memref<64x128xf32, #tpu.memory_space<vmem>>, vector<1x16xf32>,
      %swap3A_1082 = vector.shape_cast %swap3A_1081 : vector<1x16xf32> to vector<16xf32>
      %swap3A_1083 = vector.shape_cast %mul3A_1037 : vector<16xf32> to vector<1x16xf32>
      tpu.vector_store %arg10[%swap3A, %swap3A_1080], %swap3A_1083 {strides = array<i32>} : memref<64x128xf32, #tpu.memory_space<vmem>>, vector<1x16xf32>,
    }
    %scan3A_940 = arith.constant 512 : i32
    %add3A_941 = arith.constant 0 : i32
    %add3A_942 = arith.addi %add3A_5, %add3A_941 : i32
    "tpu.region"() ({
      %run_scoped3A = tpu.sem_alloc : memref<!tpu.dma_semaphore, #tpu.memory_space<semaphore_mem>>
      %dma_start3A = arith.constant 0 : i32
      %dma_start3A_988 = arith.constant 0 : i32
      %dma_start3A_989 = tpu.memref_slice %arg10[%dma_start3A, %dma_start3A_988] : memref<64x128xf32, #tpu.memory_space<vmem>> -> memref<64x128xf32, #tpu.memory_space<vmem>>
      %dma_start3A_990 = arith.constant 0 : i32
      %dma_start3A_991 = tpu.memref_slice %arg5[%add3A_942, %dma_start3A_990] : memref<10000x128xf32, #tpu.memory_space<hbm>> -> memref<64x128xf32, #tpu.memory_space<hbm>>
      %dma_start3A_992 = arith.constant 0 : i32
      %dma_start3A_993 = tpu.memref_slice %arg5[%add3A_942, %dma_start3A_992] : memref<10000x128xf32, #tpu.memory_space<hbm>> -> memref<64x128xf32, #tpu.memory_space<hbm>>
      %dma_start3A_994 = arith.constant 0 : i32
      %dma_start3A_995 = arith.constant 0 : i32
      %dma_start3A_996 = tpu.memref_slice %arg10[%dma_start3A_994, %dma_start3A_995] : memref<64x128xf32, #tpu.memory_space<vmem>> -> memref<64x128xf32, #tpu.memory_space<vmem>>
      tpu.enqueue_dma source(%dma_start3A_996 : memref<64x128xf32, #tpu.memory_space<vmem>>) target(%dma_start3A_993 : memref<64x128xf32, #tpu.memory_space<hbm>>) target_semaphore(%run_scoped3A : memref<!tpu.dma_semaphore, #tpu.memory_space<semaphore_mem>>)
      %dma_wait3A = arith.constant 0 : i32
      %dma_wait3A_997 = arith.constant 0 : i32
      %dma_wait3A_998 = tpu.memref_slice %arg10[%dma_wait3A, %dma_wait3A_997] : memref<64x128xf32, #tpu.memory_space<vmem>> -> memref<64x128xf32, #tpu.memory_space<vmem>>
      %dma_wait3A_999 = arith.constant 0 : i32
      %dma_wait3A_1000 = tpu.memref_slice %arg5[%add3A_942, %dma_wait3A_999] : memref<10000x128xf32, #tpu.memory_space<hbm>> -> memref<64x128xf32, #tpu.memory_space<hbm>>
      %dma_wait3A_1001 = arith.constant 0 : i32
      %dma_wait3A_1002 = tpu.memref_slice %arg5[%add3A_942, %dma_wait3A_1001] : memref<10000x128xf32, #tpu.memory_space<hbm>> -> memref<64x128xf32, #tpu.memory_space<hbm>>
      %dma_wait3A_1003 = arith.constant 0 : i32
      %dma_wait3A_1004 = arith.constant 0 : i32
      %dma_wait3A_1005 = tpu.memref_slice %arg10[%dma_wait3A_1003, %dma_wait3A_1004] : memref<64x128xf32, #tpu.memory_space<vmem>> -> memref<64x128xf32, #tpu.memory_space<vmem>>
      tpu.wait_dma2 semaphore(%run_scoped3A : memref<!tpu.dma_semaphore, #tpu.memory_space<semaphore_mem>>) src(%dma_wait3A_1005 : memref<64x128xf32, #tpu.memory_space<vmem>>) dst(%dma_wait3A_1002 : memref<64x128xf32, #tpu.memory_space<hbm>>)
      tpu.yield
    }) : () -> ()
    %add3A_943 = arith.constant 64 : i32
    %add3A_944 = arith.addi %mul3A_60, %add3A_943 : i32
    "tpu.region"() ({
      %run_scoped3A = tpu.sem_alloc : memref<!tpu.dma_semaphore, #tpu.memory_space<semaphore_mem>>
      %dma_start3A = arith.constant 0 : i32
      %dma_start3A_988 = arith.constant 0 : i32
      %dma_start3A_989 = tpu.memref_slice %arg10[%dma_start3A, %dma_start3A_988] : memref<64x128xf32, #tpu.memory_space<vmem>> -> memref<64x128xf32, #tpu.memory_space<vmem>>
      %dma_start3A_990 = arith.constant 0 : i32
      %dma_start3A_991 = tpu.memref_slice %arg11[%add3A_944, %dma_start3A_990] : memref<5024x128xf32, #tpu.memory_space<vmem_shared>> -> memref<64x128xf32, #tpu.memory_space<vmem_shared>>
      %dma_start3A_992 = arith.constant 0 : i32
      %dma_start3A_993 = arith.constant 0 : i32
      %dma_start3A_994 = tpu.memref_slice %arg10[%dma_start3A_992, %dma_start3A_993] : memref<64x128xf32, #tpu.memory_space<vmem>> -> memref<64x128xf32, #tpu.memory_space<vmem>>
      %dma_start3A_995 = arith.constant 0 : i32
      %dma_start3A_996 = tpu.memref_slice %arg11[%add3A_944, %dma_start3A_995] : memref<5024x128xf32, #tpu.memory_space<vmem_shared>> -> memref<64x128xf32, #tpu.memory_space<vmem_shared>>
      tpu.enqueue_dma source(%dma_start3A_996 : memref<64x128xf32, #tpu.memory_space<vmem_shared>>) target(%dma_start3A_994 : memref<64x128xf32, #tpu.memory_space<vmem>>) target_semaphore(%run_scoped3A : memref<!tpu.dma_semaphore, #tpu.memory_space<semaphore_mem>>)
      %dma_wait3A = arith.constant 0 : i32
      %dma_wait3A_997 = arith.constant 0 : i32
      %dma_wait3A_998 = tpu.memref_slice %arg10[%dma_wait3A, %dma_wait3A_997] : memref<64x128xf32, #tpu.memory_space<vmem>> -> memref<64x128xf32, #tpu.memory_space<vmem>>
      %dma_wait3A_999 = arith.constant 0 : i32
      %dma_wait3A_1000 = tpu.memref_slice %arg11[%add3A_944, %dma_wait3A_999] : memref<5024x128xf32, #tpu.memory_space<vmem_shared>> -> memref<64x128xf32, #tpu.memory_space<vmem_shared>>
      %dma_wait3A_1001 = arith.constant 0 : i32
      %dma_wait3A_1002 = arith.constant 0 : i32
      %dma_wait3A_1003 = tpu.memref_slice %arg10[%dma_wait3A_1001, %dma_wait3A_1002] : memref<64x128xf32, #tpu.memory_space<vmem>> -> memref<64x128xf32, #tpu.memory_space<vmem>>
      %dma_wait3A_1004 = arith.constant 0 : i32
      %dma_wait3A_1005 = tpu.memref_slice %arg11[%add3A_944, %dma_wait3A_1004] : memref<5024x128xf32, #tpu.memory_space<vmem_shared>> -> memref<64x128xf32, #tpu.memory_space<vmem_shared>>
      tpu.wait_dma2 semaphore(%run_scoped3A : memref<!tpu.dma_semaphore, #tpu.memory_space<semaphore_mem>>) src(%dma_wait3A_1005 : memref<64x128xf32, #tpu.memory_space<vmem_shared>>) dst(%dma_wait3A_1003 : memref<64x128xf32, #tpu.memory_space<vmem>>)
      tpu.yield
    }) : () -> ()
    %scan3A_945 = arith.constant 0 : i32
    %scan3A_946 = arith.constant 0 : i32
    %scan3A_947 = arith.constant 512 : i32
    %scan3A_948 = arith.addi %scan3A_946, %scan3A_947 : i32
    %scan3A_949 = arith.constant 1 : i32
    scf.for %scan3A_988 = %scan3A_946 to %scan3A_948 step %scan3A_949  : i32 {
      %jit3A_989 = arith.constant 8 : i32
      %div3A_990 = arith.divsi %scan3A_988, %jit3A_989 : i32
      %sign3A_991 = arith.constant 0 : i32
      %sign3A_992 = arith.cmpi sgt, %scan3A_988, %sign3A_991 : i32
      %sign3A_993 = arith.extui %sign3A_992 : i1 to i32
      %sign3A_994 = arith.constant 0 : i32
      %sign3A_995 = arith.cmpi slt, %scan3A_988, %sign3A_994 : i32
      %sign3A_996 = arith.extui %sign3A_995 : i1 to i32
      %sign3A_997 = arith.subi %sign3A_993, %sign3A_996 : i32
      %sign3A_998 = arith.constant 0 : i32
      %sign3A_999 = arith.cmpi sgt, %jit3A_989, %sign3A_998 : i32
      %sign3A_1000 = arith.extui %sign3A_999 : i1 to i32
      %sign3A_1001 = arith.constant 0 : i32
      %sign3A_1002 = arith.cmpi slt, %jit3A_989, %sign3A_1001 : i32
      %sign3A_1003 = arith.extui %sign3A_1002 : i1 to i32
      %sign3A_1004 = arith.subi %sign3A_1000, %sign3A_1003 : i32
      %ne3A_1005 = arith.cmpi ne, %sign3A_997, %sign3A_1004 : i32
      %rem3A_1006 = arith.remsi %scan3A_988, %jit3A_989 : i32
      %ne3A_1007 = arith.constant 0 : i32
      %ne3A_1008 = arith.cmpi ne, %rem3A_1006, %ne3A_1007 : i32
      %and3A_1009 = arith.andi %ne3A_1005, %ne3A_1008 : i1
      %sub3A_1010 = arith.constant 1 : i32
      %sub3A_1011 = arith.subi %div3A_990, %sub3A_1010 : i32
      %select_n3A_1012 = arith.select %and3A_1009, %sub3A_1011, %div3A_990 : i32
      %jit3A_1013 = arith.constant 8 : i32
      %eq3A_1014 = arith.constant 0 : i32
      %eq3A_1015 = arith.cmpi eq, %jit3A_1013, %eq3A_1014 : i32
      %jit3A_1016 = arith.constant 1 : i32
      %select_n3A_1017 = arith.select %eq3A_1015, %jit3A_1016, %jit3A_1013 : i32
      %rem3A_1018 = arith.remsi %scan3A_988, %select_n3A_1017 : i32
      %ne3A_1019 = arith.constant 0 : i32
      %ne3A_1020 = arith.cmpi ne, %rem3A_1018, %ne3A_1019 : i32
      %lt3A_1021 = arith.constant 0 : i32
      %lt3A_1022 = arith.cmpi slt, %rem3A_1018, %lt3A_1021 : i32
      %lt3A_1023 = arith.constant 0 : i32
      %lt3A_1024 = arith.cmpi slt, %select_n3A_1017, %lt3A_1023 : i32
      %ne3A_1025 = arith.xori %lt3A_1022, %lt3A_1024 : i1
      %and3A_1026 = arith.andi %ne3A_1025, %ne3A_1020 : i1
      %add3A_1027 = arith.addi %rem3A_1018, %select_n3A_1017 : i32
      %select_n3A_1028 = arith.select %and3A_1026, %add3A_1027, %rem3A_1018 : i32
      %mul3A_1029 = arith.constant 16 : i32
      %mul3A_1030 = arith.muli %select_n3A_1028, %mul3A_1029 : i32
      %get3A_1031 = arith.index_cast %select_n3A_1012 : i32 to index
      %get3A_1032 = arith.index_cast %mul3A_1030 : i32 to index
      %get3A_1033 = tpu.vector_load %arg10[%get3A_1031, %get3A_1032] {strides = array<i32>} : memref<64x128xf32, #tpu.memory_space<vmem>>, vector<1x16xf32>,
      %get3A_1034 = vector.shape_cast %get3A_1033 : vector<1x16xf32> to vector<16xf32>
      %mul3A_1035 = arith.constant 0.176776692 : f32
      %mul3A_1036 = vector.broadcast %mul3A_1035 : f32 to vector<16xf32>
      %mul3A_1037 = arith.mulf %get3A_1034, %mul3A_1036 : vector<16xf32>
      %jit3A_1038 = arith.constant 8 : i32
      %div3A_1039 = arith.divsi %scan3A_988, %jit3A_1038 : i32
      %sign3A_1040 = arith.constant 0 : i32
      %sign3A_1041 = arith.cmpi sgt, %scan3A_988, %sign3A_1040 : i32
      %sign3A_1042 = arith.extui %sign3A_1041 : i1 to i32
      %sign3A_1043 = arith.constant 0 : i32
      %sign3A_1044 = arith.cmpi slt, %scan3A_988, %sign3A_1043 : i32
      %sign3A_1045 = arith.extui %sign3A_1044 : i1 to i32
      %sign3A_1046 = arith.subi %sign3A_1042, %sign3A_1045 : i32
      %sign3A_1047 = arith.constant 0 : i32
      %sign3A_1048 = arith.cmpi sgt, %jit3A_1038, %sign3A_1047 : i32
      %sign3A_1049 = arith.extui %sign3A_1048 : i1 to i32
      %sign3A_1050 = arith.constant 0 : i32
      %sign3A_1051 = arith.cmpi slt, %jit3A_1038, %sign3A_1050 : i32
      %sign3A_1052 = arith.extui %sign3A_1051 : i1 to i32
      %sign3A_1053 = arith.subi %sign3A_1049, %sign3A_1052 : i32
      %ne3A_1054 = arith.cmpi ne, %sign3A_1046, %sign3A_1053 : i32
      %rem3A_1055 = arith.remsi %scan3A_988, %jit3A_1038 : i32
      %ne3A_1056 = arith.constant 0 : i32
      %ne3A_1057 = arith.cmpi ne, %rem3A_1055, %ne3A_1056 : i32
      %and3A_1058 = arith.andi %ne3A_1054, %ne3A_1057 : i1
      %sub3A_1059 = arith.constant 1 : i32
      %sub3A_1060 = arith.subi %div3A_1039, %sub3A_1059 : i32
      %select_n3A_1061 = arith.select %and3A_1058, %sub3A_1060, %div3A_1039 : i32
      %jit3A_1062 = arith.constant 8 : i32
      %eq3A_1063 = arith.constant 0 : i32
      %eq3A_1064 = arith.cmpi eq, %jit3A_1062, %eq3A_1063 : i32
      %jit3A_1065 = arith.constant 1 : i32
      %select_n3A_1066 = arith.select %eq3A_1064, %jit3A_1065, %jit3A_1062 : i32
      %rem3A_1067 = arith.remsi %scan3A_988, %select_n3A_1066 : i32
      %ne3A_1068 = arith.constant 0 : i32
      %ne3A_1069 = arith.cmpi ne, %rem3A_1067, %ne3A_1068 : i32
      %lt3A_1070 = arith.constant 0 : i32
      %lt3A_1071 = arith.cmpi slt, %rem3A_1067, %lt3A_1070 : i32
      %lt3A_1072 = arith.constant 0 : i32
      %lt3A_1073 = arith.cmpi slt, %select_n3A_1066, %lt3A_1072 : i32
      %ne3A_1074 = arith.xori %lt3A_1071, %lt3A_1073 : i1
      %and3A_1075 = arith.andi %ne3A_1074, %ne3A_1069 : i1
      %add3A_1076 = arith.addi %rem3A_1067, %select_n3A_1066 : i32
      %select_n3A_1077 = arith.select %and3A_1075, %add3A_1076, %rem3A_1067 : i32
      %mul3A_1078 = arith.constant 16 : i32
      %mul3A_1079 = arith.muli %select_n3A_1077, %mul3A_1078 : i32
      %swap3A = arith.index_cast %select_n3A_1061 : i32 to index
      %swap3A_1080 = arith.index_cast %mul3A_1079 : i32 to index
      %swap3A_1081 = tpu.vector_load %arg10[%swap3A, %swap3A_1080] {strides = array<i32>} : memref<64x128xf32, #tpu.memory_space<vmem>>, vector<1x16xf32>,
      %swap3A_1082 = vector.shape_cast %swap3A_1081 : vector<1x16xf32> to vector<16xf32>
      %swap3A_1083 = vector.shape_cast %mul3A_1037 : vector<16xf32> to vector<1x16xf32>
      tpu.vector_store %arg10[%swap3A, %swap3A_1080], %swap3A_1083 {strides = array<i32>} : memref<64x128xf32, #tpu.memory_space<vmem>>, vector<1x16xf32>,
    }
    %scan3A_950 = arith.constant 512 : i32
    %add3A_951 = arith.constant 64 : i32
    %add3A_952 = arith.addi %add3A_5, %add3A_951 : i32
    "tpu.region"() ({
      %run_scoped3A = tpu.sem_alloc : memref<!tpu.dma_semaphore, #tpu.memory_space<semaphore_mem>>
      %dma_start3A = arith.constant 0 : i32
      %dma_start3A_988 = arith.constant 0 : i32
      %dma_start3A_989 = tpu.memref_slice %arg10[%dma_start3A, %dma_start3A_988] : memref<64x128xf32, #tpu.memory_space<vmem>> -> memref<64x128xf32, #tpu.memory_space<vmem>>
      %dma_start3A_990 = arith.constant 0 : i32
      %dma_start3A_991 = tpu.memref_slice %arg5[%add3A_952, %dma_start3A_990] : memref<10000x128xf32, #tpu.memory_space<hbm>> -> memref<64x128xf32, #tpu.memory_space<hbm>>
      %dma_start3A_992 = arith.constant 0 : i32
      %dma_start3A_993 = tpu.memref_slice %arg5[%add3A_952, %dma_start3A_992] : memref<10000x128xf32, #tpu.memory_space<hbm>> -> memref<64x128xf32, #tpu.memory_space<hbm>>
      %dma_start3A_994 = arith.constant 0 : i32
      %dma_start3A_995 = arith.constant 0 : i32
      %dma_start3A_996 = tpu.memref_slice %arg10[%dma_start3A_994, %dma_start3A_995] : memref<64x128xf32, #tpu.memory_space<vmem>> -> memref<64x128xf32, #tpu.memory_space<vmem>>
      tpu.enqueue_dma source(%dma_start3A_996 : memref<64x128xf32, #tpu.memory_space<vmem>>) target(%dma_start3A_993 : memref<64x128xf32, #tpu.memory_space<hbm>>) target_semaphore(%run_scoped3A : memref<!tpu.dma_semaphore, #tpu.memory_space<semaphore_mem>>)
      %dma_wait3A = arith.constant 0 : i32
      %dma_wait3A_997 = arith.constant 0 : i32
      %dma_wait3A_998 = tpu.memref_slice %arg10[%dma_wait3A, %dma_wait3A_997] : memref<64x128xf32, #tpu.memory_space<vmem>> -> memref<64x128xf32, #tpu.memory_space<vmem>>
      %dma_wait3A_999 = arith.constant 0 : i32
      %dma_wait3A_1000 = tpu.memref_slice %arg5[%add3A_952, %dma_wait3A_999] : memref<10000x128xf32, #tpu.memory_space<hbm>> -> memref<64x128xf32, #tpu.memory_space<hbm>>
      %dma_wait3A_1001 = arith.constant 0 : i32
      %dma_wait3A_1002 = tpu.memref_slice %arg5[%add3A_952, %dma_wait3A_1001] : memref<10000x128xf32, #tpu.memory_space<hbm>> -> memref<64x128xf32, #tpu.memory_space<hbm>>
      %dma_wait3A_1003 = arith.constant 0 : i32
      %dma_wait3A_1004 = arith.constant 0 : i32
      %dma_wait3A_1005 = tpu.memref_slice %arg10[%dma_wait3A_1003, %dma_wait3A_1004] : memref<64x128xf32, #tpu.memory_space<vmem>> -> memref<64x128xf32, #tpu.memory_space<vmem>>
      tpu.wait_dma2 semaphore(%run_scoped3A : memref<!tpu.dma_semaphore, #tpu.memory_space<semaphore_mem>>) src(%dma_wait3A_1005 : memref<64x128xf32, #tpu.memory_space<vmem>>) dst(%dma_wait3A_1002 : memref<64x128xf32, #tpu.memory_space<hbm>>)
      tpu.yield
    }) : () -> ()
    %add3A_953 = arith.constant 128 : i32
    %add3A_954 = arith.addi %mul3A_60, %add3A_953 : i32
    "tpu.region"() ({
      %run_scoped3A = tpu.sem_alloc : memref<!tpu.dma_semaphore, #tpu.memory_space<semaphore_mem>>
      %dma_start3A = arith.constant 0 : i32
      %dma_start3A_988 = arith.constant 0 : i32
      %dma_start3A_989 = tpu.memref_slice %arg10[%dma_start3A, %dma_start3A_988] : memref<64x128xf32, #tpu.memory_space<vmem>> -> memref<64x128xf32, #tpu.memory_space<vmem>>
      %dma_start3A_990 = arith.constant 0 : i32
      %dma_start3A_991 = tpu.memref_slice %arg11[%add3A_954, %dma_start3A_990] : memref<5024x128xf32, #tpu.memory_space<vmem_shared>> -> memref<64x128xf32, #tpu.memory_space<vmem_shared>>
      %dma_start3A_992 = arith.constant 0 : i32
      %dma_start3A_993 = arith.constant 0 : i32
      %dma_start3A_994 = tpu.memref_slice %arg10[%dma_start3A_992, %dma_start3A_993] : memref<64x128xf32, #tpu.memory_space<vmem>> -> memref<64x128xf32, #tpu.memory_space<vmem>>
      %dma_start3A_995 = arith.constant 0 : i32
      %dma_start3A_996 = tpu.memref_slice %arg11[%add3A_954, %dma_start3A_995] : memref<5024x128xf32, #tpu.memory_space<vmem_shared>> -> memref<64x128xf32, #tpu.memory_space<vmem_shared>>
      tpu.enqueue_dma source(%dma_start3A_996 : memref<64x128xf32, #tpu.memory_space<vmem_shared>>) target(%dma_start3A_994 : memref<64x128xf32, #tpu.memory_space<vmem>>) target_semaphore(%run_scoped3A : memref<!tpu.dma_semaphore, #tpu.memory_space<semaphore_mem>>)
      %dma_wait3A = arith.constant 0 : i32
      %dma_wait3A_997 = arith.constant 0 : i32
      %dma_wait3A_998 = tpu.memref_slice %arg10[%dma_wait3A, %dma_wait3A_997] : memref<64x128xf32, #tpu.memory_space<vmem>> -> memref<64x128xf32, #tpu.memory_space<vmem>>
      %dma_wait3A_999 = arith.constant 0 : i32
      %dma_wait3A_1000 = tpu.memref_slice %arg11[%add3A_954, %dma_wait3A_999] : memref<5024x128xf32, #tpu.memory_space<vmem_shared>> -> memref<64x128xf32, #tpu.memory_space<vmem_shared>>
      %dma_wait3A_1001 = arith.constant 0 : i32
      %dma_wait3A_1002 = arith.constant 0 : i32
      %dma_wait3A_1003 = tpu.memref_slice %arg10[%dma_wait3A_1001, %dma_wait3A_1002] : memref<64x128xf32, #tpu.memory_space<vmem>> -> memref<64x128xf32, #tpu.memory_space<vmem>>
      %dma_wait3A_1004 = arith.constant 0 : i32
      %dma_wait3A_1005 = tpu.memref_slice %arg11[%add3A_954, %dma_wait3A_1004] : memref<5024x128xf32, #tpu.memory_space<vmem_shared>> -> memref<64x128xf32, #tpu.memory_space<vmem_shared>>
      tpu.wait_dma2 semaphore(%run_scoped3A : memref<!tpu.dma_semaphore, #tpu.memory_space<semaphore_mem>>) src(%dma_wait3A_1005 : memref<64x128xf32, #tpu.memory_space<vmem_shared>>) dst(%dma_wait3A_1003 : memref<64x128xf32, #tpu.memory_space<vmem>>)
      tpu.yield
    }) : () -> ()
    %scan3A_955 = arith.constant 0 : i32
    %scan3A_956 = arith.constant 0 : i32
    %scan3A_957 = arith.constant 512 : i32
    %scan3A_958 = arith.addi %scan3A_956, %scan3A_957 : i32
    %scan3A_959 = arith.constant 1 : i32
    scf.for %scan3A_988 = %scan3A_956 to %scan3A_958 step %scan3A_959  : i32 {
      %jit3A_989 = arith.constant 8 : i32
      %div3A_990 = arith.divsi %scan3A_988, %jit3A_989 : i32
      %sign3A_991 = arith.constant 0 : i32
      %sign3A_992 = arith.cmpi sgt, %scan3A_988, %sign3A_991 : i32
      %sign3A_993 = arith.extui %sign3A_992 : i1 to i32
      %sign3A_994 = arith.constant 0 : i32
      %sign3A_995 = arith.cmpi slt, %scan3A_988, %sign3A_994 : i32
      %sign3A_996 = arith.extui %sign3A_995 : i1 to i32
      %sign3A_997 = arith.subi %sign3A_993, %sign3A_996 : i32
      %sign3A_998 = arith.constant 0 : i32
      %sign3A_999 = arith.cmpi sgt, %jit3A_989, %sign3A_998 : i32
      %sign3A_1000 = arith.extui %sign3A_999 : i1 to i32
      %sign3A_1001 = arith.constant 0 : i32
      %sign3A_1002 = arith.cmpi slt, %jit3A_989, %sign3A_1001 : i32
      %sign3A_1003 = arith.extui %sign3A_1002 : i1 to i32
      %sign3A_1004 = arith.subi %sign3A_1000, %sign3A_1003 : i32
      %ne3A_1005 = arith.cmpi ne, %sign3A_997, %sign3A_1004 : i32
      %rem3A_1006 = arith.remsi %scan3A_988, %jit3A_989 : i32
      %ne3A_1007 = arith.constant 0 : i32
      %ne3A_1008 = arith.cmpi ne, %rem3A_1006, %ne3A_1007 : i32
      %and3A_1009 = arith.andi %ne3A_1005, %ne3A_1008 : i1
      %sub3A_1010 = arith.constant 1 : i32
      %sub3A_1011 = arith.subi %div3A_990, %sub3A_1010 : i32
      %select_n3A_1012 = arith.select %and3A_1009, %sub3A_1011, %div3A_990 : i32
      %jit3A_1013 = arith.constant 8 : i32
      %eq3A_1014 = arith.constant 0 : i32
      %eq3A_1015 = arith.cmpi eq, %jit3A_1013, %eq3A_1014 : i32
      %jit3A_1016 = arith.constant 1 : i32
      %select_n3A_1017 = arith.select %eq3A_1015, %jit3A_1016, %jit3A_1013 : i32
      %rem3A_1018 = arith.remsi %scan3A_988, %select_n3A_1017 : i32
      %ne3A_1019 = arith.constant 0 : i32
      %ne3A_1020 = arith.cmpi ne, %rem3A_1018, %ne3A_1019 : i32
      %lt3A_1021 = arith.constant 0 : i32
      %lt3A_1022 = arith.cmpi slt, %rem3A_1018, %lt3A_1021 : i32
      %lt3A_1023 = arith.constant 0 : i32
      %lt3A_1024 = arith.cmpi slt, %select_n3A_1017, %lt3A_1023 : i32
      %ne3A_1025 = arith.xori %lt3A_1022, %lt3A_1024 : i1
      %and3A_1026 = arith.andi %ne3A_1025, %ne3A_1020 : i1
      %add3A_1027 = arith.addi %rem3A_1018, %select_n3A_1017 : i32
      %select_n3A_1028 = arith.select %and3A_1026, %add3A_1027, %rem3A_1018 : i32
      %mul3A_1029 = arith.constant 16 : i32
      %mul3A_1030 = arith.muli %select_n3A_1028, %mul3A_1029 : i32
      %get3A_1031 = arith.index_cast %select_n3A_1012 : i32 to index
      %get3A_1032 = arith.index_cast %mul3A_1030 : i32 to index
      %get3A_1033 = tpu.vector_load %arg10[%get3A_1031, %get3A_1032] {strides = array<i32>} : memref<64x128xf32, #tpu.memory_space<vmem>>, vector<1x16xf32>,
      %get3A_1034 = vector.shape_cast %get3A_1033 : vector<1x16xf32> to vector<16xf32>
      %mul3A_1035 = arith.constant 0.176776692 : f32
      %mul3A_1036 = vector.broadcast %mul3A_1035 : f32 to vector<16xf32>
      %mul3A_1037 = arith.mulf %get3A_1034, %mul3A_1036 : vector<16xf32>
      %jit3A_1038 = arith.constant 8 : i32
      %div3A_1039 = arith.divsi %scan3A_988, %jit3A_1038 : i32
      %sign3A_1040 = arith.constant 0 : i32
      %sign3A_1041 = arith.cmpi sgt, %scan3A_988, %sign3A_1040 : i32
      %sign3A_1042 = arith.extui %sign3A_1041 : i1 to i32
      %sign3A_1043 = arith.constant 0 : i32
      %sign3A_1044 = arith.cmpi slt, %scan3A_988, %sign3A_1043 : i32
      %sign3A_1045 = arith.extui %sign3A_1044 : i1 to i32
      %sign3A_1046 = arith.subi %sign3A_1042, %sign3A_1045 : i32
      %sign3A_1047 = arith.constant 0 : i32
      %sign3A_1048 = arith.cmpi sgt, %jit3A_1038, %sign3A_1047 : i32
      %sign3A_1049 = arith.extui %sign3A_1048 : i1 to i32
      %sign3A_1050 = arith.constant 0 : i32
      %sign3A_1051 = arith.cmpi slt, %jit3A_1038, %sign3A_1050 : i32
      %sign3A_1052 = arith.extui %sign3A_1051 : i1 to i32
      %sign3A_1053 = arith.subi %sign3A_1049, %sign3A_1052 : i32
      %ne3A_1054 = arith.cmpi ne, %sign3A_1046, %sign3A_1053 : i32
      %rem3A_1055 = arith.remsi %scan3A_988, %jit3A_1038 : i32
      %ne3A_1056 = arith.constant 0 : i32
      %ne3A_1057 = arith.cmpi ne, %rem3A_1055, %ne3A_1056 : i32
      %and3A_1058 = arith.andi %ne3A_1054, %ne3A_1057 : i1
      %sub3A_1059 = arith.constant 1 : i32
      %sub3A_1060 = arith.subi %div3A_1039, %sub3A_1059 : i32
      %select_n3A_1061 = arith.select %and3A_1058, %sub3A_1060, %div3A_1039 : i32
      %jit3A_1062 = arith.constant 8 : i32
      %eq3A_1063 = arith.constant 0 : i32
      %eq3A_1064 = arith.cmpi eq, %jit3A_1062, %eq3A_1063 : i32
      %jit3A_1065 = arith.constant 1 : i32
      %select_n3A_1066 = arith.select %eq3A_1064, %jit3A_1065, %jit3A_1062 : i32
      %rem3A_1067 = arith.remsi %scan3A_988, %select_n3A_1066 : i32
      %ne3A_1068 = arith.constant 0 : i32
      %ne3A_1069 = arith.cmpi ne, %rem3A_1067, %ne3A_1068 : i32
      %lt3A_1070 = arith.constant 0 : i32
      %lt3A_1071 = arith.cmpi slt, %rem3A_1067, %lt3A_1070 : i32
      %lt3A_1072 = arith.constant 0 : i32
      %lt3A_1073 = arith.cmpi slt, %select_n3A_1066, %lt3A_1072 : i32
      %ne3A_1074 = arith.xori %lt3A_1071, %lt3A_1073 : i1
      %and3A_1075 = arith.andi %ne3A_1074, %ne3A_1069 : i1
      %add3A_1076 = arith.addi %rem3A_1067, %select_n3A_1066 : i32
      %select_n3A_1077 = arith.select %and3A_1075, %add3A_1076, %rem3A_1067 : i32
      %mul3A_1078 = arith.constant 16 : i32
      %mul3A_1079 = arith.muli %select_n3A_1077, %mul3A_1078 : i32
      %swap3A = arith.index_cast %select_n3A_1061 : i32 to index
      %swap3A_1080 = arith.index_cast %mul3A_1079 : i32 to index
      %swap3A_1081 = tpu.vector_load %arg10[%swap3A, %swap3A_1080] {strides = array<i32>} : memref<64x128xf32, #tpu.memory_space<vmem>>, vector<1x16xf32>,
      %swap3A_1082 = vector.shape_cast %swap3A_1081 : vector<1x16xf32> to vector<16xf32>
      %swap3A_1083 = vector.shape_cast %mul3A_1037 : vector<16xf32> to vector<1x16xf32>
      tpu.vector_store %arg10[%swap3A, %swap3A_1080], %swap3A_1083 {strides = array<i32>} : memref<64x128xf32, #tpu.memory_space<vmem>>, vector<1x16xf32>,
    }
    %scan3A_960 = arith.constant 512 : i32
    %add3A_961 = arith.constant 128 : i32
    %add3A_962 = arith.addi %add3A_5, %add3A_961 : i32
    "tpu.region"() ({
      %run_scoped3A = tpu.sem_alloc : memref<!tpu.dma_semaphore, #tpu.memory_space<semaphore_mem>>
      %dma_start3A = arith.constant 0 : i32
      %dma_start3A_988 = arith.constant 0 : i32
      %dma_start3A_989 = tpu.memref_slice %arg10[%dma_start3A, %dma_start3A_988] : memref<64x128xf32, #tpu.memory_space<vmem>> -> memref<64x128xf32, #tpu.memory_space<vmem>>
      %dma_start3A_990 = arith.constant 0 : i32
      %dma_start3A_991 = tpu.memref_slice %arg5[%add3A_962, %dma_start3A_990] : memref<10000x128xf32, #tpu.memory_space<hbm>> -> memref<64x128xf32, #tpu.memory_space<hbm>>
      %dma_start3A_992 = arith.constant 0 : i32
      %dma_start3A_993 = tpu.memref_slice %arg5[%add3A_962, %dma_start3A_992] : memref<10000x128xf32, #tpu.memory_space<hbm>> -> memref<64x128xf32, #tpu.memory_space<hbm>>
      %dma_start3A_994 = arith.constant 0 : i32
      %dma_start3A_995 = arith.constant 0 : i32
      %dma_start3A_996 = tpu.memref_slice %arg10[%dma_start3A_994, %dma_start3A_995] : memref<64x128xf32, #tpu.memory_space<vmem>> -> memref<64x128xf32, #tpu.memory_space<vmem>>
      tpu.enqueue_dma source(%dma_start3A_996 : memref<64x128xf32, #tpu.memory_space<vmem>>) target(%dma_start3A_993 : memref<64x128xf32, #tpu.memory_space<hbm>>) target_semaphore(%run_scoped3A : memref<!tpu.dma_semaphore, #tpu.memory_space<semaphore_mem>>)
      %dma_wait3A = arith.constant 0 : i32
      %dma_wait3A_997 = arith.constant 0 : i32
      %dma_wait3A_998 = tpu.memref_slice %arg10[%dma_wait3A, %dma_wait3A_997] : memref<64x128xf32, #tpu.memory_space<vmem>> -> memref<64x128xf32, #tpu.memory_space<vmem>>
      %dma_wait3A_999 = arith.constant 0 : i32
      %dma_wait3A_1000 = tpu.memref_slice %arg5[%add3A_962, %dma_wait3A_999] : memref<10000x128xf32, #tpu.memory_space<hbm>> -> memref<64x128xf32, #tpu.memory_space<hbm>>
      %dma_wait3A_1001 = arith.constant 0 : i32
      %dma_wait3A_1002 = tpu.memref_slice %arg5[%add3A_962, %dma_wait3A_1001] : memref<10000x128xf32, #tpu.memory_space<hbm>> -> memref<64x128xf32, #tpu.memory_space<hbm>>
      %dma_wait3A_1003 = arith.constant 0 : i32
      %dma_wait3A_1004 = arith.constant 0 : i32
      %dma_wait3A_1005 = tpu.memref_slice %arg10[%dma_wait3A_1003, %dma_wait3A_1004] : memref<64x128xf32, #tpu.memory_space<vmem>> -> memref<64x128xf32, #tpu.memory_space<vmem>>
      tpu.wait_dma2 semaphore(%run_scoped3A : memref<!tpu.dma_semaphore, #tpu.memory_space<semaphore_mem>>) src(%dma_wait3A_1005 : memref<64x128xf32, #tpu.memory_space<vmem>>) dst(%dma_wait3A_1002 : memref<64x128xf32, #tpu.memory_space<hbm>>)
      tpu.yield
    }) : () -> ()
    %add3A_963 = arith.constant 192 : i32
    %add3A_964 = arith.addi %mul3A_60, %add3A_963 : i32
    "tpu.region"() ({
      %run_scoped3A = tpu.sem_alloc : memref<!tpu.dma_semaphore, #tpu.memory_space<semaphore_mem>>
      %dma_start3A = arith.constant 0 : i32
      %dma_start3A_988 = arith.constant 0 : i32
      %dma_start3A_989 = tpu.memref_slice %arg10[%dma_start3A, %dma_start3A_988] : memref<64x128xf32, #tpu.memory_space<vmem>> -> memref<64x128xf32, #tpu.memory_space<vmem>>
      %dma_start3A_990 = arith.constant 0 : i32
      %dma_start3A_991 = tpu.memref_slice %arg11[%add3A_964, %dma_start3A_990] : memref<5024x128xf32, #tpu.memory_space<vmem_shared>> -> memref<64x128xf32, #tpu.memory_space<vmem_shared>>
      %dma_start3A_992 = arith.constant 0 : i32
      %dma_start3A_993 = arith.constant 0 : i32
      %dma_start3A_994 = tpu.memref_slice %arg10[%dma_start3A_992, %dma_start3A_993] : memref<64x128xf32, #tpu.memory_space<vmem>> -> memref<64x128xf32, #tpu.memory_space<vmem>>
      %dma_start3A_995 = arith.constant 0 : i32
      %dma_start3A_996 = tpu.memref_slice %arg11[%add3A_964, %dma_start3A_995] : memref<5024x128xf32, #tpu.memory_space<vmem_shared>> -> memref<64x128xf32, #tpu.memory_space<vmem_shared>>
      tpu.enqueue_dma source(%dma_start3A_996 : memref<64x128xf32, #tpu.memory_space<vmem_shared>>) target(%dma_start3A_994 : memref<64x128xf32, #tpu.memory_space<vmem>>) target_semaphore(%run_scoped3A : memref<!tpu.dma_semaphore, #tpu.memory_space<semaphore_mem>>)
      %dma_wait3A = arith.constant 0 : i32
      %dma_wait3A_997 = arith.constant 0 : i32
      %dma_wait3A_998 = tpu.memref_slice %arg10[%dma_wait3A, %dma_wait3A_997] : memref<64x128xf32, #tpu.memory_space<vmem>> -> memref<64x128xf32, #tpu.memory_space<vmem>>
      %dma_wait3A_999 = arith.constant 0 : i32
      %dma_wait3A_1000 = tpu.memref_slice %arg11[%add3A_964, %dma_wait3A_999] : memref<5024x128xf32, #tpu.memory_space<vmem_shared>> -> memref<64x128xf32, #tpu.memory_space<vmem_shared>>
      %dma_wait3A_1001 = arith.constant 0 : i32
      %dma_wait3A_1002 = arith.constant 0 : i32
      %dma_wait3A_1003 = tpu.memref_slice %arg10[%dma_wait3A_1001, %dma_wait3A_1002] : memref<64x128xf32, #tpu.memory_space<vmem>> -> memref<64x128xf32, #tpu.memory_space<vmem>>
      %dma_wait3A_1004 = arith.constant 0 : i32
      %dma_wait3A_1005 = tpu.memref_slice %arg11[%add3A_964, %dma_wait3A_1004] : memref<5024x128xf32, #tpu.memory_space<vmem_shared>> -> memref<64x128xf32, #tpu.memory_space<vmem_shared>>
      tpu.wait_dma2 semaphore(%run_scoped3A : memref<!tpu.dma_semaphore, #tpu.memory_space<semaphore_mem>>) src(%dma_wait3A_1005 : memref<64x128xf32, #tpu.memory_space<vmem_shared>>) dst(%dma_wait3A_1003 : memref<64x128xf32, #tpu.memory_space<vmem>>)
      tpu.yield
    }) : () -> ()
    %scan3A_965 = arith.constant 0 : i32
    %scan3A_966 = arith.constant 0 : i32
    %scan3A_967 = arith.constant 512 : i32
    %scan3A_968 = arith.addi %scan3A_966, %scan3A_967 : i32
    %scan3A_969 = arith.constant 1 : i32
    scf.for %scan3A_988 = %scan3A_966 to %scan3A_968 step %scan3A_969  : i32 {
      %jit3A_989 = arith.constant 8 : i32
      %div3A_990 = arith.divsi %scan3A_988, %jit3A_989 : i32
      %sign3A_991 = arith.constant 0 : i32
      %sign3A_992 = arith.cmpi sgt, %scan3A_988, %sign3A_991 : i32
      %sign3A_993 = arith.extui %sign3A_992 : i1 to i32
      %sign3A_994 = arith.constant 0 : i32
      %sign3A_995 = arith.cmpi slt, %scan3A_988, %sign3A_994 : i32
      %sign3A_996 = arith.extui %sign3A_995 : i1 to i32
      %sign3A_997 = arith.subi %sign3A_993, %sign3A_996 : i32
      %sign3A_998 = arith.constant 0 : i32
      %sign3A_999 = arith.cmpi sgt, %jit3A_989, %sign3A_998 : i32
      %sign3A_1000 = arith.extui %sign3A_999 : i1 to i32
      %sign3A_1001 = arith.constant 0 : i32
      %sign3A_1002 = arith.cmpi slt, %jit3A_989, %sign3A_1001 : i32
      %sign3A_1003 = arith.extui %sign3A_1002 : i1 to i32
      %sign3A_1004 = arith.subi %sign3A_1000, %sign3A_1003 : i32
      %ne3A_1005 = arith.cmpi ne, %sign3A_997, %sign3A_1004 : i32
      %rem3A_1006 = arith.remsi %scan3A_988, %jit3A_989 : i32
      %ne3A_1007 = arith.constant 0 : i32
      %ne3A_1008 = arith.cmpi ne, %rem3A_1006, %ne3A_1007 : i32
      %and3A_1009 = arith.andi %ne3A_1005, %ne3A_1008 : i1
      %sub3A_1010 = arith.constant 1 : i32
      %sub3A_1011 = arith.subi %div3A_990, %sub3A_1010 : i32
      %select_n3A_1012 = arith.select %and3A_1009, %sub3A_1011, %div3A_990 : i32
      %jit3A_1013 = arith.constant 8 : i32
      %eq3A_1014 = arith.constant 0 : i32
      %eq3A_1015 = arith.cmpi eq, %jit3A_1013, %eq3A_1014 : i32
      %jit3A_1016 = arith.constant 1 : i32
      %select_n3A_1017 = arith.select %eq3A_1015, %jit3A_1016, %jit3A_1013 : i32
      %rem3A_1018 = arith.remsi %scan3A_988, %select_n3A_1017 : i32
      %ne3A_1019 = arith.constant 0 : i32
      %ne3A_1020 = arith.cmpi ne, %rem3A_1018, %ne3A_1019 : i32
      %lt3A_1021 = arith.constant 0 : i32
      %lt3A_1022 = arith.cmpi slt, %rem3A_1018, %lt3A_1021 : i32
      %lt3A_1023 = arith.constant 0 : i32
      %lt3A_1024 = arith.cmpi slt, %select_n3A_1017, %lt3A_1023 : i32
      %ne3A_1025 = arith.xori %lt3A_1022, %lt3A_1024 : i1
      %and3A_1026 = arith.andi %ne3A_1025, %ne3A_1020 : i1
      %add3A_1027 = arith.addi %rem3A_1018, %select_n3A_1017 : i32
      %select_n3A_1028 = arith.select %and3A_1026, %add3A_1027, %rem3A_1018 : i32
      %mul3A_1029 = arith.constant 16 : i32
      %mul3A_1030 = arith.muli %select_n3A_1028, %mul3A_1029 : i32
      %get3A_1031 = arith.index_cast %select_n3A_1012 : i32 to index
      %get3A_1032 = arith.index_cast %mul3A_1030 : i32 to index
      %get3A_1033 = tpu.vector_load %arg10[%get3A_1031, %get3A_1032] {strides = array<i32>} : memref<64x128xf32, #tpu.memory_space<vmem>>, vector<1x16xf32>,
      %get3A_1034 = vector.shape_cast %get3A_1033 : vector<1x16xf32> to vector<16xf32>
      %mul3A_1035 = arith.constant 0.176776692 : f32
      %mul3A_1036 = vector.broadcast %mul3A_1035 : f32 to vector<16xf32>
      %mul3A_1037 = arith.mulf %get3A_1034, %mul3A_1036 : vector<16xf32>
      %jit3A_1038 = arith.constant 8 : i32
      %div3A_1039 = arith.divsi %scan3A_988, %jit3A_1038 : i32
      %sign3A_1040 = arith.constant 0 : i32
      %sign3A_1041 = arith.cmpi sgt, %scan3A_988, %sign3A_1040 : i32
      %sign3A_1042 = arith.extui %sign3A_1041 : i1 to i32
      %sign3A_1043 = arith.constant 0 : i32
      %sign3A_1044 = arith.cmpi slt, %scan3A_988, %sign3A_1043 : i32
      %sign3A_1045 = arith.extui %sign3A_1044 : i1 to i32
      %sign3A_1046 = arith.subi %sign3A_1042, %sign3A_1045 : i32
      %sign3A_1047 = arith.constant 0 : i32
      %sign3A_1048 = arith.cmpi sgt, %jit3A_1038, %sign3A_1047 : i32
      %sign3A_1049 = arith.extui %sign3A_1048 : i1 to i32
      %sign3A_1050 = arith.constant 0 : i32
      %sign3A_1051 = arith.cmpi slt, %jit3A_1038, %sign3A_1050 : i32
      %sign3A_1052 = arith.extui %sign3A_1051 : i1 to i32
      %sign3A_1053 = arith.subi %sign3A_1049, %sign3A_1052 : i32
      %ne3A_1054 = arith.cmpi ne, %sign3A_1046, %sign3A_1053 : i32
      %rem3A_1055 = arith.remsi %scan3A_988, %jit3A_1038 : i32
      %ne3A_1056 = arith.constant 0 : i32
      %ne3A_1057 = arith.cmpi ne, %rem3A_1055, %ne3A_1056 : i32
      %and3A_1058 = arith.andi %ne3A_1054, %ne3A_1057 : i1
      %sub3A_1059 = arith.constant 1 : i32
      %sub3A_1060 = arith.subi %div3A_1039, %sub3A_1059 : i32
      %select_n3A_1061 = arith.select %and3A_1058, %sub3A_1060, %div3A_1039 : i32
      %jit3A_1062 = arith.constant 8 : i32
      %eq3A_1063 = arith.constant 0 : i32
      %eq3A_1064 = arith.cmpi eq, %jit3A_1062, %eq3A_1063 : i32
      %jit3A_1065 = arith.constant 1 : i32
      %select_n3A_1066 = arith.select %eq3A_1064, %jit3A_1065, %jit3A_1062 : i32
      %rem3A_1067 = arith.remsi %scan3A_988, %select_n3A_1066 : i32
      %ne3A_1068 = arith.constant 0 : i32
      %ne3A_1069 = arith.cmpi ne, %rem3A_1067, %ne3A_1068 : i32
      %lt3A_1070 = arith.constant 0 : i32
      %lt3A_1071 = arith.cmpi slt, %rem3A_1067, %lt3A_1070 : i32
      %lt3A_1072 = arith.constant 0 : i32
      %lt3A_1073 = arith.cmpi slt, %select_n3A_1066, %lt3A_1072 : i32
      %ne3A_1074 = arith.xori %lt3A_1071, %lt3A_1073 : i1
      %and3A_1075 = arith.andi %ne3A_1074, %ne3A_1069 : i1
      %add3A_1076 = arith.addi %rem3A_1067, %select_n3A_1066 : i32
      %select_n3A_1077 = arith.select %and3A_1075, %add3A_1076, %rem3A_1067 : i32
      %mul3A_1078 = arith.constant 16 : i32
      %mul3A_1079 = arith.muli %select_n3A_1077, %mul3A_1078 : i32
      %swap3A = arith.index_cast %select_n3A_1061 : i32 to index
      %swap3A_1080 = arith.index_cast %mul3A_1079 : i32 to index
      %swap3A_1081 = tpu.vector_load %arg10[%swap3A, %swap3A_1080] {strides = array<i32>} : memref<64x128xf32, #tpu.memory_space<vmem>>, vector<1x16xf32>,
      %swap3A_1082 = vector.shape_cast %swap3A_1081 : vector<1x16xf32> to vector<16xf32>
      %swap3A_1083 = vector.shape_cast %mul3A_1037 : vector<16xf32> to vector<1x16xf32>
      tpu.vector_store %arg10[%swap3A, %swap3A_1080], %swap3A_1083 {strides = array<i32>} : memref<64x128xf32, #tpu.memory_space<vmem>>, vector<1x16xf32>,
    }
    %scan3A_970 = arith.constant 512 : i32
    %add3A_971 = arith.constant 192 : i32
    %add3A_972 = arith.addi %add3A_5, %add3A_971 : i32
    "tpu.region"() ({
      %run_scoped3A = tpu.sem_alloc : memref<!tpu.dma_semaphore, #tpu.memory_space<semaphore_mem>>
      %dma_start3A = arith.constant 0 : i32
      %dma_start3A_988 = arith.constant 0 : i32
      %dma_start3A_989 = tpu.memref_slice %arg10[%dma_start3A, %dma_start3A_988] : memref<64x128xf32, #tpu.memory_space<vmem>> -> memref<64x128xf32, #tpu.memory_space<vmem>>
      %dma_start3A_990 = arith.constant 0 : i32
      %dma_start3A_991 = tpu.memref_slice %arg5[%add3A_972, %dma_start3A_990] : memref<10000x128xf32, #tpu.memory_space<hbm>> -> memref<64x128xf32, #tpu.memory_space<hbm>>
      %dma_start3A_992 = arith.constant 0 : i32
      %dma_start3A_993 = tpu.memref_slice %arg5[%add3A_972, %dma_start3A_992] : memref<10000x128xf32, #tpu.memory_space<hbm>> -> memref<64x128xf32, #tpu.memory_space<hbm>>
      %dma_start3A_994 = arith.constant 0 : i32
      %dma_start3A_995 = arith.constant 0 : i32
      %dma_start3A_996 = tpu.memref_slice %arg10[%dma_start3A_994, %dma_start3A_995] : memref<64x128xf32, #tpu.memory_space<vmem>> -> memref<64x128xf32, #tpu.memory_space<vmem>>
      tpu.enqueue_dma source(%dma_start3A_996 : memref<64x128xf32, #tpu.memory_space<vmem>>) target(%dma_start3A_993 : memref<64x128xf32, #tpu.memory_space<hbm>>) target_semaphore(%run_scoped3A : memref<!tpu.dma_semaphore, #tpu.memory_space<semaphore_mem>>)
      %dma_wait3A = arith.constant 0 : i32
      %dma_wait3A_997 = arith.constant 0 : i32
      %dma_wait3A_998 = tpu.memref_slice %arg10[%dma_wait3A, %dma_wait3A_997] : memref<64x128xf32, #tpu.memory_space<vmem>> -> memref<64x128xf32, #tpu.memory_space<vmem>>
      %dma_wait3A_999 = arith.constant 0 : i32
      %dma_wait3A_1000 = tpu.memref_slice %arg5[%add3A_972, %dma_wait3A_999] : memref<10000x128xf32, #tpu.memory_space<hbm>> -> memref<64x128xf32, #tpu.memory_space<hbm>>
      %dma_wait3A_1001 = arith.constant 0 : i32
      %dma_wait3A_1002 = tpu.memref_slice %arg5[%add3A_972, %dma_wait3A_1001] : memref<10000x128xf32, #tpu.memory_space<hbm>> -> memref<64x128xf32, #tpu.memory_space<hbm>>
      %dma_wait3A_1003 = arith.constant 0 : i32
      %dma_wait3A_1004 = arith.constant 0 : i32
      %dma_wait3A_1005 = tpu.memref_slice %arg10[%dma_wait3A_1003, %dma_wait3A_1004] : memref<64x128xf32, #tpu.memory_space<vmem>> -> memref<64x128xf32, #tpu.memory_space<vmem>>
      tpu.wait_dma2 semaphore(%run_scoped3A : memref<!tpu.dma_semaphore, #tpu.memory_space<semaphore_mem>>) src(%dma_wait3A_1005 : memref<64x128xf32, #tpu.memory_space<vmem>>) dst(%dma_wait3A_1002 : memref<64x128xf32, #tpu.memory_space<hbm>>)
      tpu.yield
    }) : () -> ()
    %add3A_973 = arith.constant 256 : i32
    %add3A_974 = arith.addi %mul3A_60, %add3A_973 : i32
    "tpu.region"() ({
      %run_scoped3A = tpu.sem_alloc : memref<!tpu.dma_semaphore, #tpu.memory_space<semaphore_mem>>
      %dma_start3A = arith.constant 0 : i32
      %dma_start3A_988 = arith.constant 0 : i32
      %dma_start3A_989 = tpu.memref_slice %arg10[%dma_start3A, %dma_start3A_988] : memref<64x128xf32, #tpu.memory_space<vmem>> -> memref<56x128xf32, #tpu.memory_space<vmem>>
      %dma_start3A_990 = arith.constant 0 : i32
      %dma_start3A_991 = tpu.memref_slice %arg11[%add3A_974, %dma_start3A_990] : memref<5024x128xf32, #tpu.memory_space<vmem_shared>> -> memref<56x128xf32, #tpu.memory_space<vmem_shared>>
      %dma_start3A_992 = arith.constant 0 : i32
      %dma_start3A_993 = arith.constant 0 : i32
      %dma_start3A_994 = tpu.memref_slice %arg10[%dma_start3A_992, %dma_start3A_993] : memref<64x128xf32, #tpu.memory_space<vmem>> -> memref<56x128xf32, #tpu.memory_space<vmem>>
      %dma_start3A_995 = arith.constant 0 : i32
      %dma_start3A_996 = tpu.memref_slice %arg11[%add3A_974, %dma_start3A_995] : memref<5024x128xf32, #tpu.memory_space<vmem_shared>> -> memref<56x128xf32, #tpu.memory_space<vmem_shared>>
      tpu.enqueue_dma source(%dma_start3A_996 : memref<56x128xf32, #tpu.memory_space<vmem_shared>>) target(%dma_start3A_994 : memref<56x128xf32, #tpu.memory_space<vmem>>) target_semaphore(%run_scoped3A : memref<!tpu.dma_semaphore, #tpu.memory_space<semaphore_mem>>)
      %dma_wait3A = arith.constant 0 : i32
      %dma_wait3A_997 = arith.constant 0 : i32
      %dma_wait3A_998 = tpu.memref_slice %arg10[%dma_wait3A, %dma_wait3A_997] : memref<64x128xf32, #tpu.memory_space<vmem>> -> memref<56x128xf32, #tpu.memory_space<vmem>>
      %dma_wait3A_999 = arith.constant 0 : i32
      %dma_wait3A_1000 = tpu.memref_slice %arg11[%add3A_974, %dma_wait3A_999] : memref<5024x128xf32, #tpu.memory_space<vmem_shared>> -> memref<56x128xf32, #tpu.memory_space<vmem_shared>>
      %dma_wait3A_1001 = arith.constant 0 : i32
      %dma_wait3A_1002 = arith.constant 0 : i32
      %dma_wait3A_1003 = tpu.memref_slice %arg10[%dma_wait3A_1001, %dma_wait3A_1002] : memref<64x128xf32, #tpu.memory_space<vmem>> -> memref<56x128xf32, #tpu.memory_space<vmem>>
      %dma_wait3A_1004 = arith.constant 0 : i32
      %dma_wait3A_1005 = tpu.memref_slice %arg11[%add3A_974, %dma_wait3A_1004] : memref<5024x128xf32, #tpu.memory_space<vmem_shared>> -> memref<56x128xf32, #tpu.memory_space<vmem_shared>>
      tpu.wait_dma2 semaphore(%run_scoped3A : memref<!tpu.dma_semaphore, #tpu.memory_space<semaphore_mem>>) src(%dma_wait3A_1005 : memref<56x128xf32, #tpu.memory_space<vmem_shared>>) dst(%dma_wait3A_1003 : memref<56x128xf32, #tpu.memory_space<vmem>>)
      tpu.yield
    }) : () -> ()
    %scan3A_975 = arith.constant 0 : i32
    %scan3A_976 = arith.constant 0 : i32
    %scan3A_977 = arith.constant 448 : i32
    %scan3A_978 = arith.addi %scan3A_976, %scan3A_977 : i32
    %scan3A_979 = arith.constant 1 : i32
    scf.for %scan3A_988 = %scan3A_976 to %scan3A_978 step %scan3A_979  : i32 {
      %jit3A_989 = arith.constant 8 : i32
      %div3A_990 = arith.divsi %scan3A_988, %jit3A_989 : i32
      %sign3A_991 = arith.constant 0 : i32
      %sign3A_992 = arith.cmpi sgt, %scan3A_988, %sign3A_991 : i32
      %sign3A_993 = arith.extui %sign3A_992 : i1 to i32
      %sign3A_994 = arith.constant 0 : i32
      %sign3A_995 = arith.cmpi slt, %scan3A_988, %sign3A_994 : i32
      %sign3A_996 = arith.extui %sign3A_995 : i1 to i32
      %sign3A_997 = arith.subi %sign3A_993, %sign3A_996 : i32
      %sign3A_998 = arith.constant 0 : i32
      %sign3A_999 = arith.cmpi sgt, %jit3A_989, %sign3A_998 : i32
      %sign3A_1000 = arith.extui %sign3A_999 : i1 to i32
      %sign3A_1001 = arith.constant 0 : i32
      %sign3A_1002 = arith.cmpi slt, %jit3A_989, %sign3A_1001 : i32
      %sign3A_1003 = arith.extui %sign3A_1002 : i1 to i32
      %sign3A_1004 = arith.subi %sign3A_1000, %sign3A_1003 : i32
      %ne3A_1005 = arith.cmpi ne, %sign3A_997, %sign3A_1004 : i32
      %rem3A_1006 = arith.remsi %scan3A_988, %jit3A_989 : i32
      %ne3A_1007 = arith.constant 0 : i32
      %ne3A_1008 = arith.cmpi ne, %rem3A_1006, %ne3A_1007 : i32
      %and3A_1009 = arith.andi %ne3A_1005, %ne3A_1008 : i1
      %sub3A_1010 = arith.constant 1 : i32
      %sub3A_1011 = arith.subi %div3A_990, %sub3A_1010 : i32
      %select_n3A_1012 = arith.select %and3A_1009, %sub3A_1011, %div3A_990 : i32
      %jit3A_1013 = arith.constant 8 : i32
      %eq3A_1014 = arith.constant 0 : i32
      %eq3A_1015 = arith.cmpi eq, %jit3A_1013, %eq3A_1014 : i32
      %jit3A_1016 = arith.constant 1 : i32
      %select_n3A_1017 = arith.select %eq3A_1015, %jit3A_1016, %jit3A_1013 : i32
      %rem3A_1018 = arith.remsi %scan3A_988, %select_n3A_1017 : i32
      %ne3A_1019 = arith.constant 0 : i32
      %ne3A_1020 = arith.cmpi ne, %rem3A_1018, %ne3A_1019 : i32
      %lt3A_1021 = arith.constant 0 : i32
      %lt3A_1022 = arith.cmpi slt, %rem3A_1018, %lt3A_1021 : i32
      %lt3A_1023 = arith.constant 0 : i32
      %lt3A_1024 = arith.cmpi slt, %select_n3A_1017, %lt3A_1023 : i32
      %ne3A_1025 = arith.xori %lt3A_1022, %lt3A_1024 : i1
      %and3A_1026 = arith.andi %ne3A_1025, %ne3A_1020 : i1
      %add3A_1027 = arith.addi %rem3A_1018, %select_n3A_1017 : i32
      %select_n3A_1028 = arith.select %and3A_1026, %add3A_1027, %rem3A_1018 : i32
      %mul3A_1029 = arith.constant 16 : i32
      %mul3A_1030 = arith.muli %select_n3A_1028, %mul3A_1029 : i32
      %get3A_1031 = arith.index_cast %select_n3A_1012 : i32 to index
      %get3A_1032 = arith.index_cast %mul3A_1030 : i32 to index
      %get3A_1033 = tpu.vector_load %arg10[%get3A_1031, %get3A_1032] {strides = array<i32>} : memref<64x128xf32, #tpu.memory_space<vmem>>, vector<1x16xf32>,
      %get3A_1034 = vector.shape_cast %get3A_1033 : vector<1x16xf32> to vector<16xf32>
      %mul3A_1035 = arith.constant 0.176776692 : f32
      %mul3A_1036 = vector.broadcast %mul3A_1035 : f32 to vector<16xf32>
      %mul3A_1037 = arith.mulf %get3A_1034, %mul3A_1036 : vector<16xf32>
      %jit3A_1038 = arith.constant 8 : i32
      %div3A_1039 = arith.divsi %scan3A_988, %jit3A_1038 : i32
      %sign3A_1040 = arith.constant 0 : i32
      %sign3A_1041 = arith.cmpi sgt, %scan3A_988, %sign3A_1040 : i32
      %sign3A_1042 = arith.extui %sign3A_1041 : i1 to i32
      %sign3A_1043 = arith.constant 0 : i32
      %sign3A_1044 = arith.cmpi slt, %scan3A_988, %sign3A_1043 : i32
      %sign3A_1045 = arith.extui %sign3A_1044 : i1 to i32
      %sign3A_1046 = arith.subi %sign3A_1042, %sign3A_1045 : i32
      %sign3A_1047 = arith.constant 0 : i32
      %sign3A_1048 = arith.cmpi sgt, %jit3A_1038, %sign3A_1047 : i32
      %sign3A_1049 = arith.extui %sign3A_1048 : i1 to i32
      %sign3A_1050 = arith.constant 0 : i32
      %sign3A_1051 = arith.cmpi slt, %jit3A_1038, %sign3A_1050 : i32
      %sign3A_1052 = arith.extui %sign3A_1051 : i1 to i32
      %sign3A_1053 = arith.subi %sign3A_1049, %sign3A_1052 : i32
      %ne3A_1054 = arith.cmpi ne, %sign3A_1046, %sign3A_1053 : i32
      %rem3A_1055 = arith.remsi %scan3A_988, %jit3A_1038 : i32
      %ne3A_1056 = arith.constant 0 : i32
      %ne3A_1057 = arith.cmpi ne, %rem3A_1055, %ne3A_1056 : i32
      %and3A_1058 = arith.andi %ne3A_1054, %ne3A_1057 : i1
      %sub3A_1059 = arith.constant 1 : i32
      %sub3A_1060 = arith.subi %div3A_1039, %sub3A_1059 : i32
      %select_n3A_1061 = arith.select %and3A_1058, %sub3A_1060, %div3A_1039 : i32
      %jit3A_1062 = arith.constant 8 : i32
      %eq3A_1063 = arith.constant 0 : i32
      %eq3A_1064 = arith.cmpi eq, %jit3A_1062, %eq3A_1063 : i32
      %jit3A_1065 = arith.constant 1 : i32
      %select_n3A_1066 = arith.select %eq3A_1064, %jit3A_1065, %jit3A_1062 : i32
      %rem3A_1067 = arith.remsi %scan3A_988, %select_n3A_1066 : i32
      %ne3A_1068 = arith.constant 0 : i32
      %ne3A_1069 = arith.cmpi ne, %rem3A_1067, %ne3A_1068 : i32
      %lt3A_1070 = arith.constant 0 : i32
      %lt3A_1071 = arith.cmpi slt, %rem3A_1067, %lt3A_1070 : i32
      %lt3A_1072 = arith.constant 0 : i32
      %lt3A_1073 = arith.cmpi slt, %select_n3A_1066, %lt3A_1072 : i32
      %ne3A_1074 = arith.xori %lt3A_1071, %lt3A_1073 : i1
      %and3A_1075 = arith.andi %ne3A_1074, %ne3A_1069 : i1
      %add3A_1076 = arith.addi %rem3A_1067, %select_n3A_1066 : i32
      %select_n3A_1077 = arith.select %and3A_1075, %add3A_1076, %rem3A_1067 : i32
      %mul3A_1078 = arith.constant 16 : i32
      %mul3A_1079 = arith.muli %select_n3A_1077, %mul3A_1078 : i32
      %swap3A = arith.index_cast %select_n3A_1061 : i32 to index
      %swap3A_1080 = arith.index_cast %mul3A_1079 : i32 to index
      %swap3A_1081 = tpu.vector_load %arg10[%swap3A, %swap3A_1080] {strides = array<i32>} : memref<64x128xf32, #tpu.memory_space<vmem>>, vector<1x16xf32>,
      %swap3A_1082 = vector.shape_cast %swap3A_1081 : vector<1x16xf32> to vector<16xf32>
      %swap3A_1083 = vector.shape_cast %mul3A_1037 : vector<16xf32> to vector<1x16xf32>
      tpu.vector_store %arg10[%swap3A, %swap3A_1080], %swap3A_1083 {strides = array<i32>} : memref<64x128xf32, #tpu.memory_space<vmem>>, vector<1x16xf32>,
    }
    %scan3A_980 = arith.constant 448 : i32
    %add3A_981 = arith.constant 256 : i32
    %add3A_982 = arith.addi %add3A_5, %add3A_981 : i32
    "tpu.region"() ({
      %run_scoped3A = tpu.sem_alloc : memref<!tpu.dma_semaphore, #tpu.memory_space<semaphore_mem>>
      %dma_start3A = arith.constant 0 : i32
      %dma_start3A_988 = arith.constant 0 : i32
      %dma_start3A_989 = tpu.memref_slice %arg10[%dma_start3A, %dma_start3A_988] : memref<64x128xf32, #tpu.memory_space<vmem>> -> memref<56x128xf32, #tpu.memory_space<vmem>>
      %dma_start3A_990 = arith.constant 0 : i32
      %dma_start3A_991 = tpu.memref_slice %arg5[%add3A_982, %dma_start3A_990] : memref<10000x128xf32, #tpu.memory_space<hbm>> -> memref<56x128xf32, #tpu.memory_space<hbm>>
      %dma_start3A_992 = arith.constant 0 : i32
      %dma_start3A_993 = tpu.memref_slice %arg5[%add3A_982, %dma_start3A_992] : memref<10000x128xf32, #tpu.memory_space<hbm>> -> memref<56x128xf32, #tpu.memory_space<hbm>>
      %dma_start3A_994 = arith.constant 0 : i32
      %dma_start3A_995 = arith.constant 0 : i32
      %dma_start3A_996 = tpu.memref_slice %arg10[%dma_start3A_994, %dma_start3A_995] : memref<64x128xf32, #tpu.memory_space<vmem>> -> memref<56x128xf32, #tpu.memory_space<vmem>>
      tpu.enqueue_dma source(%dma_start3A_996 : memref<56x128xf32, #tpu.memory_space<vmem>>) target(%dma_start3A_993 : memref<56x128xf32, #tpu.memory_space<hbm>>) target_semaphore(%run_scoped3A : memref<!tpu.dma_semaphore, #tpu.memory_space<semaphore_mem>>)
      %dma_wait3A = arith.constant 0 : i32
      %dma_wait3A_997 = arith.constant 0 : i32
      %dma_wait3A_998 = tpu.memref_slice %arg10[%dma_wait3A, %dma_wait3A_997] : memref<64x128xf32, #tpu.memory_space<vmem>> -> memref<56x128xf32, #tpu.memory_space<vmem>>
      %dma_wait3A_999 = arith.constant 0 : i32
      %dma_wait3A_1000 = tpu.memref_slice %arg5[%add3A_982, %dma_wait3A_999] : memref<10000x128xf32, #tpu.memory_space<hbm>> -> memref<56x128xf32, #tpu.memory_space<hbm>>
      %dma_wait3A_1001 = arith.constant 0 : i32
      %dma_wait3A_1002 = tpu.memref_slice %arg5[%add3A_982, %dma_wait3A_1001] : memref<10000x128xf32, #tpu.memory_space<hbm>> -> memref<56x128xf32, #tpu.memory_space<hbm>>
      %dma_wait3A_1003 = arith.constant 0 : i32
      %dma_wait3A_1004 = arith.constant 0 : i32
      %dma_wait3A_1005 = tpu.memref_slice %arg10[%dma_wait3A_1003, %dma_wait3A_1004] : memref<64x128xf32, #tpu.memory_space<vmem>> -> memref<56x128xf32, #tpu.memory_space<vmem>>
      tpu.wait_dma2 semaphore(%run_scoped3A : memref<!tpu.dma_semaphore, #tpu.memory_space<semaphore_mem>>) src(%dma_wait3A_1005 : memref<56x128xf32, #tpu.memory_space<vmem>>) dst(%dma_wait3A_1002 : memref<56x128xf32, #tpu.memory_space<hbm>>)
      tpu.yield
    }) : () -> ()
    %eq3A_983 = arith.constant 15 : i32
    %eq3A_984 = arith.cmpi eq, %arg1, %eq3A_983 : i32
    %convert_element_type3A_985 = arith.extui %eq3A_984 : i1 to i32
    %cond3A_986 = arith.constant 0 : i32
    %cond3A_987 = arith.cmpi ne, %convert_element_type3A_985, %cond3A_986 : i32
    scf.if %cond3A_987 {
      %add3A_988 = arith.constant 312 : i32
      %add3A_989 = arith.addi %mul3A_60, %add3A_988 : i32
      "tpu.region"() ({
        %run_scoped3A = tpu.sem_alloc : memref<!tpu.dma_semaphore, #tpu.memory_space<semaphore_mem>>
        %dma_start3A = arith.constant 0 : i32
        %dma_start3A_998 = arith.constant 0 : i32
        %dma_start3A_999 = tpu.memref_slice %arg10[%dma_start3A, %dma_start3A_998] : memref<64x128xf32, #tpu.memory_space<vmem>> -> memref<8x128xf32, #tpu.memory_space<vmem>>
        %dma_start3A_1000 = arith.constant 0 : i32
        %dma_start3A_1001 = tpu.memref_slice %arg11[%add3A_989, %dma_start3A_1000] : memref<5024x128xf32, #tpu.memory_space<vmem_shared>> -> memref<8x128xf32, #tpu.memory_space<vmem_shared>>
        %dma_start3A_1002 = arith.constant 0 : i32
        %dma_start3A_1003 = arith.constant 0 : i32
        %dma_start3A_1004 = tpu.memref_slice %arg10[%dma_start3A_1002, %dma_start3A_1003] : memref<64x128xf32, #tpu.memory_space<vmem>> -> memref<8x128xf32, #tpu.memory_space<vmem>>
        %dma_start3A_1005 = arith.constant 0 : i32
        %dma_start3A_1006 = tpu.memref_slice %arg11[%add3A_989, %dma_start3A_1005] : memref<5024x128xf32, #tpu.memory_space<vmem_shared>> -> memref<8x128xf32, #tpu.memory_space<vmem_shared>>
        tpu.enqueue_dma source(%dma_start3A_1006 : memref<8x128xf32, #tpu.memory_space<vmem_shared>>) target(%dma_start3A_1004 : memref<8x128xf32, #tpu.memory_space<vmem>>) target_semaphore(%run_scoped3A : memref<!tpu.dma_semaphore, #tpu.memory_space<semaphore_mem>>)
        %dma_wait3A = arith.constant 0 : i32
        %dma_wait3A_1007 = arith.constant 0 : i32
        %dma_wait3A_1008 = tpu.memref_slice %arg10[%dma_wait3A, %dma_wait3A_1007] : memref<64x128xf32, #tpu.memory_space<vmem>> -> memref<8x128xf32, #tpu.memory_space<vmem>>
        %dma_wait3A_1009 = arith.constant 0 : i32
        %dma_wait3A_1010 = tpu.memref_slice %arg11[%add3A_989, %dma_wait3A_1009] : memref<5024x128xf32, #tpu.memory_space<vmem_shared>> -> memref<8x128xf32, #tpu.memory_space<vmem_shared>>
        %dma_wait3A_1011 = arith.constant 0 : i32
        %dma_wait3A_1012 = arith.constant 0 : i32
        %dma_wait3A_1013 = tpu.memref_slice %arg10[%dma_wait3A_1011, %dma_wait3A_1012] : memref<64x128xf32, #tpu.memory_space<vmem>> -> memref<8x128xf32, #tpu.memory_space<vmem>>
        %dma_wait3A_1014 = arith.constant 0 : i32
        %dma_wait3A_1015 = tpu.memref_slice %arg11[%add3A_989, %dma_wait3A_1014] : memref<5024x128xf32, #tpu.memory_space<vmem_shared>> -> memref<8x128xf32, #tpu.memory_space<vmem_shared>>
        tpu.wait_dma2 semaphore(%run_scoped3A : memref<!tpu.dma_semaphore, #tpu.memory_space<semaphore_mem>>) src(%dma_wait3A_1015 : memref<8x128xf32, #tpu.memory_space<vmem_shared>>) dst(%dma_wait3A_1013 : memref<8x128xf32, #tpu.memory_space<vmem>>)
        tpu.yield
      }) : () -> ()
      %scan3A_990 = arith.constant 0 : i32
      %scan3A_991 = arith.constant 0 : i32
      %scan3A_992 = arith.constant 64 : i32
      %scan3A_993 = arith.addi %scan3A_991, %scan3A_992 : i32
      %scan3A_994 = arith.constant 1 : i32
      scf.for %scan3A_998 = %scan3A_991 to %scan3A_993 step %scan3A_994  : i32 {
        %jit3A_999 = arith.constant 8 : i32
        %div3A_1000 = arith.divsi %scan3A_998, %jit3A_999 : i32
        %sign3A_1001 = arith.constant 0 : i32
        %sign3A_1002 = arith.cmpi sgt, %scan3A_998, %sign3A_1001 : i32
        %sign3A_1003 = arith.extui %sign3A_1002 : i1 to i32
        %sign3A_1004 = arith.constant 0 : i32
        %sign3A_1005 = arith.cmpi slt, %scan3A_998, %sign3A_1004 : i32
        %sign3A_1006 = arith.extui %sign3A_1005 : i1 to i32
        %sign3A_1007 = arith.subi %sign3A_1003, %sign3A_1006 : i32
        %sign3A_1008 = arith.constant 0 : i32
        %sign3A_1009 = arith.cmpi sgt, %jit3A_999, %sign3A_1008 : i32
        %sign3A_1010 = arith.extui %sign3A_1009 : i1 to i32
        %sign3A_1011 = arith.constant 0 : i32
        %sign3A_1012 = arith.cmpi slt, %jit3A_999, %sign3A_1011 : i32
        %sign3A_1013 = arith.extui %sign3A_1012 : i1 to i32
        %sign3A_1014 = arith.subi %sign3A_1010, %sign3A_1013 : i32
        %ne3A_1015 = arith.cmpi ne, %sign3A_1007, %sign3A_1014 : i32
        %rem3A_1016 = arith.remsi %scan3A_998, %jit3A_999 : i32
        %ne3A_1017 = arith.constant 0 : i32
        %ne3A_1018 = arith.cmpi ne, %rem3A_1016, %ne3A_1017 : i32
        %and3A_1019 = arith.andi %ne3A_1015, %ne3A_1018 : i1
        %sub3A_1020 = arith.constant 1 : i32
        %sub3A_1021 = arith.subi %div3A_1000, %sub3A_1020 : i32
        %select_n3A_1022 = arith.select %and3A_1019, %sub3A_1021, %div3A_1000 : i32
        %jit3A_1023 = arith.constant 8 : i32
        %eq3A_1024 = arith.constant 0 : i32
        %eq3A_1025 = arith.cmpi eq, %jit3A_1023, %eq3A_1024 : i32
        %jit3A_1026 = arith.constant 1 : i32
        %select_n3A_1027 = arith.select %eq3A_1025, %jit3A_1026, %jit3A_1023 : i32
        %rem3A_1028 = arith.remsi %scan3A_998, %select_n3A_1027 : i32
        %ne3A_1029 = arith.constant 0 : i32
        %ne3A_1030 = arith.cmpi ne, %rem3A_1028, %ne3A_1029 : i32
        %lt3A_1031 = arith.constant 0 : i32
        %lt3A_1032 = arith.cmpi slt, %rem3A_1028, %lt3A_1031 : i32
        %lt3A_1033 = arith.constant 0 : i32
        %lt3A_1034 = arith.cmpi slt, %select_n3A_1027, %lt3A_1033 : i32
        %ne3A_1035 = arith.xori %lt3A_1032, %lt3A_1034 : i1
        %and3A_1036 = arith.andi %ne3A_1035, %ne3A_1030 : i1
        %add3A_1037 = arith.addi %rem3A_1028, %select_n3A_1027 : i32
        %select_n3A_1038 = arith.select %and3A_1036, %add3A_1037, %rem3A_1028 : i32
        %mul3A_1039 = arith.constant 16 : i32
        %mul3A_1040 = arith.muli %select_n3A_1038, %mul3A_1039 : i32
        %get3A_1041 = arith.index_cast %select_n3A_1022 : i32 to index
        %get3A_1042 = arith.index_cast %mul3A_1040 : i32 to index
        %get3A_1043 = tpu.vector_load %arg10[%get3A_1041, %get3A_1042] {strides = array<i32>} : memref<64x128xf32, #tpu.memory_space<vmem>>, vector<1x16xf32>,
        %get3A_1044 = vector.shape_cast %get3A_1043 : vector<1x16xf32> to vector<16xf32>
        %mul3A_1045 = arith.constant 0.176776692 : f32
        %mul3A_1046 = vector.broadcast %mul3A_1045 : f32 to vector<16xf32>
        %mul3A_1047 = arith.mulf %get3A_1044, %mul3A_1046 : vector<16xf32>
        %jit3A_1048 = arith.constant 8 : i32
        %div3A_1049 = arith.divsi %scan3A_998, %jit3A_1048 : i32
        %sign3A_1050 = arith.constant 0 : i32
        %sign3A_1051 = arith.cmpi sgt, %scan3A_998, %sign3A_1050 : i32
        %sign3A_1052 = arith.extui %sign3A_1051 : i1 to i32
        %sign3A_1053 = arith.constant 0 : i32
        %sign3A_1054 = arith.cmpi slt, %scan3A_998, %sign3A_1053 : i32
        %sign3A_1055 = arith.extui %sign3A_1054 : i1 to i32
        %sign3A_1056 = arith.subi %sign3A_1052, %sign3A_1055 : i32
        %sign3A_1057 = arith.constant 0 : i32
        %sign3A_1058 = arith.cmpi sgt, %jit3A_1048, %sign3A_1057 : i32
        %sign3A_1059 = arith.extui %sign3A_1058 : i1 to i32
        %sign3A_1060 = arith.constant 0 : i32
        %sign3A_1061 = arith.cmpi slt, %jit3A_1048, %sign3A_1060 : i32
        %sign3A_1062 = arith.extui %sign3A_1061 : i1 to i32
        %sign3A_1063 = arith.subi %sign3A_1059, %sign3A_1062 : i32
        %ne3A_1064 = arith.cmpi ne, %sign3A_1056, %sign3A_1063 : i32
        %rem3A_1065 = arith.remsi %scan3A_998, %jit3A_1048 : i32
        %ne3A_1066 = arith.constant 0 : i32
        %ne3A_1067 = arith.cmpi ne, %rem3A_1065, %ne3A_1066 : i32
        %and3A_1068 = arith.andi %ne3A_1064, %ne3A_1067 : i1
        %sub3A_1069 = arith.constant 1 : i32
        %sub3A_1070 = arith.subi %div3A_1049, %sub3A_1069 : i32
        %select_n3A_1071 = arith.select %and3A_1068, %sub3A_1070, %div3A_1049 : i32
        %jit3A_1072 = arith.constant 8 : i32
        %eq3A_1073 = arith.constant 0 : i32
        %eq3A_1074 = arith.cmpi eq, %jit3A_1072, %eq3A_1073 : i32
        %jit3A_1075 = arith.constant 1 : i32
        %select_n3A_1076 = arith.select %eq3A_1074, %jit3A_1075, %jit3A_1072 : i32
        %rem3A_1077 = arith.remsi %scan3A_998, %select_n3A_1076 : i32
        %ne3A_1078 = arith.constant 0 : i32
        %ne3A_1079 = arith.cmpi ne, %rem3A_1077, %ne3A_1078 : i32
        %lt3A_1080 = arith.constant 0 : i32
        %lt3A_1081 = arith.cmpi slt, %rem3A_1077, %lt3A_1080 : i32
        %lt3A_1082 = arith.constant 0 : i32
        %lt3A_1083 = arith.cmpi slt, %select_n3A_1076, %lt3A_1082 : i32
        %ne3A_1084 = arith.xori %lt3A_1081, %lt3A_1083 : i1
        %and3A_1085 = arith.andi %ne3A_1084, %ne3A_1079 : i1
        %add3A_1086 = arith.addi %rem3A_1077, %select_n3A_1076 : i32
        %select_n3A_1087 = arith.select %and3A_1085, %add3A_1086, %rem3A_1077 : i32
        %mul3A_1088 = arith.constant 16 : i32
        %mul3A_1089 = arith.muli %select_n3A_1087, %mul3A_1088 : i32
        %swap3A = arith.index_cast %select_n3A_1071 : i32 to index
        %swap3A_1090 = arith.index_cast %mul3A_1089 : i32 to index
        %swap3A_1091 = tpu.vector_load %arg10[%swap3A, %swap3A_1090] {strides = array<i32>} : memref<64x128xf32, #tpu.memory_space<vmem>>, vector<1x16xf32>,
        %swap3A_1092 = vector.shape_cast %swap3A_1091 : vector<1x16xf32> to vector<16xf32>
        %swap3A_1093 = vector.shape_cast %mul3A_1047 : vector<16xf32> to vector<1x16xf32>
        tpu.vector_store %arg10[%swap3A, %swap3A_1090], %swap3A_1093 {strides = array<i32>} : memref<64x128xf32, #tpu.memory_space<vmem>>, vector<1x16xf32>,
      }
      %scan3A_995 = arith.constant 64 : i32
      %add3A_996 = arith.constant 312 : i32
      %add3A_997 = arith.addi %add3A_5, %add3A_996 : i32
      "tpu.region"() ({
        %run_scoped3A = tpu.sem_alloc : memref<!tpu.dma_semaphore, #tpu.memory_space<semaphore_mem>>
        %dma_start3A = arith.constant 0 : i32
        %dma_start3A_998 = arith.constant 0 : i32
        %dma_start3A_999 = tpu.memref_slice %arg10[%dma_start3A, %dma_start3A_998] : memref<64x128xf32, #tpu.memory_space<vmem>> -> memref<8x128xf32, #tpu.memory_space<vmem>>
        %dma_start3A_1000 = arith.constant 0 : i32
        %dma_start3A_1001 = tpu.memref_slice %arg5[%add3A_997, %dma_start3A_1000] : memref<10000x128xf32, #tpu.memory_space<hbm>> -> memref<8x128xf32, #tpu.memory_space<hbm>>
        %dma_start3A_1002 = arith.constant 0 : i32
        %dma_start3A_1003 = tpu.memref_slice %arg5[%add3A_997, %dma_start3A_1002] : memref<10000x128xf32, #tpu.memory_space<hbm>> -> memref<8x128xf32, #tpu.memory_space<hbm>>
        %dma_start3A_1004 = arith.constant 0 : i32
        %dma_start3A_1005 = arith.constant 0 : i32
        %dma_start3A_1006 = tpu.memref_slice %arg10[%dma_start3A_1004, %dma_start3A_1005] : memref<64x128xf32, #tpu.memory_space<vmem>> -> memref<8x128xf32, #tpu.memory_space<vmem>>
        tpu.enqueue_dma source(%dma_start3A_1006 : memref<8x128xf32, #tpu.memory_space<vmem>>) target(%dma_start3A_1003 : memref<8x128xf32, #tpu.memory_space<hbm>>) target_semaphore(%run_scoped3A : memref<!tpu.dma_semaphore, #tpu.memory_space<semaphore_mem>>)
        %dma_wait3A = arith.constant 0 : i32
        %dma_wait3A_1007 = arith.constant 0 : i32
        %dma_wait3A_1008 = tpu.memref_slice %arg10[%dma_wait3A, %dma_wait3A_1007] : memref<64x128xf32, #tpu.memory_space<vmem>> -> memref<8x128xf32, #tpu.memory_space<vmem>>
        %dma_wait3A_1009 = arith.constant 0 : i32
        %dma_wait3A_1010 = tpu.memref_slice %arg5[%add3A_997, %dma_wait3A_1009] : memref<10000x128xf32, #tpu.memory_space<hbm>> -> memref<8x128xf32, #tpu.memory_space<hbm>>
        %dma_wait3A_1011 = arith.constant 0 : i32
        %dma_wait3A_1012 = tpu.memref_slice %arg5[%add3A_997, %dma_wait3A_1011] : memref<10000x128xf32, #tpu.memory_space<hbm>> -> memref<8x128xf32, #tpu.memory_space<hbm>>
        %dma_wait3A_1013 = arith.constant 0 : i32
        %dma_wait3A_1014 = arith.constant 0 : i32
        %dma_wait3A_1015 = tpu.memref_slice %arg10[%dma_wait3A_1013, %dma_wait3A_1014] : memref<64x128xf32, #tpu.memory_space<vmem>> -> memref<8x128xf32, #tpu.memory_space<vmem>>
        tpu.wait_dma2 semaphore(%run_scoped3A : memref<!tpu.dma_semaphore, #tpu.memory_space<semaphore_mem>>) src(%dma_wait3A_1015 : memref<8x128xf32, #tpu.memory_space<vmem>>) dst(%dma_wait3A_1012 : memref<8x128xf32, #tpu.memory_space<hbm>>)
        tpu.yield
      }) : () -> ()
    } else {
    }
    return
  }
}

</mosaic_0001>

<sc_bundles>
// kernel: kernel.3.cloned.1.call-start
scs
__scs_entry_jumppad:
0x0: {  	(pc) =	sbr.rel $0x88, $3  }
0x1: {  	(tag) =	ssettag $0x0;
	lr =	simm.s32 $0x1  }
0x2: {  	[smem:$0x3F9F] =	sst lr;
	_ =	strace $0xD0000000  }
0x3: {  	_ = 	snop  }
0x4: {  	_ = 	snop  }
0x5: {  	_ = 	snop  }
0x6: {  	_ = 	snop  }
0x7: {  	_ = 	snop  }
__scs_overlays_trampoline_lowered:
0x8: {  	[smem:$0x3FAE] =	sst s0  }
0x9: {  	[smem:$0x3FAF] =	sst s1  }
0xa: {  	[smem:$0x3FB0] =	sst s2  }
0xb: {  	[smem:$0x3FB1] =	sst s3  }
0xc: {  	[smem:$0x3FB2] =	sst s4  }
0xd: {  	[smem:$0x3FB3] =	sst s5  }
0xe: {  	[smem:$0x3FB4] =	sst s6  }
0xf: {  	[smem:$0x3FB5] =	sst s7  }
0x10: {  	[smem:$0x3FB6] =	sst s8  }
0x11: {  	[smem:$0x3FB7] =	sst s9;
	s0 =	simm.s32 @!p0 $0x0  }
0x12: {  	s1 =	sld [smem:$0x3F9D];
	s0 =	simm.s32 @p0 $0x1  }
0x13: {  	[smem:$0x3FB8] =	sst s0;
	s0 =	simm.s32 @!p1 $0x0  }
0x14: {  	s2 =	sld [smem:$0x3F9C];
	s0 =	simm.s32 @p1 $0x1  }
0x15: {  	[smem:$0x3FB9] =	sst s0;
	s0 =	simm.s32 @!p2 $0x0  }
0x16: {  	s3 =	sld [smem:$0x3FDB];
	s0 =	simm.s32 @p2 $0x1  }
0x17: {  	s4 =	simm.s32 $0x1BF5;
	[smem:$0x3FBB] =	sst s0  }
0x18: {  	s0 =	sld [smem:$0x3F9E];
	_ =	swait.ge [sflag:s4], $0x0  }
0x19: {  	s7 =	sld [smem:$0x3F9F]  }
0x1a: {  	s8 =	sadd.s32 $0xFFFFE003, lr  }
0x1b: {  	s9 =	sadd.s32 $0xFFFFFEF7, lr;
	s5 =	simm.s32 $0xFFFFFFFF;
	p2 =	slt.u32 s8, $0xFFFFF086  }
0x1c: {  	p1 =	slt.u32 s9, $0xF7A;
	s5 =	simm.s32 @!p2 $0x0  }
0x1d: {  	s5 =	simm.s32 @p1 $0x1;
	p0 =	seq.s32 s7, s2  }
0x1e: {  	s7 =	smul.u32 @!p0 $0xF7A, s2;
	p2 =	seq.s32 @!p0 s5, $0x0  }
0x1f: {  	s9 =	smul.u32 $0xF7A, s1;
	s8 =	simm.s32 @!p0 $0x1BF5;
	p2 =	por !p2, p0  }
0x20: {  	[sflag:s8] =	ssyncset.s32 @!p0 $0xFFFFF086;
	s6 =	sadd.s32 @!p0 s3, s7;
	s7 =	simm.s32 @!p0 $0x108  }
0x21: {  	s3 =	sadd.s32 s3, s9;
	s6 =	sadd.s32 @!p0 $0x88, s6;
	s7 =	simm.s32 @p2 $0x1082  }
0x22: {  	[simem:s7], [sflag:s8] =	dma.local @!p0 [hbm:s6], $0xF7A  }
0x23: {  	s9 =	sor.u32 $0xD0000000, s2;
	s6 =	simm.s32 $0x108;
	_ =	swait.ge @!p0 [sflag:s8], $0x0  }
0x24: {  	s3 =	sadd.s32 $0x88, s3;
	s6 =	simm.s32 @!p1 $0x1082;
	[sflag:s4] =	ssyncset.s32 $0xFFFFF086  }
0x25: {  	[simem:s6], [sflag:s4] =	dma.local [hbm:s3], $0xF7A  }
0x26: {  	[smem:$0x3F9F] =	sst s1;
	(tag) =	ssettag s2;
	_ =	strace s9  }
0x27: {  	s1 =	sld [smem:$0x3FAF]  }
0x28: {  	s2 =	sld [smem:$0x3FB0]  }
0x29: {  	s4 =	sld [smem:$0x3FB2]  }
0x2a: {  	p0 =	seq.s32 s5, $0x0;
	s5 =	sld [smem:$0x3FB3]  }
0x2b: {  	s6 =	sld [smem:$0x3FB4]  }
0x2c: {  	s7 =	sld [smem:$0x3FB5]  }
0x2d: {  	s3 =	simm.s32 $0x108;
	s8 =	sld [smem:$0x3FB6]  }
0x2e: {  	s3 =	simm.s32 @!p0 $0x1082;
	s9 =	sld [smem:$0x3FB7]  }
0x2f: {  	lr =	sadd.s32 s0, s3;
	s0 =	sld [smem:$0x3FAE]  }
0x30: {  	s3 =	sld [smem:$0x3FB1]  }
0x31: {  	[smem:$0x3FBA] =	sst s10  }
0x32: {  	s10 =	sld [smem:$0x3FB8];
	_ =	sdelay $0x3  }
0x33: {  	p0 =	seq.s32 s10, $0x1;
	s10 =	sld [smem:$0x3FBA];
	_ =	sdelay $0x3  }
0x34: {  	[smem:$0x3FBA] =	sst s10  }
0x35: {  	s10 =	sld [smem:$0x3FB9];
	_ =	sdelay $0x3  }
0x36: {  	p1 =	seq.s32 s10, $0x1;
	s10 =	sld [smem:$0x3FBA];
	_ =	sdelay $0x3  }
0x37: {  	[smem:$0x3FBA] =	sst s10  }
0x38: {  	s10 =	sld [smem:$0x3FBB]  }
0x39: {  	_ = 	snop;
	(pc) =	sbr.ind lr, $3  }
0x3a: {  	_ = 	snop  }
0x3b: {  	_ = 	snop  }
0x3c: {  	p2 =	seq.s32 s10, $0x1;
	s10 =	sld [smem:$0x3FBA]  }
0x3d: {  	_ =	shalt  }
0x3e: {  	_ =	shalt  }
0x3f: {  	_ =	shalt  }
0x40: {  	_ =	shalt  }
0x41: {  	_ =	shalt  }
0x42: {  	_ =	shalt  }
0x43: {  	_ =	shalt  }
0x44: {  	_ =	shalt  }
0x45: {  	_ =	shalt  }
0x46: {  	_ =	shalt  }
0x47: {  	_ =	shalt  }
0x48: {  	_ =	shalt  }
0x49: {  	_ =	shalt  }
0x4a: {  	_ =	shalt  }
0x4b: {  	_ =	shalt  }
0x4c: {  	_ =	shalt  }
0x4d: {  	_ =	shalt  }
0x4e: {  	_ =	shalt  }
0x4f: {  	_ =	shalt  }
0x50: {  	_ =	shalt  }
0x51: {  	_ =	shalt  }
0x52: {  	_ =	shalt  }
0x53: {  	_ =	shalt  }
0x54: {  	_ =	shalt  }
0x55: {  	_ =	shalt  }
0x56: {  	_ =	shalt  }
0x57: {  	_ =	shalt  }
0x58: {  	_ =	shalt  }
0x59: {  	_ =	shalt  }
0x5a: {  	_ =	shalt  }
0x5b: {  	_ =	shalt  }
0x5c: {  	_ =	shalt  }
0x5d: {  	_ =	shalt  }
0x5e: {  	_ =	shalt  }
0x5f: {  	_ =	shalt  }
0x60: {  	_ =	shalt  }
0x61: {  	_ =	shalt  }
0x62: {  	_ =	shalt  }
0x63: {  	_ =	shalt  }
0x64: {  	_ =	shalt  }
0x65: {  	_ =	shalt  }
0x66: {  	_ =	shalt  }
0x67: {  	_ =	shalt  }
0x68: {  	_ =	shalt  }
0x69: {  	_ =	shalt  }
0x6a: {  	_ =	shalt  }
0x6b: {  	_ =	shalt  }
0x6c: {  	_ =	shalt  }
0x6d: {  	_ =	shalt  }
0x6e: {  	_ =	shalt  }
0x6f: {  	_ =	shalt  }
0x70: {  	_ =	shalt  }
0x71: {  	_ =	shalt  }
0x72: {  	_ =	shalt  }
0x73: {  	_ =	shalt  }
0x74: {  	_ =	shalt  }
0x75: {  	_ =	shalt  }
0x76: {  	_ =	shalt  }
0x77: {  	_ =	shalt  }
0x78: {  	_ =	shalt  }
0x79: {  	_ =	shalt  }
0x7a: {  	_ =	shalt  }
0x7b: {  	_ =	shalt  }
0x7c: {  	_ =	shalt  }
0x7d: {  	_ =	shalt  }
0x7e: {  	_ =	shalt  }
0x7f: {  	_ =	shalt  }
0x80: {  	_ =	shalt  }
0x81: {  	_ =	shalt  }
0x82: {  	_ =	shalt  }
0x83: {  	_ =	shalt  }
0x84: {  	_ =	shalt  }
0x85: {  	_ =	shalt  }
0x86: {  	_ =	shalt  }
0x87: {  	_ =	shalt  }
.Lfunc_end0:
.L_simem_size_0:
called_computation_lowered:
.L_overlay_start_0:
0x88: {  	s2 =	sld [smem:$0x3FD9]  }
0x89: {  	s3 =	sld [smem:$0x3FFE];
	_ =	sdelay $0x1  }
0x8a: {  	s1 =	srdreg.scid  }
0x8b: {  	s0 =	sand.u32 $0x1, s1  }
0x8c: {  	s17 =	sshll.u32 s0, $0xA;
	s2 =	sadd.s32 s3, s2  }
0x8d: {  	s2 =	sadd.s32 s2, s17  }
0x8e: {  	[smem:$0x3FC6] =	sst s2  }
0x8f: {  	_ = 	snop  }
0x90: {  	s2 =	sld [smem:$0x3FC9]  }
0x91: {  	s18 =	sld [smem:$0x3FC8]  }
0x92: {  	s4 =	sld [smem:$0x3FD0];
	(tm) =	ssettm $0x1  }
0x93: {  	s5 =	sld [smem:$0x3FFB];
	_ =	sdelay $0x3  }
0x94: {  	_ =	strace s5  }
0x95: {  	s5 =	sld [smem:$0x3FFC];
	_ =	sdelay $0x3  }
0x96: {  	_ =	strace s5  }
0x97: {  	s5 =	sld [smem:$0x3FFD];
	_ =	sdelay $0x3  }
0x98: {  	_ =	strace s5  }
0x99: {  	_ =	strace $0x8FFFFFFF  }
0x9a: {  	s19 =	sld [smem:$0x3FDB];
	_ =	sdelay $0x1  }
0x9b: {  	s6 =	simm.s32 $_scs_section_size  }
0x9c: {  	s7 =	simm.s32 $_size__tile_overlayer_lowered;
	s8 =	simm.s32 $_tile_overlayer_lowered  }
0x9d: {  	s22 =	simm.s32 $0x1BFF;
	s21 =	sshll.u32 s8, $0x1;
	s5 =	sadd.s32 s6, s19  }
0x9e: {  	s9 =	simm.s32 $0x0;
	s20 =	sshll.u32 s7, $0x1;
	s7 =	sadd.s32 s21, s5  }
0x9f: {  	[timem:s9], [sflag:s22] =	dma.local [hbm:s7], s20  }
0xa0: {  	_ =	swait.ge [sflag:s22], s20  }
0xa1: {  	s6 =	ssub.s32 $0x0, s20;
	[sflag:s22] =	ssyncset.done $0x0  }
0xa2: {  	[sflag:s22] =	ssyncadd.s32 s6;
	_ =	sdelay $0x1  }
0xa3: {  	s23 =	simm.s32 $0x1B8B  }
0xa4: {  	_ =	swait.ge [sflag:s23], $0x1  }
0xa5: {  	[sflag:s23] =	ssyncset.done $0x0  }
0xa6: {  	s25 =	simm.s32 $0x1B8E;
	s24 =	sld [smem:$0x3FFE];
	[sflag:s23] =	ssyncadd.s32 $0xFFFFFFFF  }
0xa7: {  	s26 =	simm.s32 $execute0_lowered;
	[smem:$0x3FD2] =	sst s25  }
0xa8: {  	s7 =	sshll.u32 s26, $0x1;
	_ =	strace $0x80000046;
	[dreg:$0x1] =	wrdreg $0xFFFFFFFF  }
0xa9: {  	s28 =	simm.s32 $_size_execute0_lowered;
	s5 =	sadd.s32 s5, s7;
	[dreg:$0x0] =	wrdreg $0x0  }
0xaa: {  	s7 =	sshll.u32 s28, $0x1;
	[dreg:$0x2] =	wrdreg s5  }
0xab: {  	[dreg:$0x3] =	wrdreg s7  }
0xac: {  	[dreg:$0x4] =	wrdreg $0xC0  }
0xad: {  	_ =	task [dreg:s9], $0x5FFFF  }
0xae: {  	[dreg:$0x1] =	wrdreg $0xFFFFFFFF  }
0xaf: {  	[dreg:$0x0] =	wrdreg $0x60  }
0xb0: {  	[dreg:$0x2] =	wrdreg s2  }
0xb1: {  	[dreg:$0x3] =	wrdreg s18  }
0xb2: {  	[dreg:$0x4] =	wrdreg s24  }
0xb3: {  	[dreg:$0x5] =	wrdreg s4  }
0xb4: {  	[dreg:$0x6] =	wrdreg $0x125000  }
0xb5: {  	[dreg:$0x7] =	wrdreg $0x9  }
0xb6: {  	_ =	task.clear_ibuf [dreg:s9], $0x8FFFF;
	_ =	strace $0x90000046  }
0xb7: {  	s29 =	simm.s32 $0x9;
	_ =	strace $0x80000048  }
0xb8: {  	_ =	swait.ge [sflag:s29], $0x1  }
0xb9: {  	[sflag:s29] =	ssyncadd.s32 $0xFFFFFFFF  }
0xba: {  	_ =	strace $0x90000048  }
0xbb: {  	_ =	sfence  }
0xbc: {  	s30 =	sld [smem:$0x0];
	_ =	sdelay $0x2  }
0xbd: {  	s31 =	sshll.u32 s1, $0xD;
	s1 =	sshrl.u32 s1, $0x2  }
0xbe: {  	s3 =	sand.u32 $0x4000, s31;
	s1 =	sadd.s32 s1, s30  }
0xbf: {  	s0 =	sor.u32 s3, s0;
	s1 =	sshll.u32 s1, $0x11  }
0xc0: {  	s0 =	sor.u32 s1, s0  }
0xc1: {  	s0 =	sadd.s32 $0x8F2B, s0  }
0xc2: {  	[sflag:s0] =	ssyncadd.remote.s32 $0x1  }
0xc3: {  	_ =	sfence.sel $0xFFFF  }
0xc4: {  	[dreg:$0x0] =	wrdreg $0xFFFFFFFF;
	(pc) =	sbr.abs _section_cstart, $3  }
0xc5: {  	[dreg:$0x1] =	wrdreg $0xFFFFFFFF  }
0xc6: {  	_ =	task.clear_ibuf [dreg:s9], $0x2FFFF;
	_ =	strace $0x9FFFFFFF  }
0xc7: {  	(tm) =	ssettm $0x7FFFFFFF  }
tec
execute0_lowered:
.L_overlay_start_1:
0x0: {  	(tag) =	ssettag $0x1  }
0x1: {  	s1 =	rddreg [dreg:$0x0]  }
0x2: {  	s2 =	rddreg [dreg:$0x1]  }
0x3: {  	s0 =	rddreg [dreg:$0x2]  }
0x4: {  	s4 =	rddreg [dreg:$0x3]  }
0x5: {  	s3 =	rddreg [dreg:$0x4];
	s5 =	srdreg.scid  }
0x6: {  	s23 =	simm.s32 $0x0;
	s11 =	stileid.u32;
	s29 =	simm.s32 $0x10500  }
0x7: {  	s14 =	simm.s32 $0x500;
	s28 =	simm.s32 $0x2;
	s31 =	simm.s32 $0x3  }
0x8: {  	s18 =	simm.s32 $0x4;
	s15 =	simm.s32 $0x5;
	s8 =	smul.u32 $0x27000, s11  }
0x9: {  	s5 =	sand.u32 $0x1, s5;
	[smem:$0x7FF] =	sst s23;
	s10 =	smul.u32 $0x138, s11  }
0xa: {  	s0 =	sadd.s32 $0x800, s0;
	s6 =	smul.u32 $0x1388, s5;
	s7 =	ssub.s32 $0x2, s5  }
0xb: {  	_ =	strace $0x80000047;
	[dreg:$0x6] =	wrdreg s0;
	s9 =	sshrl.u32 s7, $0x1  }
0xc: {  	s26 =	sshrl.u32 s8, $0x2;
	s30 =	sadd.s32 s10, s6;
	s10 =	sadd.s32 $0x9C000, s3  }
0xd: {  	s19 =	ssub.s32 s7, s9;
	s13 =	sadd.s32 s26, s3;
	[dreg:$0xd] =	wrdreg s10  }
0xe: {  	s12 =	sadd.s32 $0x1388, s11;
	s0 =	smax.u32 s19, $0x1;
	[dreg:$0x7] =	wrdreg s13  }
0xf: {  	p3 =	sne.s32 s11, $0xF;
	s25 =	sadd.s32 $0x8000, s13;
	[dreg:$0x13] =	wrdreg s0  }
0x10: {  	s5 =	sshll.u32 s5, $0x6;
	s16 =	sadd.s32 $0x2000, s13;
	[dreg:$0xb] =	wrdreg s25  }
0x11: {  	s8 =	simm.s32 $0xA;
	s17 =	sadd.s32 $0x4000, s13;
	[dreg:$0x8] =	wrdreg s16  }
0x12: {  	s9 =	sshll.u32 s30, $0x4;
	s24 =	sadd.s32 $0x6000, s13;
	[dreg:$0x9] =	wrdreg s17  }
0x13: {  	s30 =	sshrl.u32 s5, $0x2;
	s7 =	sadd.s32 s4, s9;
	[dreg:$0xa] =	wrdreg s24  }
0x14: {  	v0 =	vmov s6;
	s6 =	simm.s32 $0x0;
	s0 =	sadd.s32 s30, s11;
	[dreg:$0xc] =	wrdreg s7  }
0x15: {  	s19 =	simm.s32 $0x9;
	s20 =	sadd.s32 $0x400, s7;
	[dreg:$0x14] =	wrdreg s0  }
0x16: {  	s5 =	simm.s32 $0x8;
	s21 =	sadd.s32 $0x800, s7;
	[dreg:$0xe] =	wrdreg s20  }
0x17: {  	s9 =	simm.s32 $0x7;
	s22 =	sadd.s32 $0xC00, s7;
	[dreg:$0xf] =	wrdreg s21  }
.Ltmp0:
0x18: {  	s26 =	sadd.s32 $0x1000, s7;
	[dreg:$0x10] =	wrdreg s22;
	(pc) =	sbr.rel .LBB2_1-.Ltmp0, $4  }
0x19: {  	s4 =	simm.s32 @!p3 $0x0;
	s7 =	sadd.s32 $0x1380, s7;
	[dreg:$0x11] =	wrdreg s26  }
0x1a: {  	s0 =	simm.s32 $0xC;
	s4 =	simm.s32 @p3 $0x1;
	[dreg:$0x12] =	wrdreg s7  }
0x1b: {  	s20 =	simm.s32 $0x11;
	s22 =	simm.s32 $0x1;
	s26 =	simm.s32 $0x40  }
0x1c: {  	v2 =	vimm.f32 $0.0e+00;
	v3 =	vlaneseq.u32;
	v1 =	vmov s12;
	s21 =	simm.s32 $0x6;
	s7 =	simm.s32 $0xB;
	[smem:$0x7FD] =	sst s4  }
.LBB2_40:
0x1d: {  	s4 =	sand.u32 $0x70, s11;
	s10 =	sshrl.u32 s12, $0x2  }
0x1e: {  	[tilespmem:s6+$0x10500] =	vst v4;
	s4 =	sor.u32 s4, s10  }
0x1f: {  	v4 =	vld [tilespmem:s4+$0x10500];
	_ =	sdelay $0x4  }
0x20: {  	v4 =	vmul.f32 $1.767766920e-01, v4;
	_ =	sdelay $0x1  }
0x21: {  	s30 =	rddreg [dreg:$0x12];
	[tilespmem:s4+$0x10500] =	vst v4  }
0x22: {  	[hbm4b:s30+s23] =	stream.linear.scatter [tilespmem:s29], [sflag:$0x11], $0x400, $0x38;
	[tilespmem:$0x1C200] =	vst v63  }
0x23: {  	_ =	swait.ge [sflag:s20], $0x400  }
0x24: {  	[sflag:s20] =	ssyncset.done $0x0  }
0x25: {  	s6 =	rddreg [dreg:$0x15];
	[sflag:s20] =	ssyncadd.s32 $0xFFFFFC00  }
.LBB2_41:
0x26: {  	s6 =	sadd.s32 $0x1, s6;
	s4 =	rddreg [dreg:$0x13]  }
0x27: {  	p0 =	sne.s32 s6, s4  }
.Ltmp1:
0x28: {  	_ = 	snop;
	(pc) =	sbr.rel @!p0 .LBB2_42-.Ltmp1, $1  }
0x29: {  	_ =	sdelay $0x3  }
.LBB2_1:
0x2a: {  	[dreg:$0x15] =	wrdreg s6  }
0x2b: {  	s4 =	rddreg [dreg:$0x6]  }
0x2c: {  	[tilespmem:s23], [sflag:$0x11] =	stream.linear.gather [hbm4b:s4+s23], $0x80, $0x38;
	[tilespmem:$0x1C200] =	vst v63  }
0x2d: {  	_ =	swait.ge [sflag:s20], $0x80  }
0x2e: {  	s12 =	sand.u32 $0x7E00, s23;
	s10 =	sand.u32 $0x70, s23;
	[sflag:s20] =	ssyncset.done $0x0  }
0x2f: {  	s11 =	sshrl.u32 s12, $0x2;
	s30 =	rddreg [dreg:$0x14];
	[sflag:s20] =	ssyncadd.s32 $0xFFFFFF80  }
0x30: {  	s6 =	simm.s32 $0x40;
	s11 =	sor.u32 s10, s11;
	s10 =	simm.s32 $0x0;
	v5 =	vld [tilespmem:s30+$0x0]  }
.LBB2_2:
0x31: {  	p1 =	sne.s32 s6, $0x7FC0  }
0x32: {  	[tilespmem:s11+$0x10500] =	vst v2;
	s10 =	sadd.s32 $0x10, s10;
	s11 =	smov.u32 s6;
	s6 =	sadd.s32 $0x40, s6  }
.Ltmp2:
0x33: {  	(pc) =	sbr.rel @p1 .LBB2_2-.Ltmp2, $4  }
0x34: {  	_ = 	snop  }
0x35: {  	s11 =	sand.u32 $0x7E00, s11  }
0x36: {  	s12 =	sand.u32 $0x70, s10;
	s11 =	sshrl.u32 s11, $0x2  }
0x37: {  	s11 =	sor.u32 s12, s11  }
0x38: {  	(v2sf) =	vpush v5, $0x0  }
0x39: {  	(v2sf) =	vpush v5, $0x1;
	_ =	sdelay $0xb  }
0x3a: {  	[tilespmem:s11+$0x10500] =	vst v2  }
0x3b: {  	[spmem:s13] =	stream.linear.scatter [tilespmem:s29], [sflag:$0x11], $0x2000, $0x38;
	[tilespmem:$0x1C200] =	vst v63  }
0x3c: {  	s6 =	spop (v2sf)  }
0x3d: {  	s11 =	simm.s32 $0x1;
	s4 =	spop (v2sf)  }
0x3e: {  	s10 =	sshra.s32 s6, $0x1F;
	s13 =	sand.u32 $0x3F, s6;
	_ =	swait.ge [sflag:s20], $0x2000  }
0x3f: {  	p1 =	slt.s32 s6, $0x1;
	p2 =	sne.s32 s13, $0x0;
	[sflag:s20] =	ssyncset.done $0x0  }
0x40: {  	s10 =	sshrl.u32 s10, $0x1A;
	p1 =	por !p1, !p2;
	[sflag:s20] =	ssyncadd.s32 $0xFFFFE000  }
0x41: {  	[spmem:s16] =	stream.linear.scatter [tilespmem:s29], [sflag:$0x11], $0x2000, $0x38;
	[tilespmem:$0x1C200] =	vst v63  }
0x42: {  	s10 =	sadd.s32 s10, s6;
	p5 =	por !p1, !p1;
	_ =	swait.ge [sflag:s20], $0x2000  }
0x43: {  	s16 =	sshra.s32 s10, $0x6;
	s11 =	simm.s32 @!p5 $0x0;
	[sflag:s20] =	ssyncset.done $0x0  }
0x44: {  	s30 =	ssub.s32 s16, s11;
	[sflag:s20] =	ssyncadd.s32 $0xFFFFE000  }
0x45: {  	[spmem:s17] =	stream.linear.scatter [tilespmem:s29], [sflag:$0x11], $0x2000, $0x38;
	[tilespmem:$0x1C200] =	vst v63  }
0x46: {  	s12 =	simm.s32 $0x1;
	s10 =	sshll.u32 s30, $0x6;
	_ =	swait.ge [sflag:s20], $0x2000  }
0x47: {  	s11 =	ssub.s32 s4, s10;
	p1 =	sne.s32 s4, s10;
	[sflag:s20] =	ssyncset.done $0x0  }
0x48: {  	s13 =	sshra.s32 s11, $0x1F;
	s12 =	simm.s32 @!p1 $0x0;
	[sflag:s20] =	ssyncadd.s32 $0xFFFFE000  }
0x49: {  	[spmem:s24] =	stream.linear.scatter [tilespmem:s29], [sflag:$0x11], $0x2000, $0x38;
	[tilespmem:$0x1C200] =	vst v63  }
0x4a: {  	s12 =	sor.u32 s12, s13;
	s24 =	sand.u32 $0x3F, s4;
	_ =	swait.ge [sflag:s20], $0x2000  }
0x4b: {  	p4 =	sne.s32 s12, $0x1;
	p6 =	sne.s32 s24, $0x0;
	[sflag:s20] =	ssyncset.done $0x0  }
0x4c: {  	s12 =	simm.s32 $0x1;
	p1 =	por !p6, !p4;
	[sflag:s20] =	ssyncadd.s32 $0xFFFFE000  }
0x4d: {  	[spmem:s25] =	stream.linear.scatter [tilespmem:s29], [sflag:$0x11], $0x1C00, $0x38;
	[tilespmem:$0x1C200] =	vst v63  }
0x4e: {  	[dreg:$0x16] =	wrdreg s4;
	p1 =	por !p1, !p1;
	s29 =	sshrl.u32 s13, $0x1A  }
0x4f: {  	s13 =	simm.s32 @!p3 $0x10500;
	_ =	swait.ge [sflag:s20], $0x1C00;
	s11 =	sadd.s32 s29, s11  }
0x50: {  	s12 =	simm.s32 @!p1 $0x0;
	[sflag:s20] =	ssyncset.done $0x0;
	s11 =	sshra.s32 s11, $0x6  }
0x51: {  	s4 =	rddreg [dreg:$0xd];
	[sflag:s20] =	ssyncadd.s32 $0xFFFFE400;
	s17 =	ssub.s32 s11, s12  }
0x52: {  	[spmem:s4] =	stream.linear.scatter @!p3 [tilespmem:s13], [sflag:$0x11], $0x400, $0x38;
	[tilespmem:$0x1C200] =	vst v63  }
0x53: {  	p1 =	slt.s32 s17, $0x1  }
.Ltmp3:
0x54: {  	_ = 	snop;
	(pc) =	sbr.rel @p1 .LBB2_4-.Ltmp3, $4  }
0x55: {  	s13 =	simm.s32 @!p3 $0x11  }
0x56: {  	_ =	swait.ge @!p3 [sflag:s13], $0x400  }
0x57: {  	[sflag:s13] =	ssyncset.done @!p3 $0x0  }
0x58: {  	[dreg:$0x17] =	wrdreg s30;
	[sflag:s13] =	ssyncadd.s32 @!p3 $0xFFFFFC00  }
0x59: {  	s11 =	sshrl.u32 s10, $0x3  }
0x5a: {  	s4 =	simm.s32 $0x80;
	s30 =	sshll.u32 s30, $0xA;
	s11 =	sadd.s32 s2, s11  }
0x5b: {  	[tilespmem:s4], [sflag:$0x1] =	stream.linear.gather [hbm4b:s11+s23], $0x40, $0x38;
	[tilespmem:$0x1C200] =	vst v63  }
0x5c: {  	s11 =	sand.u32 $0x1FFFFC00, s30;
	s4 =	simm.s32 @!p5 $0x0  }
0x5d: {  	s11 =	sadd.s32 s1, s11;
	s4 =	simm.s32 @p5 $0x1;
	p5 =	seq.s32 s17, $0x1  }
0x5e: {  	[tilespmem:s14], [sflag:$0x1] =	stream.linear.gather [hbm4b:s11+s23], $0x2000, $0x38;
	[tilespmem:$0x1C200] =	vst v63  }
0x5f: {  	[smem:$0x7FC] =	sst s4;
	s11 =	sadd.s32 @!p5 $0x40, s10  }
0x60: {  	s13 =	simm.s32 @!p5 $0x0;
	s24 =	simm.s32 @!p5 $0x100;
	p1 =	slt.u32 @!p5 s17, $0x3  }
0x61: {  	s12 =	sshrl.u32 @!p5 s11, $0x3;
	s11 =	sshll.u32 @!p5 s11, $0x4;
	p2 =	por p1, p5  }
0x62: {  	s12 =	sadd.s32 @!p5 s2, s12;
	s11 =	sadd.s32 @!p5 s1, s11;
	p3 =	seq.s32 @!p2 s17, $0x3  }
0x63: {  	[tilespmem:s24], [sflag:$0x2] =	stream.linear.gather @!p5 [hbm4b:s12+s13], $0x40, $0x38;
	[tilespmem:$0x1C200] =	vst v63  }
0x64: {  	s12 =	simm.s32 @!p5 $0x2500;
	s24 =	simm.s32 @!p2 $0x180;
	p6 =	por @!p5 p3, p1  }
0x65: {  	p3 =	por @!p5 !p3, p1;
	p1 =	por !p1, p5;
	p0 =	por p6, p5  }
0x66: {  	[tilespmem:s12], [sflag:$0x2] =	stream.linear.gather @!p5 [hbm4b:s11+s13], $0x2000, $0x38;
	[tilespmem:$0x1C200] =	vst v63  }
0x67: {  	p6 =	por @!p2 $0x1, $0x1;
	p3 =	por !p3, p5;
	s11 =	sadd.s32 @!p2 $0x80, s10  }
0x68: {  	s13 =	simm.s32 @!p2 $0x0;
	s10 =	sadd.s32 @!p0 $0xC0, s10;
	s12 =	sshrl.u32 @!p2 s11, $0x3  }
0x69: {  	p4 =	por @!p0 $0x1, $0x1;
	s11 =	sshll.u32 @!p2 s11, $0x4;
	s12 =	sadd.s32 @!p2 s2, s12  }
0x6a: {  	[tilespmem:s24], [sflag:$0x3] =	stream.linear.gather @!p2 [hbm4b:s12+s13], $0x40, $0x38;
	[tilespmem:$0x1C200] =	vst v63  }
0x6b: {  	p6 =	por @!p3 p4, p4;
	s11 =	sadd.s32 @!p2 s1, s11;
	s12 =	simm.s32 @!p2 $0x4500  }
0x6c: {  	[tilespmem:s12], [sflag:$0x3] =	stream.linear.gather @!p2 [hbm4b:s11+s13], $0x2000, $0x38;
	[tilespmem:$0x1C200] =	vst v63  }
0x6d: {  	s11 =	sshrl.u32 @!p0 s10, $0x3;
	s12 =	simm.s32 @!p0 $0x0;
	s13 =	simm.s32 @!p0 $0x200  }
0x6e: {  	s10 =	sshll.u32 @!p0 s10, $0x4;
	p2 =	por @!p2 $0x0, $0x0;
	s11 =	sadd.s32 @!p0 s2, s11  }
0x6f: {  	[tilespmem:s13], [sflag:$0x4] =	stream.linear.gather @!p0 [hbm4b:s11+s12], $0x40, $0x38;
	[tilespmem:$0x1C200] =	vst v63  }
0x70: {  	s10 =	sadd.s32 @!p0 s1, s10;
	p2 =	por @!p3 p4, p4;
	s11 =	simm.s32 @!p0 $0x6500  }
0x71: {  	[tilespmem:s11], [sflag:$0x4] =	stream.linear.gather @!p0 [hbm4b:s10+s12], $0x2000, $0x38;
	[tilespmem:$0x1C200] =	vst v63  }
.Ltmp4:
0x72: {  	p3 =	por @!p5 $0x1, $0x1;
	p0 =	por p6, p6;
	(pc) =	sbr.rel .LBB2_6-.Ltmp4, $4  }
0x73: {  	s4 =	sld [smem:$0x7FC];
	p0 =	por @!p1 p3, p3;
	p3 =	por @!p5 $0x0, $0x0  }
0x74: {  	p2 =	por @!p1 p3, p3;
	p6 =	por @!p1 p3, p3;
	p1 =	por $0x0, $0x0  }
0x75: {  	p3 =	por $0x0, $0x0;
	p1 =	por @!p5 p2, p2;
	p2 =	por $0x0, $0x0  }
0x76: {  	p3 =	por @!p5 p0, p0;
	p2 =	por @!p5 p6, p6;
	p5 =	seq.s32 s4, $0x1  }
.LBB2_4:
0x77: {  	p1 =	por $0x0, $0x0;
	p3 =	por $0x0, $0x0;
	p2 =	por $0x0, $0x0  }
.LBB2_6:
0x78: {  	s10 =	sadd.s32 $0x7, s17  }
0x79: {  	s12 =	sand.u32 $0x7, s10  }
0x7a: {  	p0 =	slt.s32 s17, $0xFFFFFFFA;
	p4 =	sne.s32 s12, $0x0  }
0x7b: {  	s11 =	sshrl.u32 s10, $0x1D;
	p0 =	por !p0, !p4  }
0x7c: {  	s10 =	sadd.s32 s11, s10;
	s11 =	simm.s32 $0x1;
	p0 =	por !p0, !p0  }
0x7d: {  	s10 =	sshra.s32 s10, $0x3;
	s11 =	simm.s32 @!p0 $0x0  }
0x7e: {  	s13 =	ssub.s32 s10, s11  }
0x7f: {  	p0 =	slt.s32 s13, $0x1  }
.Ltmp5:
0x80: {  	_ = 	snop;
	(pc) =	sbr.rel @p0 .LBB2_25-.Ltmp5, $4  }
0x81: {  	_ = 	snop  }
0x82: {  	s4 =	simm.s32 @!p2 $0x0  }
0x83: {  	s4 =	simm.s32 @p2 $0x1  }
0x84: {  	v4 =	vbroadcast v5, $0x1;
	[smem:$0x7FB] =	sst s4  }
.Ltmp6:
0x85: {  	(pc) =	sbr.rel .LBB2_8-.Ltmp6, $4  }
0x86: {  	s24 =	simm.s32 $0xFFFFFFFF;
	s11 =	sshll.u32 s16, $0x6  }
0x87: {  	s29 =	sshll.u32 s16, $0xA;
	s25 =	sshll.u32 s16, $0x3;
	s24 =	simm.s32 @!p5 $0x0  }
0x88: {  	s10 =	sshll.u32 s24, $0x6;
	s30 =	sshll.u32 s24, $0xA;
	s24 =	sshll.u32 s24, $0x3  }
0x89: {  	v5 =	vbroadcast v5, $0x0;
	s29 =	sadd.s32 s30, s29;
	s30 =	sadd.s32 s24, s25;
	s24 =	simm.s32 $0x5  }
.LBB2_24:
0x8a: {  	s13 =	sadd.s32 $0xFFFFFFFF, s13  }
0x8b: {  	p0 =	sne.s32 s13, $0x0  }
.Ltmp7:
0x8c: {  	_ = 	snop;
	(pc) =	sbr.rel @!p0 .LBB2_25-.Ltmp7, $3  }
0x8d: {  	_ =	sdelay $0x1  }
0x8e: {  	s11 =	sadd.s32 $0x200, s11  }
0x8f: {  	s24 =	sadd.s32 $0x8, s24;
	s29 =	sadd.s32 $0x2000, s29;
	s30 =	sadd.s32 $0x40, s30  }
.LBB2_8:
0x90: {  	s16 =	sadd.s32 $0xFFFFFFFB, s24  }
0x91: {  	p0 =	sge.s32 s16, s17  }
.Ltmp8:
0x92: {  	_ = 	snop;
	(pc) =	sbr.rel @p0 .LBB2_10-.Ltmp8, $2  }
0x93: {  	_ =	sdelay $0x2  }
0x94: {  	s16 =	sadd.s32 s11, s10  }
0x95: {  	_ =	swait.ge [sflag:s22], $0x40  }
0x96: {  	[sflag:s22] =	ssyncset.done $0x0  }
0x97: {  	[sflag:s22] =	ssyncadd.s32 $0xFFFFFFC0  }
0x98: {  	_ =	swait.ge [sflag:s22], $0x2000  }
0x99: {  	[sflag:s22] =	ssyncset.done $0x0  }
0x9a: {  	[sflag:s22] =	ssyncadd.s32 $0xFFFFE000  }
0x9b: {  	v7 =	vor.u32 s16, v3;
	v6 =	vld [tilespmem:$0x80]  }
0x9c: {  	s25 =	sadd.s32 $0x10, s16;
	s23 =	sadd.s32 $0x20, s16;
	vm0 =	vge.s32 v7, v5;
	v8 =	vld [tilespmem:$0x90]  }
0x9d: {  	s4 =	sadd.s32 $0x30, s16;
	vm1 =	vlt.s32 v7, v4;
	v7 =	vor.u32 s25, v3;
	v10 =	vor.u32 s23, v3;
	v9 =	vld [tilespmem:$0xA0]  }
0x9e: {  	v63 =	vor.u32 s4, v3;
	vm8 =	vge.s32 v7, v5;
	vm2 =	vlt.s32 v7, v4;
	v7 =	vld [tilespmem:$0xB0]  }
0x9f: {  	vm0 =	vmand vm0, vm1;
	vm10 =	vge.s32 v10, v5;
	vm11 =	vlt.s32 v10, v4  }
0xa0: {  	vm13 =	vge.s32 v63, v5;
	vm14 =	vlt.s32 v63, v4;
	v6 =	vsub.s32 v6, v0  }
0xa1: {  	vm9 =	vmand vm8, vm2;
	v8 =	vsub.s32 v8, v0;
	v6 =	vsel vm0, v6, v1  }
0xa2: {  	vm12 =	vmand vm10, vm11;
	v8 =	vsel vm9, v8, v1;
	[tilespmem:$0x80] =	vst v6;
	v6 =	vsub.s32 v9, v0  }
0xa3: {  	vm15 =	vmand vm13, vm14;
	v7 =	vsub.s32 v7, v0;
	[tilespmem:$0x90] =	vst v8;
	v6 =	vsel vm12, v6, v1  }
0xa4: {  	p0 =	seq.s32 s24, $0x5;
	s23 =	sadd.s32 $0xFFFFFFFF, s24;
	[tilespmem:$0xA0] =	vst v6;
	v6 =	vsel vm15, v7, v1  }
0xa5: {  	s4 =	simm.s32 $0x80;
	s25 =	simm.s32 @!p0 $0xD;
	p4 =	sge.s32 s23, s17;
	[tilespmem:$0xB0] =	vst v6  }
0xa6: {  	[spmem:s3] =	stream.indirect.scatter.add.f32 [tilespmem:s14], [sflag:$0x9], $0x80, s4, s26, $0xb8;
	[tilespmem:$0x1C200] =	vst v63  }
0xa7: {  	s4 =	sadd.s32 @!p4 $0x20, s30;
	_ =	swait.ge @!p0 [sflag:s25], $0x2000  }
0xa8: {  	s23 =	simm.s32 @!p4 $0x280;
	s4 =	sand.u32 @!p4 $0x1FFFFFF8, s4;
	[sflag:s25] =	ssyncset.done @!p0 $0x0  }
0xa9: {  	s4 =	sadd.s32 @!p4 s2, s4;
	[sflag:s25] =	ssyncadd.s32 @!p0 $0xFFFFE000;
	s25 =	simm.s32 @!p4 $0x0  }
0xaa: {  	[tilespmem:s23], [sflag:$0x5] =	stream.linear.gather @!p4 [hbm4b:s4+s25], $0x40, $0x38;
	[tilespmem:$0x1C200] =	vst v63  }
0xab: {  	s4 =	sadd.s32 @!p4 $0x1000, s29  }
0xac: {  	s4 =	sand.u32 @!p4 $0x1FFFFC00, s4  }
0xad: {  	s23 =	simm.s32 @!p4 $0x8500;
	s4 =	sadd.s32 @!p4 s1, s4  }
0xae: {  	[tilespmem:s23], [sflag:$0x5] =	stream.linear.gather @!p4 [hbm4b:s4+s25], $0x2000, $0x38;
	[tilespmem:$0x1C200] =	vst v63  }
.LBB2_10:
0xaf: {  	s4 =	sadd.s32 $0xFFFFFFFC, s24  }
0xb0: {  	p0 =	sge.s32 s4, s17  }
.Ltmp9:
0xb1: {  	_ = 	snop;
	(pc) =	sbr.rel @p0 .LBB2_12-.Ltmp9, $1  }
0xb2: {  	_ =	sdelay $0x3  }
0xb3: {  	_ =	swait.ge [sflag:s28], $0x40  }
0xb4: {  	[sflag:s28] =	ssyncset.done $0x0  }
0xb5: {  	[sflag:s28] =	ssyncadd.s32 $0xFFFFFFC0  }
0xb6: {  	_ =	swait.ge [sflag:s28], $0x2000  }
0xb7: {  	[sflag:s28] =	ssyncset.done $0x0  }
0xb8: {  	s4 =	sadd.s32 $0x40, s16;
	[sflag:s28] =	ssyncadd.s32 $0xFFFFE000  }
0xb9: {  	s25 =	sadd.s32 $0x60, s16;
	v7 =	vor.u32 s4, v3;
	v6 =	vld [tilespmem:$0x100]  }
0xba: {  	s23 =	sadd.s32 $0x50, s16;
	v10 =	vor.u32 s25, v3;
	vm0 =	vge.s32 v7, v5;
	v8 =	vld [tilespmem:$0x110]  }
0xbb: {  	vm1 =	vlt.s32 v7, v4;
	v7 =	vor.u32 s23, v3;
	vm10 =	vge.s32 v10, v5;
	v9 =	vld [tilespmem:$0x120]  }
0xbc: {  	vm11 =	vlt.s32 v10, v4;
	vm8 =	vge.s32 v7, v5;
	vm2 =	vlt.s32 v7, v4;
	v7 =	vld [tilespmem:$0x130]  }
0xbd: {  	s23 =	sadd.s32 $0x70, s16;
	vm0 =	vmand vm0, vm1;
	vm12 =	vmand vm10, vm11  }
0xbe: {  	v63 =	vor.u32 s23, v3;
	vm9 =	vmand vm8, vm2;
	v6 =	vsub.s32 v6, v0  }
0xbf: {  	vm13 =	vge.s32 v63, v5;
	v8 =	vsub.s32 v8, v0;
	v6 =	vsel vm0, v6, v1  }
0xc0: {  	vm14 =	vlt.s32 v63, v4;
	v8 =	vsel vm9, v8, v1;
	[tilespmem:$0x100] =	vst v6;
	v6 =	vsub.s32 v9, v0  }
0xc1: {  	vm15 =	vmand vm13, vm14;
	v7 =	vsub.s32 v7, v0;
	[tilespmem:$0x110] =	vst v8;
	v6 =	vsel vm12, v6, v1  }
0xc2: {  	p0 =	seq.s32 s24, $0x5;
	[tilespmem:$0x120] =	vst v6;
	v6 =	vsel vm15, v7, v1  }
0xc3: {  	s25 =	simm.s32 $0x100;
	s4 =	simm.s32 @!p0 $0xE;
	s23 =	simm.s32 $0x2500;
	[tilespmem:$0x130] =	vst v6  }
0xc4: {  	[spmem:s3] =	stream.indirect.scatter.add.f32 [tilespmem:s23], [sflag:$0xA], $0x80, s25, s26, $0xb8;
	[tilespmem:$0x1C200] =	vst v63  }
0xc5: {  	p4 =	sge.s32 s24, s17;
	_ =	swait.ge @!p0 [sflag:s4], $0x2000  }
0xc6: {  	s23 =	sadd.s32 @!p4 $0x28, s30;
	[sflag:s4] =	ssyncset.done @!p0 $0x0  }
0xc7: {  	[sflag:s4] =	ssyncadd.s32 @!p0 $0xFFFFE000;
	s4 =	sand.u32 @!p4 $0x1FFFFFF8, s23  }
0xc8: {  	s25 =	simm.s32 @!p4 $0x300;
	s23 =	simm.s32 @!p4 $0x0;
	s4 =	sadd.s32 @!p4 s2, s4  }
0xc9: {  	[tilespmem:s25], [sflag:$0x6] =	stream.linear.gather @!p4 [hbm4b:s4+s23], $0x40, $0x38;
	[tilespmem:$0x1C200] =	vst v63  }
0xca: {  	s4 =	sadd.s32 @!p4 $0x1400, s29  }
0xcb: {  	s4 =	sand.u32 @!p4 $0x1FFFFC00, s4  }
0xcc: {  	s25 =	simm.s32 @!p4 $0xA500;
	s4 =	sadd.s32 @!p4 s1, s4  }
0xcd: {  	[tilespmem:s25], [sflag:$0x6] =	stream.linear.gather @!p4 [hbm4b:s4+s23], $0x2000, $0x38;
	[tilespmem:$0x1C200] =	vst v63  }
.LBB2_12:
0xce: {  	s4 =	sadd.s32 $0xFFFFFFFD, s24  }
0xcf: {  	p0 =	sge.s32 s4, s17  }
.Ltmp10:
0xd0: {  	_ = 	snop;
	(pc) =	sbr.rel @p0 .LBB2_14-.Ltmp10, $1  }
0xd1: {  	_ =	sdelay $0x3  }
0xd2: {  	_ =	swait.ge [sflag:s31], $0x40  }
0xd3: {  	[sflag:s31] =	ssyncset.done $0x0  }
0xd4: {  	[sflag:s31] =	ssyncadd.s32 $0xFFFFFFC0  }
0xd5: {  	_ =	swait.ge [sflag:s31], $0x2000  }
0xd6: {  	[sflag:s31] =	ssyncset.done $0x0  }
0xd7: {  	s4 =	sadd.s32 $0x80, s16;
	[sflag:s31] =	ssyncadd.s32 $0xFFFFE000  }
0xd8: {  	s25 =	sadd.s32 $0xA0, s16;
	v7 =	vor.u32 s4, v3;
	v6 =	vld [tilespmem:$0x180]  }
0xd9: {  	s23 =	sadd.s32 $0x90, s16;
	v10 =	vor.u32 s25, v3;
	vm0 =	vge.s32 v7, v5;
	v8 =	vld [tilespmem:$0x190]  }
0xda: {  	vm1 =	vlt.s32 v7, v4;
	v7 =	vor.u32 s23, v3;
	vm10 =	vge.s32 v10, v5;
	v9 =	vld [tilespmem:$0x1A0]  }
0xdb: {  	vm11 =	vlt.s32 v10, v4;
	vm8 =	vge.s32 v7, v5;
	vm2 =	vlt.s32 v7, v4;
	v7 =	vld [tilespmem:$0x1B0]  }
0xdc: {  	s23 =	sadd.s32 $0xB0, s16;
	vm0 =	vmand vm0, vm1;
	vm12 =	vmand vm10, vm11  }
0xdd: {  	v63 =	vor.u32 s23, v3;
	vm9 =	vmand vm8, vm2;
	v6 =	vsub.s32 v6, v0  }
0xde: {  	vm13 =	vge.s32 v63, v5;
	v8 =	vsub.s32 v8, v0;
	v6 =	vsel vm0, v6, v1  }
0xdf: {  	vm14 =	vlt.s32 v63, v4;
	v8 =	vsel vm9, v8, v1;
	[tilespmem:$0x180] =	vst v6;
	v6 =	vsub.s32 v9, v0  }
0xe0: {  	vm15 =	vmand vm13, vm14;
	v7 =	vsub.s32 v7, v0;
	[tilespmem:$0x190] =	vst v8;
	v6 =	vsel vm12, v6, v1  }
0xe1: {  	[tilespmem:$0x1A0] =	vst v6;
	v6 =	vsel vm15, v7, v1  }
0xe2: {  	p0 =	seq.s32 s24, $0x5;
	s25 =	simm.s32 $0x180;
	s23 =	simm.s32 $0x4500;
	[tilespmem:$0x1B0] =	vst v6  }
0xe3: {  	[spmem:s3] =	stream.indirect.scatter.add.f32 [tilespmem:s23], [sflag:$0xB], $0x80, s25, s26, $0xb8;
	[tilespmem:$0x1C200] =	vst v63  }
0xe4: {  	s4 =	simm.s32 @!p0 $0xF;
	s25 =	sadd.s32 $0x1, s24  }
0xe5: {  	_ =	swait.ge @!p0 [sflag:s4], $0x2000;
	p4 =	sge.s32 s25, s17  }
0xe6: {  	[sflag:s4] =	ssyncset.done @!p0 $0x0;
	s23 =	sadd.s32 @!p4 $0x30, s30  }
0xe7: {  	[sflag:s4] =	ssyncadd.s32 @!p0 $0xFFFFE000;
	s4 =	sand.u32 @!p4 $0x1FFFFFF8, s23  }
0xe8: {  	s25 =	simm.s32 @!p4 $0x380;
	s23 =	simm.s32 @!p4 $0x0;
	s4 =	sadd.s32 @!p4 s2, s4  }
0xe9: {  	[tilespmem:s25], [sflag:$0x7] =	stream.linear.gather @!p4 [hbm4b:s4+s23], $0x40, $0x38;
	[tilespmem:$0x1C200] =	vst v63  }
0xea: {  	s4 =	sadd.s32 @!p4 $0x1800, s29  }
0xeb: {  	s4 =	sand.u32 @!p4 $0x1FFFFC00, s4  }
0xec: {  	s25 =	simm.s32 @!p4 $0xC500;
	s4 =	sadd.s32 @!p4 s1, s4  }
0xed: {  	[tilespmem:s25], [sflag:$0x7] =	stream.linear.gather @!p4 [hbm4b:s4+s23], $0x2000, $0x38;
	[tilespmem:$0x1C200] =	vst v63  }
.LBB2_14:
0xee: {  	s4 =	sadd.s32 $0xFFFFFFFE, s24  }
0xef: {  	p0 =	sge.s32 s4, s17  }
.Ltmp11:
0xf0: {  	_ = 	snop;
	(pc) =	sbr.rel @p0 .LBB2_16-.Ltmp11, $1  }
0xf1: {  	_ =	sdelay $0x3  }
0xf2: {  	_ =	swait.ge [sflag:s18], $0x40  }
0xf3: {  	[sflag:s18] =	ssyncset.done $0x0  }
0xf4: {  	[sflag:s18] =	ssyncadd.s32 $0xFFFFFFC0  }
0xf5: {  	_ =	swait.ge [sflag:s18], $0x2000  }
0xf6: {  	[sflag:s18] =	ssyncset.done $0x0  }
0xf7: {  	s4 =	sadd.s32 $0xC0, s16;
	[sflag:s18] =	ssyncadd.s32 $0xFFFFE000  }
0xf8: {  	s25 =	sadd.s32 $0xE0, s16;
	v7 =	vor.u32 s4, v3;
	v6 =	vld [tilespmem:$0x200]  }
0xf9: {  	s23 =	sadd.s32 $0xD0, s16;
	v10 =	vor.u32 s25, v3;
	vm0 =	vge.s32 v7, v5;
	v8 =	vld [tilespmem:$0x210]  }
0xfa: {  	vm1 =	vlt.s32 v7, v4;
	v7 =	vor.u32 s23, v3;
	vm10 =	vge.s32 v10, v5;
	v9 =	vld [tilespmem:$0x220]  }
0xfb: {  	vm11 =	vlt.s32 v10, v4;
	vm8 =	vge.s32 v7, v5;
	vm2 =	vlt.s32 v7, v4;
	v7 =	vld [tilespmem:$0x230]  }
0xfc: {  	s23 =	sadd.s32 $0xF0, s16;
	vm0 =	vmand vm0, vm1;
	vm12 =	vmand vm10, vm11  }
0xfd: {  	v63 =	vor.u32 s23, v3;
	vm9 =	vmand vm8, vm2;
	v6 =	vsub.s32 v6, v0  }
0xfe: {  	vm13 =	vge.s32 v63, v5;
	v8 =	vsub.s32 v8, v0;
	v6 =	vsel vm0, v6, v1  }
0xff: {  	vm14 =	vlt.s32 v63, v4;
	v8 =	vsel vm9, v8, v1;
	[tilespmem:$0x200] =	vst v6;
	v6 =	vsub.s32 v9, v0  }
0x100: {  	vm15 =	vmand vm13, vm14;
	v7 =	vsub.s32 v7, v0;
	[tilespmem:$0x210] =	vst v8;
	v6 =	vsel vm12, v6, v1  }
0x101: {  	[tilespmem:$0x220] =	vst v6;
	v6 =	vsel vm15, v7, v1  }
0x102: {  	p0 =	seq.s32 s24, $0x5;
	s25 =	simm.s32 $0x200;
	s23 =	simm.s32 $0x6500;
	[tilespmem:$0x230] =	vst v6  }
0x103: {  	[spmem:s3] =	stream.indirect.scatter.add.f32 [tilespmem:s23], [sflag:$0xC], $0x80, s25, s26, $0xb8;
	[tilespmem:$0x1C200] =	vst v63  }
0x104: {  	s4 =	simm.s32 @!p0 $0x10;
	s25 =	sadd.s32 $0x2, s24  }
0x105: {  	_ =	swait.ge @!p0 [sflag:s4], $0x2000;
	p4 =	sge.s32 s25, s17  }
0x106: {  	[sflag:s4] =	ssyncset.done @!p0 $0x0;
	s23 =	sadd.s32 @!p4 $0x38, s30  }
0x107: {  	[sflag:s4] =	ssyncadd.s32 @!p0 $0xFFFFE000;
	s4 =	sand.u32 @!p4 $0x1FFFFFF8, s23  }
0x108: {  	s25 =	simm.s32 @!p4 $0x400;
	s23 =	simm.s32 @!p4 $0x0;
	s4 =	sadd.s32 @!p4 s2, s4  }
0x109: {  	[tilespmem:s25], [sflag:$0x8] =	stream.linear.gather @!p4 [hbm4b:s4+s23], $0x40, $0x38;
	[tilespmem:$0x1C200] =	vst v63  }
0x10a: {  	s4 =	sadd.s32 @!p4 $0x1C00, s29  }
0x10b: {  	s4 =	sand.u32 @!p4 $0x1FFFFC00, s4  }
0x10c: {  	s25 =	simm.s32 @!p4 $0xE500;
	s4 =	sadd.s32 @!p4 s1, s4  }
0x10d: {  	[tilespmem:s25], [sflag:$0x8] =	stream.linear.gather @!p4 [hbm4b:s4+s23], $0x2000, $0x38;
	[tilespmem:$0x1C200] =	vst v63  }
.LBB2_16:
0x10e: {  	s4 =	sadd.s32 $0xFFFFFFFF, s24  }
0x10f: {  	p0 =	sge.s32 s4, s17  }
.Ltmp12:
0x110: {  	_ = 	snop;
	(pc) =	sbr.rel @p0 .LBB2_18-.Ltmp12, $1  }
0x111: {  	_ =	sdelay $0x3  }
0x112: {  	_ =	swait.ge [sflag:s15], $0x40  }
0x113: {  	[sflag:s15] =	ssyncset.done $0x0  }
0x114: {  	[sflag:s15] =	ssyncadd.s32 $0xFFFFFFC0  }
0x115: {  	_ =	swait.ge [sflag:s15], $0x2000  }
0x116: {  	[sflag:s15] =	ssyncset.done $0x0  }
0x117: {  	s4 =	sadd.s32 $0x100, s16;
	[sflag:s15] =	ssyncadd.s32 $0xFFFFE000  }
0x118: {  	s25 =	sadd.s32 $0x120, s16;
	v7 =	vor.u32 s4, v3;
	v6 =	vld [tilespmem:$0x280]  }
0x119: {  	s23 =	sadd.s32 $0x110, s16;
	v10 =	vor.u32 s25, v3;
	vm0 =	vge.s32 v7, v5;
	v8 =	vld [tilespmem:$0x290]  }
0x11a: {  	vm1 =	vlt.s32 v7, v4;
	v7 =	vor.u32 s23, v3;
	vm10 =	vge.s32 v10, v5;
	v9 =	vld [tilespmem:$0x2A0]  }
0x11b: {  	vm11 =	vlt.s32 v10, v4;
	vm8 =	vge.s32 v7, v5;
	vm2 =	vlt.s32 v7, v4;
	v7 =	vld [tilespmem:$0x2B0]  }
0x11c: {  	s23 =	sadd.s32 $0x130, s16;
	vm0 =	vmand vm0, vm1;
	vm12 =	vmand vm10, vm11  }
0x11d: {  	v63 =	vor.u32 s23, v3;
	vm9 =	vmand vm8, vm2;
	v6 =	vsub.s32 v6, v0  }
0x11e: {  	vm13 =	vge.s32 v63, v5;
	v8 =	vsub.s32 v8, v0;
	v6 =	vsel vm0, v6, v1  }
0x11f: {  	vm14 =	vlt.s32 v63, v4;
	v8 =	vsel vm9, v8, v1;
	[tilespmem:$0x280] =	vst v6;
	v6 =	vsub.s32 v9, v0  }
0x120: {  	vm15 =	vmand vm13, vm14;
	v7 =	vsub.s32 v7, v0;
	[tilespmem:$0x290] =	vst v8;
	v6 =	vsel vm12, v6, v1  }
0x121: {  	[tilespmem:$0x2A0] =	vst v6;
	v6 =	vsel vm15, v7, v1  }
0x122: {  	s25 =	simm.s32 $0x280;
	s23 =	simm.s32 $0x8500;
	[tilespmem:$0x2B0] =	vst v6  }
0x123: {  	[spmem:s3] =	stream.indirect.scatter.add.f32 [tilespmem:s23], [sflag:$0xD], $0x80, s25, s26, $0xb8;
	[tilespmem:$0x1C200] =	vst v63  }
0x124: {  	s25 =	sadd.s32 $0x3, s24  }
0x125: {  	p0 =	sge.s32 s25, s17  }
0x126: {  	_ =	swait.ge [sflag:s19], $0x2000;
	s4 =	sadd.s32 @!p0 $0x40, s30  }
0x127: {  	[sflag:s19] =	ssyncset.done $0x0;
	s23 =	simm.s32 @!p0 $0x0;
	s4 =	sand.u32 @!p0 $0x1FFFFFF8, s4  }
0x128: {  	s25 =	simm.s32 @!p0 $0x80;
	[sflag:s19] =	ssyncadd.s32 $0xFFFFE000;
	s4 =	sadd.s32 @!p0 s2, s4  }
0x129: {  	[tilespmem:s25], [sflag:$0x1] =	stream.linear.gather @!p0 [hbm4b:s4+s23], $0x40, $0x38;
	[tilespmem:$0x1C200] =	vst v63  }
0x12a: {  	s4 =	sadd.s32 @!p0 $0x2000, s29  }
0x12b: {  	s4 =	sand.u32 @!p0 $0x1FFFFC00, s4  }
0x12c: {  	s25 =	simm.s32 @!p0 $0x500;
	s4 =	sadd.s32 @!p0 s1, s4  }
0x12d: {  	[tilespmem:s25], [sflag:$0x1] =	stream.linear.gather @!p0 [hbm4b:s4+s23], $0x2000, $0x38;
	[tilespmem:$0x1C200] =	vst v63  }
.LBB2_18:
0x12e: {  	p0 =	sge.s32 s24, s17  }
.Ltmp13:
0x12f: {  	_ = 	snop;
	(pc) =	sbr.rel @p0 .LBB2_20-.Ltmp13, $1  }
0x130: {  	_ =	sdelay $0x3  }
0x131: {  	_ =	swait.ge [sflag:s21], $0x40  }
0x132: {  	[sflag:s21] =	ssyncset.done $0x0  }
0x133: {  	[sflag:s21] =	ssyncadd.s32 $0xFFFFFFC0  }
0x134: {  	_ =	swait.ge [sflag:s21], $0x2000  }
0x135: {  	[sflag:s21] =	ssyncset.done $0x0  }
0x136: {  	s4 =	sadd.s32 $0x140, s16;
	[sflag:s21] =	ssyncadd.s32 $0xFFFFE000  }
0x137: {  	s25 =	sadd.s32 $0x160, s16;
	v7 =	vor.u32 s4, v3;
	v6 =	vld [tilespmem:$0x300]  }
0x138: {  	s23 =	sadd.s32 $0x150, s16;
	v10 =	vor.u32 s25, v3;
	vm0 =	vge.s32 v7, v5;
	v8 =	vld [tilespmem:$0x310]  }
0x139: {  	vm1 =	vlt.s32 v7, v4;
	v7 =	vor.u32 s23, v3;
	vm10 =	vge.s32 v10, v5;
	v9 =	vld [tilespmem:$0x320]  }
0x13a: {  	vm11 =	vlt.s32 v10, v4;
	vm8 =	vge.s32 v7, v5;
	vm2 =	vlt.s32 v7, v4;
	v7 =	vld [tilespmem:$0x330]  }
0x13b: {  	s23 =	sadd.s32 $0x170, s16;
	vm0 =	vmand vm0, vm1;
	vm12 =	vmand vm10, vm11  }
0x13c: {  	v63 =	vor.u32 s23, v3;
	vm9 =	vmand vm8, vm2;
	v6 =	vsub.s32 v6, v0  }
0x13d: {  	vm13 =	vge.s32 v63, v5;
	v8 =	vsub.s32 v8, v0;
	v6 =	vsel vm0, v6, v1  }
0x13e: {  	vm14 =	vlt.s32 v63, v4;
	v8 =	vsel vm9, v8, v1;
	[tilespmem:$0x300] =	vst v6;
	v6 =	vsub.s32 v9, v0  }
0x13f: {  	vm15 =	vmand vm13, vm14;
	v7 =	vsub.s32 v7, v0;
	[tilespmem:$0x310] =	vst v8;
	v6 =	vsel vm12, v6, v1  }
0x140: {  	[tilespmem:$0x320] =	vst v6;
	v6 =	vsel vm15, v7, v1  }
0x141: {  	s25 =	simm.s32 $0x300;
	s23 =	simm.s32 $0xA500;
	[tilespmem:$0x330] =	vst v6  }
0x142: {  	[spmem:s3] =	stream.indirect.scatter.add.f32 [tilespmem:s23], [sflag:$0xE], $0x80, s25, s26, $0xb8;
	[tilespmem:$0x1C200] =	vst v63  }
0x143: {  	s25 =	sadd.s32 $0x4, s24  }
0x144: {  	p0 =	sge.s32 s25, s17  }
0x145: {  	_ =	swait.ge [sflag:s8], $0x2000;
	s4 =	sadd.s32 @!p0 $0x48, s30  }
0x146: {  	[sflag:s8] =	ssyncset.done $0x0;
	s23 =	simm.s32 @!p0 $0x0;
	s4 =	sand.u32 @!p0 $0x1FFFFFF8, s4  }
0x147: {  	s25 =	simm.s32 @!p0 $0x100;
	[sflag:s8] =	ssyncadd.s32 $0xFFFFE000;
	s4 =	sadd.s32 @!p0 s2, s4  }
0x148: {  	[tilespmem:s25], [sflag:$0x2] =	stream.linear.gather @!p0 [hbm4b:s4+s23], $0x40, $0x38;
	[tilespmem:$0x1C200] =	vst v63  }
0x149: {  	s4 =	sadd.s32 @!p0 $0x2400, s29  }
0x14a: {  	s4 =	sand.u32 @!p0 $0x1FFFFC00, s4  }
0x14b: {  	s25 =	simm.s32 @!p0 $0x2500;
	s4 =	sadd.s32 @!p0 s1, s4  }
0x14c: {  	[tilespmem:s25], [sflag:$0x2] =	stream.linear.gather @!p0 [hbm4b:s4+s23], $0x2000, $0x38;
	[tilespmem:$0x1C200] =	vst v63  }
.LBB2_20:
0x14d: {  	s4 =	sadd.s32 $0x1, s24  }
0x14e: {  	p0 =	sge.s32 s4, s17  }
.Ltmp14:
0x14f: {  	_ = 	snop;
	(pc) =	sbr.rel @p0 .LBB2_22-.Ltmp14, $1  }
0x150: {  	_ =	sdelay $0x3  }
0x151: {  	_ =	swait.ge [sflag:s9], $0x40  }
0x152: {  	[sflag:s9] =	ssyncset.done $0x0  }
0x153: {  	[sflag:s9] =	ssyncadd.s32 $0xFFFFFFC0  }
0x154: {  	_ =	swait.ge [sflag:s9], $0x2000  }
0x155: {  	[sflag:s9] =	ssyncset.done $0x0  }
0x156: {  	s4 =	sadd.s32 $0x180, s16;
	[sflag:s9] =	ssyncadd.s32 $0xFFFFE000  }
0x157: {  	s25 =	sadd.s32 $0x1A0, s16;
	v7 =	vor.u32 s4, v3;
	v6 =	vld [tilespmem:$0x380]  }
0x158: {  	s23 =	sadd.s32 $0x190, s16;
	v10 =	vor.u32 s25, v3;
	vm0 =	vge.s32 v7, v5;
	v8 =	vld [tilespmem:$0x390]  }
0x159: {  	vm1 =	vlt.s32 v7, v4;
	v7 =	vor.u32 s23, v3;
	vm10 =	vge.s32 v10, v5;
	v9 =	vld [tilespmem:$0x3A0]  }
0x15a: {  	vm11 =	vlt.s32 v10, v4;
	vm8 =	vge.s32 v7, v5;
	vm2 =	vlt.s32 v7, v4;
	v7 =	vld [tilespmem:$0x3B0]  }
0x15b: {  	s23 =	sadd.s32 $0x1B0, s16;
	vm0 =	vmand vm0, vm1;
	vm12 =	vmand vm10, vm11  }
0x15c: {  	v63 =	vor.u32 s23, v3;
	vm9 =	vmand vm8, vm2;
	v6 =	vsub.s32 v6, v0  }
0x15d: {  	vm13 =	vge.s32 v63, v5;
	v8 =	vsub.s32 v8, v0;
	v6 =	vsel vm0, v6, v1  }
0x15e: {  	vm14 =	vlt.s32 v63, v4;
	v8 =	vsel vm9, v8, v1;
	[tilespmem:$0x380] =	vst v6;
	v6 =	vsub.s32 v9, v0  }
0x15f: {  	vm15 =	vmand vm13, vm14;
	v7 =	vsub.s32 v7, v0;
	[tilespmem:$0x390] =	vst v8;
	v6 =	vsel vm12, v6, v1  }
0x160: {  	[tilespmem:$0x3A0] =	vst v6;
	v6 =	vsel vm15, v7, v1  }
0x161: {  	s25 =	simm.s32 $0x380;
	s23 =	simm.s32 $0xC500;
	[tilespmem:$0x3B0] =	vst v6  }
0x162: {  	[spmem:s3] =	stream.indirect.scatter.add.f32 [tilespmem:s23], [sflag:$0xF], $0x80, s25, s26, $0xb8;
	[tilespmem:$0x1C200] =	vst v63  }
0x163: {  	s25 =	sadd.s32 $0x5, s24  }
0x164: {  	p0 =	sge.s32 s25, s17  }
0x165: {  	_ =	swait.ge [sflag:s7], $0x2000;
	s4 =	sadd.s32 @!p0 $0x50, s30  }
0x166: {  	[sflag:s7] =	ssyncset.done $0x0;
	s23 =	simm.s32 @!p0 $0x0;
	s4 =	sand.u32 @!p0 $0x1FFFFFF8, s4  }
0x167: {  	s25 =	simm.s32 @!p0 $0x180;
	[sflag:s7] =	ssyncadd.s32 $0xFFFFE000;
	s4 =	sadd.s32 @!p0 s2, s4  }
0x168: {  	[tilespmem:s25], [sflag:$0x3] =	stream.linear.gather @!p0 [hbm4b:s4+s23], $0x40, $0x38;
	[tilespmem:$0x1C200] =	vst v63  }
0x169: {  	s4 =	sadd.s32 @!p0 $0x2800, s29  }
0x16a: {  	s4 =	sand.u32 @!p0 $0x1FFFFC00, s4  }
0x16b: {  	s25 =	simm.s32 @!p0 $0x4500;
	s4 =	sadd.s32 @!p0 s1, s4  }
0x16c: {  	[tilespmem:s25], [sflag:$0x3] =	stream.linear.gather @!p0 [hbm4b:s4+s23], $0x2000, $0x38;
	[tilespmem:$0x1C200] =	vst v63  }
.LBB2_22:
0x16d: {  	s4 =	sadd.s32 $0x2, s24  }
0x16e: {  	p0 =	sge.s32 s4, s17  }
.Ltmp15:
0x16f: {  	_ = 	snop;
	(pc) =	sbr.rel @p0 .LBB2_24-.Ltmp15, $1  }
0x170: {  	_ =	sdelay $0x3  }
0x171: {  	_ =	swait.ge [sflag:s5], $0x40  }
0x172: {  	[sflag:s5] =	ssyncset.done $0x0  }
0x173: {  	[sflag:s5] =	ssyncadd.s32 $0xFFFFFFC0  }
0x174: {  	_ =	swait.ge [sflag:s5], $0x2000  }
0x175: {  	[sflag:s5] =	ssyncset.done $0x0  }
0x176: {  	s4 =	sadd.s32 $0x1C0, s16;
	[sflag:s5] =	ssyncadd.s32 $0xFFFFE000  }
0x177: {  	s23 =	sadd.s32 $0x1E0, s16;
	v7 =	vor.u32 s4, v3;
	v6 =	vld [tilespmem:$0x400]  }
0x178: {  	s25 =	sadd.s32 $0x1D0, s16;
	v10 =	vor.u32 s23, v3;
	vm0 =	vge.s32 v7, v5;
	v8 =	vld [tilespmem:$0x410]  }
0x179: {  	vm1 =	vlt.s32 v7, v4;
	v7 =	vor.u32 s25, v3;
	vm10 =	vge.s32 v10, v5;
	v9 =	vld [tilespmem:$0x420]  }
0x17a: {  	vm11 =	vlt.s32 v10, v4;
	vm8 =	vge.s32 v7, v5;
	vm2 =	vlt.s32 v7, v4;
	v7 =	vld [tilespmem:$0x430]  }
0x17b: {  	s25 =	sadd.s32 $0x1F0, s16;
	vm0 =	vmand vm0, vm1;
	vm12 =	vmand vm10, vm11  }
0x17c: {  	v63 =	vor.u32 s25, v3;
	vm9 =	vmand vm8, vm2;
	v6 =	vsub.s32 v6, v0  }
0x17d: {  	vm13 =	vge.s32 v63, v5;
	v8 =	vsub.s32 v8, v0;
	v6 =	vsel vm0, v6, v1  }
0x17e: {  	vm14 =	vlt.s32 v63, v4;
	v8 =	vsel vm9, v8, v1;
	[tilespmem:$0x400] =	vst v6;
	v6 =	vsub.s32 v9, v0  }
0x17f: {  	s25 =	sadd.s32 $0x6, s24;
	vm15 =	vmand vm13, vm14;
	v7 =	vsub.s32 v7, v0;
	[tilespmem:$0x410] =	vst v8;
	v6 =	vsel vm12, v6, v1  }
0x180: {  	p0 =	sge.s32 s25, s17;
	[tilespmem:$0x420] =	vst v6;
	v6 =	vsel vm15, v7, v1  }
0x181: {  	s23 =	simm.s32 $0xE500;
	s16 =	simm.s32 $0x400;
	s4 =	sadd.s32 @!p0 $0x58, s30;
	[tilespmem:$0x430] =	vst v6  }
0x182: {  	[spmem:s3] =	stream.indirect.scatter.add.f32 [tilespmem:s23], [sflag:$0x10], $0x80, s16, s26, $0xb8;
	[tilespmem:$0x1C200] =	vst v63  }
0x183: {  	s4 =	sand.u32 @!p0 $0x1FFFFFF8, s4;
	_ =	swait.ge [sflag:s0], $0x2000  }
0x184: {  	s4 =	sadd.s32 @!p0 s2, s4;
	[sflag:s0] =	ssyncset.done $0x0  }
0x185: {  	s16 =	simm.s32 @!p0 $0x0;
	s23 =	simm.s32 @!p0 $0x200;
	[sflag:s0] =	ssyncadd.s32 $0xFFFFE000  }
0x186: {  	[tilespmem:s23], [sflag:$0x4] =	stream.linear.gather @!p0 [hbm4b:s4+s16], $0x40, $0x38;
	[tilespmem:$0x1C200] =	vst v63  }
.Ltmp16:
0x187: {  	_ = 	snop;
	(pc) =	sbr.rel .LBB2_24-.Ltmp16, $4  }
0x188: {  	s4 =	sadd.s32 @!p0 $0x2C00, s29  }
0x189: {  	s4 =	sand.u32 @!p0 $0x1FFFFC00, s4  }
0x18a: {  	s23 =	simm.s32 @!p0 $0x6500;
	s4 =	sadd.s32 @!p0 s1, s4  }
0x18b: {  	[tilespmem:s23], [sflag:$0x4] =	stream.linear.gather @!p0 [hbm4b:s4+s16], $0x2000, $0x38;
	[tilespmem:$0x1C200] =	vst v63  }
.LBB2_25:
0x18c: {  	p4 =	sgt.s32 s17, $0x0;
	p0 =	seq.s32 s12, $0x0  }
0x18d: {  	s4 =	sadd.s32 $0x6, s17;
	s13 =	sand.u32 $0x7, s17;
	s16 =	sadd.s32 $0x5, s17  }
0x18e: {  	s23 =	sld [smem:$0x7FB];
	p0 =	por !p4, !p0;
	s10 =	sand.u32 $0x7, s4  }
0x18f: {  	p5 =	seq.s32 s13, $0x4;
	s11 =	sand.u32 $0x7, s16;
	s4 =	simm.s32 @!p3 $0x0  }
0x190: {  	p0 =	por !p0, !p0;
	p6 =	seq.s32 s10, $0x0;
	p5 =	por !p5, !p1  }
0x191: {  	s4 =	simm.s32 @p3 $0x1;
	p6 =	por !p6, !p3;
	p3 =	por p1, p1  }
0x192: {  	p1 =	seq.s32 s11, $0x0;
	p5 =	por !p5, !p5;
	p2 =	seq.s32 s23, $0x1  }
0x193: {  	p0 =	por p5, p0;
	p6 =	por !p6, !p6;
	p1 =	por !p1, !p2  }
0x194: {  	p0 =	por p0, p6;
	p1 =	por !p1, !p1  }
0x195: {  	[smem:$0x7FA] =	sst s4;
	p0 =	por p0, p1  }
0x196: {  	_ =	swait.ge @p0 [sflag:s19], $0x2000  }
0x197: {  	p6 =	seq.s32 s13, $0x5;
	s24 =	sld [smem:$0x7FA]  }
0x198: {  	p1 =	por !p6, !p3;
	[sflag:s19] =	ssyncset.done @p0 $0x0  }
0x199: {  	p5 =	seq.s32 s12, $0x1;
	p1 =	por !p1, !p1;
	[sflag:s19] =	ssyncadd.s32 @p0 $0xFFFFE000  }
0x19a: {  	p0 =	por !p4, !p5;
	p5 =	seq.s32 s10, $0x1;
	p6 =	seq.s32 s24, $0x1  }
0x19b: {  	p0 =	por !p0, !p0;
	p5 =	por !p5, !p6;
	p6 =	seq.s32 s11, $0x1  }
0x19c: {  	p0 =	por p1, p0;
	p5 =	por !p5, !p5;
	p6 =	por !p6, !p2  }
0x19d: {  	p6 =	por !p6, !p6;
	p0 =	por p0, p5  }
0x19e: {  	s16 =	rddreg [dreg:$0x8];
	p0 =	por p0, p6  }
0x19f: {  	s24 =	rddreg [dreg:$0xa];
	_ =	swait.ge @p0 [sflag:s8], $0x2000  }
0x1a0: {  	p6 =	seq.s32 s13, $0x6;
	s25 =	sld [smem:$0x7FA]  }
0x1a1: {  	p1 =	por !p6, !p3;
	[sflag:s8] =	ssyncset.done @p0 $0x0  }
0x1a2: {  	p5 =	seq.s32 s12, $0x2;
	p1 =	por !p1, !p1;
	[sflag:s8] =	ssyncadd.s32 @p0 $0xFFFFE000  }
0x1a3: {  	p0 =	por !p4, !p5;
	p5 =	seq.s32 s10, $0x2;
	p6 =	seq.s32 s25, $0x1  }
0x1a4: {  	p0 =	por !p0, !p0;
	p5 =	por !p5, !p6;
	p6 =	seq.s32 s11, $0x2  }
0x1a5: {  	p0 =	por p1, p0;
	p5 =	por !p5, !p5;
	p6 =	por !p6, !p2  }
0x1a6: {  	p6 =	por !p6, !p6;
	p0 =	por p0, p5  }
0x1a7: {  	p0 =	por p0, p6  }
0x1a8: {  	_ =	swait.ge @p0 [sflag:s7], $0x2000  }
0x1a9: {  	p6 =	seq.s32 s13, $0x7;
	s30 =	sld [smem:$0x7FA]  }
0x1aa: {  	p1 =	por !p6, !p3;
	[sflag:s7] =	ssyncset.done @p0 $0x0  }
0x1ab: {  	p5 =	seq.s32 s12, $0x3;
	p1 =	por !p1, !p1;
	[sflag:s7] =	ssyncadd.s32 @p0 $0xFFFFE000  }
0x1ac: {  	p0 =	por !p4, !p5;
	p5 =	seq.s32 s10, $0x3;
	p6 =	seq.s32 s30, $0x1  }
0x1ad: {  	p0 =	por !p0, !p0;
	p5 =	por !p5, !p6;
	p6 =	seq.s32 s11, $0x3  }
0x1ae: {  	p0 =	por p1, p0;
	p5 =	por !p5, !p5;
	p6 =	por !p6, !p2  }
0x1af: {  	p6 =	por !p6, !p6;
	p0 =	por p0, p5  }
0x1b0: {  	s25 =	rddreg [dreg:$0xb];
	p0 =	por p0, p6  }
0x1b1: {  	s30 =	rddreg [dreg:$0x17];
	_ =	swait.ge @p0 [sflag:s0], $0x2000  }
0x1b2: {  	p6 =	seq.s32 s13, $0x0;
	s4 =	sld [smem:$0x7FA]  }
0x1b3: {  	p1 =	por !p6, !p3;
	[sflag:s0] =	ssyncset.done @p0 $0x0  }
0x1b4: {  	p5 =	seq.s32 s12, $0x4;
	p1 =	por !p1, !p1;
	[sflag:s0] =	ssyncadd.s32 @p0 $0xFFFFE000  }
0x1b5: {  	p0 =	por !p4, !p5;
	p5 =	seq.s32 s10, $0x4;
	p6 =	seq.s32 s4, $0x1  }
0x1b6: {  	p0 =	por !p0, !p0;
	p5 =	por !p5, !p6;
	p6 =	seq.s32 s11, $0x4  }
0x1b7: {  	p0 =	por p1, p0;
	p5 =	por !p5, !p5;
	p6 =	por !p6, !p2  }
0x1b8: {  	p6 =	por !p6, !p6;
	p0 =	por p0, p5  }
0x1b9: {  	p0 =	por p0, p6  }
0x1ba: {  	s4 =	simm.s32 @p0 $0xD  }
0x1bb: {  	_ =	swait.ge @p0 [sflag:s4], $0x2000  }
0x1bc: {  	[sflag:s4] =	ssyncset.done @p0 $0x0  }
0x1bd: {  	p6 =	seq.s32 s13, $0x1;
	[sflag:s4] =	ssyncadd.s32 @p0 $0xFFFFE000;
	s4 =	sld [smem:$0x7FA]  }
0x1be: {  	p1 =	por !p6, !p3  }
0x1bf: {  	p5 =	seq.s32 s12, $0x5;
	p1 =	por !p1, !p1  }
0x1c0: {  	p0 =	por !p4, !p5;
	p5 =	seq.s32 s10, $0x5;
	p6 =	seq.s32 s4, $0x1  }
0x1c1: {  	p0 =	por !p0, !p0;
	p5 =	por !p5, !p6;
	p6 =	seq.s32 s11, $0x5  }
0x1c2: {  	p0 =	por p1, p0;
	p5 =	por !p5, !p5;
	p6 =	por !p6, !p2  }
0x1c3: {  	p6 =	por !p6, !p6;
	p0 =	por p0, p5  }
0x1c4: {  	p0 =	por p0, p6  }
0x1c5: {  	s4 =	simm.s32 @p0 $0xE  }
0x1c6: {  	_ =	swait.ge @p0 [sflag:s4], $0x2000  }
0x1c7: {  	[sflag:s4] =	ssyncset.done @p0 $0x0  }
0x1c8: {  	p6 =	seq.s32 s13, $0x2;
	[sflag:s4] =	ssyncadd.s32 @p0 $0xFFFFE000;
	s4 =	sld [smem:$0x7FA]  }
0x1c9: {  	p1 =	por !p6, !p3  }
0x1ca: {  	p5 =	seq.s32 s12, $0x6;
	p1 =	por !p1, !p1  }
0x1cb: {  	p0 =	por !p4, !p5;
	p5 =	seq.s32 s10, $0x6;
	p6 =	seq.s32 s4, $0x1  }
0x1cc: {  	p0 =	por !p0, !p0;
	p5 =	por !p5, !p6;
	p6 =	seq.s32 s11, $0x6  }
0x1cd: {  	p0 =	por p1, p0;
	p5 =	por !p5, !p5;
	p6 =	por !p6, !p2  }
0x1ce: {  	p6 =	por !p6, !p6;
	p0 =	por p0, p5  }
0x1cf: {  	p0 =	por p0, p6  }
0x1d0: {  	s4 =	simm.s32 @p0 $0xF  }
0x1d1: {  	_ =	swait.ge @p0 [sflag:s4], $0x2000  }
0x1d2: {  	[sflag:s4] =	ssyncset.done @p0 $0x0  }
0x1d3: {  	p1 =	seq.s32 s12, $0x7;
	[sflag:s4] =	ssyncadd.s32 @p0 $0xFFFFE000  }
0x1d4: {  	p0 =	por !p4, !p1;
	p4 =	seq.s32 s13, $0x3;
	s13 =	sld [smem:$0x7FA]  }
0x1d5: {  	_ = 	snop  }
0x1d6: {  	p5 =	seq.s32 s10, $0x7  }
0x1d7: {  	p0 =	por !p0, !p0;
	p1 =	por !p4, !p3;
	p6 =	seq.s32 s13, $0x1  }
0x1d8: {  	p1 =	por !p1, !p1;
	p3 =	por !p5, !p6;
	p5 =	seq.s32 s11, $0x7  }
0x1d9: {  	p0 =	por p1, p0;
	p3 =	por !p3, !p3;
	p2 =	por !p5, !p2  }
0x1da: {  	p6 =	por !p2, !p2;
	p0 =	por p0, p3  }
0x1db: {  	p0 =	por p0, p6  }
0x1dc: {  	s4 =	simm.s32 @p0 $0x10  }
0x1dd: {  	s17 =	sadd.s32 s30, s17;
	_ =	swait.ge @p0 [sflag:s4], $0x2000  }
0x1de: {  	s10 =	sshll.u32 s17, $0x6;
	[sflag:s4] =	ssyncset.done @p0 $0x0;
	s11 =	rddreg [dreg:$0x16]  }
0x1df: {  	[sflag:s4] =	ssyncadd.s32 @p0 $0xFFFFE000;
	s4 =	ssub.s32 s11, s10  }
0x1e0: {  	p0 =	slt.s32 s4, $0x1  }
.Ltmp17:
0x1e1: {  	_ = 	snop;
	(pc) =	sbr.rel @p0 .LBB2_27-.Ltmp17, $3  }
0x1e2: {  	s30 =	sld [smem:$0x7FD];
	_ =	sdelay $0x1  }
0x1e3: {  	s29 =	simm.s32 $0x10500  }
0x1e4: {  	s23 =	simm.s32 $0x0;
	s13 =	rddreg [dreg:$0x7];
	p3 =	seq.s32 s30, $0x1  }
0x1e5: {  	s4 =	sadd.s32 $0x7, s11  }
0x1e6: {  	s11 =	sand.u32 $0x7, s4  }
0x1e7: {  	s17 =	sshra.s32 s4, $0x1F;
	p1 =	slt.s32 s4, $0x1;
	p0 =	sne.s32 s11, $0x0  }
0x1e8: {  	s11 =	sshrl.u32 s17, $0x1D;
	p0 =	por !p1, !p0  }
0x1e9: {  	s4 =	sadd.s32 s11, s4;
	s11 =	simm.s32 $0x1;
	p0 =	por !p0, !p0  }
0x1ea: {  	s4 =	sshrl.u32 s4, $0x3;
	s11 =	simm.s32 @!p0 $0x0  }
0x1eb: {  	s4 =	ssub.s32 s4, s11  }
0x1ec: {  	s4 =	sshll.u32 s4, $0x3  }
0x1ed: {  	s4 =	sadd.s32 $0xFFFFFFC0, s4  }
0x1ee: {  	p0 =	sgt.s32 s4, $0x0  }
0x1ef: {  	s4 =	simm.s32 @!p0 $0x0  }
0x1f0: {  	s30 =	sshrl.u32 s4, $0x3  }
0x1f1: {  	s17 =	simm.s32 $0x480;
	s11 =	sadd.s32 s2, s30  }
0x1f2: {  	[tilespmem:s17], [sflag:$0x11] =	stream.linear.gather [hbm4b:s11+s23], $0x40, $0x38;
	[tilespmem:$0x1C200] =	vst v63  }
0x1f3: {  	_ =	swait.ge [sflag:s20], $0x40  }
0x1f4: {  	s12 =	sshll.u32 s4, $0x4;
	[sflag:s20] =	ssyncset.done $0x0  }
0x1f5: {  	s11 =	sadd.s32 s1, s12;
	s12 =	simm.s32 $0x500;
	[sflag:s20] =	ssyncadd.s32 $0xFFFFFFC0  }
0x1f6: {  	[tilespmem:s12], [sflag:$0x11] =	stream.linear.gather [hbm4b:s11+s23], $0x2000, $0x38;
	[tilespmem:$0x1C200] =	vst v63  }
0x1f7: {  	_ =	swait.ge [sflag:s20], $0x2000  }
0x1f8: {  	[sflag:s20] =	ssyncset.done $0x0  }
0x1f9: {  	p0 =	sgt.s32 s6, s10;
	[sflag:s20] =	ssyncadd.s32 $0xFFFFE000  }
0x1fa: {  	s10 =	smov.u32 @p0 s6;
	v6 =	vadd.s32 s4, v3;
	v5 =	vld [tilespmem:$0x480]  }
0x1fb: {  	s14 =	sadd.s32 $0x10, s4;
	vm0 =	vge.s32 v6, s10;
	vm1 =	vlt.s32 v6, v4;
	v7 =	vld [tilespmem:$0x490]  }
0x1fc: {  	v62 =	vadd.s32 s14, v3;
	s30 =	sadd.s32 $0x20, s4;
	vm0 =	vmand vm0, vm1;
	v8 =	vld [tilespmem:$0x4A0]  }
0x1fd: {  	s4 =	sadd.s32 $0x30, s4;
	vm10 =	vge.s32 v62, s10;
	vm2 =	vlt.s32 v62, v4;
	v9 =	vadd.s32 s30, v3;
	v63 =	vld [tilespmem:$0x4B0]  }
0x1fe: {  	v10 =	vadd.s32 s4, v3;
	vm11 =	vmand vm10, vm2;
	vm12 =	vge.s32 v9, s10  }
0x1ff: {  	vm13 =	vlt.s32 v9, v4;
	vm14 =	vlt.s32 v10, v4;
	v5 =	vsub.s32 v5, v0  }
0x200: {  	vm15 =	vge.s32 v10, s10;
	v7 =	vsub.s32 v7, v0;
	v5 =	vsel vm0, v5, v1  }
0x201: {  	vm1 =	vmand vm12, vm13;
	v4 =	vsub.s32 v8, v0;
	v7 =	vsel vm11, v7, v1;
	[tilespmem:$0x480] =	vst v5  }
0x202: {  	v4 =	vsel vm1, v4, v1;
	vm0 =	vmand vm15, vm14;
	[tilespmem:$0x490] =	vst v7;
	v5 =	vsub.s32 v63, v0  }
0x203: {  	[tilespmem:$0x4A0] =	vst v4;
	v4 =	vsel vm0, v5, v1  }
0x204: {  	[tilespmem:$0x4B0] =	vst v4  }
0x205: {  	[spmem:s3] =	stream.indirect.scatter.add.f32 [tilespmem:s12], [sflag:$0x11], $0x80, s17, s26, $0xb8;
	[tilespmem:$0x1C200] =	vst v63  }
0x206: {  	_ =	swait.ge [sflag:s20], $0x2000  }
0x207: {  	[sflag:s20] =	ssyncset.done $0x0  }
0x208: {  	s14 =	simm.s32 $0x500;
	[sflag:s20] =	ssyncadd.s32 $0xFFFFE000  }
.LBB2_27:
0x209: {  	[tilespmem:s29], [sflag:$0x11] =	stream.linear.gather [spmem:s13], $0x2000, $0x38;
	[tilespmem:$0x1C200] =	vst v63  }
0x20a: {  	s4 =	simm.s32 $0x0  }
0x20b: {  	_ =	swait.ge [sflag:s20], $0x2000;
	s6 =	sand.u32 $0x7E00, s4  }
0x20c: {  	s4 =	sand.u32 $0x70, s4;
	[sflag:s20] =	ssyncset.done $0x0;
	s6 =	sshrl.u32 s6, $0x2  }
0x20d: {  	[sflag:s20] =	ssyncadd.s32 $0xFFFFE000;
	s6 =	sor.u32 s4, s6  }
0x20e: {  	v4 =	vld [tilespmem:s6+$0x10500];
	_ =	sdelay $0x3  }
0x20f: {  	s30 =	simm.s32 $0x40;
	s10 =	simm.s32 $0x80  }
0x210: {  	s11 =	simm.s32 $0x10;
	s12 =	sand.u32 $0x7E00, s30;
	s17 =	rddreg [dreg:$0x9];
	v4 =	vmul.f32 $1.767766920e-01, v4  }
.LBB2_28:
0x211: {  	p1 =	sne.s32 s10, $0x7FC0;
	s4 =	sand.u32 $0x70, s11;
	s12 =	sshrl.u32 s12, $0x2  }
0x212: {  	[tilespmem:s6+$0x10500] =	vst v4;
	s6 =	sor.u32 s4, s12  }
0x213: {  	v4 =	vld [tilespmem:s6+$0x10500]  }
.Ltmp18:
0x214: {  	(pc) =	sbr.rel @p1 .LBB2_28-.Ltmp18, $2  }
0x215: {  	_ =	sdelay $0x2  }
0x216: {  	s11 =	sadd.s32 $0x10, s11;
	s12 =	sand.u32 $0x7E00, s10;
	s10 =	sadd.s32 $0x40, s10;
	v4 =	vmul.f32 $1.767766920e-01, v4  }
0x217: {  	s4 =	sand.u32 $0x70, s11;
	s10 =	sshrl.u32 s12, $0x2  }
0x218: {  	s4 =	sor.u32 s4, s10;
	[tilespmem:s6+$0x10500] =	vst v4  }
0x219: {  	v4 =	vld [tilespmem:s4+$0x10500];
	_ =	sdelay $0x4  }
0x21a: {  	v4 =	vmul.f32 $1.767766920e-01, v4;
	_ =	sdelay $0x1  }
0x21b: {  	s11 =	rddreg [dreg:$0xc];
	s10 =	simm.s32 $0x0;
	[tilespmem:s4+$0x10500] =	vst v4  }
0x21c: {  	[hbm4b:s11+s10] =	stream.linear.scatter [tilespmem:s29], [sflag:$0x11], $0x2000, $0x38;
	[tilespmem:$0x1C200] =	vst v63  }
0x21d: {  	_ =	swait.ge [sflag:s20], $0x2000  }
0x21e: {  	[sflag:s20] =	ssyncset.done $0x0  }
0x21f: {  	[sflag:s20] =	ssyncadd.s32 $0xFFFFE000  }
0x220: {  	[tilespmem:s29], [sflag:$0x11] =	stream.linear.gather [spmem:s16], $0x2000, $0x38;
	[tilespmem:$0x1C200] =	vst v63  }
0x221: {  	s12 =	sand.u32 $0x7E00, s10;
	_ =	swait.ge [sflag:s20], $0x2000  }
0x222: {  	s6 =	sshrl.u32 s12, $0x2;
	s4 =	sand.u32 $0x70, s10;
	[sflag:s20] =	ssyncset.done $0x0  }
0x223: {  	s6 =	sor.u32 s4, s6;
	[sflag:s20] =	ssyncadd.s32 $0xFFFFE000  }
0x224: {  	v4 =	vld [tilespmem:s6+$0x10500];
	_ =	sdelay $0x3  }
0x225: {  	s30 =	simm.s32 $0x40  }
0x226: {  	s12 =	sand.u32 $0x7E00, s30;
	s10 =	simm.s32 $0x80;
	s11 =	simm.s32 $0x10;
	v4 =	vmul.f32 $1.767766920e-01, v4  }
.LBB2_30:
0x227: {  	p1 =	sne.s32 s10, $0x7FC0;
	s4 =	sand.u32 $0x70, s11;
	s12 =	sshrl.u32 s12, $0x2  }
0x228: {  	[tilespmem:s6+$0x10500] =	vst v4;
	s6 =	sor.u32 s4, s12  }
0x229: {  	v4 =	vld [tilespmem:s6+$0x10500]  }
.Ltmp19:
0x22a: {  	(pc) =	sbr.rel @p1 .LBB2_30-.Ltmp19, $2  }
0x22b: {  	_ =	sdelay $0x2  }
0x22c: {  	s11 =	sadd.s32 $0x10, s11;
	s12 =	sand.u32 $0x7E00, s10;
	s10 =	sadd.s32 $0x40, s10;
	v4 =	vmul.f32 $1.767766920e-01, v4  }
0x22d: {  	s4 =	sand.u32 $0x70, s11;
	s10 =	sshrl.u32 s12, $0x2  }
0x22e: {  	s4 =	sor.u32 s4, s10;
	[tilespmem:s6+$0x10500] =	vst v4  }
0x22f: {  	v4 =	vld [tilespmem:s4+$0x10500];
	_ =	sdelay $0x4  }
0x230: {  	v4 =	vmul.f32 $1.767766920e-01, v4;
	_ =	sdelay $0x1  }
0x231: {  	s11 =	rddreg [dreg:$0xe];
	s10 =	simm.s32 $0x0;
	[tilespmem:s4+$0x10500] =	vst v4  }
0x232: {  	[hbm4b:s11+s10] =	stream.linear.scatter [tilespmem:s29], [sflag:$0x11], $0x2000, $0x38;
	[tilespmem:$0x1C200] =	vst v63  }
0x233: {  	_ =	swait.ge [sflag:s20], $0x2000  }
0x234: {  	[sflag:s20] =	ssyncset.done $0x0  }
0x235: {  	[sflag:s20] =	ssyncadd.s32 $0xFFFFE000  }
0x236: {  	[tilespmem:s29], [sflag:$0x11] =	stream.linear.gather [spmem:s17], $0x2000, $0x38;
	[tilespmem:$0x1C200] =	vst v63  }
0x237: {  	s12 =	sand.u32 $0x7E00, s10;
	_ =	swait.ge [sflag:s20], $0x2000  }
0x238: {  	s6 =	sshrl.u32 s12, $0x2;
	s4 =	sand.u32 $0x70, s10;
	[sflag:s20] =	ssyncset.done $0x0  }
0x239: {  	s6 =	sor.u32 s4, s6;
	[sflag:s20] =	ssyncadd.s32 $0xFFFFE000  }
0x23a: {  	v4 =	vld [tilespmem:s6+$0x10500];
	_ =	sdelay $0x3  }
0x23b: {  	s30 =	simm.s32 $0x40  }
0x23c: {  	s12 =	sand.u32 $0x7E00, s30;
	s10 =	simm.s32 $0x80;
	s11 =	simm.s32 $0x10;
	v4 =	vmul.f32 $1.767766920e-01, v4  }
.LBB2_32:
0x23d: {  	p1 =	sne.s32 s10, $0x7FC0;
	s4 =	sand.u32 $0x70, s11;
	s12 =	sshrl.u32 s12, $0x2  }
0x23e: {  	[tilespmem:s6+$0x10500] =	vst v4;
	s6 =	sor.u32 s4, s12  }
0x23f: {  	v4 =	vld [tilespmem:s6+$0x10500]  }
.Ltmp20:
0x240: {  	(pc) =	sbr.rel @p1 .LBB2_32-.Ltmp20, $2  }
0x241: {  	_ =	sdelay $0x2  }
0x242: {  	s11 =	sadd.s32 $0x10, s11;
	s12 =	sand.u32 $0x7E00, s10;
	s10 =	sadd.s32 $0x40, s10;
	v4 =	vmul.f32 $1.767766920e-01, v4  }
0x243: {  	s4 =	sand.u32 $0x70, s11;
	s10 =	sshrl.u32 s12, $0x2  }
0x244: {  	s4 =	sor.u32 s4, s10;
	[tilespmem:s6+$0x10500] =	vst v4  }
0x245: {  	v4 =	vld [tilespmem:s4+$0x10500];
	_ =	sdelay $0x4  }
0x246: {  	v4 =	vmul.f32 $1.767766920e-01, v4;
	_ =	sdelay $0x1  }
0x247: {  	s11 =	rddreg [dreg:$0xf];
	s10 =	simm.s32 $0x0;
	[tilespmem:s4+$0x10500] =	vst v4  }
0x248: {  	[hbm4b:s11+s10] =	stream.linear.scatter [tilespmem:s29], [sflag:$0x11], $0x2000, $0x38;
	[tilespmem:$0x1C200] =	vst v63  }
0x249: {  	_ =	swait.ge [sflag:s20], $0x2000  }
0x24a: {  	[sflag:s20] =	ssyncset.done $0x0  }
0x24b: {  	[sflag:s20] =	ssyncadd.s32 $0xFFFFE000  }
0x24c: {  	[tilespmem:s29], [sflag:$0x11] =	stream.linear.gather [spmem:s24], $0x2000, $0x38;
	[tilespmem:$0x1C200] =	vst v63  }
0x24d: {  	s12 =	sand.u32 $0x7E00, s10;
	_ =	swait.ge [sflag:s20], $0x2000  }
0x24e: {  	s6 =	sshrl.u32 s12, $0x2;
	s4 =	sand.u32 $0x70, s10;
	[sflag:s20] =	ssyncset.done $0x0  }
0x24f: {  	s6 =	sor.u32 s4, s6;
	[sflag:s20] =	ssyncadd.s32 $0xFFFFE000  }
0x250: {  	v4 =	vld [tilespmem:s6+$0x10500];
	_ =	sdelay $0x3  }
0x251: {  	s30 =	simm.s32 $0x40  }
0x252: {  	s12 =	sand.u32 $0x7E00, s30;
	s10 =	simm.s32 $0x80;
	s11 =	simm.s32 $0x10;
	v4 =	vmul.f32 $1.767766920e-01, v4  }
.LBB2_34:
0x253: {  	p1 =	sne.s32 s10, $0x7FC0;
	s4 =	sand.u32 $0x70, s11;
	s12 =	sshrl.u32 s12, $0x2  }
0x254: {  	[tilespmem:s6+$0x10500] =	vst v4;
	s6 =	sor.u32 s4, s12  }
0x255: {  	v4 =	vld [tilespmem:s6+$0x10500]  }
.Ltmp21:
0x256: {  	(pc) =	sbr.rel @p1 .LBB2_34-.Ltmp21, $2  }
0x257: {  	_ =	sdelay $0x2  }
0x258: {  	s11 =	sadd.s32 $0x10, s11;
	s12 =	sand.u32 $0x7E00, s10;
	s10 =	sadd.s32 $0x40, s10;
	v4 =	vmul.f32 $1.767766920e-01, v4  }
0x259: {  	s4 =	sand.u32 $0x70, s11;
	s10 =	sshrl.u32 s12, $0x2  }
0x25a: {  	s4 =	sor.u32 s4, s10;
	[tilespmem:s6+$0x10500] =	vst v4  }
0x25b: {  	v4 =	vld [tilespmem:s4+$0x10500];
	_ =	sdelay $0x4  }
0x25c: {  	v4 =	vmul.f32 $1.767766920e-01, v4;
	_ =	sdelay $0x1  }
0x25d: {  	s11 =	rddreg [dreg:$0x10];
	s10 =	simm.s32 $0x0;
	[tilespmem:s4+$0x10500] =	vst v4  }
0x25e: {  	[hbm4b:s11+s10] =	stream.linear.scatter [tilespmem:s29], [sflag:$0x11], $0x2000, $0x38;
	[tilespmem:$0x1C200] =	vst v63  }
0x25f: {  	_ =	swait.ge [sflag:s20], $0x2000  }
0x260: {  	[sflag:s20] =	ssyncset.done $0x0  }
0x261: {  	[sflag:s20] =	ssyncadd.s32 $0xFFFFE000  }
0x262: {  	[tilespmem:s29], [sflag:$0x11] =	stream.linear.gather [spmem:s25], $0x1C00, $0x38;
	[tilespmem:$0x1C200] =	vst v63  }
0x263: {  	s12 =	sand.u32 $0x7E00, s10;
	_ =	swait.ge [sflag:s20], $0x1C00  }
0x264: {  	s6 =	sshrl.u32 s12, $0x2;
	s4 =	sand.u32 $0x70, s10;
	[sflag:s20] =	ssyncset.done $0x0  }
0x265: {  	s6 =	sor.u32 s4, s6;
	[sflag:s20] =	ssyncadd.s32 $0xFFFFE400  }
0x266: {  	v4 =	vld [tilespmem:s6+$0x10500];
	_ =	sdelay $0x3  }
0x267: {  	s30 =	simm.s32 $0x40  }
0x268: {  	s12 =	sand.u32 $0x7E00, s30;
	s10 =	simm.s32 $0x80;
	s11 =	simm.s32 $0x10;
	v4 =	vmul.f32 $1.767766920e-01, v4  }
.LBB2_36:
0x269: {  	p1 =	sne.s32 s10, $0x6FC0;
	s4 =	sand.u32 $0x70, s11;
	s12 =	sshrl.u32 s12, $0x2  }
0x26a: {  	[tilespmem:s6+$0x10500] =	vst v4;
	s6 =	sor.u32 s4, s12  }
0x26b: {  	v4 =	vld [tilespmem:s6+$0x10500]  }
.Ltmp22:
0x26c: {  	(pc) =	sbr.rel @p1 .LBB2_36-.Ltmp22, $2  }
0x26d: {  	_ =	sdelay $0x2  }
0x26e: {  	s11 =	sadd.s32 $0x10, s11;
	s12 =	sand.u32 $0x7E00, s10;
	s10 =	sadd.s32 $0x40, s10;
	v4 =	vmul.f32 $1.767766920e-01, v4  }
0x26f: {  	s4 =	sand.u32 $0x70, s11;
	s10 =	sshrl.u32 s12, $0x2  }
0x270: {  	s4 =	sor.u32 s4, s10;
	[tilespmem:s6+$0x10500] =	vst v4  }
0x271: {  	v4 =	vld [tilespmem:s4+$0x10500];
	_ =	sdelay $0x4  }
0x272: {  	v4 =	vmul.f32 $1.767766920e-01, v4;
	_ =	sdelay $0x1  }
.Ltmp23:
0x273: {  	s30 =	rddreg [dreg:$0x11];
	[tilespmem:s4+$0x10500] =	vst v4;
	(pc) =	sbr.rel @p3 .LBB2_41-.Ltmp23, $4  }
0x274: {  	[hbm4b:s30+s23] =	stream.linear.scatter [tilespmem:s29], [sflag:$0x11], $0x1C00, $0x38;
	[tilespmem:$0x1C200] =	vst v63  }
0x275: {  	_ =	swait.ge [sflag:s20], $0x1C00  }
0x276: {  	[sflag:s20] =	ssyncset.done $0x0  }
0x277: {  	s6 =	rddreg [dreg:$0x15];
	[sflag:s20] =	ssyncadd.s32 $0xFFFFE400  }
0x278: {  	s4 =	rddreg [dreg:$0xd];
	s12 =	simm.s32 $0x0  }
0x279: {  	[tilespmem:s29], [sflag:$0x11] =	stream.linear.gather [spmem:s4], $0x400, $0x38;
	[tilespmem:$0x1C200] =	vst v63  }
0x27a: {  	s6 =	sand.u32 $0xE00, s12;
	_ =	swait.ge [sflag:s20], $0x400  }
0x27b: {  	s4 =	sand.u32 $0x70, s12;
	s6 =	sshrl.u32 s6, $0x2;
	[sflag:s20] =	ssyncset.done $0x0  }
0x27c: {  	s6 =	sor.u32 s4, s6;
	[sflag:s20] =	ssyncadd.s32 $0xFFFFFC00  }
0x27d: {  	v4 =	vld [tilespmem:s6+$0x10500];
	_ =	sdelay $0x3  }
0x27e: {  	s30 =	simm.s32 $0x40  }
0x27f: {  	s10 =	simm.s32 $0x80;
	s11 =	simm.s32 $0x10;
	s12 =	sand.u32 $0xE00, s30;
	v4 =	vmul.f32 $1.767766920e-01, v4  }
.LBB2_39:
0x280: {  	p1 =	sne.s32 s10, $0xFC0;
	s4 =	sand.u32 $0x70, s11;
	s12 =	sshrl.u32 s12, $0x2  }
0x281: {  	[tilespmem:s6+$0x10500] =	vst v4;
	s6 =	sor.u32 s4, s12  }
0x282: {  	v4 =	vld [tilespmem:s6+$0x10500]  }
.Ltmp24:
0x283: {  	(pc) =	sbr.rel @p1 .LBB2_39-.Ltmp24, $2  }
0x284: {  	_ =	sdelay $0x2  }
0x285: {  	s11 =	sadd.s32 $0x10, s11;
	s12 =	sand.u32 $0xE00, s10;
	s10 =	sadd.s32 $0x40, s10;
	v4 =	vmul.f32 $1.767766920e-01, v4  }
.Ltmp25:
0x286: {  	_ = 	snop;
	(pc) =	sbr.rel .LBB2_40-.Ltmp25, $1  }
0x287: {  	_ =	sdelay $0x3  }
.LBB2_42:
0x288: {  	_ =	sfence.sel $0x180000  }
0x289: {  	[bflag:$0x0] =	sbarrier.arrive $0xFFFF  }
0x28a: {  	_ =	strace $0x90000047  }
0x28b: {  	s0 =	stileid.u32;
	[bflag:$0x2] =	sbarrier.arrive $0xFFFF  }
0x28c: {  	p0 =	sne.s32 s0, $0x0;
	s0 =	rddreg [dreg:$0x5]  }
0x28d: {  	s0 =	sadd.s32 @!p0 $0x100000, s0  }
0x28e: {  	[sflag:s0] =	ssyncadd.tile.s32 @!p0 $0x1;
	_ =	shalt  }
.Lfunc_end2:
_tile_overlayer_lowered:
.L_overlay_start_2:
0x28f: {  	(tag) =	ssettag $0x2  }
0x290: {  	s0 =	rddreg [dreg:$0x0];
	s2 =	stileid.u32  }
0x291: {  	s1 =	rddreg [dreg:$0x1];
	p0 =	sne.s32 s2, $0x0  }
0x292: {  	s3 =	rddreg [dreg:$0x2];
	[bflag:$0x3] =	sbarrier.arrive $0xFFFF;
	s2 =	simm.s32 @!p0 $0x1C11  }
0x293: {  	[timem:s3], [sflag:s2] =	dma.local @!p0 [hbm:s0], s1  }
0x294: {  	s0 =	simm.s32 @!p0 $0x11  }
0x295: {  	_ =	swait.ge @!p0 [sflag:s0], s1  }
0x296: {  	s1 =	ssub.s32 @!p0 $0x0, s1;
	[sflag:s0] =	ssyncset.done @!p0 $0x0  }
0x297: {  	[sflag:s0] =	ssyncadd.s32 @!p0 s1  }
0x298: {  	[bflag:$0x3] =	sbarrier.arrive $0xFFFF  }
0x299: {  	_ =	shalt  }

</sc_bundles>
